<compile_context>
chip_gen: v7x
topology: tpu7x:2x2x1
jax: 0.10.2.dev20260603
libtpu: 0.0.44.dev20260713+nightly
codegen_flags: <defaults>
</compile_context>

<pallas_src>
import functools

import jax
import jax.numpy as jnp
from jax import lax
from jax.experimental import pallas as pl
from jax.experimental.pallas import tpu as pltpu
from jax.experimental.pallas import tpu_sc as plsc

L = 4
G = 10000
D = 128
OUT = 128
M = 32
E = 320000
CAT = OUT + 2 * M
LM = L * M

NS = 16
CHUNK = 128
NCHUNKS = E // CHUNK
CPT = NCHUNKS // NS
CEXTRA = NCHUNKS - CPT * NS
NRB = 3
NIB = 4
NUNROLL = 12
ROWS_PER_TILE = 624
ROWS_TAIL = G - NS * ROWS_PER_TILE

BG = 2000


def _proj_body(x_ref, w_ref, b_ref, pin_ref, pout_ref):
    w = w_ref[...]
    b = b_ref[...]
    pin_parts = []
    pout_parts = []
    for l in range(L):
        y = jnp.dot(x_ref[l], w, preferred_element_type=jnp.float32) + b
        pin_parts.append(y[:, :M])
        pout_parts.append(y[:, M:])
    pin_ref[...] = jnp.concatenate(pin_parts, axis=1)
    pout_ref[...] = jnp.concatenate(pout_parts, axis=1)


def _projections(x, w_agg, b_agg):
    grid = G // BG
    return pl.pallas_call(
        _proj_body,
        grid=(grid,),
        in_specs=[
            pl.BlockSpec((L, BG, D), lambda i: (0, i, 0)),
            pl.BlockSpec((D, 2 * M), lambda i: (0, 0)),
            pl.BlockSpec((1, 2 * M), lambda i: (0, 0)),
        ],
        out_specs=[
            pl.BlockSpec((BG, LM), lambda i: (i, 0)),
            pl.BlockSpec((BG, LM), lambda i: (i, 0)),
        ],
        out_shape=[
            jax.ShapeDtypeStruct((G, LM), jnp.float32),
            jax.ShapeDtypeStruct((G, LM), jnp.float32),
        ],
    )(x, w_agg, b_agg)


def _sc_scatter(p_in_r, p_out_r, idx_in, idx_out, zeros):
    mesh = plsc.VectorSubcoreMesh(core_axis_name="c", subcore_axis_name="s")

    @functools.partial(
        pl.kernel,
        mesh=mesh,
        out_type=[
            jax.ShapeDtypeStruct((G, LM), jnp.float32),
            jax.ShapeDtypeStruct((G, LM), jnp.float32),
        ],
        scratch_types=(
            [pltpu.VMEM_SHARED((G, LM), jnp.float32)]
            + [pltpu.VMEM((2, CHUNK), jnp.int32) for _ in range(NIB)]
            + [pltpu.VMEM((CHUNK, LM), jnp.float32) for _ in range(NRB)]
            + [pltpu.SemaphoreType.DMA for _ in range(NIB + 2 * NRB)]
        ),
    )
    def k(tab_in, tab_out, idx_i, idx_o, z, out_in, out_out, acc, *bufs):
        ibufs = bufs[:NIB]
        rbufs = bufs[NIB:NIB + NRB]
        si = bufs[NIB + NRB:2 * NIB + NRB]
        sg = bufs[2 * NIB + NRB:2 * NIB + 2 * NRB]
        ss = bufs[2 * NIB + 2 * NRB:]
        c = lax.axis_index("c")
        s = lax.axis_index("s")

        def run(tab, idx_hbm, out_hbm):
            my_rows = pl.ds(s * ROWS_PER_TILE, ROWS_PER_TILE)
            tail_rows = pl.ds(NS * ROWS_PER_TILE, ROWS_TAIL)
            pltpu.sync_copy(z.at[my_rows], acc.at[my_rows])

            @pl.when(s == NS - 1)
            def _():
                pltpu.sync_copy(z.at[tail_rows], acc.at[tail_rows])

            plsc.subcore_barrier()

            cb = s * CPT + jnp.minimum(s, CEXTRA)
            n_chunks = jnp.where(s < CEXTRA, CPT + 1, CPT)

            def fetch_idx(t, bi):
                pltpu.async_copy(idx_hbm.at[cb + t], ibufs[bi], si[bi])

            def wait_idx(bi):
                pltpu.make_async_copy(idx_hbm.at[cb], ibufs[bi], si[bi]).wait()

            def gather(bi, br):
                pltpu.async_copy(tab.at[ibufs[bi].at[1]], rbufs[br], sg[br])

            def wait_gather(bi, br):
                pltpu.make_async_copy(
                    tab.at[ibufs[bi].at[1]], rbufs[br], sg[br]).wait()

            def scatter(bi, br):
                pltpu.async_copy(
                    rbufs[br], acc.at[ibufs[bi].at[0]], ss[br], add=True)

            def wait_scatter(bi, br):
                pltpu.make_async_copy(
                    rbufs[br], acc.at[ibufs[bi].at[0]], ss[br]).wait()

            fetch_idx(jnp.int32(0), 0)
            fetch_idx(jnp.int32(1), 1)
            wait_idx(0)
            gather(0, 0)

            def body(o, carry):
                for off in range(NUNROLL):
                    t = o * NUNROLL + off

                    @pl.when(t >= 2)
                    def _():
                        wait_scatter((off + 2) % NIB, (off + 1) % NRB)

                    @pl.when(t + 2 < n_chunks)
                    def _():
                        fetch_idx(t + 2, (off + 2) % NIB)

                    @pl.when(t + 1 < n_chunks)
                    def _():
                        wait_idx((off + 1) % NIB)
                        gather((off + 1) % NIB, (off + 1) % NRB)

                    wait_gather(off % NIB, off % NRB)
                    scatter(off % NIB, off % NRB)
                return carry

            lax.fori_loop(0, CPT // NUNROLL, body, 0)

            @pl.when(s < CEXTRA)
            def _():
                wait_gather(0, 0)
                scatter(0, 0)

            wait_scatter(2, 1)
            wait_scatter(3, 2)

            @pl.when(s < CEXTRA)
            def _():
                wait_scatter(0, 0)

            plsc.subcore_barrier()
            pltpu.sync_copy(acc.at[my_rows], out_hbm.at[my_rows])

            @pl.when(s == NS - 1)
            def _():
                pltpu.sync_copy(acc.at[tail_rows], out_hbm.at[tail_rows])

        @pl.when(c == 0)
        def _():
            run(tab_in, idx_i, out_in)

        @pl.when(c == 1)
        def _():
            run(tab_out, idx_o, out_out)

    return k(p_in_r, p_out_r, idx_in, idx_out, zeros)


def _silu(v):
    return v / (1.0 + jnp.exp(-v))


def _mlp_body(x_ref, wl_ref, bl_ref, inw_ref, outw_ref,
              wm_ref, bm_ref, ln2s_ref, ln2b_ref, o_ref):
    wl = wl_ref[...]
    bl = bl_ref[...]
    ln2s = ln2s_ref[...]
    ln2b = ln2b_ref[...]
    wm = wm_ref[...]
    bm = bm_ref[...]
    inw = inw_ref[...]
    outw = outw_ref[...]
    for l in range(L):
        proj = jnp.dot(x_ref[l], wl, preferred_element_type=jnp.float32) + bl
        cat = jnp.concatenate(
            [proj, inw[:, l * M:(l + 1) * M], outw[:, l * M:(l + 1) * M]],
            axis=1)
        h = _silu(cat)
        mu = jnp.mean(h, axis=1, keepdims=True)
        msq = jnp.mean(h * h, axis=1, keepdims=True)
        h = (h - mu) * lax.rsqrt(msq - mu * mu + 1e-5)
        h = jnp.dot(h, wm, preferred_element_type=jnp.float32) + bm
        h = _silu(h)
        mu = jnp.mean(h, axis=1, keepdims=True)
        msq = jnp.mean(h * h, axis=1, keepdims=True)
        o_ref[l] = (h - mu) * lax.rsqrt(msq - mu * mu + 1e-5) * ln2s + ln2b


def _mlp(x, w_lin, b_lin, in_w, out_w, w_mlp, b_mlp, ln2s, ln2b):
    grid = G // BG
    return pl.pallas_call(
        _mlp_body,
        grid=(grid,),
        in_specs=[
            pl.BlockSpec((L, BG, D), lambda i: (0, i, 0)),
            pl.BlockSpec((D, OUT), lambda i: (0, 0)),
            pl.BlockSpec((1, OUT), lambda i: (0, 0)),
            pl.BlockSpec((BG, LM), lambda i: (i, 0)),
            pl.BlockSpec((BG, LM), lambda i: (i, 0)),
            pl.BlockSpec((CAT, OUT), lambda i: (0, 0)),
            pl.BlockSpec((1, OUT), lambda i: (0, 0)),
            pl.BlockSpec((1, OUT), lambda i: (0, 0)),
            pl.BlockSpec((1, OUT), lambda i: (0, 0)),
        ],
        out_specs=pl.BlockSpec((L, BG, OUT), lambda i: (0, i, 0)),
        out_shape=jax.ShapeDtypeStruct((L, G, OUT), jnp.float32),
    )(x, w_lin, b_lin, in_w, out_w, w_mlp, b_mlp, ln2s, ln2b)


def kernel(x, edge_index_in, edge_index_out, W_lin, b_lin, W_agg_in, b_agg_in,
           W_agg_out, b_agg_out, ln1_scale, ln1_bias, W_mlp, b_mlp, ln2_scale,
           ln2_bias):
    w_agg = jnp.concatenate([W_agg_in, W_agg_out], axis=1)
    b_agg = jnp.concatenate([b_agg_in, b_agg_out]).reshape(1, 2 * M)

    p_in_r, p_out_r = _projections(x, w_agg, b_agg)

    zeros = jnp.zeros((G, LM), jnp.float32)
    idx_in = jnp.transpose(edge_index_in.reshape(2, NCHUNKS, CHUNK), (1, 0, 2))
    idx_out = jnp.transpose(edge_index_out.reshape(2, NCHUNKS, CHUNK), (1, 0, 2))
    in_coming, out_going = _sc_scatter(p_in_r, p_out_r, idx_in, idx_out, zeros)

    w_mlp2 = ln1_scale[:, None] * W_mlp
    b_mlp2 = (b_mlp + ln1_bias @ W_mlp).reshape(1, OUT)
    return _mlp(x, W_lin, b_lin.reshape(1, OUT), in_coming, out_going,
                w_mlp2, b_mlp2,
                ln2_scale.reshape(1, OUT), ln2_bias.reshape(1, OUT))

# --- scband reference (transcript-rebuilt; emitter-appended) ---
"""Pipeline reference for scband-sageconv-22351009809096 (READ-ONLY COPY).

The authoritative reference and input builder live on the scoring server;
editing this copy changes nothing except your own understanding.
"""

import jax, jax.numpy as jnp
import numpy as np

L, G, D, OUT, M = 4, 10000, 128, 128, 32
E = 320000
CAT = OUT + 2 * M


def _silu(v):
    return v * jax.nn.sigmoid(v)


def _layernorm(v, scale, bias, eps=1e-5):
    mu = jnp.mean(v, axis=-1, keepdims=True)
    var = jnp.var(v, axis=-1, keepdims=True)
    return (v - mu) / jnp.sqrt(var + eps) * scale + bias


def setup_inputs(seed: int = 0) -> dict:
    key = jax.random.key(seed)
    ks = jax.random.split(key, 12)
    x = jax.random.normal(ks[0], (L, G, D), dtype=jnp.float32)
    edge_index_in = jax.random.randint(ks[1], (2, E), 0, G, dtype=jnp.int32)
    edge_index_out = jax.random.randint(ks[2], (2, E), 0, G, dtype=jnp.int32)
    W_lin = jax.random.normal(ks[3], (D, OUT), dtype=jnp.float32) / np.sqrt(D)
    b_lin = jnp.zeros((OUT,), dtype=jnp.float32)
    W_agg_in = jax.random.normal(ks[4], (D, M), dtype=jnp.float32) / np.sqrt(D)
    b_agg_in = jnp.zeros((M,), dtype=jnp.float32)
    W_agg_out = jax.random.normal(ks[5], (D, M), dtype=jnp.float32) / np.sqrt(D)
    b_agg_out = jnp.zeros((M,), dtype=jnp.float32)
    ln1_scale = jnp.ones((CAT,), dtype=jnp.float32)
    ln1_bias = jnp.zeros((CAT,), dtype=jnp.float32)
    W_mlp = jax.random.normal(ks[6], (CAT, OUT), dtype=jnp.float32) / np.sqrt(CAT)
    b_mlp = jnp.zeros((OUT,), dtype=jnp.float32)
    ln2_scale = jnp.ones((OUT,), dtype=jnp.float32)
    ln2_bias = jnp.zeros((OUT,), dtype=jnp.float32)
    return {
        'x': x,
        'edge_index_in': edge_index_in,
        'edge_index_out': edge_index_out,
        'W_lin': W_lin, 'b_lin': b_lin,
        'W_agg_in': W_agg_in, 'b_agg_in': b_agg_in,
        'W_agg_out': W_agg_out, 'b_agg_out': b_agg_out,
        'ln1_scale': ln1_scale, 'ln1_bias': ln1_bias,
        'W_mlp': W_mlp, 'b_mlp': b_mlp,
        'ln2_scale': ln2_scale, 'ln2_bias': ln2_bias,
    }


def reference(x, edge_index_in, edge_index_out, W_lin, b_lin, W_agg_in, b_agg_in,
              W_agg_out, b_agg_out, ln1_scale, ln1_bias, W_mlp, b_mlp, ln2_scale, ln2_bias):
    # projections
    projection = x @ W_lin + b_lin                     # [L, G, OUT]
    p_in = x @ W_agg_in + b_agg_in                     # [L, G, M]
    p_out = x @ W_agg_out + b_agg_out                  # [L, G, M]
    l_dim, g_dim, _ = x.shape
    p_in_r = jnp.transpose(p_in, (1, 0, 2)).reshape(g_dim, l_dim * M)
    p_out_r = jnp.transpose(p_out, (1, 0, 2)).reshape(g_dim, l_dim * M)
    # sparse mm: connection matrix A with A[row, col] = 1 for each edge
    # out[row] += P[col]  -> gather + scatter-add (SparseCore friendly)
    row_in, col_in = edge_index_in[0], edge_index_in[1]
    row_out, col_out = edge_index_out[0], edge_index_out[1]
    in_coming = jnp.zeros((g_dim, l_dim * M), dtype=x.dtype).at[row_in].add(jnp.take(p_in_r, col_in, axis=0))
    out_going = jnp.zeros((g_dim, l_dim * M), dtype=x.dtype).at[row_out].add(jnp.take(p_out_r, col_out, axis=0))
    agg_in = jnp.transpose(in_coming.reshape(g_dim, l_dim, M), (1, 0, 2))
    agg_out = jnp.transpose(out_going.reshape(g_dim, l_dim, M), (1, 0, 2))
    output = jnp.concatenate([projection, agg_in, agg_out], axis=-1)  # [L, G, CAT]
    # mlp_out: SiLU -> LayerNorm -> Linear -> SiLU -> LayerNorm (pe_conv=False)
    h = _silu(output)
    h = _layernorm(h, ln1_scale, ln1_bias)
    h = h @ W_mlp + b_mlp
    h = _silu(h)
    h = _layernorm(h, ln2_scale, ln2_bias)
    return h

if __name__ == "__main__":
    import jax
    _d = setup_inputs()
    print(jax.jit(kernel)(*tuple(_d.values())))

</pallas_src>

<mosaic_0001>
#map = affine_map<(d0, d1) -> (0, 0)>
#map1 = affine_map<(d0, d1) -> (0, 0, 0)>
module attributes {stable_mosaic.version = 14 : i64} {
  func.func @k(%arg0: i32, %arg1: i32, %arg2: memref<10000x128xf32, #tpu.memory_space<hbm>>, %arg3: memref<10000x128xf32, #tpu.memory_space<hbm>>, %arg4: memref<2500x2x128xi32, #tpu.memory_space<hbm>>, %arg5: memref<2500x2x128xi32, #tpu.memory_space<hbm>>, %arg6: memref<10000x128xf32, #tpu.memory_space<hbm>>, %arg7: memref<10000x128xf32, #tpu.memory_space<hbm>>, %arg8: memref<10000x128xf32, #tpu.memory_space<hbm>>, %arg9: memref<10000x128xf32, #tpu.memory_space<vmem_shared>>, %arg10: memref<2x128xi32, #tpu.memory_space<vmem>>, %arg11: memref<2x128xi32, #tpu.memory_space<vmem>>, %arg12: memref<2x128xi32, #tpu.memory_space<vmem>>, %arg13: memref<2x128xi32, #tpu.memory_space<vmem>>, %arg14: memref<128x128xf32, #tpu.memory_space<vmem>>, %arg15: memref<128x128xf32, #tpu.memory_space<vmem>>, %arg16: memref<128x128xf32, #tpu.memory_space<vmem>>, %arg17: memref<!tpu.dma_semaphore, #tpu.memory_space<semaphore_mem>>, %arg18: memref<!tpu.dma_semaphore, #tpu.memory_space<semaphore_mem>>, %arg19: memref<!tpu.dma_semaphore, #tpu.memory_space<semaphore_mem>>, %arg20: memref<!tpu.dma_semaphore, #tpu.memory_space<semaphore_mem>>, %arg21: memref<!tpu.dma_semaphore, #tpu.memory_space<semaphore_mem>>, %arg22: memref<!tpu.dma_semaphore, #tpu.memory_space<semaphore_mem>>, %arg23: memref<!tpu.dma_semaphore, #tpu.memory_space<semaphore_mem>>, %arg24: memref<!tpu.dma_semaphore, #tpu.memory_space<semaphore_mem>>, %arg25: memref<!tpu.dma_semaphore, #tpu.memory_space<semaphore_mem>>, %arg26: memref<!tpu.dma_semaphore, #tpu.memory_space<semaphore_mem>>) attributes {dimension_semantics = [#tpu.dimension_semantics<core_parallel>, #tpu.dimension_semantics<subcore_parallel>], iteration_bounds = array<i64: 2, 16>, scalar_prefetch = 0 : i64, scratch_operands = 18 : i64, tpu.core_type = #tpu.core_type<sc_vector_subcore>, window_params = [{transform_indices = #map}, {transform_indices = #map}, {transform_indices = #map1}, {transform_indices = #map1}, {transform_indices = #map}, {transform_indices = #map}, {transform_indices = #map}]} {
    %eq3A = arith.constant 0 : i32
    %eq3A_0 = arith.cmpi eq, %arg0, %eq3A : i32
    %convert_element_type3A = arith.extui %eq3A_0 : i1 to i32
    %cond3A = arith.constant 0 : i32
    %cond3A_1 = arith.cmpi ne, %convert_element_type3A, %cond3A : i32
    scf.if %cond3A_1 {
      %mul3A = arith.constant 624 : i32
      %mul3A_7 = arith.muli %arg1, %mul3A : i32
      "tpu.region"() ({
        %run_scoped3A = tpu.sem_alloc : memref<!tpu.dma_semaphore, #tpu.memory_space<semaphore_mem>>
        %dma_start3A_86 = arith.constant 0 : i32
        %dma_start3A_87 = tpu.memref_slice %arg9[%mul3A_7, %dma_start3A_86] : memref<10000x128xf32, #tpu.memory_space<vmem_shared>> -> memref<624x128xf32, #tpu.memory_space<vmem_shared>>
        %dma_start3A_88 = arith.constant 0 : i32
        %dma_start3A_89 = tpu.memref_slice %arg6[%mul3A_7, %dma_start3A_88] : memref<10000x128xf32, #tpu.memory_space<hbm>> -> memref<624x128xf32, #tpu.memory_space<hbm>>
        tpu.enqueue_dma source(%dma_start3A_89 : memref<624x128xf32, #tpu.memory_space<hbm>>) target(%dma_start3A_87 : memref<624x128xf32, #tpu.memory_space<vmem_shared>>) target_semaphore(%run_scoped3A : memref<!tpu.dma_semaphore, #tpu.memory_space<semaphore_mem>>)
        %dma_wait3A_90 = arith.constant 0 : i32
        %dma_wait3A_91 = tpu.memref_slice %arg9[%mul3A_7, %dma_wait3A_90] : memref<10000x128xf32, #tpu.memory_space<vmem_shared>> -> memref<624x128xf32, #tpu.memory_space<vmem_shared>>
        %dma_wait3A_92 = arith.constant 0 : i32
        %dma_wait3A_93 = tpu.memref_slice %arg6[%mul3A_7, %dma_wait3A_92] : memref<10000x128xf32, #tpu.memory_space<hbm>> -> memref<624x128xf32, #tpu.memory_space<hbm>>
        tpu.wait_dma2 semaphore(%run_scoped3A : memref<!tpu.dma_semaphore, #tpu.memory_space<semaphore_mem>>) src(%dma_wait3A_93 : memref<624x128xf32, #tpu.memory_space<hbm>>) dst(%dma_wait3A_91 : memref<624x128xf32, #tpu.memory_space<vmem_shared>>)
        tpu.yield
      }) : () -> ()
      %eq3A_8 = arith.constant 15 : i32
      %eq3A_9 = arith.cmpi eq, %arg1, %eq3A_8 : i32
      %convert_element_type3A_10 = arith.extui %eq3A_9 : i1 to i32
      %cond3A_11 = arith.constant 0 : i32
      %cond3A_12 = arith.cmpi ne, %convert_element_type3A_10, %cond3A_11 : i32
      scf.if %cond3A_12 {
        "tpu.region"() ({
          %run_scoped3A = tpu.sem_alloc : memref<!tpu.dma_semaphore, #tpu.memory_space<semaphore_mem>>
          %dma_start3A_86 = arith.constant 9984 : i32
          %dma_start3A_87 = arith.constant 0 : i32
          %dma_start3A_88 = tpu.memref_slice %arg9[%dma_start3A_86, %dma_start3A_87] : memref<10000x128xf32, #tpu.memory_space<vmem_shared>> -> memref<16x128xf32, #tpu.memory_space<vmem_shared>>
          %dma_start3A_89 = arith.constant 9984 : i32
          %dma_start3A_90 = arith.constant 0 : i32
          %dma_start3A_91 = tpu.memref_slice %arg6[%dma_start3A_89, %dma_start3A_90] : memref<10000x128xf32, #tpu.memory_space<hbm>> -> memref<16x128xf32, #tpu.memory_space<hbm>>
          tpu.enqueue_dma source(%dma_start3A_91 : memref<16x128xf32, #tpu.memory_space<hbm>>) target(%dma_start3A_88 : memref<16x128xf32, #tpu.memory_space<vmem_shared>>) target_semaphore(%run_scoped3A : memref<!tpu.dma_semaphore, #tpu.memory_space<semaphore_mem>>)
          %dma_wait3A_92 = arith.constant 9984 : i32
          %dma_wait3A_93 = arith.constant 0 : i32
          %dma_wait3A_94 = tpu.memref_slice %arg9[%dma_wait3A_92, %dma_wait3A_93] : memref<10000x128xf32, #tpu.memory_space<vmem_shared>> -> memref<16x128xf32, #tpu.memory_space<vmem_shared>>
          %dma_wait3A_95 = arith.constant 9984 : i32
          %dma_wait3A_96 = arith.constant 0 : i32
          %dma_wait3A_97 = tpu.memref_slice %arg6[%dma_wait3A_95, %dma_wait3A_96] : memref<10000x128xf32, #tpu.memory_space<hbm>> -> memref<16x128xf32, #tpu.memory_space<hbm>>
          tpu.wait_dma2 semaphore(%run_scoped3A : memref<!tpu.dma_semaphore, #tpu.memory_space<semaphore_mem>>) src(%dma_wait3A_97 : memref<16x128xf32, #tpu.memory_space<hbm>>) dst(%dma_wait3A_94 : memref<16x128xf32, #tpu.memory_space<vmem_shared>>)
          tpu.yield
        }) : () -> ()
      } else {
      }
      %barrier3A = arith.constant 0 : index
      tpu.barrier barrier_id(%barrier3A)
      %mul3A_13 = arith.constant 156 : i32
      %mul3A_14 = arith.muli %arg1, %mul3A_13 : i32
      %min3A = arith.constant 4 : i32
      %min3A_15 = arith.minsi %arg1, %min3A : i32
      %add3A = arith.addi %mul3A_14, %min3A_15 : i32
      %lt3A = arith.constant 4 : i32
      %lt3A_16 = arith.cmpi slt, %arg1, %lt3A : i32
      %jit3A = arith.constant 157 : i32
      %jit3A_17 = arith.constant 156 : i32
      %select_n3A = arith.select %lt3A_16, %jit3A, %jit3A_17 : i32
      %add3A_18 = arith.constant 0 : i32
      %add3A_19 = arith.addi %add3A, %add3A_18 : i32
      %dma_start3A = arith.constant 0 : i32
      %dma_start3A_20 = arith.constant 0 : i32
      %dma_start3A_21 = tpu.memref_slice %arg4[%add3A_19, %dma_start3A, %dma_start3A_20] : memref<2500x2x128xi32, #tpu.memory_space<hbm>> -> memref<1x2x128xi32, #tpu.memory_space<hbm>>
      %dma_start3A_22 = tpu.memref_squeeze %dma_start3A_21 : memref<1x2x128xi32, #tpu.memory_space<hbm>> -> memref<2x128xi32, #tpu.memory_space<hbm>>
      %dma_start3A_23 = arith.constant 0 : i32
      %dma_start3A_24 = arith.constant 0 : i32
      %dma_start3A_25 = tpu.memref_slice %arg4[%add3A_19, %dma_start3A_23, %dma_start3A_24] : memref<2500x2x128xi32, #tpu.memory_space<hbm>> -> memref<1x2x128xi32, #tpu.memory_space<hbm>>
      %dma_start3A_26 = tpu.memref_squeeze %dma_start3A_25 : memref<1x2x128xi32, #tpu.memory_space<hbm>> -> memref<2x128xi32, #tpu.memory_space<hbm>>
      tpu.enqueue_dma source(%dma_start3A_26 : memref<2x128xi32, #tpu.memory_space<hbm>>) target(%arg10 : memref<2x128xi32, #tpu.memory_space<vmem>>) target_semaphore(%arg17 : memref<!tpu.dma_semaphore, #tpu.memory_space<semaphore_mem>>)
      %add3A_27 = arith.constant 1 : i32
      %add3A_28 = arith.addi %add3A, %add3A_27 : i32
      %dma_start3A_29 = arith.constant 0 : i32
      %dma_start3A_30 = arith.constant 0 : i32
      %dma_start3A_31 = tpu.memref_slice %arg4[%add3A_28, %dma_start3A_29, %dma_start3A_30] : memref<2500x2x128xi32, #tpu.memory_space<hbm>> -> memref<1x2x128xi32, #tpu.memory_space<hbm>>
      %dma_start3A_32 = tpu.memref_squeeze %dma_start3A_31 : memref<1x2x128xi32, #tpu.memory_space<hbm>> -> memref<2x128xi32, #tpu.memory_space<hbm>>
      %dma_start3A_33 = arith.constant 0 : i32
      %dma_start3A_34 = arith.constant 0 : i32
      %dma_start3A_35 = tpu.memref_slice %arg4[%add3A_28, %dma_start3A_33, %dma_start3A_34] : memref<2500x2x128xi32, #tpu.memory_space<hbm>> -> memref<1x2x128xi32, #tpu.memory_space<hbm>>
      %dma_start3A_36 = tpu.memref_squeeze %dma_start3A_35 : memref<1x2x128xi32, #tpu.memory_space<hbm>> -> memref<2x128xi32, #tpu.memory_space<hbm>>
      tpu.enqueue_dma source(%dma_start3A_36 : memref<2x128xi32, #tpu.memory_space<hbm>>) target(%arg11 : memref<2x128xi32, #tpu.memory_space<vmem>>) target_semaphore(%arg18 : memref<!tpu.dma_semaphore, #tpu.memory_space<semaphore_mem>>)
      %dma_wait3A = arith.constant 0 : i32
      %dma_wait3A_37 = arith.constant 0 : i32
      %dma_wait3A_38 = tpu.memref_slice %arg4[%add3A, %dma_wait3A, %dma_wait3A_37] : memref<2500x2x128xi32, #tpu.memory_space<hbm>> -> memref<1x2x128xi32, #tpu.memory_space<hbm>>
      %dma_wait3A_39 = tpu.memref_squeeze %dma_wait3A_38 : memref<1x2x128xi32, #tpu.memory_space<hbm>> -> memref<2x128xi32, #tpu.memory_space<hbm>>
      %dma_wait3A_40 = arith.constant 0 : i32
      %dma_wait3A_41 = arith.constant 0 : i32
      %dma_wait3A_42 = tpu.memref_slice %arg4[%add3A, %dma_wait3A_40, %dma_wait3A_41] : memref<2500x2x128xi32, #tpu.memory_space<hbm>> -> memref<1x2x128xi32, #tpu.memory_space<hbm>>
      %dma_wait3A_43 = tpu.memref_squeeze %dma_wait3A_42 : memref<1x2x128xi32, #tpu.memory_space<hbm>> -> memref<2x128xi32, #tpu.memory_space<hbm>>
      tpu.wait_dma2 semaphore(%arg17 : memref<!tpu.dma_semaphore, #tpu.memory_space<semaphore_mem>>) src(%dma_wait3A_43 : memref<2x128xi32, #tpu.memory_space<hbm>>) dst(%arg10 : memref<2x128xi32, #tpu.memory_space<vmem>>)
      %dma_start3A_44 = arith.constant 1 : i32
      %dma_start3A_45 = arith.constant 0 : i32
      %dma_start3A_46 = tpu.memref_slice %arg10[%dma_start3A_44, %dma_start3A_45] : memref<2x128xi32, #tpu.memory_space<vmem>> -> memref<1x128xi32, #tpu.memory_space<vmem>>
      %dma_start3A_47 = tpu.memref_squeeze %dma_start3A_46 : memref<1x128xi32, #tpu.memory_space<vmem>> -> memref<128xi32, #tpu.memory_space<vmem>>
      %dma_start3A_48 = arith.constant 0 : i32
      %dma_start3A_49 = arith.constant 0 : i32
      %dma_start3A_50 = tpu.memref_slice %arg2[%dma_start3A_48, %dma_start3A_49] : memref<10000x128xf32, #tpu.memory_space<hbm>> -> memref<10000x128xf32, #tpu.memory_space<hbm>>
      tpu.enqueue_indirect_dma source(%dma_start3A_50 : memref<10000x128xf32, #tpu.memory_space<hbm>>) target(%arg14 : memref<128x128xf32, #tpu.memory_space<vmem>>) offsets(%dma_start3A_47 : memref<128xi32, #tpu.memory_space<vmem>>) semaphore(%arg21 : memref<!tpu.dma_semaphore, #tpu.memory_space<semaphore_mem>>)
      %scan3A = arith.constant 0 : i32
      %scan3A_51 = arith.constant 0 : i32
      %scan3A_52 = arith.constant 13 : i32
      %scan3A_53 = arith.addi %scan3A_51, %scan3A_52 : i32
      %scan3A_54 = arith.constant 1 : i32
      scf.for %scan3A_86 = %scan3A_51 to %scan3A_53 step %scan3A_54  : i32 {
        %mul3A_87 = arith.constant 12 : i32
        %mul3A_88 = arith.muli %scan3A_86, %mul3A_87 : i32
        %add3A_89 = arith.constant 0 : i32
        %add3A_90 = arith.addi %mul3A_88, %add3A_89 : i32
        %ge3A = arith.constant 2 : i32
        %ge3A_91 = arith.cmpi sge, %add3A_90, %ge3A : i32
        %convert_element_type3A_92 = arith.extui %ge3A_91 : i1 to i32
        %cond3A_93 = arith.constant 0 : i32
        %cond3A_94 = arith.cmpi ne, %convert_element_type3A_92, %cond3A_93 : i32
        scf.if %cond3A_94 {
          %dma_wait3A_506 = arith.constant 0 : i32
          %dma_wait3A_507 = arith.constant 0 : i32
          %dma_wait3A_508 = tpu.memref_slice %arg12[%dma_wait3A_506, %dma_wait3A_507] : memref<2x128xi32, #tpu.memory_space<vmem>> -> memref<1x128xi32, #tpu.memory_space<vmem>>
          %dma_wait3A_509 = tpu.memref_squeeze %dma_wait3A_508 : memref<1x128xi32, #tpu.memory_space<vmem>> -> memref<128xi32, #tpu.memory_space<vmem>>
          %dma_wait3A_510 = arith.constant 0 : i32
          %dma_wait3A_511 = arith.constant 0 : i32
          %dma_wait3A_512 = tpu.memref_slice %arg9[%dma_wait3A_510, %dma_wait3A_511] : memref<10000x128xf32, #tpu.memory_space<vmem_shared>> -> memref<10000x128xf32, #tpu.memory_space<vmem_shared>>
          tpu.wait_indirect_dma semaphore(%arg25 : memref<!tpu.dma_semaphore, #tpu.memory_space<semaphore_mem>>) src(%arg15 : memref<128x128xf32, #tpu.memory_space<vmem>>) dst(%dma_wait3A_512 : memref<10000x128xf32, #tpu.memory_space<vmem_shared>>)
        } else {
        }
        %add3A_95 = arith.constant 2 : i32
        %add3A_96 = arith.addi %add3A_90, %add3A_95 : i32
        %lt3A_97 = arith.cmpi slt, %add3A_96, %select_n3A : i32
        %convert_element_type3A_98 = arith.extui %lt3A_97 : i1 to i32
        %cond3A_99 = arith.constant 0 : i32
        %cond3A_100 = arith.cmpi ne, %convert_element_type3A_98, %cond3A_99 : i32
        scf.if %cond3A_100 {
          %add3A_506 = arith.constant 2 : i32
          %add3A_507 = arith.addi %add3A_90, %add3A_506 : i32
          %add3A_508 = arith.addi %add3A, %add3A_507 : i32
          %dma_start3A_509 = arith.constant 0 : i32
          %dma_start3A_510 = arith.constant 0 : i32
          %dma_start3A_511 = tpu.memref_slice %arg4[%add3A_508, %dma_start3A_509, %dma_start3A_510] : memref<2500x2x128xi32, #tpu.memory_space<hbm>> -> memref<1x2x128xi32, #tpu.memory_space<hbm>>
          %dma_start3A_512 = tpu.memref_squeeze %dma_start3A_511 : memref<1x2x128xi32, #tpu.memory_space<hbm>> -> memref<2x128xi32, #tpu.memory_space<hbm>>
          %dma_start3A_513 = arith.constant 0 : i32
          %dma_start3A_514 = arith.constant 0 : i32
          %dma_start3A_515 = tpu.memref_slice %arg4[%add3A_508, %dma_start3A_513, %dma_start3A_514] : memref<2500x2x128xi32, #tpu.memory_space<hbm>> -> memref<1x2x128xi32, #tpu.memory_space<hbm>>
          %dma_start3A_516 = tpu.memref_squeeze %dma_start3A_515 : memref<1x2x128xi32, #tpu.memory_space<hbm>> -> memref<2x128xi32, #tpu.memory_space<hbm>>
          tpu.enqueue_dma source(%dma_start3A_516 : memref<2x128xi32, #tpu.memory_space<hbm>>) target(%arg12 : memref<2x128xi32, #tpu.memory_space<vmem>>) target_semaphore(%arg19 : memref<!tpu.dma_semaphore, #tpu.memory_space<semaphore_mem>>)
        } else {
        }
        %add3A_101 = arith.constant 1 : i32
        %add3A_102 = arith.addi %add3A_90, %add3A_101 : i32
        %lt3A_103 = arith.cmpi slt, %add3A_102, %select_n3A : i32
        %convert_element_type3A_104 = arith.extui %lt3A_103 : i1 to i32
        %cond3A_105 = arith.constant 0 : i32
        %cond3A_106 = arith.cmpi ne, %convert_element_type3A_104, %cond3A_105 : i32
        scf.if %cond3A_106 {
          %dma_wait3A_506 = arith.constant 0 : i32
          %dma_wait3A_507 = arith.constant 0 : i32
          %dma_wait3A_508 = tpu.memref_slice %arg4[%add3A, %dma_wait3A_506, %dma_wait3A_507] : memref<2500x2x128xi32, #tpu.memory_space<hbm>> -> memref<1x2x128xi32, #tpu.memory_space<hbm>>
          %dma_wait3A_509 = tpu.memref_squeeze %dma_wait3A_508 : memref<1x2x128xi32, #tpu.memory_space<hbm>> -> memref<2x128xi32, #tpu.memory_space<hbm>>
          %dma_wait3A_510 = arith.constant 0 : i32
          %dma_wait3A_511 = arith.constant 0 : i32
          %dma_wait3A_512 = tpu.memref_slice %arg4[%add3A, %dma_wait3A_510, %dma_wait3A_511] : memref<2500x2x128xi32, #tpu.memory_space<hbm>> -> memref<1x2x128xi32, #tpu.memory_space<hbm>>
          %dma_wait3A_513 = tpu.memref_squeeze %dma_wait3A_512 : memref<1x2x128xi32, #tpu.memory_space<hbm>> -> memref<2x128xi32, #tpu.memory_space<hbm>>
          tpu.wait_dma2 semaphore(%arg18 : memref<!tpu.dma_semaphore, #tpu.memory_space<semaphore_mem>>) src(%dma_wait3A_513 : memref<2x128xi32, #tpu.memory_space<hbm>>) dst(%arg11 : memref<2x128xi32, #tpu.memory_space<vmem>>)
          %dma_start3A_514 = arith.constant 1 : i32
          %dma_start3A_515 = arith.constant 0 : i32
          %dma_start3A_516 = tpu.memref_slice %arg11[%dma_start3A_514, %dma_start3A_515] : memref<2x128xi32, #tpu.memory_space<vmem>> -> memref<1x128xi32, #tpu.memory_space<vmem>>
          %dma_start3A_517 = tpu.memref_squeeze %dma_start3A_516 : memref<1x128xi32, #tpu.memory_space<vmem>> -> memref<128xi32, #tpu.memory_space<vmem>>
          %dma_start3A_518 = arith.constant 0 : i32
          %dma_start3A_519 = arith.constant 0 : i32
          %dma_start3A_520 = tpu.memref_slice %arg2[%dma_start3A_518, %dma_start3A_519] : memref<10000x128xf32, #tpu.memory_space<hbm>> -> memref<10000x128xf32, #tpu.memory_space<hbm>>
          tpu.enqueue_indirect_dma source(%dma_start3A_520 : memref<10000x128xf32, #tpu.memory_space<hbm>>) target(%arg15 : memref<128x128xf32, #tpu.memory_space<vmem>>) offsets(%dma_start3A_517 : memref<128xi32, #tpu.memory_space<vmem>>) semaphore(%arg22 : memref<!tpu.dma_semaphore, #tpu.memory_space<semaphore_mem>>)
        } else {
        }
        %dma_wait3A_107 = arith.constant 1 : i32
        %dma_wait3A_108 = arith.constant 0 : i32
        %dma_wait3A_109 = tpu.memref_slice %arg10[%dma_wait3A_107, %dma_wait3A_108] : memref<2x128xi32, #tpu.memory_space<vmem>> -> memref<1x128xi32, #tpu.memory_space<vmem>>
        %dma_wait3A_110 = tpu.memref_squeeze %dma_wait3A_109 : memref<1x128xi32, #tpu.memory_space<vmem>> -> memref<128xi32, #tpu.memory_space<vmem>>
        %dma_wait3A_111 = arith.constant 0 : i32
        %dma_wait3A_112 = arith.constant 0 : i32
        %dma_wait3A_113 = tpu.memref_slice %arg2[%dma_wait3A_111, %dma_wait3A_112] : memref<10000x128xf32, #tpu.memory_space<hbm>> -> memref<10000x128xf32, #tpu.memory_space<hbm>>
        tpu.wait_indirect_dma semaphore(%arg21 : memref<!tpu.dma_semaphore, #tpu.memory_space<semaphore_mem>>) src(%dma_wait3A_113 : memref<10000x128xf32, #tpu.memory_space<hbm>>) dst(%arg14 : memref<128x128xf32, #tpu.memory_space<vmem>>)
        %dma_start3A_114 = arith.constant 0 : i32
        %dma_start3A_115 = arith.constant 0 : i32
        %dma_start3A_116 = tpu.memref_slice %arg10[%dma_start3A_114, %dma_start3A_115] : memref<2x128xi32, #tpu.memory_space<vmem>> -> memref<1x128xi32, #tpu.memory_space<vmem>>
        %dma_start3A_117 = tpu.memref_squeeze %dma_start3A_116 : memref<1x128xi32, #tpu.memory_space<vmem>> -> memref<128xi32, #tpu.memory_space<vmem>>
        %dma_start3A_118 = arith.constant 0 : i32
        %dma_start3A_119 = arith.constant 0 : i32
        %dma_start3A_120 = tpu.memref_slice %arg9[%dma_start3A_118, %dma_start3A_119] : memref<10000x128xf32, #tpu.memory_space<vmem_shared>> -> memref<10000x128xf32, #tpu.memory_space<vmem_shared>>
        tpu.enqueue_indirect_dma source(%arg14 : memref<128x128xf32, #tpu.memory_space<vmem>>) target(%dma_start3A_120 : memref<10000x128xf32, #tpu.memory_space<vmem_shared>>) offsets(%dma_start3A_117 : memref<128xi32, #tpu.memory_space<vmem>>) semaphore(%arg24 : memref<!tpu.dma_semaphore, #tpu.memory_space<semaphore_mem>>) {add = true}
        %mul3A_121 = arith.constant 12 : i32
        %mul3A_122 = arith.muli %scan3A_86, %mul3A_121 : i32
        %add3A_123 = arith.constant 1 : i32
        %add3A_124 = arith.addi %mul3A_122, %add3A_123 : i32
        %ge3A_125 = arith.constant 2 : i32
        %ge3A_126 = arith.cmpi sge, %add3A_124, %ge3A_125 : i32
        %convert_element_type3A_127 = arith.extui %ge3A_126 : i1 to i32
        %cond3A_128 = arith.constant 0 : i32
        %cond3A_129 = arith.cmpi ne, %convert_element_type3A_127, %cond3A_128 : i32
        scf.if %cond3A_129 {
          %dma_wait3A_506 = arith.constant 0 : i32
          %dma_wait3A_507 = arith.constant 0 : i32
          %dma_wait3A_508 = tpu.memref_slice %arg13[%dma_wait3A_506, %dma_wait3A_507] : memref<2x128xi32, #tpu.memory_space<vmem>> -> memref<1x128xi32, #tpu.memory_space<vmem>>
          %dma_wait3A_509 = tpu.memref_squeeze %dma_wait3A_508 : memref<1x128xi32, #tpu.memory_space<vmem>> -> memref<128xi32, #tpu.memory_space<vmem>>
          %dma_wait3A_510 = arith.constant 0 : i32
          %dma_wait3A_511 = arith.constant 0 : i32
          %dma_wait3A_512 = tpu.memref_slice %arg9[%dma_wait3A_510, %dma_wait3A_511] : memref<10000x128xf32, #tpu.memory_space<vmem_shared>> -> memref<10000x128xf32, #tpu.memory_space<vmem_shared>>
          tpu.wait_indirect_dma semaphore(%arg26 : memref<!tpu.dma_semaphore, #tpu.memory_space<semaphore_mem>>) src(%arg16 : memref<128x128xf32, #tpu.memory_space<vmem>>) dst(%dma_wait3A_512 : memref<10000x128xf32, #tpu.memory_space<vmem_shared>>)
        } else {
        }
        %add3A_130 = arith.constant 2 : i32
        %add3A_131 = arith.addi %add3A_124, %add3A_130 : i32
        %lt3A_132 = arith.cmpi slt, %add3A_131, %select_n3A : i32
        %convert_element_type3A_133 = arith.extui %lt3A_132 : i1 to i32
        %cond3A_134 = arith.constant 0 : i32
        %cond3A_135 = arith.cmpi ne, %convert_element_type3A_133, %cond3A_134 : i32
        scf.if %cond3A_135 {
          %add3A_506 = arith.constant 2 : i32
          %add3A_507 = arith.addi %add3A_124, %add3A_506 : i32
          %add3A_508 = arith.addi %add3A, %add3A_507 : i32
          %dma_start3A_509 = arith.constant 0 : i32
          %dma_start3A_510 = arith.constant 0 : i32
          %dma_start3A_511 = tpu.memref_slice %arg4[%add3A_508, %dma_start3A_509, %dma_start3A_510] : memref<2500x2x128xi32, #tpu.memory_space<hbm>> -> memref<1x2x128xi32, #tpu.memory_space<hbm>>
          %dma_start3A_512 = tpu.memref_squeeze %dma_start3A_511 : memref<1x2x128xi32, #tpu.memory_space<hbm>> -> memref<2x128xi32, #tpu.memory_space<hbm>>
          %dma_start3A_513 = arith.constant 0 : i32
          %dma_start3A_514 = arith.constant 0 : i32
          %dma_start3A_515 = tpu.memref_slice %arg4[%add3A_508, %dma_start3A_513, %dma_start3A_514] : memref<2500x2x128xi32, #tpu.memory_space<hbm>> -> memref<1x2x128xi32, #tpu.memory_space<hbm>>
          %dma_start3A_516 = tpu.memref_squeeze %dma_start3A_515 : memref<1x2x128xi32, #tpu.memory_space<hbm>> -> memref<2x128xi32, #tpu.memory_space<hbm>>
          tpu.enqueue_dma source(%dma_start3A_516 : memref<2x128xi32, #tpu.memory_space<hbm>>) target(%arg13 : memref<2x128xi32, #tpu.memory_space<vmem>>) target_semaphore(%arg20 : memref<!tpu.dma_semaphore, #tpu.memory_space<semaphore_mem>>)
        } else {
        }
        %add3A_136 = arith.constant 1 : i32
        %add3A_137 = arith.addi %add3A_124, %add3A_136 : i32
        %lt3A_138 = arith.cmpi slt, %add3A_137, %select_n3A : i32
        %convert_element_type3A_139 = arith.extui %lt3A_138 : i1 to i32
        %cond3A_140 = arith.constant 0 : i32
        %cond3A_141 = arith.cmpi ne, %convert_element_type3A_139, %cond3A_140 : i32
        scf.if %cond3A_141 {
          %dma_wait3A_506 = arith.constant 0 : i32
          %dma_wait3A_507 = arith.constant 0 : i32
          %dma_wait3A_508 = tpu.memref_slice %arg4[%add3A, %dma_wait3A_506, %dma_wait3A_507] : memref<2500x2x128xi32, #tpu.memory_space<hbm>> -> memref<1x2x128xi32, #tpu.memory_space<hbm>>
          %dma_wait3A_509 = tpu.memref_squeeze %dma_wait3A_508 : memref<1x2x128xi32, #tpu.memory_space<hbm>> -> memref<2x128xi32, #tpu.memory_space<hbm>>
          %dma_wait3A_510 = arith.constant 0 : i32
          %dma_wait3A_511 = arith.constant 0 : i32
          %dma_wait3A_512 = tpu.memref_slice %arg4[%add3A, %dma_wait3A_510, %dma_wait3A_511] : memref<2500x2x128xi32, #tpu.memory_space<hbm>> -> memref<1x2x128xi32, #tpu.memory_space<hbm>>
          %dma_wait3A_513 = tpu.memref_squeeze %dma_wait3A_512 : memref<1x2x128xi32, #tpu.memory_space<hbm>> -> memref<2x128xi32, #tpu.memory_space<hbm>>
          tpu.wait_dma2 semaphore(%arg19 : memref<!tpu.dma_semaphore, #tpu.memory_space<semaphore_mem>>) src(%dma_wait3A_513 : memref<2x128xi32, #tpu.memory_space<hbm>>) dst(%arg12 : memref<2x128xi32, #tpu.memory_space<vmem>>)
          %dma_start3A_514 = arith.constant 1 : i32
          %dma_start3A_515 = arith.constant 0 : i32
          %dma_start3A_516 = tpu.memref_slice %arg12[%dma_start3A_514, %dma_start3A_515] : memref<2x128xi32, #tpu.memory_space<vmem>> -> memref<1x128xi32, #tpu.memory_space<vmem>>
          %dma_start3A_517 = tpu.memref_squeeze %dma_start3A_516 : memref<1x128xi32, #tpu.memory_space<vmem>> -> memref<128xi32, #tpu.memory_space<vmem>>
          %dma_start3A_518 = arith.constant 0 : i32
          %dma_start3A_519 = arith.constant 0 : i32
          %dma_start3A_520 = tpu.memref_slice %arg2[%dma_start3A_518, %dma_start3A_519] : memref<10000x128xf32, #tpu.memory_space<hbm>> -> memref<10000x128xf32, #tpu.memory_space<hbm>>
          tpu.enqueue_indirect_dma source(%dma_start3A_520 : memref<10000x128xf32, #tpu.memory_space<hbm>>) target(%arg16 : memref<128x128xf32, #tpu.memory_space<vmem>>) offsets(%dma_start3A_517 : memref<128xi32, #tpu.memory_space<vmem>>) semaphore(%arg23 : memref<!tpu.dma_semaphore, #tpu.memory_space<semaphore_mem>>)
        } else {
        }
        %dma_wait3A_142 = arith.constant 1 : i32
        %dma_wait3A_143 = arith.constant 0 : i32
        %dma_wait3A_144 = tpu.memref_slice %arg11[%dma_wait3A_142, %dma_wait3A_143] : memref<2x128xi32, #tpu.memory_space<vmem>> -> memref<1x128xi32, #tpu.memory_space<vmem>>
        %dma_wait3A_145 = tpu.memref_squeeze %dma_wait3A_144 : memref<1x128xi32, #tpu.memory_space<vmem>> -> memref<128xi32, #tpu.memory_space<vmem>>
        %dma_wait3A_146 = arith.constant 0 : i32
        %dma_wait3A_147 = arith.constant 0 : i32
        %dma_wait3A_148 = tpu.memref_slice %arg2[%dma_wait3A_146, %dma_wait3A_147] : memref<10000x128xf32, #tpu.memory_space<hbm>> -> memref<10000x128xf32, #tpu.memory_space<hbm>>
        tpu.wait_indirect_dma semaphore(%arg22 : memref<!tpu.dma_semaphore, #tpu.memory_space<semaphore_mem>>) src(%dma_wait3A_148 : memref<10000x128xf32, #tpu.memory_space<hbm>>) dst(%arg15 : memref<128x128xf32, #tpu.memory_space<vmem>>)
        %dma_start3A_149 = arith.constant 0 : i32
        %dma_start3A_150 = arith.constant 0 : i32
        %dma_start3A_151 = tpu.memref_slice %arg11[%dma_start3A_149, %dma_start3A_150] : memref<2x128xi32, #tpu.memory_space<vmem>> -> memref<1x128xi32, #tpu.memory_space<vmem>>
        %dma_start3A_152 = tpu.memref_squeeze %dma_start3A_151 : memref<1x128xi32, #tpu.memory_space<vmem>> -> memref<128xi32, #tpu.memory_space<vmem>>
        %dma_start3A_153 = arith.constant 0 : i32
        %dma_start3A_154 = arith.constant 0 : i32
        %dma_start3A_155 = tpu.memref_slice %arg9[%dma_start3A_153, %dma_start3A_154] : memref<10000x128xf32, #tpu.memory_space<vmem_shared>> -> memref<10000x128xf32, #tpu.memory_space<vmem_shared>>
        tpu.enqueue_indirect_dma source(%arg15 : memref<128x128xf32, #tpu.memory_space<vmem>>) target(%dma_start3A_155 : memref<10000x128xf32, #tpu.memory_space<vmem_shared>>) offsets(%dma_start3A_152 : memref<128xi32, #tpu.memory_space<vmem>>) semaphore(%arg25 : memref<!tpu.dma_semaphore, #tpu.memory_space<semaphore_mem>>) {add = true}
        %mul3A_156 = arith.constant 12 : i32
        %mul3A_157 = arith.muli %scan3A_86, %mul3A_156 : i32
        %add3A_158 = arith.constant 2 : i32
        %add3A_159 = arith.addi %mul3A_157, %add3A_158 : i32
        %ge3A_160 = arith.constant 2 : i32
        %ge3A_161 = arith.cmpi sge, %add3A_159, %ge3A_160 : i32
        %convert_element_type3A_162 = arith.extui %ge3A_161 : i1 to i32
        %cond3A_163 = arith.constant 0 : i32
        %cond3A_164 = arith.cmpi ne, %convert_element_type3A_162, %cond3A_163 : i32
        scf.if %cond3A_164 {
          %dma_wait3A_506 = arith.constant 0 : i32
          %dma_wait3A_507 = arith.constant 0 : i32
          %dma_wait3A_508 = tpu.memref_slice %arg10[%dma_wait3A_506, %dma_wait3A_507] : memref<2x128xi32, #tpu.memory_space<vmem>> -> memref<1x128xi32, #tpu.memory_space<vmem>>
          %dma_wait3A_509 = tpu.memref_squeeze %dma_wait3A_508 : memref<1x128xi32, #tpu.memory_space<vmem>> -> memref<128xi32, #tpu.memory_space<vmem>>
          %dma_wait3A_510 = arith.constant 0 : i32
          %dma_wait3A_511 = arith.constant 0 : i32
          %dma_wait3A_512 = tpu.memref_slice %arg9[%dma_wait3A_510, %dma_wait3A_511] : memref<10000x128xf32, #tpu.memory_space<vmem_shared>> -> memref<10000x128xf32, #tpu.memory_space<vmem_shared>>
          tpu.wait_indirect_dma semaphore(%arg24 : memref<!tpu.dma_semaphore, #tpu.memory_space<semaphore_mem>>) src(%arg14 : memref<128x128xf32, #tpu.memory_space<vmem>>) dst(%dma_wait3A_512 : memref<10000x128xf32, #tpu.memory_space<vmem_shared>>)
        } else {
        }
        %add3A_165 = arith.constant 2 : i32
        %add3A_166 = arith.addi %add3A_159, %add3A_165 : i32
        %lt3A_167 = arith.cmpi slt, %add3A_166, %select_n3A : i32
        %convert_element_type3A_168 = arith.extui %lt3A_167 : i1 to i32
        %cond3A_169 = arith.constant 0 : i32
        %cond3A_170 = arith.cmpi ne, %convert_element_type3A_168, %cond3A_169 : i32
        scf.if %cond3A_170 {
          %add3A_506 = arith.constant 2 : i32
          %add3A_507 = arith.addi %add3A_159, %add3A_506 : i32
          %add3A_508 = arith.addi %add3A, %add3A_507 : i32
          %dma_start3A_509 = arith.constant 0 : i32
          %dma_start3A_510 = arith.constant 0 : i32
          %dma_start3A_511 = tpu.memref_slice %arg4[%add3A_508, %dma_start3A_509, %dma_start3A_510] : memref<2500x2x128xi32, #tpu.memory_space<hbm>> -> memref<1x2x128xi32, #tpu.memory_space<hbm>>
          %dma_start3A_512 = tpu.memref_squeeze %dma_start3A_511 : memref<1x2x128xi32, #tpu.memory_space<hbm>> -> memref<2x128xi32, #tpu.memory_space<hbm>>
          %dma_start3A_513 = arith.constant 0 : i32
          %dma_start3A_514 = arith.constant 0 : i32
          %dma_start3A_515 = tpu.memref_slice %arg4[%add3A_508, %dma_start3A_513, %dma_start3A_514] : memref<2500x2x128xi32, #tpu.memory_space<hbm>> -> memref<1x2x128xi32, #tpu.memory_space<hbm>>
          %dma_start3A_516 = tpu.memref_squeeze %dma_start3A_515 : memref<1x2x128xi32, #tpu.memory_space<hbm>> -> memref<2x128xi32, #tpu.memory_space<hbm>>
          tpu.enqueue_dma source(%dma_start3A_516 : memref<2x128xi32, #tpu.memory_space<hbm>>) target(%arg10 : memref<2x128xi32, #tpu.memory_space<vmem>>) target_semaphore(%arg17 : memref<!tpu.dma_semaphore, #tpu.memory_space<semaphore_mem>>)
        } else {
        }
        %add3A_171 = arith.constant 1 : i32
        %add3A_172 = arith.addi %add3A_159, %add3A_171 : i32
        %lt3A_173 = arith.cmpi slt, %add3A_172, %select_n3A : i32
        %convert_element_type3A_174 = arith.extui %lt3A_173 : i1 to i32
        %cond3A_175 = arith.constant 0 : i32
        %cond3A_176 = arith.cmpi ne, %convert_element_type3A_174, %cond3A_175 : i32
        scf.if %cond3A_176 {
          %dma_wait3A_506 = arith.constant 0 : i32
          %dma_wait3A_507 = arith.constant 0 : i32
          %dma_wait3A_508 = tpu.memref_slice %arg4[%add3A, %dma_wait3A_506, %dma_wait3A_507] : memref<2500x2x128xi32, #tpu.memory_space<hbm>> -> memref<1x2x128xi32, #tpu.memory_space<hbm>>
          %dma_wait3A_509 = tpu.memref_squeeze %dma_wait3A_508 : memref<1x2x128xi32, #tpu.memory_space<hbm>> -> memref<2x128xi32, #tpu.memory_space<hbm>>
          %dma_wait3A_510 = arith.constant 0 : i32
          %dma_wait3A_511 = arith.constant 0 : i32
          %dma_wait3A_512 = tpu.memref_slice %arg4[%add3A, %dma_wait3A_510, %dma_wait3A_511] : memref<2500x2x128xi32, #tpu.memory_space<hbm>> -> memref<1x2x128xi32, #tpu.memory_space<hbm>>
          %dma_wait3A_513 = tpu.memref_squeeze %dma_wait3A_512 : memref<1x2x128xi32, #tpu.memory_space<hbm>> -> memref<2x128xi32, #tpu.memory_space<hbm>>
          tpu.wait_dma2 semaphore(%arg20 : memref<!tpu.dma_semaphore, #tpu.memory_space<semaphore_mem>>) src(%dma_wait3A_513 : memref<2x128xi32, #tpu.memory_space<hbm>>) dst(%arg13 : memref<2x128xi32, #tpu.memory_space<vmem>>)
          %dma_start3A_514 = arith.constant 1 : i32
          %dma_start3A_515 = arith.constant 0 : i32
          %dma_start3A_516 = tpu.memref_slice %arg13[%dma_start3A_514, %dma_start3A_515] : memref<2x128xi32, #tpu.memory_space<vmem>> -> memref<1x128xi32, #tpu.memory_space<vmem>>
          %dma_start3A_517 = tpu.memref_squeeze %dma_start3A_516 : memref<1x128xi32, #tpu.memory_space<vmem>> -> memref<128xi32, #tpu.memory_space<vmem>>
          %dma_start3A_518 = arith.constant 0 : i32
          %dma_start3A_519 = arith.constant 0 : i32
          %dma_start3A_520 = tpu.memref_slice %arg2[%dma_start3A_518, %dma_start3A_519] : memref<10000x128xf32, #tpu.memory_space<hbm>> -> memref<10000x128xf32, #tpu.memory_space<hbm>>
          tpu.enqueue_indirect_dma source(%dma_start3A_520 : memref<10000x128xf32, #tpu.memory_space<hbm>>) target(%arg14 : memref<128x128xf32, #tpu.memory_space<vmem>>) offsets(%dma_start3A_517 : memref<128xi32, #tpu.memory_space<vmem>>) semaphore(%arg21 : memref<!tpu.dma_semaphore, #tpu.memory_space<semaphore_mem>>)
        } else {
        }
        %dma_wait3A_177 = arith.constant 1 : i32
        %dma_wait3A_178 = arith.constant 0 : i32
        %dma_wait3A_179 = tpu.memref_slice %arg12[%dma_wait3A_177, %dma_wait3A_178] : memref<2x128xi32, #tpu.memory_space<vmem>> -> memref<1x128xi32, #tpu.memory_space<vmem>>
        %dma_wait3A_180 = tpu.memref_squeeze %dma_wait3A_179 : memref<1x128xi32, #tpu.memory_space<vmem>> -> memref<128xi32, #tpu.memory_space<vmem>>
        %dma_wait3A_181 = arith.constant 0 : i32
        %dma_wait3A_182 = arith.constant 0 : i32
        %dma_wait3A_183 = tpu.memref_slice %arg2[%dma_wait3A_181, %dma_wait3A_182] : memref<10000x128xf32, #tpu.memory_space<hbm>> -> memref<10000x128xf32, #tpu.memory_space<hbm>>
        tpu.wait_indirect_dma semaphore(%arg23 : memref<!tpu.dma_semaphore, #tpu.memory_space<semaphore_mem>>) src(%dma_wait3A_183 : memref<10000x128xf32, #tpu.memory_space<hbm>>) dst(%arg16 : memref<128x128xf32, #tpu.memory_space<vmem>>)
        %dma_start3A_184 = arith.constant 0 : i32
        %dma_start3A_185 = arith.constant 0 : i32
        %dma_start3A_186 = tpu.memref_slice %arg12[%dma_start3A_184, %dma_start3A_185] : memref<2x128xi32, #tpu.memory_space<vmem>> -> memref<1x128xi32, #tpu.memory_space<vmem>>
        %dma_start3A_187 = tpu.memref_squeeze %dma_start3A_186 : memref<1x128xi32, #tpu.memory_space<vmem>> -> memref<128xi32, #tpu.memory_space<vmem>>
        %dma_start3A_188 = arith.constant 0 : i32
        %dma_start3A_189 = arith.constant 0 : i32
        %dma_start3A_190 = tpu.memref_slice %arg9[%dma_start3A_188, %dma_start3A_189] : memref<10000x128xf32, #tpu.memory_space<vmem_shared>> -> memref<10000x128xf32, #tpu.memory_space<vmem_shared>>
        tpu.enqueue_indirect_dma source(%arg16 : memref<128x128xf32, #tpu.memory_space<vmem>>) target(%dma_start3A_190 : memref<10000x128xf32, #tpu.memory_space<vmem_shared>>) offsets(%dma_start3A_187 : memref<128xi32, #tpu.memory_space<vmem>>) semaphore(%arg26 : memref<!tpu.dma_semaphore, #tpu.memory_space<semaphore_mem>>) {add = true}
        %mul3A_191 = arith.constant 12 : i32
        %mul3A_192 = arith.muli %scan3A_86, %mul3A_191 : i32
        %add3A_193 = arith.constant 3 : i32
        %add3A_194 = arith.addi %mul3A_192, %add3A_193 : i32
        %ge3A_195 = arith.constant 2 : i32
        %ge3A_196 = arith.cmpi sge, %add3A_194, %ge3A_195 : i32
        %convert_element_type3A_197 = arith.extui %ge3A_196 : i1 to i32
        %cond3A_198 = arith.constant 0 : i32
        %cond3A_199 = arith.cmpi ne, %convert_element_type3A_197, %cond3A_198 : i32
        scf.if %cond3A_199 {
          %dma_wait3A_506 = arith.constant 0 : i32
          %dma_wait3A_507 = arith.constant 0 : i32
          %dma_wait3A_508 = tpu.memref_slice %arg11[%dma_wait3A_506, %dma_wait3A_507] : memref<2x128xi32, #tpu.memory_space<vmem>> -> memref<1x128xi32, #tpu.memory_space<vmem>>
          %dma_wait3A_509 = tpu.memref_squeeze %dma_wait3A_508 : memref<1x128xi32, #tpu.memory_space<vmem>> -> memref<128xi32, #tpu.memory_space<vmem>>
          %dma_wait3A_510 = arith.constant 0 : i32
          %dma_wait3A_511 = arith.constant 0 : i32
          %dma_wait3A_512 = tpu.memref_slice %arg9[%dma_wait3A_510, %dma_wait3A_511] : memref<10000x128xf32, #tpu.memory_space<vmem_shared>> -> memref<10000x128xf32, #tpu.memory_space<vmem_shared>>
          tpu.wait_indirect_dma semaphore(%arg25 : memref<!tpu.dma_semaphore, #tpu.memory_space<semaphore_mem>>) src(%arg15 : memref<128x128xf32, #tpu.memory_space<vmem>>) dst(%dma_wait3A_512 : memref<10000x128xf32, #tpu.memory_space<vmem_shared>>)
        } else {
        }
        %add3A_200 = arith.constant 2 : i32
        %add3A_201 = arith.addi %add3A_194, %add3A_200 : i32
        %lt3A_202 = arith.cmpi slt, %add3A_201, %select_n3A : i32
        %convert_element_type3A_203 = arith.extui %lt3A_202 : i1 to i32
        %cond3A_204 = arith.constant 0 : i32
        %cond3A_205 = arith.cmpi ne, %convert_element_type3A_203, %cond3A_204 : i32
        scf.if %cond3A_205 {
          %add3A_506 = arith.constant 2 : i32
          %add3A_507 = arith.addi %add3A_194, %add3A_506 : i32
          %add3A_508 = arith.addi %add3A, %add3A_507 : i32
          %dma_start3A_509 = arith.constant 0 : i32
          %dma_start3A_510 = arith.constant 0 : i32
          %dma_start3A_511 = tpu.memref_slice %arg4[%add3A_508, %dma_start3A_509, %dma_start3A_510] : memref<2500x2x128xi32, #tpu.memory_space<hbm>> -> memref<1x2x128xi32, #tpu.memory_space<hbm>>
          %dma_start3A_512 = tpu.memref_squeeze %dma_start3A_511 : memref<1x2x128xi32, #tpu.memory_space<hbm>> -> memref<2x128xi32, #tpu.memory_space<hbm>>
          %dma_start3A_513 = arith.constant 0 : i32
          %dma_start3A_514 = arith.constant 0 : i32
          %dma_start3A_515 = tpu.memref_slice %arg4[%add3A_508, %dma_start3A_513, %dma_start3A_514] : memref<2500x2x128xi32, #tpu.memory_space<hbm>> -> memref<1x2x128xi32, #tpu.memory_space<hbm>>
          %dma_start3A_516 = tpu.memref_squeeze %dma_start3A_515 : memref<1x2x128xi32, #tpu.memory_space<hbm>> -> memref<2x128xi32, #tpu.memory_space<hbm>>
          tpu.enqueue_dma source(%dma_start3A_516 : memref<2x128xi32, #tpu.memory_space<hbm>>) target(%arg11 : memref<2x128xi32, #tpu.memory_space<vmem>>) target_semaphore(%arg18 : memref<!tpu.dma_semaphore, #tpu.memory_space<semaphore_mem>>)
        } else {
        }
        %add3A_206 = arith.constant 1 : i32
        %add3A_207 = arith.addi %add3A_194, %add3A_206 : i32
        %lt3A_208 = arith.cmpi slt, %add3A_207, %select_n3A : i32
        %convert_element_type3A_209 = arith.extui %lt3A_208 : i1 to i32
        %cond3A_210 = arith.constant 0 : i32
        %cond3A_211 = arith.cmpi ne, %convert_element_type3A_209, %cond3A_210 : i32
        scf.if %cond3A_211 {
          %dma_wait3A_506 = arith.constant 0 : i32
          %dma_wait3A_507 = arith.constant 0 : i32
          %dma_wait3A_508 = tpu.memref_slice %arg4[%add3A, %dma_wait3A_506, %dma_wait3A_507] : memref<2500x2x128xi32, #tpu.memory_space<hbm>> -> memref<1x2x128xi32, #tpu.memory_space<hbm>>
          %dma_wait3A_509 = tpu.memref_squeeze %dma_wait3A_508 : memref<1x2x128xi32, #tpu.memory_space<hbm>> -> memref<2x128xi32, #tpu.memory_space<hbm>>
          %dma_wait3A_510 = arith.constant 0 : i32
          %dma_wait3A_511 = arith.constant 0 : i32
          %dma_wait3A_512 = tpu.memref_slice %arg4[%add3A, %dma_wait3A_510, %dma_wait3A_511] : memref<2500x2x128xi32, #tpu.memory_space<hbm>> -> memref<1x2x128xi32, #tpu.memory_space<hbm>>
          %dma_wait3A_513 = tpu.memref_squeeze %dma_wait3A_512 : memref<1x2x128xi32, #tpu.memory_space<hbm>> -> memref<2x128xi32, #tpu.memory_space<hbm>>
          tpu.wait_dma2 semaphore(%arg17 : memref<!tpu.dma_semaphore, #tpu.memory_space<semaphore_mem>>) src(%dma_wait3A_513 : memref<2x128xi32, #tpu.memory_space<hbm>>) dst(%arg10 : memref<2x128xi32, #tpu.memory_space<vmem>>)
          %dma_start3A_514 = arith.constant 1 : i32
          %dma_start3A_515 = arith.constant 0 : i32
          %dma_start3A_516 = tpu.memref_slice %arg10[%dma_start3A_514, %dma_start3A_515] : memref<2x128xi32, #tpu.memory_space<vmem>> -> memref<1x128xi32, #tpu.memory_space<vmem>>
          %dma_start3A_517 = tpu.memref_squeeze %dma_start3A_516 : memref<1x128xi32, #tpu.memory_space<vmem>> -> memref<128xi32, #tpu.memory_space<vmem>>
          %dma_start3A_518 = arith.constant 0 : i32
          %dma_start3A_519 = arith.constant 0 : i32
          %dma_start3A_520 = tpu.memref_slice %arg2[%dma_start3A_518, %dma_start3A_519] : memref<10000x128xf32, #tpu.memory_space<hbm>> -> memref<10000x128xf32, #tpu.memory_space<hbm>>
          tpu.enqueue_indirect_dma source(%dma_start3A_520 : memref<10000x128xf32, #tpu.memory_space<hbm>>) target(%arg15 : memref<128x128xf32, #tpu.memory_space<vmem>>) offsets(%dma_start3A_517 : memref<128xi32, #tpu.memory_space<vmem>>) semaphore(%arg22 : memref<!tpu.dma_semaphore, #tpu.memory_space<semaphore_mem>>)
        } else {
        }
        %dma_wait3A_212 = arith.constant 1 : i32
        %dma_wait3A_213 = arith.constant 0 : i32
        %dma_wait3A_214 = tpu.memref_slice %arg13[%dma_wait3A_212, %dma_wait3A_213] : memref<2x128xi32, #tpu.memory_space<vmem>> -> memref<1x128xi32, #tpu.memory_space<vmem>>
        %dma_wait3A_215 = tpu.memref_squeeze %dma_wait3A_214 : memref<1x128xi32, #tpu.memory_space<vmem>> -> memref<128xi32, #tpu.memory_space<vmem>>
        %dma_wait3A_216 = arith.constant 0 : i32
        %dma_wait3A_217 = arith.constant 0 : i32
        %dma_wait3A_218 = tpu.memref_slice %arg2[%dma_wait3A_216, %dma_wait3A_217] : memref<10000x128xf32, #tpu.memory_space<hbm>> -> memref<10000x128xf32, #tpu.memory_space<hbm>>
        tpu.wait_indirect_dma semaphore(%arg21 : memref<!tpu.dma_semaphore, #tpu.memory_space<semaphore_mem>>) src(%dma_wait3A_218 : memref<10000x128xf32, #tpu.memory_space<hbm>>) dst(%arg14 : memref<128x128xf32, #tpu.memory_space<vmem>>)
        %dma_start3A_219 = arith.constant 0 : i32
        %dma_start3A_220 = arith.constant 0 : i32
        %dma_start3A_221 = tpu.memref_slice %arg13[%dma_start3A_219, %dma_start3A_220] : memref<2x128xi32, #tpu.memory_space<vmem>> -> memref<1x128xi32, #tpu.memory_space<vmem>>
        %dma_start3A_222 = tpu.memref_squeeze %dma_start3A_221 : memref<1x128xi32, #tpu.memory_space<vmem>> -> memref<128xi32, #tpu.memory_space<vmem>>
        %dma_start3A_223 = arith.constant 0 : i32
        %dma_start3A_224 = arith.constant 0 : i32
        %dma_start3A_225 = tpu.memref_slice %arg9[%dma_start3A_223, %dma_start3A_224] : memref<10000x128xf32, #tpu.memory_space<vmem_shared>> -> memref<10000x128xf32, #tpu.memory_space<vmem_shared>>
        tpu.enqueue_indirect_dma source(%arg14 : memref<128x128xf32, #tpu.memory_space<vmem>>) target(%dma_start3A_225 : memref<10000x128xf32, #tpu.memory_space<vmem_shared>>) offsets(%dma_start3A_222 : memref<128xi32, #tpu.memory_space<vmem>>) semaphore(%arg24 : memref<!tpu.dma_semaphore, #tpu.memory_space<semaphore_mem>>) {add = true}
        %mul3A_226 = arith.constant 12 : i32
        %mul3A_227 = arith.muli %scan3A_86, %mul3A_226 : i32
        %add3A_228 = arith.constant 4 : i32
        %add3A_229 = arith.addi %mul3A_227, %add3A_228 : i32
        %ge3A_230 = arith.constant 2 : i32
        %ge3A_231 = arith.cmpi sge, %add3A_229, %ge3A_230 : i32
        %convert_element_type3A_232 = arith.extui %ge3A_231 : i1 to i32
        %cond3A_233 = arith.constant 0 : i32
        %cond3A_234 = arith.cmpi ne, %convert_element_type3A_232, %cond3A_233 : i32
        scf.if %cond3A_234 {
          %dma_wait3A_506 = arith.constant 0 : i32
          %dma_wait3A_507 = arith.constant 0 : i32
          %dma_wait3A_508 = tpu.memref_slice %arg12[%dma_wait3A_506, %dma_wait3A_507] : memref<2x128xi32, #tpu.memory_space<vmem>> -> memref<1x128xi32, #tpu.memory_space<vmem>>
          %dma_wait3A_509 = tpu.memref_squeeze %dma_wait3A_508 : memref<1x128xi32, #tpu.memory_space<vmem>> -> memref<128xi32, #tpu.memory_space<vmem>>
          %dma_wait3A_510 = arith.constant 0 : i32
          %dma_wait3A_511 = arith.constant 0 : i32
          %dma_wait3A_512 = tpu.memref_slice %arg9[%dma_wait3A_510, %dma_wait3A_511] : memref<10000x128xf32, #tpu.memory_space<vmem_shared>> -> memref<10000x128xf32, #tpu.memory_space<vmem_shared>>
          tpu.wait_indirect_dma semaphore(%arg26 : memref<!tpu.dma_semaphore, #tpu.memory_space<semaphore_mem>>) src(%arg16 : memref<128x128xf32, #tpu.memory_space<vmem>>) dst(%dma_wait3A_512 : memref<10000x128xf32, #tpu.memory_space<vmem_shared>>)
        } else {
        }
        %add3A_235 = arith.constant 2 : i32
        %add3A_236 = arith.addi %add3A_229, %add3A_235 : i32
        %lt3A_237 = arith.cmpi slt, %add3A_236, %select_n3A : i32
        %convert_element_type3A_238 = arith.extui %lt3A_237 : i1 to i32
        %cond3A_239 = arith.constant 0 : i32
        %cond3A_240 = arith.cmpi ne, %convert_element_type3A_238, %cond3A_239 : i32
        scf.if %cond3A_240 {
          %add3A_506 = arith.constant 2 : i32
          %add3A_507 = arith.addi %add3A_229, %add3A_506 : i32
          %add3A_508 = arith.addi %add3A, %add3A_507 : i32
          %dma_start3A_509 = arith.constant 0 : i32
          %dma_start3A_510 = arith.constant 0 : i32
          %dma_start3A_511 = tpu.memref_slice %arg4[%add3A_508, %dma_start3A_509, %dma_start3A_510] : memref<2500x2x128xi32, #tpu.memory_space<hbm>> -> memref<1x2x128xi32, #tpu.memory_space<hbm>>
          %dma_start3A_512 = tpu.memref_squeeze %dma_start3A_511 : memref<1x2x128xi32, #tpu.memory_space<hbm>> -> memref<2x128xi32, #tpu.memory_space<hbm>>
          %dma_start3A_513 = arith.constant 0 : i32
          %dma_start3A_514 = arith.constant 0 : i32
          %dma_start3A_515 = tpu.memref_slice %arg4[%add3A_508, %dma_start3A_513, %dma_start3A_514] : memref<2500x2x128xi32, #tpu.memory_space<hbm>> -> memref<1x2x128xi32, #tpu.memory_space<hbm>>
          %dma_start3A_516 = tpu.memref_squeeze %dma_start3A_515 : memref<1x2x128xi32, #tpu.memory_space<hbm>> -> memref<2x128xi32, #tpu.memory_space<hbm>>
          tpu.enqueue_dma source(%dma_start3A_516 : memref<2x128xi32, #tpu.memory_space<hbm>>) target(%arg12 : memref<2x128xi32, #tpu.memory_space<vmem>>) target_semaphore(%arg19 : memref<!tpu.dma_semaphore, #tpu.memory_space<semaphore_mem>>)
        } else {
        }
        %add3A_241 = arith.constant 1 : i32
        %add3A_242 = arith.addi %add3A_229, %add3A_241 : i32
        %lt3A_243 = arith.cmpi slt, %add3A_242, %select_n3A : i32
        %convert_element_type3A_244 = arith.extui %lt3A_243 : i1 to i32
        %cond3A_245 = arith.constant 0 : i32
        %cond3A_246 = arith.cmpi ne, %convert_element_type3A_244, %cond3A_245 : i32
        scf.if %cond3A_246 {
          %dma_wait3A_506 = arith.constant 0 : i32
          %dma_wait3A_507 = arith.constant 0 : i32
          %dma_wait3A_508 = tpu.memref_slice %arg4[%add3A, %dma_wait3A_506, %dma_wait3A_507] : memref<2500x2x128xi32, #tpu.memory_space<hbm>> -> memref<1x2x128xi32, #tpu.memory_space<hbm>>
          %dma_wait3A_509 = tpu.memref_squeeze %dma_wait3A_508 : memref<1x2x128xi32, #tpu.memory_space<hbm>> -> memref<2x128xi32, #tpu.memory_space<hbm>>
          %dma_wait3A_510 = arith.constant 0 : i32
          %dma_wait3A_511 = arith.constant 0 : i32
          %dma_wait3A_512 = tpu.memref_slice %arg4[%add3A, %dma_wait3A_510, %dma_wait3A_511] : memref<2500x2x128xi32, #tpu.memory_space<hbm>> -> memref<1x2x128xi32, #tpu.memory_space<hbm>>
          %dma_wait3A_513 = tpu.memref_squeeze %dma_wait3A_512 : memref<1x2x128xi32, #tpu.memory_space<hbm>> -> memref<2x128xi32, #tpu.memory_space<hbm>>
          tpu.wait_dma2 semaphore(%arg18 : memref<!tpu.dma_semaphore, #tpu.memory_space<semaphore_mem>>) src(%dma_wait3A_513 : memref<2x128xi32, #tpu.memory_space<hbm>>) dst(%arg11 : memref<2x128xi32, #tpu.memory_space<vmem>>)
          %dma_start3A_514 = arith.constant 1 : i32
          %dma_start3A_515 = arith.constant 0 : i32
          %dma_start3A_516 = tpu.memref_slice %arg11[%dma_start3A_514, %dma_start3A_515] : memref<2x128xi32, #tpu.memory_space<vmem>> -> memref<1x128xi32, #tpu.memory_space<vmem>>
          %dma_start3A_517 = tpu.memref_squeeze %dma_start3A_516 : memref<1x128xi32, #tpu.memory_space<vmem>> -> memref<128xi32, #tpu.memory_space<vmem>>
          %dma_start3A_518 = arith.constant 0 : i32
          %dma_start3A_519 = arith.constant 0 : i32
          %dma_start3A_520 = tpu.memref_slice %arg2[%dma_start3A_518, %dma_start3A_519] : memref<10000x128xf32, #tpu.memory_space<hbm>> -> memref<10000x128xf32, #tpu.memory_space<hbm>>
          tpu.enqueue_indirect_dma source(%dma_start3A_520 : memref<10000x128xf32, #tpu.memory_space<hbm>>) target(%arg16 : memref<128x128xf32, #tpu.memory_space<vmem>>) offsets(%dma_start3A_517 : memref<128xi32, #tpu.memory_space<vmem>>) semaphore(%arg23 : memref<!tpu.dma_semaphore, #tpu.memory_space<semaphore_mem>>)
        } else {
        }
        %dma_wait3A_247 = arith.constant 1 : i32
        %dma_wait3A_248 = arith.constant 0 : i32
        %dma_wait3A_249 = tpu.memref_slice %arg10[%dma_wait3A_247, %dma_wait3A_248] : memref<2x128xi32, #tpu.memory_space<vmem>> -> memref<1x128xi32, #tpu.memory_space<vmem>>
        %dma_wait3A_250 = tpu.memref_squeeze %dma_wait3A_249 : memref<1x128xi32, #tpu.memory_space<vmem>> -> memref<128xi32, #tpu.memory_space<vmem>>
        %dma_wait3A_251 = arith.constant 0 : i32
        %dma_wait3A_252 = arith.constant 0 : i32
        %dma_wait3A_253 = tpu.memref_slice %arg2[%dma_wait3A_251, %dma_wait3A_252] : memref<10000x128xf32, #tpu.memory_space<hbm>> -> memref<10000x128xf32, #tpu.memory_space<hbm>>
        tpu.wait_indirect_dma semaphore(%arg22 : memref<!tpu.dma_semaphore, #tpu.memory_space<semaphore_mem>>) src(%dma_wait3A_253 : memref<10000x128xf32, #tpu.memory_space<hbm>>) dst(%arg15 : memref<128x128xf32, #tpu.memory_space<vmem>>)
        %dma_start3A_254 = arith.constant 0 : i32
        %dma_start3A_255 = arith.constant 0 : i32
        %dma_start3A_256 = tpu.memref_slice %arg10[%dma_start3A_254, %dma_start3A_255] : memref<2x128xi32, #tpu.memory_space<vmem>> -> memref<1x128xi32, #tpu.memory_space<vmem>>
        %dma_start3A_257 = tpu.memref_squeeze %dma_start3A_256 : memref<1x128xi32, #tpu.memory_space<vmem>> -> memref<128xi32, #tpu.memory_space<vmem>>
        %dma_start3A_258 = arith.constant 0 : i32
        %dma_start3A_259 = arith.constant 0 : i32
        %dma_start3A_260 = tpu.memref_slice %arg9[%dma_start3A_258, %dma_start3A_259] : memref<10000x128xf32, #tpu.memory_space<vmem_shared>> -> memref<10000x128xf32, #tpu.memory_space<vmem_shared>>
        tpu.enqueue_indirect_dma source(%arg15 : memref<128x128xf32, #tpu.memory_space<vmem>>) target(%dma_start3A_260 : memref<10000x128xf32, #tpu.memory_space<vmem_shared>>) offsets(%dma_start3A_257 : memref<128xi32, #tpu.memory_space<vmem>>) semaphore(%arg25 : memref<!tpu.dma_semaphore, #tpu.memory_space<semaphore_mem>>) {add = true}
        %mul3A_261 = arith.constant 12 : i32
        %mul3A_262 = arith.muli %scan3A_86, %mul3A_261 : i32
        %add3A_263 = arith.constant 5 : i32
        %add3A_264 = arith.addi %mul3A_262, %add3A_263 : i32
        %ge3A_265 = arith.constant 2 : i32
        %ge3A_266 = arith.cmpi sge, %add3A_264, %ge3A_265 : i32
        %convert_element_type3A_267 = arith.extui %ge3A_266 : i1 to i32
        %cond3A_268 = arith.constant 0 : i32
        %cond3A_269 = arith.cmpi ne, %convert_element_type3A_267, %cond3A_268 : i32
        scf.if %cond3A_269 {
          %dma_wait3A_506 = arith.constant 0 : i32
          %dma_wait3A_507 = arith.constant 0 : i32
          %dma_wait3A_508 = tpu.memref_slice %arg13[%dma_wait3A_506, %dma_wait3A_507] : memref<2x128xi32, #tpu.memory_space<vmem>> -> memref<1x128xi32, #tpu.memory_space<vmem>>
          %dma_wait3A_509 = tpu.memref_squeeze %dma_wait3A_508 : memref<1x128xi32, #tpu.memory_space<vmem>> -> memref<128xi32, #tpu.memory_space<vmem>>
          %dma_wait3A_510 = arith.constant 0 : i32
          %dma_wait3A_511 = arith.constant 0 : i32
          %dma_wait3A_512 = tpu.memref_slice %arg9[%dma_wait3A_510, %dma_wait3A_511] : memref<10000x128xf32, #tpu.memory_space<vmem_shared>> -> memref<10000x128xf32, #tpu.memory_space<vmem_shared>>
          tpu.wait_indirect_dma semaphore(%arg24 : memref<!tpu.dma_semaphore, #tpu.memory_space<semaphore_mem>>) src(%arg14 : memref<128x128xf32, #tpu.memory_space<vmem>>) dst(%dma_wait3A_512 : memref<10000x128xf32, #tpu.memory_space<vmem_shared>>)
        } else {
        }
        %add3A_270 = arith.constant 2 : i32
        %add3A_271 = arith.addi %add3A_264, %add3A_270 : i32
        %lt3A_272 = arith.cmpi slt, %add3A_271, %select_n3A : i32
        %convert_element_type3A_273 = arith.extui %lt3A_272 : i1 to i32
        %cond3A_274 = arith.constant 0 : i32
        %cond3A_275 = arith.cmpi ne, %convert_element_type3A_273, %cond3A_274 : i32
        scf.if %cond3A_275 {
          %add3A_506 = arith.constant 2 : i32
          %add3A_507 = arith.addi %add3A_264, %add3A_506 : i32
          %add3A_508 = arith.addi %add3A, %add3A_507 : i32
          %dma_start3A_509 = arith.constant 0 : i32
          %dma_start3A_510 = arith.constant 0 : i32
          %dma_start3A_511 = tpu.memref_slice %arg4[%add3A_508, %dma_start3A_509, %dma_start3A_510] : memref<2500x2x128xi32, #tpu.memory_space<hbm>> -> memref<1x2x128xi32, #tpu.memory_space<hbm>>
          %dma_start3A_512 = tpu.memref_squeeze %dma_start3A_511 : memref<1x2x128xi32, #tpu.memory_space<hbm>> -> memref<2x128xi32, #tpu.memory_space<hbm>>
          %dma_start3A_513 = arith.constant 0 : i32
          %dma_start3A_514 = arith.constant 0 : i32
          %dma_start3A_515 = tpu.memref_slice %arg4[%add3A_508, %dma_start3A_513, %dma_start3A_514] : memref<2500x2x128xi32, #tpu.memory_space<hbm>> -> memref<1x2x128xi32, #tpu.memory_space<hbm>>
          %dma_start3A_516 = tpu.memref_squeeze %dma_start3A_515 : memref<1x2x128xi32, #tpu.memory_space<hbm>> -> memref<2x128xi32, #tpu.memory_space<hbm>>
          tpu.enqueue_dma source(%dma_start3A_516 : memref<2x128xi32, #tpu.memory_space<hbm>>) target(%arg13 : memref<2x128xi32, #tpu.memory_space<vmem>>) target_semaphore(%arg20 : memref<!tpu.dma_semaphore, #tpu.memory_space<semaphore_mem>>)
        } else {
        }
        %add3A_276 = arith.constant 1 : i32
        %add3A_277 = arith.addi %add3A_264, %add3A_276 : i32
        %lt3A_278 = arith.cmpi slt, %add3A_277, %select_n3A : i32
        %convert_element_type3A_279 = arith.extui %lt3A_278 : i1 to i32
        %cond3A_280 = arith.constant 0 : i32
        %cond3A_281 = arith.cmpi ne, %convert_element_type3A_279, %cond3A_280 : i32
        scf.if %cond3A_281 {
          %dma_wait3A_506 = arith.constant 0 : i32
          %dma_wait3A_507 = arith.constant 0 : i32
          %dma_wait3A_508 = tpu.memref_slice %arg4[%add3A, %dma_wait3A_506, %dma_wait3A_507] : memref<2500x2x128xi32, #tpu.memory_space<hbm>> -> memref<1x2x128xi32, #tpu.memory_space<hbm>>
          %dma_wait3A_509 = tpu.memref_squeeze %dma_wait3A_508 : memref<1x2x128xi32, #tpu.memory_space<hbm>> -> memref<2x128xi32, #tpu.memory_space<hbm>>
          %dma_wait3A_510 = arith.constant 0 : i32
          %dma_wait3A_511 = arith.constant 0 : i32
          %dma_wait3A_512 = tpu.memref_slice %arg4[%add3A, %dma_wait3A_510, %dma_wait3A_511] : memref<2500x2x128xi32, #tpu.memory_space<hbm>> -> memref<1x2x128xi32, #tpu.memory_space<hbm>>
          %dma_wait3A_513 = tpu.memref_squeeze %dma_wait3A_512 : memref<1x2x128xi32, #tpu.memory_space<hbm>> -> memref<2x128xi32, #tpu.memory_space<hbm>>
          tpu.wait_dma2 semaphore(%arg19 : memref<!tpu.dma_semaphore, #tpu.memory_space<semaphore_mem>>) src(%dma_wait3A_513 : memref<2x128xi32, #tpu.memory_space<hbm>>) dst(%arg12 : memref<2x128xi32, #tpu.memory_space<vmem>>)
          %dma_start3A_514 = arith.constant 1 : i32
          %dma_start3A_515 = arith.constant 0 : i32
          %dma_start3A_516 = tpu.memref_slice %arg12[%dma_start3A_514, %dma_start3A_515] : memref<2x128xi32, #tpu.memory_space<vmem>> -> memref<1x128xi32, #tpu.memory_space<vmem>>
          %dma_start3A_517 = tpu.memref_squeeze %dma_start3A_516 : memref<1x128xi32, #tpu.memory_space<vmem>> -> memref<128xi32, #tpu.memory_space<vmem>>
          %dma_start3A_518 = arith.constant 0 : i32
          %dma_start3A_519 = arith.constant 0 : i32
          %dma_start3A_520 = tpu.memref_slice %arg2[%dma_start3A_518, %dma_start3A_519] : memref<10000x128xf32, #tpu.memory_space<hbm>> -> memref<10000x128xf32, #tpu.memory_space<hbm>>
          tpu.enqueue_indirect_dma source(%dma_start3A_520 : memref<10000x128xf32, #tpu.memory_space<hbm>>) target(%arg14 : memref<128x128xf32, #tpu.memory_space<vmem>>) offsets(%dma_start3A_517 : memref<128xi32, #tpu.memory_space<vmem>>) semaphore(%arg21 : memref<!tpu.dma_semaphore, #tpu.memory_space<semaphore_mem>>)
        } else {
        }
        %dma_wait3A_282 = arith.constant 1 : i32
        %dma_wait3A_283 = arith.constant 0 : i32
        %dma_wait3A_284 = tpu.memref_slice %arg11[%dma_wait3A_282, %dma_wait3A_283] : memref<2x128xi32, #tpu.memory_space<vmem>> -> memref<1x128xi32, #tpu.memory_space<vmem>>
        %dma_wait3A_285 = tpu.memref_squeeze %dma_wait3A_284 : memref<1x128xi32, #tpu.memory_space<vmem>> -> memref<128xi32, #tpu.memory_space<vmem>>
        %dma_wait3A_286 = arith.constant 0 : i32
        %dma_wait3A_287 = arith.constant 0 : i32
        %dma_wait3A_288 = tpu.memref_slice %arg2[%dma_wait3A_286, %dma_wait3A_287] : memref<10000x128xf32, #tpu.memory_space<hbm>> -> memref<10000x128xf32, #tpu.memory_space<hbm>>
        tpu.wait_indirect_dma semaphore(%arg23 : memref<!tpu.dma_semaphore, #tpu.memory_space<semaphore_mem>>) src(%dma_wait3A_288 : memref<10000x128xf32, #tpu.memory_space<hbm>>) dst(%arg16 : memref<128x128xf32, #tpu.memory_space<vmem>>)
        %dma_start3A_289 = arith.constant 0 : i32
        %dma_start3A_290 = arith.constant 0 : i32
        %dma_start3A_291 = tpu.memref_slice %arg11[%dma_start3A_289, %dma_start3A_290] : memref<2x128xi32, #tpu.memory_space<vmem>> -> memref<1x128xi32, #tpu.memory_space<vmem>>
        %dma_start3A_292 = tpu.memref_squeeze %dma_start3A_291 : memref<1x128xi32, #tpu.memory_space<vmem>> -> memref<128xi32, #tpu.memory_space<vmem>>
        %dma_start3A_293 = arith.constant 0 : i32
        %dma_start3A_294 = arith.constant 0 : i32
        %dma_start3A_295 = tpu.memref_slice %arg9[%dma_start3A_293, %dma_start3A_294] : memref<10000x128xf32, #tpu.memory_space<vmem_shared>> -> memref<10000x128xf32, #tpu.memory_space<vmem_shared>>
        tpu.enqueue_indirect_dma source(%arg16 : memref<128x128xf32, #tpu.memory_space<vmem>>) target(%dma_start3A_295 : memref<10000x128xf32, #tpu.memory_space<vmem_shared>>) offsets(%dma_start3A_292 : memref<128xi32, #tpu.memory_space<vmem>>) semaphore(%arg26 : memref<!tpu.dma_semaphore, #tpu.memory_space<semaphore_mem>>) {add = true}
        %mul3A_296 = arith.constant 12 : i32
        %mul3A_297 = arith.muli %scan3A_86, %mul3A_296 : i32
        %add3A_298 = arith.constant 6 : i32
        %add3A_299 = arith.addi %mul3A_297, %add3A_298 : i32
        %ge3A_300 = arith.constant 2 : i32
        %ge3A_301 = arith.cmpi sge, %add3A_299, %ge3A_300 : i32
        %convert_element_type3A_302 = arith.extui %ge3A_301 : i1 to i32
        %cond3A_303 = arith.constant 0 : i32
        %cond3A_304 = arith.cmpi ne, %convert_element_type3A_302, %cond3A_303 : i32
        scf.if %cond3A_304 {
          %dma_wait3A_506 = arith.constant 0 : i32
          %dma_wait3A_507 = arith.constant 0 : i32
          %dma_wait3A_508 = tpu.memref_slice %arg10[%dma_wait3A_506, %dma_wait3A_507] : memref<2x128xi32, #tpu.memory_space<vmem>> -> memref<1x128xi32, #tpu.memory_space<vmem>>
          %dma_wait3A_509 = tpu.memref_squeeze %dma_wait3A_508 : memref<1x128xi32, #tpu.memory_space<vmem>> -> memref<128xi32, #tpu.memory_space<vmem>>
          %dma_wait3A_510 = arith.constant 0 : i32
          %dma_wait3A_511 = arith.constant 0 : i32
          %dma_wait3A_512 = tpu.memref_slice %arg9[%dma_wait3A_510, %dma_wait3A_511] : memref<10000x128xf32, #tpu.memory_space<vmem_shared>> -> memref<10000x128xf32, #tpu.memory_space<vmem_shared>>
          tpu.wait_indirect_dma semaphore(%arg25 : memref<!tpu.dma_semaphore, #tpu.memory_space<semaphore_mem>>) src(%arg15 : memref<128x128xf32, #tpu.memory_space<vmem>>) dst(%dma_wait3A_512 : memref<10000x128xf32, #tpu.memory_space<vmem_shared>>)
        } else {
        }
        %add3A_305 = arith.constant 2 : i32
        %add3A_306 = arith.addi %add3A_299, %add3A_305 : i32
        %lt3A_307 = arith.cmpi slt, %add3A_306, %select_n3A : i32
        %convert_element_type3A_308 = arith.extui %lt3A_307 : i1 to i32
        %cond3A_309 = arith.constant 0 : i32
        %cond3A_310 = arith.cmpi ne, %convert_element_type3A_308, %cond3A_309 : i32
        scf.if %cond3A_310 {
          %add3A_506 = arith.constant 2 : i32
          %add3A_507 = arith.addi %add3A_299, %add3A_506 : i32
          %add3A_508 = arith.addi %add3A, %add3A_507 : i32
          %dma_start3A_509 = arith.constant 0 : i32
          %dma_start3A_510 = arith.constant 0 : i32
          %dma_start3A_511 = tpu.memref_slice %arg4[%add3A_508, %dma_start3A_509, %dma_start3A_510] : memref<2500x2x128xi32, #tpu.memory_space<hbm>> -> memref<1x2x128xi32, #tpu.memory_space<hbm>>
          %dma_start3A_512 = tpu.memref_squeeze %dma_start3A_511 : memref<1x2x128xi32, #tpu.memory_space<hbm>> -> memref<2x128xi32, #tpu.memory_space<hbm>>
          %dma_start3A_513 = arith.constant 0 : i32
          %dma_start3A_514 = arith.constant 0 : i32
          %dma_start3A_515 = tpu.memref_slice %arg4[%add3A_508, %dma_start3A_513, %dma_start3A_514] : memref<2500x2x128xi32, #tpu.memory_space<hbm>> -> memref<1x2x128xi32, #tpu.memory_space<hbm>>
          %dma_start3A_516 = tpu.memref_squeeze %dma_start3A_515 : memref<1x2x128xi32, #tpu.memory_space<hbm>> -> memref<2x128xi32, #tpu.memory_space<hbm>>
          tpu.enqueue_dma source(%dma_start3A_516 : memref<2x128xi32, #tpu.memory_space<hbm>>) target(%arg10 : memref<2x128xi32, #tpu.memory_space<vmem>>) target_semaphore(%arg17 : memref<!tpu.dma_semaphore, #tpu.memory_space<semaphore_mem>>)
        } else {
        }
        %add3A_311 = arith.constant 1 : i32
        %add3A_312 = arith.addi %add3A_299, %add3A_311 : i32
        %lt3A_313 = arith.cmpi slt, %add3A_312, %select_n3A : i32
        %convert_element_type3A_314 = arith.extui %lt3A_313 : i1 to i32
        %cond3A_315 = arith.constant 0 : i32
        %cond3A_316 = arith.cmpi ne, %convert_element_type3A_314, %cond3A_315 : i32
        scf.if %cond3A_316 {
          %dma_wait3A_506 = arith.constant 0 : i32
          %dma_wait3A_507 = arith.constant 0 : i32
          %dma_wait3A_508 = tpu.memref_slice %arg4[%add3A, %dma_wait3A_506, %dma_wait3A_507] : memref<2500x2x128xi32, #tpu.memory_space<hbm>> -> memref<1x2x128xi32, #tpu.memory_space<hbm>>
          %dma_wait3A_509 = tpu.memref_squeeze %dma_wait3A_508 : memref<1x2x128xi32, #tpu.memory_space<hbm>> -> memref<2x128xi32, #tpu.memory_space<hbm>>
          %dma_wait3A_510 = arith.constant 0 : i32
          %dma_wait3A_511 = arith.constant 0 : i32
          %dma_wait3A_512 = tpu.memref_slice %arg4[%add3A, %dma_wait3A_510, %dma_wait3A_511] : memref<2500x2x128xi32, #tpu.memory_space<hbm>> -> memref<1x2x128xi32, #tpu.memory_space<hbm>>
          %dma_wait3A_513 = tpu.memref_squeeze %dma_wait3A_512 : memref<1x2x128xi32, #tpu.memory_space<hbm>> -> memref<2x128xi32, #tpu.memory_space<hbm>>
          tpu.wait_dma2 semaphore(%arg20 : memref<!tpu.dma_semaphore, #tpu.memory_space<semaphore_mem>>) src(%dma_wait3A_513 : memref<2x128xi32, #tpu.memory_space<hbm>>) dst(%arg13 : memref<2x128xi32, #tpu.memory_space<vmem>>)
          %dma_start3A_514 = arith.constant 1 : i32
          %dma_start3A_515 = arith.constant 0 : i32
          %dma_start3A_516 = tpu.memref_slice %arg13[%dma_start3A_514, %dma_start3A_515] : memref<2x128xi32, #tpu.memory_space<vmem>> -> memref<1x128xi32, #tpu.memory_space<vmem>>
          %dma_start3A_517 = tpu.memref_squeeze %dma_start3A_516 : memref<1x128xi32, #tpu.memory_space<vmem>> -> memref<128xi32, #tpu.memory_space<vmem>>
          %dma_start3A_518 = arith.constant 0 : i32
          %dma_start3A_519 = arith.constant 0 : i32
          %dma_start3A_520 = tpu.memref_slice %arg2[%dma_start3A_518, %dma_start3A_519] : memref<10000x128xf32, #tpu.memory_space<hbm>> -> memref<10000x128xf32, #tpu.memory_space<hbm>>
          tpu.enqueue_indirect_dma source(%dma_start3A_520 : memref<10000x128xf32, #tpu.memory_space<hbm>>) target(%arg15 : memref<128x128xf32, #tpu.memory_space<vmem>>) offsets(%dma_start3A_517 : memref<128xi32, #tpu.memory_space<vmem>>) semaphore(%arg22 : memref<!tpu.dma_semaphore, #tpu.memory_space<semaphore_mem>>)
        } else {
        }
        %dma_wait3A_317 = arith.constant 1 : i32
        %dma_wait3A_318 = arith.constant 0 : i32
        %dma_wait3A_319 = tpu.memref_slice %arg12[%dma_wait3A_317, %dma_wait3A_318] : memref<2x128xi32, #tpu.memory_space<vmem>> -> memref<1x128xi32, #tpu.memory_space<vmem>>
        %dma_wait3A_320 = tpu.memref_squeeze %dma_wait3A_319 : memref<1x128xi32, #tpu.memory_space<vmem>> -> memref<128xi32, #tpu.memory_space<vmem>>
        %dma_wait3A_321 = arith.constant 0 : i32
        %dma_wait3A_322 = arith.constant 0 : i32
        %dma_wait3A_323 = tpu.memref_slice %arg2[%dma_wait3A_321, %dma_wait3A_322] : memref<10000x128xf32, #tpu.memory_space<hbm>> -> memref<10000x128xf32, #tpu.memory_space<hbm>>
        tpu.wait_indirect_dma semaphore(%arg21 : memref<!tpu.dma_semaphore, #tpu.memory_space<semaphore_mem>>) src(%dma_wait3A_323 : memref<10000x128xf32, #tpu.memory_space<hbm>>) dst(%arg14 : memref<128x128xf32, #tpu.memory_space<vmem>>)
        %dma_start3A_324 = arith.constant 0 : i32
        %dma_start3A_325 = arith.constant 0 : i32
        %dma_start3A_326 = tpu.memref_slice %arg12[%dma_start3A_324, %dma_start3A_325] : memref<2x128xi32, #tpu.memory_space<vmem>> -> memref<1x128xi32, #tpu.memory_space<vmem>>
        %dma_start3A_327 = tpu.memref_squeeze %dma_start3A_326 : memref<1x128xi32, #tpu.memory_space<vmem>> -> memref<128xi32, #tpu.memory_space<vmem>>
        %dma_start3A_328 = arith.constant 0 : i32
        %dma_start3A_329 = arith.constant 0 : i32
        %dma_start3A_330 = tpu.memref_slice %arg9[%dma_start3A_328, %dma_start3A_329] : memref<10000x128xf32, #tpu.memory_space<vmem_shared>> -> memref<10000x128xf32, #tpu.memory_space<vmem_shared>>
        tpu.enqueue_indirect_dma source(%arg14 : memref<128x128xf32, #tpu.memory_space<vmem>>) target(%dma_start3A_330 : memref<10000x128xf32, #tpu.memory_space<vmem_shared>>) offsets(%dma_start3A_327 : memref<128xi32, #tpu.memory_space<vmem>>) semaphore(%arg24 : memref<!tpu.dma_semaphore, #tpu.memory_space<semaphore_mem>>) {add = true}
        %mul3A_331 = arith.constant 12 : i32
        %mul3A_332 = arith.muli %scan3A_86, %mul3A_331 : i32
        %add3A_333 = arith.constant 7 : i32
        %add3A_334 = arith.addi %mul3A_332, %add3A_333 : i32
        %ge3A_335 = arith.constant 2 : i32
        %ge3A_336 = arith.cmpi sge, %add3A_334, %ge3A_335 : i32
        %convert_element_type3A_337 = arith.extui %ge3A_336 : i1 to i32
        %cond3A_338 = arith.constant 0 : i32
        %cond3A_339 = arith.cmpi ne, %convert_element_type3A_337, %cond3A_338 : i32
        scf.if %cond3A_339 {
          %dma_wait3A_506 = arith.constant 0 : i32
          %dma_wait3A_507 = arith.constant 0 : i32
          %dma_wait3A_508 = tpu.memref_slice %arg11[%dma_wait3A_506, %dma_wait3A_507] : memref<2x128xi32, #tpu.memory_space<vmem>> -> memref<1x128xi32, #tpu.memory_space<vmem>>
          %dma_wait3A_509 = tpu.memref_squeeze %dma_wait3A_508 : memref<1x128xi32, #tpu.memory_space<vmem>> -> memref<128xi32, #tpu.memory_space<vmem>>
          %dma_wait3A_510 = arith.constant 0 : i32
          %dma_wait3A_511 = arith.constant 0 : i32
          %dma_wait3A_512 = tpu.memref_slice %arg9[%dma_wait3A_510, %dma_wait3A_511] : memref<10000x128xf32, #tpu.memory_space<vmem_shared>> -> memref<10000x128xf32, #tpu.memory_space<vmem_shared>>
          tpu.wait_indirect_dma semaphore(%arg26 : memref<!tpu.dma_semaphore, #tpu.memory_space<semaphore_mem>>) src(%arg16 : memref<128x128xf32, #tpu.memory_space<vmem>>) dst(%dma_wait3A_512 : memref<10000x128xf32, #tpu.memory_space<vmem_shared>>)
        } else {
        }
        %add3A_340 = arith.constant 2 : i32
        %add3A_341 = arith.addi %add3A_334, %add3A_340 : i32
        %lt3A_342 = arith.cmpi slt, %add3A_341, %select_n3A : i32
        %convert_element_type3A_343 = arith.extui %lt3A_342 : i1 to i32
        %cond3A_344 = arith.constant 0 : i32
        %cond3A_345 = arith.cmpi ne, %convert_element_type3A_343, %cond3A_344 : i32
        scf.if %cond3A_345 {
          %add3A_506 = arith.constant 2 : i32
          %add3A_507 = arith.addi %add3A_334, %add3A_506 : i32
          %add3A_508 = arith.addi %add3A, %add3A_507 : i32
          %dma_start3A_509 = arith.constant 0 : i32
          %dma_start3A_510 = arith.constant 0 : i32
          %dma_start3A_511 = tpu.memref_slice %arg4[%add3A_508, %dma_start3A_509, %dma_start3A_510] : memref<2500x2x128xi32, #tpu.memory_space<hbm>> -> memref<1x2x128xi32, #tpu.memory_space<hbm>>
          %dma_start3A_512 = tpu.memref_squeeze %dma_start3A_511 : memref<1x2x128xi32, #tpu.memory_space<hbm>> -> memref<2x128xi32, #tpu.memory_space<hbm>>
          %dma_start3A_513 = arith.constant 0 : i32
          %dma_start3A_514 = arith.constant 0 : i32
          %dma_start3A_515 = tpu.memref_slice %arg4[%add3A_508, %dma_start3A_513, %dma_start3A_514] : memref<2500x2x128xi32, #tpu.memory_space<hbm>> -> memref<1x2x128xi32, #tpu.memory_space<hbm>>
          %dma_start3A_516 = tpu.memref_squeeze %dma_start3A_515 : memref<1x2x128xi32, #tpu.memory_space<hbm>> -> memref<2x128xi32, #tpu.memory_space<hbm>>
          tpu.enqueue_dma source(%dma_start3A_516 : memref<2x128xi32, #tpu.memory_space<hbm>>) target(%arg11 : memref<2x128xi32, #tpu.memory_space<vmem>>) target_semaphore(%arg18 : memref<!tpu.dma_semaphore, #tpu.memory_space<semaphore_mem>>)
        } else {
        }
        %add3A_346 = arith.constant 1 : i32
        %add3A_347 = arith.addi %add3A_334, %add3A_346 : i32
        %lt3A_348 = arith.cmpi slt, %add3A_347, %select_n3A : i32
        %convert_element_type3A_349 = arith.extui %lt3A_348 : i1 to i32
        %cond3A_350 = arith.constant 0 : i32
        %cond3A_351 = arith.cmpi ne, %convert_element_type3A_349, %cond3A_350 : i32
        scf.if %cond3A_351 {
          %dma_wait3A_506 = arith.constant 0 : i32
          %dma_wait3A_507 = arith.constant 0 : i32
          %dma_wait3A_508 = tpu.memref_slice %arg4[%add3A, %dma_wait3A_506, %dma_wait3A_507] : memref<2500x2x128xi32, #tpu.memory_space<hbm>> -> memref<1x2x128xi32, #tpu.memory_space<hbm>>
          %dma_wait3A_509 = tpu.memref_squeeze %dma_wait3A_508 : memref<1x2x128xi32, #tpu.memory_space<hbm>> -> memref<2x128xi32, #tpu.memory_space<hbm>>
          %dma_wait3A_510 = arith.constant 0 : i32
          %dma_wait3A_511 = arith.constant 0 : i32
          %dma_wait3A_512 = tpu.memref_slice %arg4[%add3A, %dma_wait3A_510, %dma_wait3A_511] : memref<2500x2x128xi32, #tpu.memory_space<hbm>> -> memref<1x2x128xi32, #tpu.memory_space<hbm>>
          %dma_wait3A_513 = tpu.memref_squeeze %dma_wait3A_512 : memref<1x2x128xi32, #tpu.memory_space<hbm>> -> memref<2x128xi32, #tpu.memory_space<hbm>>
          tpu.wait_dma2 semaphore(%arg17 : memref<!tpu.dma_semaphore, #tpu.memory_space<semaphore_mem>>) src(%dma_wait3A_513 : memref<2x128xi32, #tpu.memory_space<hbm>>) dst(%arg10 : memref<2x128xi32, #tpu.memory_space<vmem>>)
          %dma_start3A_514 = arith.constant 1 : i32
          %dma_start3A_515 = arith.constant 0 : i32
          %dma_start3A_516 = tpu.memref_slice %arg10[%dma_start3A_514, %dma_start3A_515] : memref<2x128xi32, #tpu.memory_space<vmem>> -> memref<1x128xi32, #tpu.memory_space<vmem>>
          %dma_start3A_517 = tpu.memref_squeeze %dma_start3A_516 : memref<1x128xi32, #tpu.memory_space<vmem>> -> memref<128xi32, #tpu.memory_space<vmem>>
          %dma_start3A_518 = arith.constant 0 : i32
          %dma_start3A_519 = arith.constant 0 : i32
          %dma_start3A_520 = tpu.memref_slice %arg2[%dma_start3A_518, %dma_start3A_519] : memref<10000x128xf32, #tpu.memory_space<hbm>> -> memref<10000x128xf32, #tpu.memory_space<hbm>>
          tpu.enqueue_indirect_dma source(%dma_start3A_520 : memref<10000x128xf32, #tpu.memory_space<hbm>>) target(%arg16 : memref<128x128xf32, #tpu.memory_space<vmem>>) offsets(%dma_start3A_517 : memref<128xi32, #tpu.memory_space<vmem>>) semaphore(%arg23 : memref<!tpu.dma_semaphore, #tpu.memory_space<semaphore_mem>>)
        } else {
        }
        %dma_wait3A_352 = arith.constant 1 : i32
        %dma_wait3A_353 = arith.constant 0 : i32
        %dma_wait3A_354 = tpu.memref_slice %arg13[%dma_wait3A_352, %dma_wait3A_353] : memref<2x128xi32, #tpu.memory_space<vmem>> -> memref<1x128xi32, #tpu.memory_space<vmem>>
        %dma_wait3A_355 = tpu.memref_squeeze %dma_wait3A_354 : memref<1x128xi32, #tpu.memory_space<vmem>> -> memref<128xi32, #tpu.memory_space<vmem>>
        %dma_wait3A_356 = arith.constant 0 : i32
        %dma_wait3A_357 = arith.constant 0 : i32
        %dma_wait3A_358 = tpu.memref_slice %arg2[%dma_wait3A_356, %dma_wait3A_357] : memref<10000x128xf32, #tpu.memory_space<hbm>> -> memref<10000x128xf32, #tpu.memory_space<hbm>>
        tpu.wait_indirect_dma semaphore(%arg22 : memref<!tpu.dma_semaphore, #tpu.memory_space<semaphore_mem>>) src(%dma_wait3A_358 : memref<10000x128xf32, #tpu.memory_space<hbm>>) dst(%arg15 : memref<128x128xf32, #tpu.memory_space<vmem>>)
        %dma_start3A_359 = arith.constant 0 : i32
        %dma_start3A_360 = arith.constant 0 : i32
        %dma_start3A_361 = tpu.memref_slice %arg13[%dma_start3A_359, %dma_start3A_360] : memref<2x128xi32, #tpu.memory_space<vmem>> -> memref<1x128xi32, #tpu.memory_space<vmem>>
        %dma_start3A_362 = tpu.memref_squeeze %dma_start3A_361 : memref<1x128xi32, #tpu.memory_space<vmem>> -> memref<128xi32, #tpu.memory_space<vmem>>
        %dma_start3A_363 = arith.constant 0 : i32
        %dma_start3A_364 = arith.constant 0 : i32
        %dma_start3A_365 = tpu.memref_slice %arg9[%dma_start3A_363, %dma_start3A_364] : memref<10000x128xf32, #tpu.memory_space<vmem_shared>> -> memref<10000x128xf32, #tpu.memory_space<vmem_shared>>
        tpu.enqueue_indirect_dma source(%arg15 : memref<128x128xf32, #tpu.memory_space<vmem>>) target(%dma_start3A_365 : memref<10000x128xf32, #tpu.memory_space<vmem_shared>>) offsets(%dma_start3A_362 : memref<128xi32, #tpu.memory_space<vmem>>) semaphore(%arg25 : memref<!tpu.dma_semaphore, #tpu.memory_space<semaphore_mem>>) {add = true}
        %mul3A_366 = arith.constant 12 : i32
        %mul3A_367 = arith.muli %scan3A_86, %mul3A_366 : i32
        %add3A_368 = arith.constant 8 : i32
        %add3A_369 = arith.addi %mul3A_367, %add3A_368 : i32
        %ge3A_370 = arith.constant 2 : i32
        %ge3A_371 = arith.cmpi sge, %add3A_369, %ge3A_370 : i32
        %convert_element_type3A_372 = arith.extui %ge3A_371 : i1 to i32
        %cond3A_373 = arith.constant 0 : i32
        %cond3A_374 = arith.cmpi ne, %convert_element_type3A_372, %cond3A_373 : i32
        scf.if %cond3A_374 {
          %dma_wait3A_506 = arith.constant 0 : i32
          %dma_wait3A_507 = arith.constant 0 : i32
          %dma_wait3A_508 = tpu.memref_slice %arg12[%dma_wait3A_506, %dma_wait3A_507] : memref<2x128xi32, #tpu.memory_space<vmem>> -> memref<1x128xi32, #tpu.memory_space<vmem>>
          %dma_wait3A_509 = tpu.memref_squeeze %dma_wait3A_508 : memref<1x128xi32, #tpu.memory_space<vmem>> -> memref<128xi32, #tpu.memory_space<vmem>>
          %dma_wait3A_510 = arith.constant 0 : i32
          %dma_wait3A_511 = arith.constant 0 : i32
          %dma_wait3A_512 = tpu.memref_slice %arg9[%dma_wait3A_510, %dma_wait3A_511] : memref<10000x128xf32, #tpu.memory_space<vmem_shared>> -> memref<10000x128xf32, #tpu.memory_space<vmem_shared>>
          tpu.wait_indirect_dma semaphore(%arg24 : memref<!tpu.dma_semaphore, #tpu.memory_space<semaphore_mem>>) src(%arg14 : memref<128x128xf32, #tpu.memory_space<vmem>>) dst(%dma_wait3A_512 : memref<10000x128xf32, #tpu.memory_space<vmem_shared>>)
        } else {
        }
        %add3A_375 = arith.constant 2 : i32
        %add3A_376 = arith.addi %add3A_369, %add3A_375 : i32
        %lt3A_377 = arith.cmpi slt, %add3A_376, %select_n3A : i32
        %convert_element_type3A_378 = arith.extui %lt3A_377 : i1 to i32
        %cond3A_379 = arith.constant 0 : i32
        %cond3A_380 = arith.cmpi ne, %convert_element_type3A_378, %cond3A_379 : i32
        scf.if %cond3A_380 {
          %add3A_506 = arith.constant 2 : i32
          %add3A_507 = arith.addi %add3A_369, %add3A_506 : i32
          %add3A_508 = arith.addi %add3A, %add3A_507 : i32
          %dma_start3A_509 = arith.constant 0 : i32
          %dma_start3A_510 = arith.constant 0 : i32
          %dma_start3A_511 = tpu.memref_slice %arg4[%add3A_508, %dma_start3A_509, %dma_start3A_510] : memref<2500x2x128xi32, #tpu.memory_space<hbm>> -> memref<1x2x128xi32, #tpu.memory_space<hbm>>
          %dma_start3A_512 = tpu.memref_squeeze %dma_start3A_511 : memref<1x2x128xi32, #tpu.memory_space<hbm>> -> memref<2x128xi32, #tpu.memory_space<hbm>>
          %dma_start3A_513 = arith.constant 0 : i32
          %dma_start3A_514 = arith.constant 0 : i32
          %dma_start3A_515 = tpu.memref_slice %arg4[%add3A_508, %dma_start3A_513, %dma_start3A_514] : memref<2500x2x128xi32, #tpu.memory_space<hbm>> -> memref<1x2x128xi32, #tpu.memory_space<hbm>>
          %dma_start3A_516 = tpu.memref_squeeze %dma_start3A_515 : memref<1x2x128xi32, #tpu.memory_space<hbm>> -> memref<2x128xi32, #tpu.memory_space<hbm>>
          tpu.enqueue_dma source(%dma_start3A_516 : memref<2x128xi32, #tpu.memory_space<hbm>>) target(%arg12 : memref<2x128xi32, #tpu.memory_space<vmem>>) target_semaphore(%arg19 : memref<!tpu.dma_semaphore, #tpu.memory_space<semaphore_mem>>)
        } else {
        }
        %add3A_381 = arith.constant 1 : i32
        %add3A_382 = arith.addi %add3A_369, %add3A_381 : i32
        %lt3A_383 = arith.cmpi slt, %add3A_382, %select_n3A : i32
        %convert_element_type3A_384 = arith.extui %lt3A_383 : i1 to i32
        %cond3A_385 = arith.constant 0 : i32
        %cond3A_386 = arith.cmpi ne, %convert_element_type3A_384, %cond3A_385 : i32
        scf.if %cond3A_386 {
          %dma_wait3A_506 = arith.constant 0 : i32
          %dma_wait3A_507 = arith.constant 0 : i32
          %dma_wait3A_508 = tpu.memref_slice %arg4[%add3A, %dma_wait3A_506, %dma_wait3A_507] : memref<2500x2x128xi32, #tpu.memory_space<hbm>> -> memref<1x2x128xi32, #tpu.memory_space<hbm>>
          %dma_wait3A_509 = tpu.memref_squeeze %dma_wait3A_508 : memref<1x2x128xi32, #tpu.memory_space<hbm>> -> memref<2x128xi32, #tpu.memory_space<hbm>>
          %dma_wait3A_510 = arith.constant 0 : i32
          %dma_wait3A_511 = arith.constant 0 : i32
          %dma_wait3A_512 = tpu.memref_slice %arg4[%add3A, %dma_wait3A_510, %dma_wait3A_511] : memref<2500x2x128xi32, #tpu.memory_space<hbm>> -> memref<1x2x128xi32, #tpu.memory_space<hbm>>
          %dma_wait3A_513 = tpu.memref_squeeze %dma_wait3A_512 : memref<1x2x128xi32, #tpu.memory_space<hbm>> -> memref<2x128xi32, #tpu.memory_space<hbm>>
          tpu.wait_dma2 semaphore(%arg18 : memref<!tpu.dma_semaphore, #tpu.memory_space<semaphore_mem>>) src(%dma_wait3A_513 : memref<2x128xi32, #tpu.memory_space<hbm>>) dst(%arg11 : memref<2x128xi32, #tpu.memory_space<vmem>>)
          %dma_start3A_514 = arith.constant 1 : i32
          %dma_start3A_515 = arith.constant 0 : i32
          %dma_start3A_516 = tpu.memref_slice %arg11[%dma_start3A_514, %dma_start3A_515] : memref<2x128xi32, #tpu.memory_space<vmem>> -> memref<1x128xi32, #tpu.memory_space<vmem>>
          %dma_start3A_517 = tpu.memref_squeeze %dma_start3A_516 : memref<1x128xi32, #tpu.memory_space<vmem>> -> memref<128xi32, #tpu.memory_space<vmem>>
          %dma_start3A_518 = arith.constant 0 : i32
          %dma_start3A_519 = arith.constant 0 : i32
          %dma_start3A_520 = tpu.memref_slice %arg2[%dma_start3A_518, %dma_start3A_519] : memref<10000x128xf32, #tpu.memory_space<hbm>> -> memref<10000x128xf32, #tpu.memory_space<hbm>>
          tpu.enqueue_indirect_dma source(%dma_start3A_520 : memref<10000x128xf32, #tpu.memory_space<hbm>>) target(%arg14 : memref<128x128xf32, #tpu.memory_space<vmem>>) offsets(%dma_start3A_517 : memref<128xi32, #tpu.memory_space<vmem>>) semaphore(%arg21 : memref<!tpu.dma_semaphore, #tpu.memory_space<semaphore_mem>>)
        } else {
        }
        %dma_wait3A_387 = arith.constant 1 : i32
        %dma_wait3A_388 = arith.constant 0 : i32
        %dma_wait3A_389 = tpu.memref_slice %arg10[%dma_wait3A_387, %dma_wait3A_388] : memref<2x128xi32, #tpu.memory_space<vmem>> -> memref<1x128xi32, #tpu.memory_space<vmem>>
        %dma_wait3A_390 = tpu.memref_squeeze %dma_wait3A_389 : memref<1x128xi32, #tpu.memory_space<vmem>> -> memref<128xi32, #tpu.memory_space<vmem>>
        %dma_wait3A_391 = arith.constant 0 : i32
        %dma_wait3A_392 = arith.constant 0 : i32
        %dma_wait3A_393 = tpu.memref_slice %arg2[%dma_wait3A_391, %dma_wait3A_392] : memref<10000x128xf32, #tpu.memory_space<hbm>> -> memref<10000x128xf32, #tpu.memory_space<hbm>>
        tpu.wait_indirect_dma semaphore(%arg23 : memref<!tpu.dma_semaphore, #tpu.memory_space<semaphore_mem>>) src(%dma_wait3A_393 : memref<10000x128xf32, #tpu.memory_space<hbm>>) dst(%arg16 : memref<128x128xf32, #tpu.memory_space<vmem>>)
        %dma_start3A_394 = arith.constant 0 : i32
        %dma_start3A_395 = arith.constant 0 : i32
        %dma_start3A_396 = tpu.memref_slice %arg10[%dma_start3A_394, %dma_start3A_395] : memref<2x128xi32, #tpu.memory_space<vmem>> -> memref<1x128xi32, #tpu.memory_space<vmem>>
        %dma_start3A_397 = tpu.memref_squeeze %dma_start3A_396 : memref<1x128xi32, #tpu.memory_space<vmem>> -> memref<128xi32, #tpu.memory_space<vmem>>
        %dma_start3A_398 = arith.constant 0 : i32
        %dma_start3A_399 = arith.constant 0 : i32
        %dma_start3A_400 = tpu.memref_slice %arg9[%dma_start3A_398, %dma_start3A_399] : memref<10000x128xf32, #tpu.memory_space<vmem_shared>> -> memref<10000x128xf32, #tpu.memory_space<vmem_shared>>
        tpu.enqueue_indirect_dma source(%arg16 : memref<128x128xf32, #tpu.memory_space<vmem>>) target(%dma_start3A_400 : memref<10000x128xf32, #tpu.memory_space<vmem_shared>>) offsets(%dma_start3A_397 : memref<128xi32, #tpu.memory_space<vmem>>) semaphore(%arg26 : memref<!tpu.dma_semaphore, #tpu.memory_space<semaphore_mem>>) {add = true}
        %mul3A_401 = arith.constant 12 : i32
        %mul3A_402 = arith.muli %scan3A_86, %mul3A_401 : i32
        %add3A_403 = arith.constant 9 : i32
        %add3A_404 = arith.addi %mul3A_402, %add3A_403 : i32
        %ge3A_405 = arith.constant 2 : i32
        %ge3A_406 = arith.cmpi sge, %add3A_404, %ge3A_405 : i32
        %convert_element_type3A_407 = arith.extui %ge3A_406 : i1 to i32
        %cond3A_408 = arith.constant 0 : i32
        %cond3A_409 = arith.cmpi ne, %convert_element_type3A_407, %cond3A_408 : i32
        scf.if %cond3A_409 {
          %dma_wait3A_506 = arith.constant 0 : i32
          %dma_wait3A_507 = arith.constant 0 : i32
          %dma_wait3A_508 = tpu.memref_slice %arg13[%dma_wait3A_506, %dma_wait3A_507] : memref<2x128xi32, #tpu.memory_space<vmem>> -> memref<1x128xi32, #tpu.memory_space<vmem>>
          %dma_wait3A_509 = tpu.memref_squeeze %dma_wait3A_508 : memref<1x128xi32, #tpu.memory_space<vmem>> -> memref<128xi32, #tpu.memory_space<vmem>>
          %dma_wait3A_510 = arith.constant 0 : i32
          %dma_wait3A_511 = arith.constant 0 : i32
          %dma_wait3A_512 = tpu.memref_slice %arg9[%dma_wait3A_510, %dma_wait3A_511] : memref<10000x128xf32, #tpu.memory_space<vmem_shared>> -> memref<10000x128xf32, #tpu.memory_space<vmem_shared>>
          tpu.wait_indirect_dma semaphore(%arg25 : memref<!tpu.dma_semaphore, #tpu.memory_space<semaphore_mem>>) src(%arg15 : memref<128x128xf32, #tpu.memory_space<vmem>>) dst(%dma_wait3A_512 : memref<10000x128xf32, #tpu.memory_space<vmem_shared>>)
        } else {
        }
        %add3A_410 = arith.constant 2 : i32
        %add3A_411 = arith.addi %add3A_404, %add3A_410 : i32
        %lt3A_412 = arith.cmpi slt, %add3A_411, %select_n3A : i32
        %convert_element_type3A_413 = arith.extui %lt3A_412 : i1 to i32
        %cond3A_414 = arith.constant 0 : i32
        %cond3A_415 = arith.cmpi ne, %convert_element_type3A_413, %cond3A_414 : i32
        scf.if %cond3A_415 {
          %add3A_506 = arith.constant 2 : i32
          %add3A_507 = arith.addi %add3A_404, %add3A_506 : i32
          %add3A_508 = arith.addi %add3A, %add3A_507 : i32
          %dma_start3A_509 = arith.constant 0 : i32
          %dma_start3A_510 = arith.constant 0 : i32
          %dma_start3A_511 = tpu.memref_slice %arg4[%add3A_508, %dma_start3A_509, %dma_start3A_510] : memref<2500x2x128xi32, #tpu.memory_space<hbm>> -> memref<1x2x128xi32, #tpu.memory_space<hbm>>
          %dma_start3A_512 = tpu.memref_squeeze %dma_start3A_511 : memref<1x2x128xi32, #tpu.memory_space<hbm>> -> memref<2x128xi32, #tpu.memory_space<hbm>>
          %dma_start3A_513 = arith.constant 0 : i32
          %dma_start3A_514 = arith.constant 0 : i32
          %dma_start3A_515 = tpu.memref_slice %arg4[%add3A_508, %dma_start3A_513, %dma_start3A_514] : memref<2500x2x128xi32, #tpu.memory_space<hbm>> -> memref<1x2x128xi32, #tpu.memory_space<hbm>>
          %dma_start3A_516 = tpu.memref_squeeze %dma_start3A_515 : memref<1x2x128xi32, #tpu.memory_space<hbm>> -> memref<2x128xi32, #tpu.memory_space<hbm>>
          tpu.enqueue_dma source(%dma_start3A_516 : memref<2x128xi32, #tpu.memory_space<hbm>>) target(%arg13 : memref<2x128xi32, #tpu.memory_space<vmem>>) target_semaphore(%arg20 : memref<!tpu.dma_semaphore, #tpu.memory_space<semaphore_mem>>)
        } else {
        }
        %add3A_416 = arith.constant 1 : i32
        %add3A_417 = arith.addi %add3A_404, %add3A_416 : i32
        %lt3A_418 = arith.cmpi slt, %add3A_417, %select_n3A : i32
        %convert_element_type3A_419 = arith.extui %lt3A_418 : i1 to i32
        %cond3A_420 = arith.constant 0 : i32
        %cond3A_421 = arith.cmpi ne, %convert_element_type3A_419, %cond3A_420 : i32
        scf.if %cond3A_421 {
          %dma_wait3A_506 = arith.constant 0 : i32
          %dma_wait3A_507 = arith.constant 0 : i32
          %dma_wait3A_508 = tpu.memref_slice %arg4[%add3A, %dma_wait3A_506, %dma_wait3A_507] : memref<2500x2x128xi32, #tpu.memory_space<hbm>> -> memref<1x2x128xi32, #tpu.memory_space<hbm>>
          %dma_wait3A_509 = tpu.memref_squeeze %dma_wait3A_508 : memref<1x2x128xi32, #tpu.memory_space<hbm>> -> memref<2x128xi32, #tpu.memory_space<hbm>>
          %dma_wait3A_510 = arith.constant 0 : i32
          %dma_wait3A_511 = arith.constant 0 : i32
          %dma_wait3A_512 = tpu.memref_slice %arg4[%add3A, %dma_wait3A_510, %dma_wait3A_511] : memref<2500x2x128xi32, #tpu.memory_space<hbm>> -> memref<1x2x128xi32, #tpu.memory_space<hbm>>
          %dma_wait3A_513 = tpu.memref_squeeze %dma_wait3A_512 : memref<1x2x128xi32, #tpu.memory_space<hbm>> -> memref<2x128xi32, #tpu.memory_space<hbm>>
          tpu.wait_dma2 semaphore(%arg19 : memref<!tpu.dma_semaphore, #tpu.memory_space<semaphore_mem>>) src(%dma_wait3A_513 : memref<2x128xi32, #tpu.memory_space<hbm>>) dst(%arg12 : memref<2x128xi32, #tpu.memory_space<vmem>>)
          %dma_start3A_514 = arith.constant 1 : i32
          %dma_start3A_515 = arith.constant 0 : i32
          %dma_start3A_516 = tpu.memref_slice %arg12[%dma_start3A_514, %dma_start3A_515] : memref<2x128xi32, #tpu.memory_space<vmem>> -> memref<1x128xi32, #tpu.memory_space<vmem>>
          %dma_start3A_517 = tpu.memref_squeeze %dma_start3A_516 : memref<1x128xi32, #tpu.memory_space<vmem>> -> memref<128xi32, #tpu.memory_space<vmem>>
          %dma_start3A_518 = arith.constant 0 : i32
          %dma_start3A_519 = arith.constant 0 : i32
          %dma_start3A_520 = tpu.memref_slice %arg2[%dma_start3A_518, %dma_start3A_519] : memref<10000x128xf32, #tpu.memory_space<hbm>> -> memref<10000x128xf32, #tpu.memory_space<hbm>>
          tpu.enqueue_indirect_dma source(%dma_start3A_520 : memref<10000x128xf32, #tpu.memory_space<hbm>>) target(%arg15 : memref<128x128xf32, #tpu.memory_space<vmem>>) offsets(%dma_start3A_517 : memref<128xi32, #tpu.memory_space<vmem>>) semaphore(%arg22 : memref<!tpu.dma_semaphore, #tpu.memory_space<semaphore_mem>>)
        } else {
        }
        %dma_wait3A_422 = arith.constant 1 : i32
        %dma_wait3A_423 = arith.constant 0 : i32
        %dma_wait3A_424 = tpu.memref_slice %arg11[%dma_wait3A_422, %dma_wait3A_423] : memref<2x128xi32, #tpu.memory_space<vmem>> -> memref<1x128xi32, #tpu.memory_space<vmem>>
        %dma_wait3A_425 = tpu.memref_squeeze %dma_wait3A_424 : memref<1x128xi32, #tpu.memory_space<vmem>> -> memref<128xi32, #tpu.memory_space<vmem>>
        %dma_wait3A_426 = arith.constant 0 : i32
        %dma_wait3A_427 = arith.constant 0 : i32
        %dma_wait3A_428 = tpu.memref_slice %arg2[%dma_wait3A_426, %dma_wait3A_427] : memref<10000x128xf32, #tpu.memory_space<hbm>> -> memref<10000x128xf32, #tpu.memory_space<hbm>>
        tpu.wait_indirect_dma semaphore(%arg21 : memref<!tpu.dma_semaphore, #tpu.memory_space<semaphore_mem>>) src(%dma_wait3A_428 : memref<10000x128xf32, #tpu.memory_space<hbm>>) dst(%arg14 : memref<128x128xf32, #tpu.memory_space<vmem>>)
        %dma_start3A_429 = arith.constant 0 : i32
        %dma_start3A_430 = arith.constant 0 : i32
        %dma_start3A_431 = tpu.memref_slice %arg11[%dma_start3A_429, %dma_start3A_430] : memref<2x128xi32, #tpu.memory_space<vmem>> -> memref<1x128xi32, #tpu.memory_space<vmem>>
        %dma_start3A_432 = tpu.memref_squeeze %dma_start3A_431 : memref<1x128xi32, #tpu.memory_space<vmem>> -> memref<128xi32, #tpu.memory_space<vmem>>
        %dma_start3A_433 = arith.constant 0 : i32
        %dma_start3A_434 = arith.constant 0 : i32
        %dma_start3A_435 = tpu.memref_slice %arg9[%dma_start3A_433, %dma_start3A_434] : memref<10000x128xf32, #tpu.memory_space<vmem_shared>> -> memref<10000x128xf32, #tpu.memory_space<vmem_shared>>
        tpu.enqueue_indirect_dma source(%arg14 : memref<128x128xf32, #tpu.memory_space<vmem>>) target(%dma_start3A_435 : memref<10000x128xf32, #tpu.memory_space<vmem_shared>>) offsets(%dma_start3A_432 : memref<128xi32, #tpu.memory_space<vmem>>) semaphore(%arg24 : memref<!tpu.dma_semaphore, #tpu.memory_space<semaphore_mem>>) {add = true}
        %mul3A_436 = arith.constant 12 : i32
        %mul3A_437 = arith.muli %scan3A_86, %mul3A_436 : i32
        %add3A_438 = arith.constant 10 : i32
        %add3A_439 = arith.addi %mul3A_437, %add3A_438 : i32
        %ge3A_440 = arith.constant 2 : i32
        %ge3A_441 = arith.cmpi sge, %add3A_439, %ge3A_440 : i32
        %convert_element_type3A_442 = arith.extui %ge3A_441 : i1 to i32
        %cond3A_443 = arith.constant 0 : i32
        %cond3A_444 = arith.cmpi ne, %convert_element_type3A_442, %cond3A_443 : i32
        scf.if %cond3A_444 {
          %dma_wait3A_506 = arith.constant 0 : i32
          %dma_wait3A_507 = arith.constant 0 : i32
          %dma_wait3A_508 = tpu.memref_slice %arg10[%dma_wait3A_506, %dma_wait3A_507] : memref<2x128xi32, #tpu.memory_space<vmem>> -> memref<1x128xi32, #tpu.memory_space<vmem>>
          %dma_wait3A_509 = tpu.memref_squeeze %dma_wait3A_508 : memref<1x128xi32, #tpu.memory_space<vmem>> -> memref<128xi32, #tpu.memory_space<vmem>>
          %dma_wait3A_510 = arith.constant 0 : i32
          %dma_wait3A_511 = arith.constant 0 : i32
          %dma_wait3A_512 = tpu.memref_slice %arg9[%dma_wait3A_510, %dma_wait3A_511] : memref<10000x128xf32, #tpu.memory_space<vmem_shared>> -> memref<10000x128xf32, #tpu.memory_space<vmem_shared>>
          tpu.wait_indirect_dma semaphore(%arg26 : memref<!tpu.dma_semaphore, #tpu.memory_space<semaphore_mem>>) src(%arg16 : memref<128x128xf32, #tpu.memory_space<vmem>>) dst(%dma_wait3A_512 : memref<10000x128xf32, #tpu.memory_space<vmem_shared>>)
        } else {
        }
        %add3A_445 = arith.constant 2 : i32
        %add3A_446 = arith.addi %add3A_439, %add3A_445 : i32
        %lt3A_447 = arith.cmpi slt, %add3A_446, %select_n3A : i32
        %convert_element_type3A_448 = arith.extui %lt3A_447 : i1 to i32
        %cond3A_449 = arith.constant 0 : i32
        %cond3A_450 = arith.cmpi ne, %convert_element_type3A_448, %cond3A_449 : i32
        scf.if %cond3A_450 {
          %add3A_506 = arith.constant 2 : i32
          %add3A_507 = arith.addi %add3A_439, %add3A_506 : i32
          %add3A_508 = arith.addi %add3A, %add3A_507 : i32
          %dma_start3A_509 = arith.constant 0 : i32
          %dma_start3A_510 = arith.constant 0 : i32
          %dma_start3A_511 = tpu.memref_slice %arg4[%add3A_508, %dma_start3A_509, %dma_start3A_510] : memref<2500x2x128xi32, #tpu.memory_space<hbm>> -> memref<1x2x128xi32, #tpu.memory_space<hbm>>
          %dma_start3A_512 = tpu.memref_squeeze %dma_start3A_511 : memref<1x2x128xi32, #tpu.memory_space<hbm>> -> memref<2x128xi32, #tpu.memory_space<hbm>>
          %dma_start3A_513 = arith.constant 0 : i32
          %dma_start3A_514 = arith.constant 0 : i32
          %dma_start3A_515 = tpu.memref_slice %arg4[%add3A_508, %dma_start3A_513, %dma_start3A_514] : memref<2500x2x128xi32, #tpu.memory_space<hbm>> -> memref<1x2x128xi32, #tpu.memory_space<hbm>>
          %dma_start3A_516 = tpu.memref_squeeze %dma_start3A_515 : memref<1x2x128xi32, #tpu.memory_space<hbm>> -> memref<2x128xi32, #tpu.memory_space<hbm>>
          tpu.enqueue_dma source(%dma_start3A_516 : memref<2x128xi32, #tpu.memory_space<hbm>>) target(%arg10 : memref<2x128xi32, #tpu.memory_space<vmem>>) target_semaphore(%arg17 : memref<!tpu.dma_semaphore, #tpu.memory_space<semaphore_mem>>)
        } else {
        }
        %add3A_451 = arith.constant 1 : i32
        %add3A_452 = arith.addi %add3A_439, %add3A_451 : i32
        %lt3A_453 = arith.cmpi slt, %add3A_452, %select_n3A : i32
        %convert_element_type3A_454 = arith.extui %lt3A_453 : i1 to i32
        %cond3A_455 = arith.constant 0 : i32
        %cond3A_456 = arith.cmpi ne, %convert_element_type3A_454, %cond3A_455 : i32
        scf.if %cond3A_456 {
          %dma_wait3A_506 = arith.constant 0 : i32
          %dma_wait3A_507 = arith.constant 0 : i32
          %dma_wait3A_508 = tpu.memref_slice %arg4[%add3A, %dma_wait3A_506, %dma_wait3A_507] : memref<2500x2x128xi32, #tpu.memory_space<hbm>> -> memref<1x2x128xi32, #tpu.memory_space<hbm>>
          %dma_wait3A_509 = tpu.memref_squeeze %dma_wait3A_508 : memref<1x2x128xi32, #tpu.memory_space<hbm>> -> memref<2x128xi32, #tpu.memory_space<hbm>>
          %dma_wait3A_510 = arith.constant 0 : i32
          %dma_wait3A_511 = arith.constant 0 : i32
          %dma_wait3A_512 = tpu.memref_slice %arg4[%add3A, %dma_wait3A_510, %dma_wait3A_511] : memref<2500x2x128xi32, #tpu.memory_space<hbm>> -> memref<1x2x128xi32, #tpu.memory_space<hbm>>
          %dma_wait3A_513 = tpu.memref_squeeze %dma_wait3A_512 : memref<1x2x128xi32, #tpu.memory_space<hbm>> -> memref<2x128xi32, #tpu.memory_space<hbm>>
          tpu.wait_dma2 semaphore(%arg20 : memref<!tpu.dma_semaphore, #tpu.memory_space<semaphore_mem>>) src(%dma_wait3A_513 : memref<2x128xi32, #tpu.memory_space<hbm>>) dst(%arg13 : memref<2x128xi32, #tpu.memory_space<vmem>>)
          %dma_start3A_514 = arith.constant 1 : i32
          %dma_start3A_515 = arith.constant 0 : i32
          %dma_start3A_516 = tpu.memref_slice %arg13[%dma_start3A_514, %dma_start3A_515] : memref<2x128xi32, #tpu.memory_space<vmem>> -> memref<1x128xi32, #tpu.memory_space<vmem>>
          %dma_start3A_517 = tpu.memref_squeeze %dma_start3A_516 : memref<1x128xi32, #tpu.memory_space<vmem>> -> memref<128xi32, #tpu.memory_space<vmem>>
          %dma_start3A_518 = arith.constant 0 : i32
          %dma_start3A_519 = arith.constant 0 : i32
          %dma_start3A_520 = tpu.memref_slice %arg2[%dma_start3A_518, %dma_start3A_519] : memref<10000x128xf32, #tpu.memory_space<hbm>> -> memref<10000x128xf32, #tpu.memory_space<hbm>>
          tpu.enqueue_indirect_dma source(%dma_start3A_520 : memref<10000x128xf32, #tpu.memory_space<hbm>>) target(%arg16 : memref<128x128xf32, #tpu.memory_space<vmem>>) offsets(%dma_start3A_517 : memref<128xi32, #tpu.memory_space<vmem>>) semaphore(%arg23 : memref<!tpu.dma_semaphore, #tpu.memory_space<semaphore_mem>>)
        } else {
        }
        %dma_wait3A_457 = arith.constant 1 : i32
        %dma_wait3A_458 = arith.constant 0 : i32
        %dma_wait3A_459 = tpu.memref_slice %arg12[%dma_wait3A_457, %dma_wait3A_458] : memref<2x128xi32, #tpu.memory_space<vmem>> -> memref<1x128xi32, #tpu.memory_space<vmem>>
        %dma_wait3A_460 = tpu.memref_squeeze %dma_wait3A_459 : memref<1x128xi32, #tpu.memory_space<vmem>> -> memref<128xi32, #tpu.memory_space<vmem>>
        %dma_wait3A_461 = arith.constant 0 : i32
        %dma_wait3A_462 = arith.constant 0 : i32
        %dma_wait3A_463 = tpu.memref_slice %arg2[%dma_wait3A_461, %dma_wait3A_462] : memref<10000x128xf32, #tpu.memory_space<hbm>> -> memref<10000x128xf32, #tpu.memory_space<hbm>>
        tpu.wait_indirect_dma semaphore(%arg22 : memref<!tpu.dma_semaphore, #tpu.memory_space<semaphore_mem>>) src(%dma_wait3A_463 : memref<10000x128xf32, #tpu.memory_space<hbm>>) dst(%arg15 : memref<128x128xf32, #tpu.memory_space<vmem>>)
        %dma_start3A_464 = arith.constant 0 : i32
        %dma_start3A_465 = arith.constant 0 : i32
        %dma_start3A_466 = tpu.memref_slice %arg12[%dma_start3A_464, %dma_start3A_465] : memref<2x128xi32, #tpu.memory_space<vmem>> -> memref<1x128xi32, #tpu.memory_space<vmem>>
        %dma_start3A_467 = tpu.memref_squeeze %dma_start3A_466 : memref<1x128xi32, #tpu.memory_space<vmem>> -> memref<128xi32, #tpu.memory_space<vmem>>
        %dma_start3A_468 = arith.constant 0 : i32
        %dma_start3A_469 = arith.constant 0 : i32
        %dma_start3A_470 = tpu.memref_slice %arg9[%dma_start3A_468, %dma_start3A_469] : memref<10000x128xf32, #tpu.memory_space<vmem_shared>> -> memref<10000x128xf32, #tpu.memory_space<vmem_shared>>
        tpu.enqueue_indirect_dma source(%arg15 : memref<128x128xf32, #tpu.memory_space<vmem>>) target(%dma_start3A_470 : memref<10000x128xf32, #tpu.memory_space<vmem_shared>>) offsets(%dma_start3A_467 : memref<128xi32, #tpu.memory_space<vmem>>) semaphore(%arg25 : memref<!tpu.dma_semaphore, #tpu.memory_space<semaphore_mem>>) {add = true}
        %mul3A_471 = arith.constant 12 : i32
        %mul3A_472 = arith.muli %scan3A_86, %mul3A_471 : i32
        %add3A_473 = arith.constant 11 : i32
        %add3A_474 = arith.addi %mul3A_472, %add3A_473 : i32
        %ge3A_475 = arith.constant 2 : i32
        %ge3A_476 = arith.cmpi sge, %add3A_474, %ge3A_475 : i32
        %convert_element_type3A_477 = arith.extui %ge3A_476 : i1 to i32
        %cond3A_478 = arith.constant 0 : i32
        %cond3A_479 = arith.cmpi ne, %convert_element_type3A_477, %cond3A_478 : i32
        scf.if %cond3A_479 {
          %dma_wait3A_506 = arith.constant 0 : i32
          %dma_wait3A_507 = arith.constant 0 : i32
          %dma_wait3A_508 = tpu.memref_slice %arg11[%dma_wait3A_506, %dma_wait3A_507] : memref<2x128xi32, #tpu.memory_space<vmem>> -> memref<1x128xi32, #tpu.memory_space<vmem>>
          %dma_wait3A_509 = tpu.memref_squeeze %dma_wait3A_508 : memref<1x128xi32, #tpu.memory_space<vmem>> -> memref<128xi32, #tpu.memory_space<vmem>>
          %dma_wait3A_510 = arith.constant 0 : i32
          %dma_wait3A_511 = arith.constant 0 : i32
          %dma_wait3A_512 = tpu.memref_slice %arg9[%dma_wait3A_510, %dma_wait3A_511] : memref<10000x128xf32, #tpu.memory_space<vmem_shared>> -> memref<10000x128xf32, #tpu.memory_space<vmem_shared>>
          tpu.wait_indirect_dma semaphore(%arg24 : memref<!tpu.dma_semaphore, #tpu.memory_space<semaphore_mem>>) src(%arg14 : memref<128x128xf32, #tpu.memory_space<vmem>>) dst(%dma_wait3A_512 : memref<10000x128xf32, #tpu.memory_space<vmem_shared>>)
        } else {
        }
        %add3A_480 = arith.constant 2 : i32
        %add3A_481 = arith.addi %add3A_474, %add3A_480 : i32
        %lt3A_482 = arith.cmpi slt, %add3A_481, %select_n3A : i32
        %convert_element_type3A_483 = arith.extui %lt3A_482 : i1 to i32
        %cond3A_484 = arith.constant 0 : i32
        %cond3A_485 = arith.cmpi ne, %convert_element_type3A_483, %cond3A_484 : i32
        scf.if %cond3A_485 {
          %add3A_506 = arith.constant 2 : i32
          %add3A_507 = arith.addi %add3A_474, %add3A_506 : i32
          %add3A_508 = arith.addi %add3A, %add3A_507 : i32
          %dma_start3A_509 = arith.constant 0 : i32
          %dma_start3A_510 = arith.constant 0 : i32
          %dma_start3A_511 = tpu.memref_slice %arg4[%add3A_508, %dma_start3A_509, %dma_start3A_510] : memref<2500x2x128xi32, #tpu.memory_space<hbm>> -> memref<1x2x128xi32, #tpu.memory_space<hbm>>
          %dma_start3A_512 = tpu.memref_squeeze %dma_start3A_511 : memref<1x2x128xi32, #tpu.memory_space<hbm>> -> memref<2x128xi32, #tpu.memory_space<hbm>>
          %dma_start3A_513 = arith.constant 0 : i32
          %dma_start3A_514 = arith.constant 0 : i32
          %dma_start3A_515 = tpu.memref_slice %arg4[%add3A_508, %dma_start3A_513, %dma_start3A_514] : memref<2500x2x128xi32, #tpu.memory_space<hbm>> -> memref<1x2x128xi32, #tpu.memory_space<hbm>>
          %dma_start3A_516 = tpu.memref_squeeze %dma_start3A_515 : memref<1x2x128xi32, #tpu.memory_space<hbm>> -> memref<2x128xi32, #tpu.memory_space<hbm>>
          tpu.enqueue_dma source(%dma_start3A_516 : memref<2x128xi32, #tpu.memory_space<hbm>>) target(%arg11 : memref<2x128xi32, #tpu.memory_space<vmem>>) target_semaphore(%arg18 : memref<!tpu.dma_semaphore, #tpu.memory_space<semaphore_mem>>)
        } else {
        }
        %add3A_486 = arith.constant 1 : i32
        %add3A_487 = arith.addi %add3A_474, %add3A_486 : i32
        %lt3A_488 = arith.cmpi slt, %add3A_487, %select_n3A : i32
        %convert_element_type3A_489 = arith.extui %lt3A_488 : i1 to i32
        %cond3A_490 = arith.constant 0 : i32
        %cond3A_491 = arith.cmpi ne, %convert_element_type3A_489, %cond3A_490 : i32
        scf.if %cond3A_491 {
          %dma_wait3A_506 = arith.constant 0 : i32
          %dma_wait3A_507 = arith.constant 0 : i32
          %dma_wait3A_508 = tpu.memref_slice %arg4[%add3A, %dma_wait3A_506, %dma_wait3A_507] : memref<2500x2x128xi32, #tpu.memory_space<hbm>> -> memref<1x2x128xi32, #tpu.memory_space<hbm>>
          %dma_wait3A_509 = tpu.memref_squeeze %dma_wait3A_508 : memref<1x2x128xi32, #tpu.memory_space<hbm>> -> memref<2x128xi32, #tpu.memory_space<hbm>>
          %dma_wait3A_510 = arith.constant 0 : i32
          %dma_wait3A_511 = arith.constant 0 : i32
          %dma_wait3A_512 = tpu.memref_slice %arg4[%add3A, %dma_wait3A_510, %dma_wait3A_511] : memref<2500x2x128xi32, #tpu.memory_space<hbm>> -> memref<1x2x128xi32, #tpu.memory_space<hbm>>
          %dma_wait3A_513 = tpu.memref_squeeze %dma_wait3A_512 : memref<1x2x128xi32, #tpu.memory_space<hbm>> -> memref<2x128xi32, #tpu.memory_space<hbm>>
          tpu.wait_dma2 semaphore(%arg17 : memref<!tpu.dma_semaphore, #tpu.memory_space<semaphore_mem>>) src(%dma_wait3A_513 : memref<2x128xi32, #tpu.memory_space<hbm>>) dst(%arg10 : memref<2x128xi32, #tpu.memory_space<vmem>>)
          %dma_start3A_514 = arith.constant 1 : i32
          %dma_start3A_515 = arith.constant 0 : i32
          %dma_start3A_516 = tpu.memref_slice %arg10[%dma_start3A_514, %dma_start3A_515] : memref<2x128xi32, #tpu.memory_space<vmem>> -> memref<1x128xi32, #tpu.memory_space<vmem>>
          %dma_start3A_517 = tpu.memref_squeeze %dma_start3A_516 : memref<1x128xi32, #tpu.memory_space<vmem>> -> memref<128xi32, #tpu.memory_space<vmem>>
          %dma_start3A_518 = arith.constant 0 : i32
          %dma_start3A_519 = arith.constant 0 : i32
          %dma_start3A_520 = tpu.memref_slice %arg2[%dma_start3A_518, %dma_start3A_519] : memref<10000x128xf32, #tpu.memory_space<hbm>> -> memref<10000x128xf32, #tpu.memory_space<hbm>>
          tpu.enqueue_indirect_dma source(%dma_start3A_520 : memref<10000x128xf32, #tpu.memory_space<hbm>>) target(%arg14 : memref<128x128xf32, #tpu.memory_space<vmem>>) offsets(%dma_start3A_517 : memref<128xi32, #tpu.memory_space<vmem>>) semaphore(%arg21 : memref<!tpu.dma_semaphore, #tpu.memory_space<semaphore_mem>>)
        } else {
        }
        %dma_wait3A_492 = arith.constant 1 : i32
        %dma_wait3A_493 = arith.constant 0 : i32
        %dma_wait3A_494 = tpu.memref_slice %arg13[%dma_wait3A_492, %dma_wait3A_493] : memref<2x128xi32, #tpu.memory_space<vmem>> -> memref<1x128xi32, #tpu.memory_space<vmem>>
        %dma_wait3A_495 = tpu.memref_squeeze %dma_wait3A_494 : memref<1x128xi32, #tpu.memory_space<vmem>> -> memref<128xi32, #tpu.memory_space<vmem>>
        %dma_wait3A_496 = arith.constant 0 : i32
        %dma_wait3A_497 = arith.constant 0 : i32
        %dma_wait3A_498 = tpu.memref_slice %arg2[%dma_wait3A_496, %dma_wait3A_497] : memref<10000x128xf32, #tpu.memory_space<hbm>> -> memref<10000x128xf32, #tpu.memory_space<hbm>>
        tpu.wait_indirect_dma semaphore(%arg23 : memref<!tpu.dma_semaphore, #tpu.memory_space<semaphore_mem>>) src(%dma_wait3A_498 : memref<10000x128xf32, #tpu.memory_space<hbm>>) dst(%arg16 : memref<128x128xf32, #tpu.memory_space<vmem>>)
        %dma_start3A_499 = arith.constant 0 : i32
        %dma_start3A_500 = arith.constant 0 : i32
        %dma_start3A_501 = tpu.memref_slice %arg13[%dma_start3A_499, %dma_start3A_500] : memref<2x128xi32, #tpu.memory_space<vmem>> -> memref<1x128xi32, #tpu.memory_space<vmem>>
        %dma_start3A_502 = tpu.memref_squeeze %dma_start3A_501 : memref<1x128xi32, #tpu.memory_space<vmem>> -> memref<128xi32, #tpu.memory_space<vmem>>
        %dma_start3A_503 = arith.constant 0 : i32
        %dma_start3A_504 = arith.constant 0 : i32
        %dma_start3A_505 = tpu.memref_slice %arg9[%dma_start3A_503, %dma_start3A_504] : memref<10000x128xf32, #tpu.memory_space<vmem_shared>> -> memref<10000x128xf32, #tpu.memory_space<vmem_shared>>
        tpu.enqueue_indirect_dma source(%arg16 : memref<128x128xf32, #tpu.memory_space<vmem>>) target(%dma_start3A_505 : memref<10000x128xf32, #tpu.memory_space<vmem_shared>>) offsets(%dma_start3A_502 : memref<128xi32, #tpu.memory_space<vmem>>) semaphore(%arg26 : memref<!tpu.dma_semaphore, #tpu.memory_space<semaphore_mem>>) {add = true}
      }
      %scan3A_55 = arith.constant 13 : i32
      %lt3A_56 = arith.constant 4 : i32
      %lt3A_57 = arith.cmpi slt, %arg1, %lt3A_56 : i32
      %convert_element_type3A_58 = arith.extui %lt3A_57 : i1 to i32
      %cond3A_59 = arith.constant 0 : i32
      %cond3A_60 = arith.cmpi ne, %convert_element_type3A_58, %cond3A_59 : i32
      scf.if %cond3A_60 {
        %dma_wait3A_86 = arith.constant 1 : i32
        %dma_wait3A_87 = arith.constant 0 : i32
        %dma_wait3A_88 = tpu.memref_slice %arg10[%dma_wait3A_86, %dma_wait3A_87] : memref<2x128xi32, #tpu.memory_space<vmem>> -> memref<1x128xi32, #tpu.memory_space<vmem>>
        %dma_wait3A_89 = tpu.memref_squeeze %dma_wait3A_88 : memref<1x128xi32, #tpu.memory_space<vmem>> -> memref<128xi32, #tpu.memory_space<vmem>>
        %dma_wait3A_90 = arith.constant 0 : i32
        %dma_wait3A_91 = arith.constant 0 : i32
        %dma_wait3A_92 = tpu.memref_slice %arg2[%dma_wait3A_90, %dma_wait3A_91] : memref<10000x128xf32, #tpu.memory_space<hbm>> -> memref<10000x128xf32, #tpu.memory_space<hbm>>
        tpu.wait_indirect_dma semaphore(%arg21 : memref<!tpu.dma_semaphore, #tpu.memory_space<semaphore_mem>>) src(%dma_wait3A_92 : memref<10000x128xf32, #tpu.memory_space<hbm>>) dst(%arg14 : memref<128x128xf32, #tpu.memory_space<vmem>>)
        %dma_start3A_93 = arith.constant 0 : i32
        %dma_start3A_94 = arith.constant 0 : i32
        %dma_start3A_95 = tpu.memref_slice %arg10[%dma_start3A_93, %dma_start3A_94] : memref<2x128xi32, #tpu.memory_space<vmem>> -> memref<1x128xi32, #tpu.memory_space<vmem>>
        %dma_start3A_96 = tpu.memref_squeeze %dma_start3A_95 : memref<1x128xi32, #tpu.memory_space<vmem>> -> memref<128xi32, #tpu.memory_space<vmem>>
        %dma_start3A_97 = arith.constant 0 : i32
        %dma_start3A_98 = arith.constant 0 : i32
        %dma_start3A_99 = tpu.memref_slice %arg9[%dma_start3A_97, %dma_start3A_98] : memref<10000x128xf32, #tpu.memory_space<vmem_shared>> -> memref<10000x128xf32, #tpu.memory_space<vmem_shared>>
        tpu.enqueue_indirect_dma source(%arg14 : memref<128x128xf32, #tpu.memory_space<vmem>>) target(%dma_start3A_99 : memref<10000x128xf32, #tpu.memory_space<vmem_shared>>) offsets(%dma_start3A_96 : memref<128xi32, #tpu.memory_space<vmem>>) semaphore(%arg24 : memref<!tpu.dma_semaphore, #tpu.memory_space<semaphore_mem>>) {add = true}
      } else {
      }
      %dma_wait3A_61 = arith.constant 0 : i32
      %dma_wait3A_62 = arith.constant 0 : i32
      %dma_wait3A_63 = tpu.memref_slice %arg12[%dma_wait3A_61, %dma_wait3A_62] : memref<2x128xi32, #tpu.memory_space<vmem>> -> memref<1x128xi32, #tpu.memory_space<vmem>>
      %dma_wait3A_64 = tpu.memref_squeeze %dma_wait3A_63 : memref<1x128xi32, #tpu.memory_space<vmem>> -> memref<128xi32, #tpu.memory_space<vmem>>
      %dma_wait3A_65 = arith.constant 0 : i32
      %dma_wait3A_66 = arith.constant 0 : i32
      %dma_wait3A_67 = tpu.memref_slice %arg9[%dma_wait3A_65, %dma_wait3A_66] : memref<10000x128xf32, #tpu.memory_space<vmem_shared>> -> memref<10000x128xf32, #tpu.memory_space<vmem_shared>>
      tpu.wait_indirect_dma semaphore(%arg25 : memref<!tpu.dma_semaphore, #tpu.memory_space<semaphore_mem>>) src(%arg15 : memref<128x128xf32, #tpu.memory_space<vmem>>) dst(%dma_wait3A_67 : memref<10000x128xf32, #tpu.memory_space<vmem_shared>>)
      %dma_wait3A_68 = arith.constant 0 : i32
      %dma_wait3A_69 = arith.constant 0 : i32
      %dma_wait3A_70 = tpu.memref_slice %arg13[%dma_wait3A_68, %dma_wait3A_69] : memref<2x128xi32, #tpu.memory_space<vmem>> -> memref<1x128xi32, #tpu.memory_space<vmem>>
      %dma_wait3A_71 = tpu.memref_squeeze %dma_wait3A_70 : memref<1x128xi32, #tpu.memory_space<vmem>> -> memref<128xi32, #tpu.memory_space<vmem>>
      %dma_wait3A_72 = arith.constant 0 : i32
      %dma_wait3A_73 = arith.constant 0 : i32
      %dma_wait3A_74 = tpu.memref_slice %arg9[%dma_wait3A_72, %dma_wait3A_73] : memref<10000x128xf32, #tpu.memory_space<vmem_shared>> -> memref<10000x128xf32, #tpu.memory_space<vmem_shared>>
      tpu.wait_indirect_dma semaphore(%arg26 : memref<!tpu.dma_semaphore, #tpu.memory_space<semaphore_mem>>) src(%arg16 : memref<128x128xf32, #tpu.memory_space<vmem>>) dst(%dma_wait3A_74 : memref<10000x128xf32, #tpu.memory_space<vmem_shared>>)
      %lt3A_75 = arith.constant 4 : i32
      %lt3A_76 = arith.cmpi slt, %arg1, %lt3A_75 : i32
      %convert_element_type3A_77 = arith.extui %lt3A_76 : i1 to i32
      %cond3A_78 = arith.constant 0 : i32
      %cond3A_79 = arith.cmpi ne, %convert_element_type3A_77, %cond3A_78 : i32
      scf.if %cond3A_79 {
        %dma_wait3A_86 = arith.constant 0 : i32
        %dma_wait3A_87 = arith.constant 0 : i32
        %dma_wait3A_88 = tpu.memref_slice %arg10[%dma_wait3A_86, %dma_wait3A_87] : memref<2x128xi32, #tpu.memory_space<vmem>> -> memref<1x128xi32, #tpu.memory_space<vmem>>
        %dma_wait3A_89 = tpu.memref_squeeze %dma_wait3A_88 : memref<1x128xi32, #tpu.memory_space<vmem>> -> memref<128xi32, #tpu.memory_space<vmem>>
        %dma_wait3A_90 = arith.constant 0 : i32
        %dma_wait3A_91 = arith.constant 0 : i32
        %dma_wait3A_92 = tpu.memref_slice %arg9[%dma_wait3A_90, %dma_wait3A_91] : memref<10000x128xf32, #tpu.memory_space<vmem_shared>> -> memref<10000x128xf32, #tpu.memory_space<vmem_shared>>
        tpu.wait_indirect_dma semaphore(%arg24 : memref<!tpu.dma_semaphore, #tpu.memory_space<semaphore_mem>>) src(%arg14 : memref<128x128xf32, #tpu.memory_space<vmem>>) dst(%dma_wait3A_92 : memref<10000x128xf32, #tpu.memory_space<vmem_shared>>)
      } else {
      }
      %barrier3A_80 = arith.constant 0 : index
      tpu.barrier barrier_id(%barrier3A_80)
      "tpu.region"() ({
        %run_scoped3A = tpu.sem_alloc : memref<!tpu.dma_semaphore, #tpu.memory_space<semaphore_mem>>
        %dma_start3A_86 = arith.constant 0 : i32
        %dma_start3A_87 = tpu.memref_slice %arg7[%mul3A_7, %dma_start3A_86] : memref<10000x128xf32, #tpu.memory_space<hbm>> -> memref<624x128xf32, #tpu.memory_space<hbm>>
        %dma_start3A_88 = arith.constant 0 : i32
        %dma_start3A_89 = tpu.memref_slice %arg9[%mul3A_7, %dma_start3A_88] : memref<10000x128xf32, #tpu.memory_space<vmem_shared>> -> memref<624x128xf32, #tpu.memory_space<vmem_shared>>
        tpu.enqueue_dma source(%dma_start3A_89 : memref<624x128xf32, #tpu.memory_space<vmem_shared>>) target(%dma_start3A_87 : memref<624x128xf32, #tpu.memory_space<hbm>>) target_semaphore(%run_scoped3A : memref<!tpu.dma_semaphore, #tpu.memory_space<semaphore_mem>>)
        %dma_wait3A_90 = arith.constant 0 : i32
        %dma_wait3A_91 = tpu.memref_slice %arg7[%mul3A_7, %dma_wait3A_90] : memref<10000x128xf32, #tpu.memory_space<hbm>> -> memref<624x128xf32, #tpu.memory_space<hbm>>
        %dma_wait3A_92 = arith.constant 0 : i32
        %dma_wait3A_93 = tpu.memref_slice %arg9[%mul3A_7, %dma_wait3A_92] : memref<10000x128xf32, #tpu.memory_space<vmem_shared>> -> memref<624x128xf32, #tpu.memory_space<vmem_shared>>
        tpu.wait_dma2 semaphore(%run_scoped3A : memref<!tpu.dma_semaphore, #tpu.memory_space<semaphore_mem>>) src(%dma_wait3A_93 : memref<624x128xf32, #tpu.memory_space<vmem_shared>>) dst(%dma_wait3A_91 : memref<624x128xf32, #tpu.memory_space<hbm>>)
        tpu.yield
      }) : () -> ()
      %eq3A_81 = arith.constant 15 : i32
      %eq3A_82 = arith.cmpi eq, %arg1, %eq3A_81 : i32
      %convert_element_type3A_83 = arith.extui %eq3A_82 : i1 to i32
      %cond3A_84 = arith.constant 0 : i32
      %cond3A_85 = arith.cmpi ne, %convert_element_type3A_83, %cond3A_84 : i32
      scf.if %cond3A_85 {
        "tpu.region"() ({
          %run_scoped3A = tpu.sem_alloc : memref<!tpu.dma_semaphore, #tpu.memory_space<semaphore_mem>>
          %dma_start3A_86 = arith.constant 9984 : i32
          %dma_start3A_87 = arith.constant 0 : i32
          %dma_start3A_88 = tpu.memref_slice %arg7[%dma_start3A_86, %dma_start3A_87] : memref<10000x128xf32, #tpu.memory_space<hbm>> -> memref<16x128xf32, #tpu.memory_space<hbm>>
          %dma_start3A_89 = arith.constant 9984 : i32
          %dma_start3A_90 = arith.constant 0 : i32
          %dma_start3A_91 = tpu.memref_slice %arg9[%dma_start3A_89, %dma_start3A_90] : memref<10000x128xf32, #tpu.memory_space<vmem_shared>> -> memref<16x128xf32, #tpu.memory_space<vmem_shared>>
          tpu.enqueue_dma source(%dma_start3A_91 : memref<16x128xf32, #tpu.memory_space<vmem_shared>>) target(%dma_start3A_88 : memref<16x128xf32, #tpu.memory_space<hbm>>) target_semaphore(%run_scoped3A : memref<!tpu.dma_semaphore, #tpu.memory_space<semaphore_mem>>)
          %dma_wait3A_92 = arith.constant 9984 : i32
          %dma_wait3A_93 = arith.constant 0 : i32
          %dma_wait3A_94 = tpu.memref_slice %arg7[%dma_wait3A_92, %dma_wait3A_93] : memref<10000x128xf32, #tpu.memory_space<hbm>> -> memref<16x128xf32, #tpu.memory_space<hbm>>
          %dma_wait3A_95 = arith.constant 9984 : i32
          %dma_wait3A_96 = arith.constant 0 : i32
          %dma_wait3A_97 = tpu.memref_slice %arg9[%dma_wait3A_95, %dma_wait3A_96] : memref<10000x128xf32, #tpu.memory_space<vmem_shared>> -> memref<16x128xf32, #tpu.memory_space<vmem_shared>>
          tpu.wait_dma2 semaphore(%run_scoped3A : memref<!tpu.dma_semaphore, #tpu.memory_space<semaphore_mem>>) src(%dma_wait3A_97 : memref<16x128xf32, #tpu.memory_space<vmem_shared>>) dst(%dma_wait3A_94 : memref<16x128xf32, #tpu.memory_space<hbm>>)
          tpu.yield
        }) : () -> ()
      } else {
      }
    } else {
    }
    %eq3A_2 = arith.constant 1 : i32
    %eq3A_3 = arith.cmpi eq, %arg0, %eq3A_2 : i32
    %convert_element_type3A_4 = arith.extui %eq3A_3 : i1 to i32
    %cond3A_5 = arith.constant 0 : i32
    %cond3A_6 = arith.cmpi ne, %convert_element_type3A_4, %cond3A_5 : i32
    scf.if %cond3A_6 {
      %mul3A = arith.constant 624 : i32
      %mul3A_7 = arith.muli %arg1, %mul3A : i32
      "tpu.region"() ({
        %run_scoped3A = tpu.sem_alloc : memref<!tpu.dma_semaphore, #tpu.memory_space<semaphore_mem>>
        %dma_start3A_86 = arith.constant 0 : i32
        %dma_start3A_87 = tpu.memref_slice %arg9[%mul3A_7, %dma_start3A_86] : memref<10000x128xf32, #tpu.memory_space<vmem_shared>> -> memref<624x128xf32, #tpu.memory_space<vmem_shared>>
        %dma_start3A_88 = arith.constant 0 : i32
        %dma_start3A_89 = tpu.memref_slice %arg6[%mul3A_7, %dma_start3A_88] : memref<10000x128xf32, #tpu.memory_space<hbm>> -> memref<624x128xf32, #tpu.memory_space<hbm>>
        tpu.enqueue_dma source(%dma_start3A_89 : memref<624x128xf32, #tpu.memory_space<hbm>>) target(%dma_start3A_87 : memref<624x128xf32, #tpu.memory_space<vmem_shared>>) target_semaphore(%run_scoped3A : memref<!tpu.dma_semaphore, #tpu.memory_space<semaphore_mem>>)
        %dma_wait3A_90 = arith.constant 0 : i32
        %dma_wait3A_91 = tpu.memref_slice %arg9[%mul3A_7, %dma_wait3A_90] : memref<10000x128xf32, #tpu.memory_space<vmem_shared>> -> memref<624x128xf32, #tpu.memory_space<vmem_shared>>
        %dma_wait3A_92 = arith.constant 0 : i32
        %dma_wait3A_93 = tpu.memref_slice %arg6[%mul3A_7, %dma_wait3A_92] : memref<10000x128xf32, #tpu.memory_space<hbm>> -> memref<624x128xf32, #tpu.memory_space<hbm>>
        tpu.wait_dma2 semaphore(%run_scoped3A : memref<!tpu.dma_semaphore, #tpu.memory_space<semaphore_mem>>) src(%dma_wait3A_93 : memref<624x128xf32, #tpu.memory_space<hbm>>) dst(%dma_wait3A_91 : memref<624x128xf32, #tpu.memory_space<vmem_shared>>)
        tpu.yield
      }) : () -> ()
      %eq3A_8 = arith.constant 15 : i32
      %eq3A_9 = arith.cmpi eq, %arg1, %eq3A_8 : i32
      %convert_element_type3A_10 = arith.extui %eq3A_9 : i1 to i32
      %cond3A_11 = arith.constant 0 : i32
      %cond3A_12 = arith.cmpi ne, %convert_element_type3A_10, %cond3A_11 : i32
      scf.if %cond3A_12 {
        "tpu.region"() ({
          %run_scoped3A = tpu.sem_alloc : memref<!tpu.dma_semaphore, #tpu.memory_space<semaphore_mem>>
          %dma_start3A_86 = arith.constant 9984 : i32
          %dma_start3A_87 = arith.constant 0 : i32
          %dma_start3A_88 = tpu.memref_slice %arg9[%dma_start3A_86, %dma_start3A_87] : memref<10000x128xf32, #tpu.memory_space<vmem_shared>> -> memref<16x128xf32, #tpu.memory_space<vmem_shared>>
          %dma_start3A_89 = arith.constant 9984 : i32
          %dma_start3A_90 = arith.constant 0 : i32
          %dma_start3A_91 = tpu.memref_slice %arg6[%dma_start3A_89, %dma_start3A_90] : memref<10000x128xf32, #tpu.memory_space<hbm>> -> memref<16x128xf32, #tpu.memory_space<hbm>>
          tpu.enqueue_dma source(%dma_start3A_91 : memref<16x128xf32, #tpu.memory_space<hbm>>) target(%dma_start3A_88 : memref<16x128xf32, #tpu.memory_space<vmem_shared>>) target_semaphore(%run_scoped3A : memref<!tpu.dma_semaphore, #tpu.memory_space<semaphore_mem>>)
          %dma_wait3A_92 = arith.constant 9984 : i32
          %dma_wait3A_93 = arith.constant 0 : i32
          %dma_wait3A_94 = tpu.memref_slice %arg9[%dma_wait3A_92, %dma_wait3A_93] : memref<10000x128xf32, #tpu.memory_space<vmem_shared>> -> memref<16x128xf32, #tpu.memory_space<vmem_shared>>
          %dma_wait3A_95 = arith.constant 9984 : i32
          %dma_wait3A_96 = arith.constant 0 : i32
          %dma_wait3A_97 = tpu.memref_slice %arg6[%dma_wait3A_95, %dma_wait3A_96] : memref<10000x128xf32, #tpu.memory_space<hbm>> -> memref<16x128xf32, #tpu.memory_space<hbm>>
          tpu.wait_dma2 semaphore(%run_scoped3A : memref<!tpu.dma_semaphore, #tpu.memory_space<semaphore_mem>>) src(%dma_wait3A_97 : memref<16x128xf32, #tpu.memory_space<hbm>>) dst(%dma_wait3A_94 : memref<16x128xf32, #tpu.memory_space<vmem_shared>>)
          tpu.yield
        }) : () -> ()
      } else {
      }
      %barrier3A = arith.constant 0 : index
      tpu.barrier barrier_id(%barrier3A)
      %mul3A_13 = arith.constant 156 : i32
      %mul3A_14 = arith.muli %arg1, %mul3A_13 : i32
      %min3A = arith.constant 4 : i32
      %min3A_15 = arith.minsi %arg1, %min3A : i32
      %add3A = arith.addi %mul3A_14, %min3A_15 : i32
      %lt3A = arith.constant 4 : i32
      %lt3A_16 = arith.cmpi slt, %arg1, %lt3A : i32
      %jit3A = arith.constant 157 : i32
      %jit3A_17 = arith.constant 156 : i32
      %select_n3A = arith.select %lt3A_16, %jit3A, %jit3A_17 : i32
      %add3A_18 = arith.constant 0 : i32
      %add3A_19 = arith.addi %add3A, %add3A_18 : i32
      %dma_start3A = arith.constant 0 : i32
      %dma_start3A_20 = arith.constant 0 : i32
      %dma_start3A_21 = tpu.memref_slice %arg5[%add3A_19, %dma_start3A, %dma_start3A_20] : memref<2500x2x128xi32, #tpu.memory_space<hbm>> -> memref<1x2x128xi32, #tpu.memory_space<hbm>>
      %dma_start3A_22 = tpu.memref_squeeze %dma_start3A_21 : memref<1x2x128xi32, #tpu.memory_space<hbm>> -> memref<2x128xi32, #tpu.memory_space<hbm>>
      %dma_start3A_23 = arith.constant 0 : i32
      %dma_start3A_24 = arith.constant 0 : i32
      %dma_start3A_25 = tpu.memref_slice %arg5[%add3A_19, %dma_start3A_23, %dma_start3A_24] : memref<2500x2x128xi32, #tpu.memory_space<hbm>> -> memref<1x2x128xi32, #tpu.memory_space<hbm>>
      %dma_start3A_26 = tpu.memref_squeeze %dma_start3A_25 : memref<1x2x128xi32, #tpu.memory_space<hbm>> -> memref<2x128xi32, #tpu.memory_space<hbm>>
      tpu.enqueue_dma source(%dma_start3A_26 : memref<2x128xi32, #tpu.memory_space<hbm>>) target(%arg10 : memref<2x128xi32, #tpu.memory_space<vmem>>) target_semaphore(%arg17 : memref<!tpu.dma_semaphore, #tpu.memory_space<semaphore_mem>>)
      %add3A_27 = arith.constant 1 : i32
      %add3A_28 = arith.addi %add3A, %add3A_27 : i32
      %dma_start3A_29 = arith.constant 0 : i32
      %dma_start3A_30 = arith.constant 0 : i32
      %dma_start3A_31 = tpu.memref_slice %arg5[%add3A_28, %dma_start3A_29, %dma_start3A_30] : memref<2500x2x128xi32, #tpu.memory_space<hbm>> -> memref<1x2x128xi32, #tpu.memory_space<hbm>>
      %dma_start3A_32 = tpu.memref_squeeze %dma_start3A_31 : memref<1x2x128xi32, #tpu.memory_space<hbm>> -> memref<2x128xi32, #tpu.memory_space<hbm>>
      %dma_start3A_33 = arith.constant 0 : i32
      %dma_start3A_34 = arith.constant 0 : i32
      %dma_start3A_35 = tpu.memref_slice %arg5[%add3A_28, %dma_start3A_33, %dma_start3A_34] : memref<2500x2x128xi32, #tpu.memory_space<hbm>> -> memref<1x2x128xi32, #tpu.memory_space<hbm>>
      %dma_start3A_36 = tpu.memref_squeeze %dma_start3A_35 : memref<1x2x128xi32, #tpu.memory_space<hbm>> -> memref<2x128xi32, #tpu.memory_space<hbm>>
      tpu.enqueue_dma source(%dma_start3A_36 : memref<2x128xi32, #tpu.memory_space<hbm>>) target(%arg11 : memref<2x128xi32, #tpu.memory_space<vmem>>) target_semaphore(%arg18 : memref<!tpu.dma_semaphore, #tpu.memory_space<semaphore_mem>>)
      %dma_wait3A = arith.constant 0 : i32
      %dma_wait3A_37 = arith.constant 0 : i32
      %dma_wait3A_38 = tpu.memref_slice %arg5[%add3A, %dma_wait3A, %dma_wait3A_37] : memref<2500x2x128xi32, #tpu.memory_space<hbm>> -> memref<1x2x128xi32, #tpu.memory_space<hbm>>
      %dma_wait3A_39 = tpu.memref_squeeze %dma_wait3A_38 : memref<1x2x128xi32, #tpu.memory_space<hbm>> -> memref<2x128xi32, #tpu.memory_space<hbm>>
      %dma_wait3A_40 = arith.constant 0 : i32
      %dma_wait3A_41 = arith.constant 0 : i32
      %dma_wait3A_42 = tpu.memref_slice %arg5[%add3A, %dma_wait3A_40, %dma_wait3A_41] : memref<2500x2x128xi32, #tpu.memory_space<hbm>> -> memref<1x2x128xi32, #tpu.memory_space<hbm>>
      %dma_wait3A_43 = tpu.memref_squeeze %dma_wait3A_42 : memref<1x2x128xi32, #tpu.memory_space<hbm>> -> memref<2x128xi32, #tpu.memory_space<hbm>>
      tpu.wait_dma2 semaphore(%arg17 : memref<!tpu.dma_semaphore, #tpu.memory_space<semaphore_mem>>) src(%dma_wait3A_43 : memref<2x128xi32, #tpu.memory_space<hbm>>) dst(%arg10 : memref<2x128xi32, #tpu.memory_space<vmem>>)
      %dma_start3A_44 = arith.constant 1 : i32
      %dma_start3A_45 = arith.constant 0 : i32
      %dma_start3A_46 = tpu.memref_slice %arg10[%dma_start3A_44, %dma_start3A_45] : memref<2x128xi32, #tpu.memory_space<vmem>> -> memref<1x128xi32, #tpu.memory_space<vmem>>
      %dma_start3A_47 = tpu.memref_squeeze %dma_start3A_46 : memref<1x128xi32, #tpu.memory_space<vmem>> -> memref<128xi32, #tpu.memory_space<vmem>>
      %dma_start3A_48 = arith.constant 0 : i32
      %dma_start3A_49 = arith.constant 0 : i32
      %dma_start3A_50 = tpu.memref_slice %arg3[%dma_start3A_48, %dma_start3A_49] : memref<10000x128xf32, #tpu.memory_space<hbm>> -> memref<10000x128xf32, #tpu.memory_space<hbm>>
      tpu.enqueue_indirect_dma source(%dma_start3A_50 : memref<10000x128xf32, #tpu.memory_space<hbm>>) target(%arg14 : memref<128x128xf32, #tpu.memory_space<vmem>>) offsets(%dma_start3A_47 : memref<128xi32, #tpu.memory_space<vmem>>) semaphore(%arg21 : memref<!tpu.dma_semaphore, #tpu.memory_space<semaphore_mem>>)
      %scan3A = arith.constant 0 : i32
      %scan3A_51 = arith.constant 0 : i32
      %scan3A_52 = arith.constant 13 : i32
      %scan3A_53 = arith.addi %scan3A_51, %scan3A_52 : i32
      %scan3A_54 = arith.constant 1 : i32
      scf.for %scan3A_86 = %scan3A_51 to %scan3A_53 step %scan3A_54  : i32 {
        %mul3A_87 = arith.constant 12 : i32
        %mul3A_88 = arith.muli %scan3A_86, %mul3A_87 : i32
        %add3A_89 = arith.constant 0 : i32
        %add3A_90 = arith.addi %mul3A_88, %add3A_89 : i32
        %ge3A = arith.constant 2 : i32
        %ge3A_91 = arith.cmpi sge, %add3A_90, %ge3A : i32
        %convert_element_type3A_92 = arith.extui %ge3A_91 : i1 to i32
        %cond3A_93 = arith.constant 0 : i32
        %cond3A_94 = arith.cmpi ne, %convert_element_type3A_92, %cond3A_93 : i32
        scf.if %cond3A_94 {
          %dma_wait3A_506 = arith.constant 0 : i32
          %dma_wait3A_507 = arith.constant 0 : i32
          %dma_wait3A_508 = tpu.memref_slice %arg12[%dma_wait3A_506, %dma_wait3A_507] : memref<2x128xi32, #tpu.memory_space<vmem>> -> memref<1x128xi32, #tpu.memory_space<vmem>>
          %dma_wait3A_509 = tpu.memref_squeeze %dma_wait3A_508 : memref<1x128xi32, #tpu.memory_space<vmem>> -> memref<128xi32, #tpu.memory_space<vmem>>
          %dma_wait3A_510 = arith.constant 0 : i32
          %dma_wait3A_511 = arith.constant 0 : i32
          %dma_wait3A_512 = tpu.memref_slice %arg9[%dma_wait3A_510, %dma_wait3A_511] : memref<10000x128xf32, #tpu.memory_space<vmem_shared>> -> memref<10000x128xf32, #tpu.memory_space<vmem_shared>>
          tpu.wait_indirect_dma semaphore(%arg25 : memref<!tpu.dma_semaphore, #tpu.memory_space<semaphore_mem>>) src(%arg15 : memref<128x128xf32, #tpu.memory_space<vmem>>) dst(%dma_wait3A_512 : memref<10000x128xf32, #tpu.memory_space<vmem_shared>>)
        } else {
        }
        %add3A_95 = arith.constant 2 : i32
        %add3A_96 = arith.addi %add3A_90, %add3A_95 : i32
        %lt3A_97 = arith.cmpi slt, %add3A_96, %select_n3A : i32
        %convert_element_type3A_98 = arith.extui %lt3A_97 : i1 to i32
        %cond3A_99 = arith.constant 0 : i32
        %cond3A_100 = arith.cmpi ne, %convert_element_type3A_98, %cond3A_99 : i32
        scf.if %cond3A_100 {
          %add3A_506 = arith.constant 2 : i32
          %add3A_507 = arith.addi %add3A_90, %add3A_506 : i32
          %add3A_508 = arith.addi %add3A, %add3A_507 : i32
          %dma_start3A_509 = arith.constant 0 : i32
          %dma_start3A_510 = arith.constant 0 : i32
          %dma_start3A_511 = tpu.memref_slice %arg5[%add3A_508, %dma_start3A_509, %dma_start3A_510] : memref<2500x2x128xi32, #tpu.memory_space<hbm>> -> memref<1x2x128xi32, #tpu.memory_space<hbm>>
          %dma_start3A_512 = tpu.memref_squeeze %dma_start3A_511 : memref<1x2x128xi32, #tpu.memory_space<hbm>> -> memref<2x128xi32, #tpu.memory_space<hbm>>
          %dma_start3A_513 = arith.constant 0 : i32
          %dma_start3A_514 = arith.constant 0 : i32
          %dma_start3A_515 = tpu.memref_slice %arg5[%add3A_508, %dma_start3A_513, %dma_start3A_514] : memref<2500x2x128xi32, #tpu.memory_space<hbm>> -> memref<1x2x128xi32, #tpu.memory_space<hbm>>
          %dma_start3A_516 = tpu.memref_squeeze %dma_start3A_515 : memref<1x2x128xi32, #tpu.memory_space<hbm>> -> memref<2x128xi32, #tpu.memory_space<hbm>>
          tpu.enqueue_dma source(%dma_start3A_516 : memref<2x128xi32, #tpu.memory_space<hbm>>) target(%arg12 : memref<2x128xi32, #tpu.memory_space<vmem>>) target_semaphore(%arg19 : memref<!tpu.dma_semaphore, #tpu.memory_space<semaphore_mem>>)
        } else {
        }
        %add3A_101 = arith.constant 1 : i32
        %add3A_102 = arith.addi %add3A_90, %add3A_101 : i32
        %lt3A_103 = arith.cmpi slt, %add3A_102, %select_n3A : i32
        %convert_element_type3A_104 = arith.extui %lt3A_103 : i1 to i32
        %cond3A_105 = arith.constant 0 : i32
        %cond3A_106 = arith.cmpi ne, %convert_element_type3A_104, %cond3A_105 : i32
        scf.if %cond3A_106 {
          %dma_wait3A_506 = arith.constant 0 : i32
          %dma_wait3A_507 = arith.constant 0 : i32
          %dma_wait3A_508 = tpu.memref_slice %arg5[%add3A, %dma_wait3A_506, %dma_wait3A_507] : memref<2500x2x128xi32, #tpu.memory_space<hbm>> -> memref<1x2x128xi32, #tpu.memory_space<hbm>>
          %dma_wait3A_509 = tpu.memref_squeeze %dma_wait3A_508 : memref<1x2x128xi32, #tpu.memory_space<hbm>> -> memref<2x128xi32, #tpu.memory_space<hbm>>
          %dma_wait3A_510 = arith.constant 0 : i32
          %dma_wait3A_511 = arith.constant 0 : i32
          %dma_wait3A_512 = tpu.memref_slice %arg5[%add3A, %dma_wait3A_510, %dma_wait3A_511] : memref<2500x2x128xi32, #tpu.memory_space<hbm>> -> memref<1x2x128xi32, #tpu.memory_space<hbm>>
          %dma_wait3A_513 = tpu.memref_squeeze %dma_wait3A_512 : memref<1x2x128xi32, #tpu.memory_space<hbm>> -> memref<2x128xi32, #tpu.memory_space<hbm>>
          tpu.wait_dma2 semaphore(%arg18 : memref<!tpu.dma_semaphore, #tpu.memory_space<semaphore_mem>>) src(%dma_wait3A_513 : memref<2x128xi32, #tpu.memory_space<hbm>>) dst(%arg11 : memref<2x128xi32, #tpu.memory_space<vmem>>)
          %dma_start3A_514 = arith.constant 1 : i32
          %dma_start3A_515 = arith.constant 0 : i32
          %dma_start3A_516 = tpu.memref_slice %arg11[%dma_start3A_514, %dma_start3A_515] : memref<2x128xi32, #tpu.memory_space<vmem>> -> memref<1x128xi32, #tpu.memory_space<vmem>>
          %dma_start3A_517 = tpu.memref_squeeze %dma_start3A_516 : memref<1x128xi32, #tpu.memory_space<vmem>> -> memref<128xi32, #tpu.memory_space<vmem>>
          %dma_start3A_518 = arith.constant 0 : i32
          %dma_start3A_519 = arith.constant 0 : i32
          %dma_start3A_520 = tpu.memref_slice %arg3[%dma_start3A_518, %dma_start3A_519] : memref<10000x128xf32, #tpu.memory_space<hbm>> -> memref<10000x128xf32, #tpu.memory_space<hbm>>
          tpu.enqueue_indirect_dma source(%dma_start3A_520 : memref<10000x128xf32, #tpu.memory_space<hbm>>) target(%arg15 : memref<128x128xf32, #tpu.memory_space<vmem>>) offsets(%dma_start3A_517 : memref<128xi32, #tpu.memory_space<vmem>>) semaphore(%arg22 : memref<!tpu.dma_semaphore, #tpu.memory_space<semaphore_mem>>)
        } else {
        }
        %dma_wait3A_107 = arith.constant 1 : i32
        %dma_wait3A_108 = arith.constant 0 : i32
        %dma_wait3A_109 = tpu.memref_slice %arg10[%dma_wait3A_107, %dma_wait3A_108] : memref<2x128xi32, #tpu.memory_space<vmem>> -> memref<1x128xi32, #tpu.memory_space<vmem>>
        %dma_wait3A_110 = tpu.memref_squeeze %dma_wait3A_109 : memref<1x128xi32, #tpu.memory_space<vmem>> -> memref<128xi32, #tpu.memory_space<vmem>>
        %dma_wait3A_111 = arith.constant 0 : i32
        %dma_wait3A_112 = arith.constant 0 : i32
        %dma_wait3A_113 = tpu.memref_slice %arg3[%dma_wait3A_111, %dma_wait3A_112] : memref<10000x128xf32, #tpu.memory_space<hbm>> -> memref<10000x128xf32, #tpu.memory_space<hbm>>
        tpu.wait_indirect_dma semaphore(%arg21 : memref<!tpu.dma_semaphore, #tpu.memory_space<semaphore_mem>>) src(%dma_wait3A_113 : memref<10000x128xf32, #tpu.memory_space<hbm>>) dst(%arg14 : memref<128x128xf32, #tpu.memory_space<vmem>>)
        %dma_start3A_114 = arith.constant 0 : i32
        %dma_start3A_115 = arith.constant 0 : i32
        %dma_start3A_116 = tpu.memref_slice %arg10[%dma_start3A_114, %dma_start3A_115] : memref<2x128xi32, #tpu.memory_space<vmem>> -> memref<1x128xi32, #tpu.memory_space<vmem>>
        %dma_start3A_117 = tpu.memref_squeeze %dma_start3A_116 : memref<1x128xi32, #tpu.memory_space<vmem>> -> memref<128xi32, #tpu.memory_space<vmem>>
        %dma_start3A_118 = arith.constant 0 : i32
        %dma_start3A_119 = arith.constant 0 : i32
        %dma_start3A_120 = tpu.memref_slice %arg9[%dma_start3A_118, %dma_start3A_119] : memref<10000x128xf32, #tpu.memory_space<vmem_shared>> -> memref<10000x128xf32, #tpu.memory_space<vmem_shared>>
        tpu.enqueue_indirect_dma source(%arg14 : memref<128x128xf32, #tpu.memory_space<vmem>>) target(%dma_start3A_120 : memref<10000x128xf32, #tpu.memory_space<vmem_shared>>) offsets(%dma_start3A_117 : memref<128xi32, #tpu.memory_space<vmem>>) semaphore(%arg24 : memref<!tpu.dma_semaphore, #tpu.memory_space<semaphore_mem>>) {add = true}
        %mul3A_121 = arith.constant 12 : i32
        %mul3A_122 = arith.muli %scan3A_86, %mul3A_121 : i32
        %add3A_123 = arith.constant 1 : i32
        %add3A_124 = arith.addi %mul3A_122, %add3A_123 : i32
        %ge3A_125 = arith.constant 2 : i32
        %ge3A_126 = arith.cmpi sge, %add3A_124, %ge3A_125 : i32
        %convert_element_type3A_127 = arith.extui %ge3A_126 : i1 to i32
        %cond3A_128 = arith.constant 0 : i32
        %cond3A_129 = arith.cmpi ne, %convert_element_type3A_127, %cond3A_128 : i32
        scf.if %cond3A_129 {
          %dma_wait3A_506 = arith.constant 0 : i32
          %dma_wait3A_507 = arith.constant 0 : i32
          %dma_wait3A_508 = tpu.memref_slice %arg13[%dma_wait3A_506, %dma_wait3A_507] : memref<2x128xi32, #tpu.memory_space<vmem>> -> memref<1x128xi32, #tpu.memory_space<vmem>>
          %dma_wait3A_509 = tpu.memref_squeeze %dma_wait3A_508 : memref<1x128xi32, #tpu.memory_space<vmem>> -> memref<128xi32, #tpu.memory_space<vmem>>
          %dma_wait3A_510 = arith.constant 0 : i32
          %dma_wait3A_511 = arith.constant 0 : i32
          %dma_wait3A_512 = tpu.memref_slice %arg9[%dma_wait3A_510, %dma_wait3A_511] : memref<10000x128xf32, #tpu.memory_space<vmem_shared>> -> memref<10000x128xf32, #tpu.memory_space<vmem_shared>>
          tpu.wait_indirect_dma semaphore(%arg26 : memref<!tpu.dma_semaphore, #tpu.memory_space<semaphore_mem>>) src(%arg16 : memref<128x128xf32, #tpu.memory_space<vmem>>) dst(%dma_wait3A_512 : memref<10000x128xf32, #tpu.memory_space<vmem_shared>>)
        } else {
        }
        %add3A_130 = arith.constant 2 : i32
        %add3A_131 = arith.addi %add3A_124, %add3A_130 : i32
        %lt3A_132 = arith.cmpi slt, %add3A_131, %select_n3A : i32
        %convert_element_type3A_133 = arith.extui %lt3A_132 : i1 to i32
        %cond3A_134 = arith.constant 0 : i32
        %cond3A_135 = arith.cmpi ne, %convert_element_type3A_133, %cond3A_134 : i32
        scf.if %cond3A_135 {
          %add3A_506 = arith.constant 2 : i32
          %add3A_507 = arith.addi %add3A_124, %add3A_506 : i32
          %add3A_508 = arith.addi %add3A, %add3A_507 : i32
          %dma_start3A_509 = arith.constant 0 : i32
          %dma_start3A_510 = arith.constant 0 : i32
          %dma_start3A_511 = tpu.memref_slice %arg5[%add3A_508, %dma_start3A_509, %dma_start3A_510] : memref<2500x2x128xi32, #tpu.memory_space<hbm>> -> memref<1x2x128xi32, #tpu.memory_space<hbm>>
          %dma_start3A_512 = tpu.memref_squeeze %dma_start3A_511 : memref<1x2x128xi32, #tpu.memory_space<hbm>> -> memref<2x128xi32, #tpu.memory_space<hbm>>
          %dma_start3A_513 = arith.constant 0 : i32
          %dma_start3A_514 = arith.constant 0 : i32
          %dma_start3A_515 = tpu.memref_slice %arg5[%add3A_508, %dma_start3A_513, %dma_start3A_514] : memref<2500x2x128xi32, #tpu.memory_space<hbm>> -> memref<1x2x128xi32, #tpu.memory_space<hbm>>
          %dma_start3A_516 = tpu.memref_squeeze %dma_start3A_515 : memref<1x2x128xi32, #tpu.memory_space<hbm>> -> memref<2x128xi32, #tpu.memory_space<hbm>>
          tpu.enqueue_dma source(%dma_start3A_516 : memref<2x128xi32, #tpu.memory_space<hbm>>) target(%arg13 : memref<2x128xi32, #tpu.memory_space<vmem>>) target_semaphore(%arg20 : memref<!tpu.dma_semaphore, #tpu.memory_space<semaphore_mem>>)
        } else {
        }
        %add3A_136 = arith.constant 1 : i32
        %add3A_137 = arith.addi %add3A_124, %add3A_136 : i32
        %lt3A_138 = arith.cmpi slt, %add3A_137, %select_n3A : i32
        %convert_element_type3A_139 = arith.extui %lt3A_138 : i1 to i32
        %cond3A_140 = arith.constant 0 : i32
        %cond3A_141 = arith.cmpi ne, %convert_element_type3A_139, %cond3A_140 : i32
        scf.if %cond3A_141 {
          %dma_wait3A_506 = arith.constant 0 : i32
          %dma_wait3A_507 = arith.constant 0 : i32
          %dma_wait3A_508 = tpu.memref_slice %arg5[%add3A, %dma_wait3A_506, %dma_wait3A_507] : memref<2500x2x128xi32, #tpu.memory_space<hbm>> -> memref<1x2x128xi32, #tpu.memory_space<hbm>>
          %dma_wait3A_509 = tpu.memref_squeeze %dma_wait3A_508 : memref<1x2x128xi32, #tpu.memory_space<hbm>> -> memref<2x128xi32, #tpu.memory_space<hbm>>
          %dma_wait3A_510 = arith.constant 0 : i32
          %dma_wait3A_511 = arith.constant 0 : i32
          %dma_wait3A_512 = tpu.memref_slice %arg5[%add3A, %dma_wait3A_510, %dma_wait3A_511] : memref<2500x2x128xi32, #tpu.memory_space<hbm>> -> memref<1x2x128xi32, #tpu.memory_space<hbm>>
          %dma_wait3A_513 = tpu.memref_squeeze %dma_wait3A_512 : memref<1x2x128xi32, #tpu.memory_space<hbm>> -> memref<2x128xi32, #tpu.memory_space<hbm>>
          tpu.wait_dma2 semaphore(%arg19 : memref<!tpu.dma_semaphore, #tpu.memory_space<semaphore_mem>>) src(%dma_wait3A_513 : memref<2x128xi32, #tpu.memory_space<hbm>>) dst(%arg12 : memref<2x128xi32, #tpu.memory_space<vmem>>)
          %dma_start3A_514 = arith.constant 1 : i32
          %dma_start3A_515 = arith.constant 0 : i32
          %dma_start3A_516 = tpu.memref_slice %arg12[%dma_start3A_514, %dma_start3A_515] : memref<2x128xi32, #tpu.memory_space<vmem>> -> memref<1x128xi32, #tpu.memory_space<vmem>>
          %dma_start3A_517 = tpu.memref_squeeze %dma_start3A_516 : memref<1x128xi32, #tpu.memory_space<vmem>> -> memref<128xi32, #tpu.memory_space<vmem>>
          %dma_start3A_518 = arith.constant 0 : i32
          %dma_start3A_519 = arith.constant 0 : i32
          %dma_start3A_520 = tpu.memref_slice %arg3[%dma_start3A_518, %dma_start3A_519] : memref<10000x128xf32, #tpu.memory_space<hbm>> -> memref<10000x128xf32, #tpu.memory_space<hbm>>
          tpu.enqueue_indirect_dma source(%dma_start3A_520 : memref<10000x128xf32, #tpu.memory_space<hbm>>) target(%arg16 : memref<128x128xf32, #tpu.memory_space<vmem>>) offsets(%dma_start3A_517 : memref<128xi32, #tpu.memory_space<vmem>>) semaphore(%arg23 : memref<!tpu.dma_semaphore, #tpu.memory_space<semaphore_mem>>)
        } else {
        }
        %dma_wait3A_142 = arith.constant 1 : i32
        %dma_wait3A_143 = arith.constant 0 : i32
        %dma_wait3A_144 = tpu.memref_slice %arg11[%dma_wait3A_142, %dma_wait3A_143] : memref<2x128xi32, #tpu.memory_space<vmem>> -> memref<1x128xi32, #tpu.memory_space<vmem>>
        %dma_wait3A_145 = tpu.memref_squeeze %dma_wait3A_144 : memref<1x128xi32, #tpu.memory_space<vmem>> -> memref<128xi32, #tpu.memory_space<vmem>>
        %dma_wait3A_146 = arith.constant 0 : i32
        %dma_wait3A_147 = arith.constant 0 : i32
        %dma_wait3A_148 = tpu.memref_slice %arg3[%dma_wait3A_146, %dma_wait3A_147] : memref<10000x128xf32, #tpu.memory_space<hbm>> -> memref<10000x128xf32, #tpu.memory_space<hbm>>
        tpu.wait_indirect_dma semaphore(%arg22 : memref<!tpu.dma_semaphore, #tpu.memory_space<semaphore_mem>>) src(%dma_wait3A_148 : memref<10000x128xf32, #tpu.memory_space<hbm>>) dst(%arg15 : memref<128x128xf32, #tpu.memory_space<vmem>>)
        %dma_start3A_149 = arith.constant 0 : i32
        %dma_start3A_150 = arith.constant 0 : i32
        %dma_start3A_151 = tpu.memref_slice %arg11[%dma_start3A_149, %dma_start3A_150] : memref<2x128xi32, #tpu.memory_space<vmem>> -> memref<1x128xi32, #tpu.memory_space<vmem>>
        %dma_start3A_152 = tpu.memref_squeeze %dma_start3A_151 : memref<1x128xi32, #tpu.memory_space<vmem>> -> memref<128xi32, #tpu.memory_space<vmem>>
        %dma_start3A_153 = arith.constant 0 : i32
        %dma_start3A_154 = arith.constant 0 : i32
        %dma_start3A_155 = tpu.memref_slice %arg9[%dma_start3A_153, %dma_start3A_154] : memref<10000x128xf32, #tpu.memory_space<vmem_shared>> -> memref<10000x128xf32, #tpu.memory_space<vmem_shared>>
        tpu.enqueue_indirect_dma source(%arg15 : memref<128x128xf32, #tpu.memory_space<vmem>>) target(%dma_start3A_155 : memref<10000x128xf32, #tpu.memory_space<vmem_shared>>) offsets(%dma_start3A_152 : memref<128xi32, #tpu.memory_space<vmem>>) semaphore(%arg25 : memref<!tpu.dma_semaphore, #tpu.memory_space<semaphore_mem>>) {add = true}
        %mul3A_156 = arith.constant 12 : i32
        %mul3A_157 = arith.muli %scan3A_86, %mul3A_156 : i32
        %add3A_158 = arith.constant 2 : i32
        %add3A_159 = arith.addi %mul3A_157, %add3A_158 : i32
        %ge3A_160 = arith.constant 2 : i32
        %ge3A_161 = arith.cmpi sge, %add3A_159, %ge3A_160 : i32
        %convert_element_type3A_162 = arith.extui %ge3A_161 : i1 to i32
        %cond3A_163 = arith.constant 0 : i32
        %cond3A_164 = arith.cmpi ne, %convert_element_type3A_162, %cond3A_163 : i32
        scf.if %cond3A_164 {
          %dma_wait3A_506 = arith.constant 0 : i32
          %dma_wait3A_507 = arith.constant 0 : i32
          %dma_wait3A_508 = tpu.memref_slice %arg10[%dma_wait3A_506, %dma_wait3A_507] : memref<2x128xi32, #tpu.memory_space<vmem>> -> memref<1x128xi32, #tpu.memory_space<vmem>>
          %dma_wait3A_509 = tpu.memref_squeeze %dma_wait3A_508 : memref<1x128xi32, #tpu.memory_space<vmem>> -> memref<128xi32, #tpu.memory_space<vmem>>
          %dma_wait3A_510 = arith.constant 0 : i32
          %dma_wait3A_511 = arith.constant 0 : i32
          %dma_wait3A_512 = tpu.memref_slice %arg9[%dma_wait3A_510, %dma_wait3A_511] : memref<10000x128xf32, #tpu.memory_space<vmem_shared>> -> memref<10000x128xf32, #tpu.memory_space<vmem_shared>>
          tpu.wait_indirect_dma semaphore(%arg24 : memref<!tpu.dma_semaphore, #tpu.memory_space<semaphore_mem>>) src(%arg14 : memref<128x128xf32, #tpu.memory_space<vmem>>) dst(%dma_wait3A_512 : memref<10000x128xf32, #tpu.memory_space<vmem_shared>>)
        } else {
        }
        %add3A_165 = arith.constant 2 : i32
        %add3A_166 = arith.addi %add3A_159, %add3A_165 : i32
        %lt3A_167 = arith.cmpi slt, %add3A_166, %select_n3A : i32
        %convert_element_type3A_168 = arith.extui %lt3A_167 : i1 to i32
        %cond3A_169 = arith.constant 0 : i32
        %cond3A_170 = arith.cmpi ne, %convert_element_type3A_168, %cond3A_169 : i32
        scf.if %cond3A_170 {
          %add3A_506 = arith.constant 2 : i32
          %add3A_507 = arith.addi %add3A_159, %add3A_506 : i32
          %add3A_508 = arith.addi %add3A, %add3A_507 : i32
          %dma_start3A_509 = arith.constant 0 : i32
          %dma_start3A_510 = arith.constant 0 : i32
          %dma_start3A_511 = tpu.memref_slice %arg5[%add3A_508, %dma_start3A_509, %dma_start3A_510] : memref<2500x2x128xi32, #tpu.memory_space<hbm>> -> memref<1x2x128xi32, #tpu.memory_space<hbm>>
          %dma_start3A_512 = tpu.memref_squeeze %dma_start3A_511 : memref<1x2x128xi32, #tpu.memory_space<hbm>> -> memref<2x128xi32, #tpu.memory_space<hbm>>
          %dma_start3A_513 = arith.constant 0 : i32
          %dma_start3A_514 = arith.constant 0 : i32
          %dma_start3A_515 = tpu.memref_slice %arg5[%add3A_508, %dma_start3A_513, %dma_start3A_514] : memref<2500x2x128xi32, #tpu.memory_space<hbm>> -> memref<1x2x128xi32, #tpu.memory_space<hbm>>
          %dma_start3A_516 = tpu.memref_squeeze %dma_start3A_515 : memref<1x2x128xi32, #tpu.memory_space<hbm>> -> memref<2x128xi32, #tpu.memory_space<hbm>>
          tpu.enqueue_dma source(%dma_start3A_516 : memref<2x128xi32, #tpu.memory_space<hbm>>) target(%arg10 : memref<2x128xi32, #tpu.memory_space<vmem>>) target_semaphore(%arg17 : memref<!tpu.dma_semaphore, #tpu.memory_space<semaphore_mem>>)
        } else {
        }
        %add3A_171 = arith.constant 1 : i32
        %add3A_172 = arith.addi %add3A_159, %add3A_171 : i32
        %lt3A_173 = arith.cmpi slt, %add3A_172, %select_n3A : i32
        %convert_element_type3A_174 = arith.extui %lt3A_173 : i1 to i32
        %cond3A_175 = arith.constant 0 : i32
        %cond3A_176 = arith.cmpi ne, %convert_element_type3A_174, %cond3A_175 : i32
        scf.if %cond3A_176 {
          %dma_wait3A_506 = arith.constant 0 : i32
          %dma_wait3A_507 = arith.constant 0 : i32
          %dma_wait3A_508 = tpu.memref_slice %arg5[%add3A, %dma_wait3A_506, %dma_wait3A_507] : memref<2500x2x128xi32, #tpu.memory_space<hbm>> -> memref<1x2x128xi32, #tpu.memory_space<hbm>>
          %dma_wait3A_509 = tpu.memref_squeeze %dma_wait3A_508 : memref<1x2x128xi32, #tpu.memory_space<hbm>> -> memref<2x128xi32, #tpu.memory_space<hbm>>
          %dma_wait3A_510 = arith.constant 0 : i32
          %dma_wait3A_511 = arith.constant 0 : i32
          %dma_wait3A_512 = tpu.memref_slice %arg5[%add3A, %dma_wait3A_510, %dma_wait3A_511] : memref<2500x2x128xi32, #tpu.memory_space<hbm>> -> memref<1x2x128xi32, #tpu.memory_space<hbm>>
          %dma_wait3A_513 = tpu.memref_squeeze %dma_wait3A_512 : memref<1x2x128xi32, #tpu.memory_space<hbm>> -> memref<2x128xi32, #tpu.memory_space<hbm>>
          tpu.wait_dma2 semaphore(%arg20 : memref<!tpu.dma_semaphore, #tpu.memory_space<semaphore_mem>>) src(%dma_wait3A_513 : memref<2x128xi32, #tpu.memory_space<hbm>>) dst(%arg13 : memref<2x128xi32, #tpu.memory_space<vmem>>)
          %dma_start3A_514 = arith.constant 1 : i32
          %dma_start3A_515 = arith.constant 0 : i32
          %dma_start3A_516 = tpu.memref_slice %arg13[%dma_start3A_514, %dma_start3A_515] : memref<2x128xi32, #tpu.memory_space<vmem>> -> memref<1x128xi32, #tpu.memory_space<vmem>>
          %dma_start3A_517 = tpu.memref_squeeze %dma_start3A_516 : memref<1x128xi32, #tpu.memory_space<vmem>> -> memref<128xi32, #tpu.memory_space<vmem>>
          %dma_start3A_518 = arith.constant 0 : i32
          %dma_start3A_519 = arith.constant 0 : i32
          %dma_start3A_520 = tpu.memref_slice %arg3[%dma_start3A_518, %dma_start3A_519] : memref<10000x128xf32, #tpu.memory_space<hbm>> -> memref<10000x128xf32, #tpu.memory_space<hbm>>
          tpu.enqueue_indirect_dma source(%dma_start3A_520 : memref<10000x128xf32, #tpu.memory_space<hbm>>) target(%arg14 : memref<128x128xf32, #tpu.memory_space<vmem>>) offsets(%dma_start3A_517 : memref<128xi32, #tpu.memory_space<vmem>>) semaphore(%arg21 : memref<!tpu.dma_semaphore, #tpu.memory_space<semaphore_mem>>)
        } else {
        }
        %dma_wait3A_177 = arith.constant 1 : i32
        %dma_wait3A_178 = arith.constant 0 : i32
        %dma_wait3A_179 = tpu.memref_slice %arg12[%dma_wait3A_177, %dma_wait3A_178] : memref<2x128xi32, #tpu.memory_space<vmem>> -> memref<1x128xi32, #tpu.memory_space<vmem>>
        %dma_wait3A_180 = tpu.memref_squeeze %dma_wait3A_179 : memref<1x128xi32, #tpu.memory_space<vmem>> -> memref<128xi32, #tpu.memory_space<vmem>>
        %dma_wait3A_181 = arith.constant 0 : i32
        %dma_wait3A_182 = arith.constant 0 : i32
        %dma_wait3A_183 = tpu.memref_slice %arg3[%dma_wait3A_181, %dma_wait3A_182] : memref<10000x128xf32, #tpu.memory_space<hbm>> -> memref<10000x128xf32, #tpu.memory_space<hbm>>
        tpu.wait_indirect_dma semaphore(%arg23 : memref<!tpu.dma_semaphore, #tpu.memory_space<semaphore_mem>>) src(%dma_wait3A_183 : memref<10000x128xf32, #tpu.memory_space<hbm>>) dst(%arg16 : memref<128x128xf32, #tpu.memory_space<vmem>>)
        %dma_start3A_184 = arith.constant 0 : i32
        %dma_start3A_185 = arith.constant 0 : i32
        %dma_start3A_186 = tpu.memref_slice %arg12[%dma_start3A_184, %dma_start3A_185] : memref<2x128xi32, #tpu.memory_space<vmem>> -> memref<1x128xi32, #tpu.memory_space<vmem>>
        %dma_start3A_187 = tpu.memref_squeeze %dma_start3A_186 : memref<1x128xi32, #tpu.memory_space<vmem>> -> memref<128xi32, #tpu.memory_space<vmem>>
        %dma_start3A_188 = arith.constant 0 : i32
        %dma_start3A_189 = arith.constant 0 : i32
        %dma_start3A_190 = tpu.memref_slice %arg9[%dma_start3A_188, %dma_start3A_189] : memref<10000x128xf32, #tpu.memory_space<vmem_shared>> -> memref<10000x128xf32, #tpu.memory_space<vmem_shared>>
        tpu.enqueue_indirect_dma source(%arg16 : memref<128x128xf32, #tpu.memory_space<vmem>>) target(%dma_start3A_190 : memref<10000x128xf32, #tpu.memory_space<vmem_shared>>) offsets(%dma_start3A_187 : memref<128xi32, #tpu.memory_space<vmem>>) semaphore(%arg26 : memref<!tpu.dma_semaphore, #tpu.memory_space<semaphore_mem>>) {add = true}
        %mul3A_191 = arith.constant 12 : i32
        %mul3A_192 = arith.muli %scan3A_86, %mul3A_191 : i32
        %add3A_193 = arith.constant 3 : i32
        %add3A_194 = arith.addi %mul3A_192, %add3A_193 : i32
        %ge3A_195 = arith.constant 2 : i32
        %ge3A_196 = arith.cmpi sge, %add3A_194, %ge3A_195 : i32
        %convert_element_type3A_197 = arith.extui %ge3A_196 : i1 to i32
        %cond3A_198 = arith.constant 0 : i32
        %cond3A_199 = arith.cmpi ne, %convert_element_type3A_197, %cond3A_198 : i32
        scf.if %cond3A_199 {
          %dma_wait3A_506 = arith.constant 0 : i32
          %dma_wait3A_507 = arith.constant 0 : i32
          %dma_wait3A_508 = tpu.memref_slice %arg11[%dma_wait3A_506, %dma_wait3A_507] : memref<2x128xi32, #tpu.memory_space<vmem>> -> memref<1x128xi32, #tpu.memory_space<vmem>>
          %dma_wait3A_509 = tpu.memref_squeeze %dma_wait3A_508 : memref<1x128xi32, #tpu.memory_space<vmem>> -> memref<128xi32, #tpu.memory_space<vmem>>
          %dma_wait3A_510 = arith.constant 0 : i32
          %dma_wait3A_511 = arith.constant 0 : i32
          %dma_wait3A_512 = tpu.memref_slice %arg9[%dma_wait3A_510, %dma_wait3A_511] : memref<10000x128xf32, #tpu.memory_space<vmem_shared>> -> memref<10000x128xf32, #tpu.memory_space<vmem_shared>>
          tpu.wait_indirect_dma semaphore(%arg25 : memref<!tpu.dma_semaphore, #tpu.memory_space<semaphore_mem>>) src(%arg15 : memref<128x128xf32, #tpu.memory_space<vmem>>) dst(%dma_wait3A_512 : memref<10000x128xf32, #tpu.memory_space<vmem_shared>>)
        } else {
        }
        %add3A_200 = arith.constant 2 : i32
        %add3A_201 = arith.addi %add3A_194, %add3A_200 : i32
        %lt3A_202 = arith.cmpi slt, %add3A_201, %select_n3A : i32
        %convert_element_type3A_203 = arith.extui %lt3A_202 : i1 to i32
        %cond3A_204 = arith.constant 0 : i32
        %cond3A_205 = arith.cmpi ne, %convert_element_type3A_203, %cond3A_204 : i32
        scf.if %cond3A_205 {
          %add3A_506 = arith.constant 2 : i32
          %add3A_507 = arith.addi %add3A_194, %add3A_506 : i32
          %add3A_508 = arith.addi %add3A, %add3A_507 : i32
          %dma_start3A_509 = arith.constant 0 : i32
          %dma_start3A_510 = arith.constant 0 : i32
          %dma_start3A_511 = tpu.memref_slice %arg5[%add3A_508, %dma_start3A_509, %dma_start3A_510] : memref<2500x2x128xi32, #tpu.memory_space<hbm>> -> memref<1x2x128xi32, #tpu.memory_space<hbm>>
          %dma_start3A_512 = tpu.memref_squeeze %dma_start3A_511 : memref<1x2x128xi32, #tpu.memory_space<hbm>> -> memref<2x128xi32, #tpu.memory_space<hbm>>
          %dma_start3A_513 = arith.constant 0 : i32
          %dma_start3A_514 = arith.constant 0 : i32
          %dma_start3A_515 = tpu.memref_slice %arg5[%add3A_508, %dma_start3A_513, %dma_start3A_514] : memref<2500x2x128xi32, #tpu.memory_space<hbm>> -> memref<1x2x128xi32, #tpu.memory_space<hbm>>
          %dma_start3A_516 = tpu.memref_squeeze %dma_start3A_515 : memref<1x2x128xi32, #tpu.memory_space<hbm>> -> memref<2x128xi32, #tpu.memory_space<hbm>>
          tpu.enqueue_dma source(%dma_start3A_516 : memref<2x128xi32, #tpu.memory_space<hbm>>) target(%arg11 : memref<2x128xi32, #tpu.memory_space<vmem>>) target_semaphore(%arg18 : memref<!tpu.dma_semaphore, #tpu.memory_space<semaphore_mem>>)
        } else {
        }
        %add3A_206 = arith.constant 1 : i32
        %add3A_207 = arith.addi %add3A_194, %add3A_206 : i32
        %lt3A_208 = arith.cmpi slt, %add3A_207, %select_n3A : i32
        %convert_element_type3A_209 = arith.extui %lt3A_208 : i1 to i32
        %cond3A_210 = arith.constant 0 : i32
        %cond3A_211 = arith.cmpi ne, %convert_element_type3A_209, %cond3A_210 : i32
        scf.if %cond3A_211 {
          %dma_wait3A_506 = arith.constant 0 : i32
          %dma_wait3A_507 = arith.constant 0 : i32
          %dma_wait3A_508 = tpu.memref_slice %arg5[%add3A, %dma_wait3A_506, %dma_wait3A_507] : memref<2500x2x128xi32, #tpu.memory_space<hbm>> -> memref<1x2x128xi32, #tpu.memory_space<hbm>>
          %dma_wait3A_509 = tpu.memref_squeeze %dma_wait3A_508 : memref<1x2x128xi32, #tpu.memory_space<hbm>> -> memref<2x128xi32, #tpu.memory_space<hbm>>
          %dma_wait3A_510 = arith.constant 0 : i32
          %dma_wait3A_511 = arith.constant 0 : i32
          %dma_wait3A_512 = tpu.memref_slice %arg5[%add3A, %dma_wait3A_510, %dma_wait3A_511] : memref<2500x2x128xi32, #tpu.memory_space<hbm>> -> memref<1x2x128xi32, #tpu.memory_space<hbm>>
          %dma_wait3A_513 = tpu.memref_squeeze %dma_wait3A_512 : memref<1x2x128xi32, #tpu.memory_space<hbm>> -> memref<2x128xi32, #tpu.memory_space<hbm>>
          tpu.wait_dma2 semaphore(%arg17 : memref<!tpu.dma_semaphore, #tpu.memory_space<semaphore_mem>>) src(%dma_wait3A_513 : memref<2x128xi32, #tpu.memory_space<hbm>>) dst(%arg10 : memref<2x128xi32, #tpu.memory_space<vmem>>)
          %dma_start3A_514 = arith.constant 1 : i32
          %dma_start3A_515 = arith.constant 0 : i32
          %dma_start3A_516 = tpu.memref_slice %arg10[%dma_start3A_514, %dma_start3A_515] : memref<2x128xi32, #tpu.memory_space<vmem>> -> memref<1x128xi32, #tpu.memory_space<vmem>>
          %dma_start3A_517 = tpu.memref_squeeze %dma_start3A_516 : memref<1x128xi32, #tpu.memory_space<vmem>> -> memref<128xi32, #tpu.memory_space<vmem>>
          %dma_start3A_518 = arith.constant 0 : i32
          %dma_start3A_519 = arith.constant 0 : i32
          %dma_start3A_520 = tpu.memref_slice %arg3[%dma_start3A_518, %dma_start3A_519] : memref<10000x128xf32, #tpu.memory_space<hbm>> -> memref<10000x128xf32, #tpu.memory_space<hbm>>
          tpu.enqueue_indirect_dma source(%dma_start3A_520 : memref<10000x128xf32, #tpu.memory_space<hbm>>) target(%arg15 : memref<128x128xf32, #tpu.memory_space<vmem>>) offsets(%dma_start3A_517 : memref<128xi32, #tpu.memory_space<vmem>>) semaphore(%arg22 : memref<!tpu.dma_semaphore, #tpu.memory_space<semaphore_mem>>)
        } else {
        }
        %dma_wait3A_212 = arith.constant 1 : i32
        %dma_wait3A_213 = arith.constant 0 : i32
        %dma_wait3A_214 = tpu.memref_slice %arg13[%dma_wait3A_212, %dma_wait3A_213] : memref<2x128xi32, #tpu.memory_space<vmem>> -> memref<1x128xi32, #tpu.memory_space<vmem>>
        %dma_wait3A_215 = tpu.memref_squeeze %dma_wait3A_214 : memref<1x128xi32, #tpu.memory_space<vmem>> -> memref<128xi32, #tpu.memory_space<vmem>>
        %dma_wait3A_216 = arith.constant 0 : i32
        %dma_wait3A_217 = arith.constant 0 : i32
        %dma_wait3A_218 = tpu.memref_slice %arg3[%dma_wait3A_216, %dma_wait3A_217] : memref<10000x128xf32, #tpu.memory_space<hbm>> -> memref<10000x128xf32, #tpu.memory_space<hbm>>
        tpu.wait_indirect_dma semaphore(%arg21 : memref<!tpu.dma_semaphore, #tpu.memory_space<semaphore_mem>>) src(%dma_wait3A_218 : memref<10000x128xf32, #tpu.memory_space<hbm>>) dst(%arg14 : memref<128x128xf32, #tpu.memory_space<vmem>>)
        %dma_start3A_219 = arith.constant 0 : i32
        %dma_start3A_220 = arith.constant 0 : i32
        %dma_start3A_221 = tpu.memref_slice %arg13[%dma_start3A_219, %dma_start3A_220] : memref<2x128xi32, #tpu.memory_space<vmem>> -> memref<1x128xi32, #tpu.memory_space<vmem>>
        %dma_start3A_222 = tpu.memref_squeeze %dma_start3A_221 : memref<1x128xi32, #tpu.memory_space<vmem>> -> memref<128xi32, #tpu.memory_space<vmem>>
        %dma_start3A_223 = arith.constant 0 : i32
        %dma_start3A_224 = arith.constant 0 : i32
        %dma_start3A_225 = tpu.memref_slice %arg9[%dma_start3A_223, %dma_start3A_224] : memref<10000x128xf32, #tpu.memory_space<vmem_shared>> -> memref<10000x128xf32, #tpu.memory_space<vmem_shared>>
        tpu.enqueue_indirect_dma source(%arg14 : memref<128x128xf32, #tpu.memory_space<vmem>>) target(%dma_start3A_225 : memref<10000x128xf32, #tpu.memory_space<vmem_shared>>) offsets(%dma_start3A_222 : memref<128xi32, #tpu.memory_space<vmem>>) semaphore(%arg24 : memref<!tpu.dma_semaphore, #tpu.memory_space<semaphore_mem>>) {add = true}
        %mul3A_226 = arith.constant 12 : i32
        %mul3A_227 = arith.muli %scan3A_86, %mul3A_226 : i32
        %add3A_228 = arith.constant 4 : i32
        %add3A_229 = arith.addi %mul3A_227, %add3A_228 : i32
        %ge3A_230 = arith.constant 2 : i32
        %ge3A_231 = arith.cmpi sge, %add3A_229, %ge3A_230 : i32
        %convert_element_type3A_232 = arith.extui %ge3A_231 : i1 to i32
        %cond3A_233 = arith.constant 0 : i32
        %cond3A_234 = arith.cmpi ne, %convert_element_type3A_232, %cond3A_233 : i32
        scf.if %cond3A_234 {
          %dma_wait3A_506 = arith.constant 0 : i32
          %dma_wait3A_507 = arith.constant 0 : i32
          %dma_wait3A_508 = tpu.memref_slice %arg12[%dma_wait3A_506, %dma_wait3A_507] : memref<2x128xi32, #tpu.memory_space<vmem>> -> memref<1x128xi32, #tpu.memory_space<vmem>>
          %dma_wait3A_509 = tpu.memref_squeeze %dma_wait3A_508 : memref<1x128xi32, #tpu.memory_space<vmem>> -> memref<128xi32, #tpu.memory_space<vmem>>
          %dma_wait3A_510 = arith.constant 0 : i32
          %dma_wait3A_511 = arith.constant 0 : i32
          %dma_wait3A_512 = tpu.memref_slice %arg9[%dma_wait3A_510, %dma_wait3A_511] : memref<10000x128xf32, #tpu.memory_space<vmem_shared>> -> memref<10000x128xf32, #tpu.memory_space<vmem_shared>>
          tpu.wait_indirect_dma semaphore(%arg26 : memref<!tpu.dma_semaphore, #tpu.memory_space<semaphore_mem>>) src(%arg16 : memref<128x128xf32, #tpu.memory_space<vmem>>) dst(%dma_wait3A_512 : memref<10000x128xf32, #tpu.memory_space<vmem_shared>>)
        } else {
        }
        %add3A_235 = arith.constant 2 : i32
        %add3A_236 = arith.addi %add3A_229, %add3A_235 : i32
        %lt3A_237 = arith.cmpi slt, %add3A_236, %select_n3A : i32
        %convert_element_type3A_238 = arith.extui %lt3A_237 : i1 to i32
        %cond3A_239 = arith.constant 0 : i32
        %cond3A_240 = arith.cmpi ne, %convert_element_type3A_238, %cond3A_239 : i32
        scf.if %cond3A_240 {
          %add3A_506 = arith.constant 2 : i32
          %add3A_507 = arith.addi %add3A_229, %add3A_506 : i32
          %add3A_508 = arith.addi %add3A, %add3A_507 : i32
          %dma_start3A_509 = arith.constant 0 : i32
          %dma_start3A_510 = arith.constant 0 : i32
          %dma_start3A_511 = tpu.memref_slice %arg5[%add3A_508, %dma_start3A_509, %dma_start3A_510] : memref<2500x2x128xi32, #tpu.memory_space<hbm>> -> memref<1x2x128xi32, #tpu.memory_space<hbm>>
          %dma_start3A_512 = tpu.memref_squeeze %dma_start3A_511 : memref<1x2x128xi32, #tpu.memory_space<hbm>> -> memref<2x128xi32, #tpu.memory_space<hbm>>
          %dma_start3A_513 = arith.constant 0 : i32
          %dma_start3A_514 = arith.constant 0 : i32
          %dma_start3A_515 = tpu.memref_slice %arg5[%add3A_508, %dma_start3A_513, %dma_start3A_514] : memref<2500x2x128xi32, #tpu.memory_space<hbm>> -> memref<1x2x128xi32, #tpu.memory_space<hbm>>
          %dma_start3A_516 = tpu.memref_squeeze %dma_start3A_515 : memref<1x2x128xi32, #tpu.memory_space<hbm>> -> memref<2x128xi32, #tpu.memory_space<hbm>>
          tpu.enqueue_dma source(%dma_start3A_516 : memref<2x128xi32, #tpu.memory_space<hbm>>) target(%arg12 : memref<2x128xi32, #tpu.memory_space<vmem>>) target_semaphore(%arg19 : memref<!tpu.dma_semaphore, #tpu.memory_space<semaphore_mem>>)
        } else {
        }
        %add3A_241 = arith.constant 1 : i32
        %add3A_242 = arith.addi %add3A_229, %add3A_241 : i32
        %lt3A_243 = arith.cmpi slt, %add3A_242, %select_n3A : i32
        %convert_element_type3A_244 = arith.extui %lt3A_243 : i1 to i32
        %cond3A_245 = arith.constant 0 : i32
        %cond3A_246 = arith.cmpi ne, %convert_element_type3A_244, %cond3A_245 : i32
        scf.if %cond3A_246 {
          %dma_wait3A_506 = arith.constant 0 : i32
          %dma_wait3A_507 = arith.constant 0 : i32
          %dma_wait3A_508 = tpu.memref_slice %arg5[%add3A, %dma_wait3A_506, %dma_wait3A_507] : memref<2500x2x128xi32, #tpu.memory_space<hbm>> -> memref<1x2x128xi32, #tpu.memory_space<hbm>>
          %dma_wait3A_509 = tpu.memref_squeeze %dma_wait3A_508 : memref<1x2x128xi32, #tpu.memory_space<hbm>> -> memref<2x128xi32, #tpu.memory_space<hbm>>
          %dma_wait3A_510 = arith.constant 0 : i32
          %dma_wait3A_511 = arith.constant 0 : i32
          %dma_wait3A_512 = tpu.memref_slice %arg5[%add3A, %dma_wait3A_510, %dma_wait3A_511] : memref<2500x2x128xi32, #tpu.memory_space<hbm>> -> memref<1x2x128xi32, #tpu.memory_space<hbm>>
          %dma_wait3A_513 = tpu.memref_squeeze %dma_wait3A_512 : memref<1x2x128xi32, #tpu.memory_space<hbm>> -> memref<2x128xi32, #tpu.memory_space<hbm>>
          tpu.wait_dma2 semaphore(%arg18 : memref<!tpu.dma_semaphore, #tpu.memory_space<semaphore_mem>>) src(%dma_wait3A_513 : memref<2x128xi32, #tpu.memory_space<hbm>>) dst(%arg11 : memref<2x128xi32, #tpu.memory_space<vmem>>)
          %dma_start3A_514 = arith.constant 1 : i32
          %dma_start3A_515 = arith.constant 0 : i32
          %dma_start3A_516 = tpu.memref_slice %arg11[%dma_start3A_514, %dma_start3A_515] : memref<2x128xi32, #tpu.memory_space<vmem>> -> memref<1x128xi32, #tpu.memory_space<vmem>>
          %dma_start3A_517 = tpu.memref_squeeze %dma_start3A_516 : memref<1x128xi32, #tpu.memory_space<vmem>> -> memref<128xi32, #tpu.memory_space<vmem>>
          %dma_start3A_518 = arith.constant 0 : i32
          %dma_start3A_519 = arith.constant 0 : i32
          %dma_start3A_520 = tpu.memref_slice %arg3[%dma_start3A_518, %dma_start3A_519] : memref<10000x128xf32, #tpu.memory_space<hbm>> -> memref<10000x128xf32, #tpu.memory_space<hbm>>
          tpu.enqueue_indirect_dma source(%dma_start3A_520 : memref<10000x128xf32, #tpu.memory_space<hbm>>) target(%arg16 : memref<128x128xf32, #tpu.memory_space<vmem>>) offsets(%dma_start3A_517 : memref<128xi32, #tpu.memory_space<vmem>>) semaphore(%arg23 : memref<!tpu.dma_semaphore, #tpu.memory_space<semaphore_mem>>)
        } else {
        }
        %dma_wait3A_247 = arith.constant 1 : i32
        %dma_wait3A_248 = arith.constant 0 : i32
        %dma_wait3A_249 = tpu.memref_slice %arg10[%dma_wait3A_247, %dma_wait3A_248] : memref<2x128xi32, #tpu.memory_space<vmem>> -> memref<1x128xi32, #tpu.memory_space<vmem>>
        %dma_wait3A_250 = tpu.memref_squeeze %dma_wait3A_249 : memref<1x128xi32, #tpu.memory_space<vmem>> -> memref<128xi32, #tpu.memory_space<vmem>>
        %dma_wait3A_251 = arith.constant 0 : i32
        %dma_wait3A_252 = arith.constant 0 : i32
        %dma_wait3A_253 = tpu.memref_slice %arg3[%dma_wait3A_251, %dma_wait3A_252] : memref<10000x128xf32, #tpu.memory_space<hbm>> -> memref<10000x128xf32, #tpu.memory_space<hbm>>
        tpu.wait_indirect_dma semaphore(%arg22 : memref<!tpu.dma_semaphore, #tpu.memory_space<semaphore_mem>>) src(%dma_wait3A_253 : memref<10000x128xf32, #tpu.memory_space<hbm>>) dst(%arg15 : memref<128x128xf32, #tpu.memory_space<vmem>>)
        %dma_start3A_254 = arith.constant 0 : i32
        %dma_start3A_255 = arith.constant 0 : i32
        %dma_start3A_256 = tpu.memref_slice %arg10[%dma_start3A_254, %dma_start3A_255] : memref<2x128xi32, #tpu.memory_space<vmem>> -> memref<1x128xi32, #tpu.memory_space<vmem>>
        %dma_start3A_257 = tpu.memref_squeeze %dma_start3A_256 : memref<1x128xi32, #tpu.memory_space<vmem>> -> memref<128xi32, #tpu.memory_space<vmem>>
        %dma_start3A_258 = arith.constant 0 : i32
        %dma_start3A_259 = arith.constant 0 : i32
        %dma_start3A_260 = tpu.memref_slice %arg9[%dma_start3A_258, %dma_start3A_259] : memref<10000x128xf32, #tpu.memory_space<vmem_shared>> -> memref<10000x128xf32, #tpu.memory_space<vmem_shared>>
        tpu.enqueue_indirect_dma source(%arg15 : memref<128x128xf32, #tpu.memory_space<vmem>>) target(%dma_start3A_260 : memref<10000x128xf32, #tpu.memory_space<vmem_shared>>) offsets(%dma_start3A_257 : memref<128xi32, #tpu.memory_space<vmem>>) semaphore(%arg25 : memref<!tpu.dma_semaphore, #tpu.memory_space<semaphore_mem>>) {add = true}
        %mul3A_261 = arith.constant 12 : i32
        %mul3A_262 = arith.muli %scan3A_86, %mul3A_261 : i32
        %add3A_263 = arith.constant 5 : i32
        %add3A_264 = arith.addi %mul3A_262, %add3A_263 : i32
        %ge3A_265 = arith.constant 2 : i32
        %ge3A_266 = arith.cmpi sge, %add3A_264, %ge3A_265 : i32
        %convert_element_type3A_267 = arith.extui %ge3A_266 : i1 to i32
        %cond3A_268 = arith.constant 0 : i32
        %cond3A_269 = arith.cmpi ne, %convert_element_type3A_267, %cond3A_268 : i32
        scf.if %cond3A_269 {
          %dma_wait3A_506 = arith.constant 0 : i32
          %dma_wait3A_507 = arith.constant 0 : i32
          %dma_wait3A_508 = tpu.memref_slice %arg13[%dma_wait3A_506, %dma_wait3A_507] : memref<2x128xi32, #tpu.memory_space<vmem>> -> memref<1x128xi32, #tpu.memory_space<vmem>>
          %dma_wait3A_509 = tpu.memref_squeeze %dma_wait3A_508 : memref<1x128xi32, #tpu.memory_space<vmem>> -> memref<128xi32, #tpu.memory_space<vmem>>
          %dma_wait3A_510 = arith.constant 0 : i32
          %dma_wait3A_511 = arith.constant 0 : i32
          %dma_wait3A_512 = tpu.memref_slice %arg9[%dma_wait3A_510, %dma_wait3A_511] : memref<10000x128xf32, #tpu.memory_space<vmem_shared>> -> memref<10000x128xf32, #tpu.memory_space<vmem_shared>>
          tpu.wait_indirect_dma semaphore(%arg24 : memref<!tpu.dma_semaphore, #tpu.memory_space<semaphore_mem>>) src(%arg14 : memref<128x128xf32, #tpu.memory_space<vmem>>) dst(%dma_wait3A_512 : memref<10000x128xf32, #tpu.memory_space<vmem_shared>>)
        } else {
        }
        %add3A_270 = arith.constant 2 : i32
        %add3A_271 = arith.addi %add3A_264, %add3A_270 : i32
        %lt3A_272 = arith.cmpi slt, %add3A_271, %select_n3A : i32
        %convert_element_type3A_273 = arith.extui %lt3A_272 : i1 to i32
        %cond3A_274 = arith.constant 0 : i32
        %cond3A_275 = arith.cmpi ne, %convert_element_type3A_273, %cond3A_274 : i32
        scf.if %cond3A_275 {
          %add3A_506 = arith.constant 2 : i32
          %add3A_507 = arith.addi %add3A_264, %add3A_506 : i32
          %add3A_508 = arith.addi %add3A, %add3A_507 : i32
          %dma_start3A_509 = arith.constant 0 : i32
          %dma_start3A_510 = arith.constant 0 : i32
          %dma_start3A_511 = tpu.memref_slice %arg5[%add3A_508, %dma_start3A_509, %dma_start3A_510] : memref<2500x2x128xi32, #tpu.memory_space<hbm>> -> memref<1x2x128xi32, #tpu.memory_space<hbm>>
          %dma_start3A_512 = tpu.memref_squeeze %dma_start3A_511 : memref<1x2x128xi32, #tpu.memory_space<hbm>> -> memref<2x128xi32, #tpu.memory_space<hbm>>
          %dma_start3A_513 = arith.constant 0 : i32
          %dma_start3A_514 = arith.constant 0 : i32
          %dma_start3A_515 = tpu.memref_slice %arg5[%add3A_508, %dma_start3A_513, %dma_start3A_514] : memref<2500x2x128xi32, #tpu.memory_space<hbm>> -> memref<1x2x128xi32, #tpu.memory_space<hbm>>
          %dma_start3A_516 = tpu.memref_squeeze %dma_start3A_515 : memref<1x2x128xi32, #tpu.memory_space<hbm>> -> memref<2x128xi32, #tpu.memory_space<hbm>>
          tpu.enqueue_dma source(%dma_start3A_516 : memref<2x128xi32, #tpu.memory_space<hbm>>) target(%arg13 : memref<2x128xi32, #tpu.memory_space<vmem>>) target_semaphore(%arg20 : memref<!tpu.dma_semaphore, #tpu.memory_space<semaphore_mem>>)
        } else {
        }
        %add3A_276 = arith.constant 1 : i32
        %add3A_277 = arith.addi %add3A_264, %add3A_276 : i32
        %lt3A_278 = arith.cmpi slt, %add3A_277, %select_n3A : i32
        %convert_element_type3A_279 = arith.extui %lt3A_278 : i1 to i32
        %cond3A_280 = arith.constant 0 : i32
        %cond3A_281 = arith.cmpi ne, %convert_element_type3A_279, %cond3A_280 : i32
        scf.if %cond3A_281 {
          %dma_wait3A_506 = arith.constant 0 : i32
          %dma_wait3A_507 = arith.constant 0 : i32
          %dma_wait3A_508 = tpu.memref_slice %arg5[%add3A, %dma_wait3A_506, %dma_wait3A_507] : memref<2500x2x128xi32, #tpu.memory_space<hbm>> -> memref<1x2x128xi32, #tpu.memory_space<hbm>>
          %dma_wait3A_509 = tpu.memref_squeeze %dma_wait3A_508 : memref<1x2x128xi32, #tpu.memory_space<hbm>> -> memref<2x128xi32, #tpu.memory_space<hbm>>
          %dma_wait3A_510 = arith.constant 0 : i32
          %dma_wait3A_511 = arith.constant 0 : i32
          %dma_wait3A_512 = tpu.memref_slice %arg5[%add3A, %dma_wait3A_510, %dma_wait3A_511] : memref<2500x2x128xi32, #tpu.memory_space<hbm>> -> memref<1x2x128xi32, #tpu.memory_space<hbm>>
          %dma_wait3A_513 = tpu.memref_squeeze %dma_wait3A_512 : memref<1x2x128xi32, #tpu.memory_space<hbm>> -> memref<2x128xi32, #tpu.memory_space<hbm>>
          tpu.wait_dma2 semaphore(%arg19 : memref<!tpu.dma_semaphore, #tpu.memory_space<semaphore_mem>>) src(%dma_wait3A_513 : memref<2x128xi32, #tpu.memory_space<hbm>>) dst(%arg12 : memref<2x128xi32, #tpu.memory_space<vmem>>)
          %dma_start3A_514 = arith.constant 1 : i32
          %dma_start3A_515 = arith.constant 0 : i32
          %dma_start3A_516 = tpu.memref_slice %arg12[%dma_start3A_514, %dma_start3A_515] : memref<2x128xi32, #tpu.memory_space<vmem>> -> memref<1x128xi32, #tpu.memory_space<vmem>>
          %dma_start3A_517 = tpu.memref_squeeze %dma_start3A_516 : memref<1x128xi32, #tpu.memory_space<vmem>> -> memref<128xi32, #tpu.memory_space<vmem>>
          %dma_start3A_518 = arith.constant 0 : i32
          %dma_start3A_519 = arith.constant 0 : i32
          %dma_start3A_520 = tpu.memref_slice %arg3[%dma_start3A_518, %dma_start3A_519] : memref<10000x128xf32, #tpu.memory_space<hbm>> -> memref<10000x128xf32, #tpu.memory_space<hbm>>
          tpu.enqueue_indirect_dma source(%dma_start3A_520 : memref<10000x128xf32, #tpu.memory_space<hbm>>) target(%arg14 : memref<128x128xf32, #tpu.memory_space<vmem>>) offsets(%dma_start3A_517 : memref<128xi32, #tpu.memory_space<vmem>>) semaphore(%arg21 : memref<!tpu.dma_semaphore, #tpu.memory_space<semaphore_mem>>)
        } else {
        }
        %dma_wait3A_282 = arith.constant 1 : i32
        %dma_wait3A_283 = arith.constant 0 : i32
        %dma_wait3A_284 = tpu.memref_slice %arg11[%dma_wait3A_282, %dma_wait3A_283] : memref<2x128xi32, #tpu.memory_space<vmem>> -> memref<1x128xi32, #tpu.memory_space<vmem>>
        %dma_wait3A_285 = tpu.memref_squeeze %dma_wait3A_284 : memref<1x128xi32, #tpu.memory_space<vmem>> -> memref<128xi32, #tpu.memory_space<vmem>>
        %dma_wait3A_286 = arith.constant 0 : i32
        %dma_wait3A_287 = arith.constant 0 : i32
        %dma_wait3A_288 = tpu.memref_slice %arg3[%dma_wait3A_286, %dma_wait3A_287] : memref<10000x128xf32, #tpu.memory_space<hbm>> -> memref<10000x128xf32, #tpu.memory_space<hbm>>
        tpu.wait_indirect_dma semaphore(%arg23 : memref<!tpu.dma_semaphore, #tpu.memory_space<semaphore_mem>>) src(%dma_wait3A_288 : memref<10000x128xf32, #tpu.memory_space<hbm>>) dst(%arg16 : memref<128x128xf32, #tpu.memory_space<vmem>>)
        %dma_start3A_289 = arith.constant 0 : i32
        %dma_start3A_290 = arith.constant 0 : i32
        %dma_start3A_291 = tpu.memref_slice %arg11[%dma_start3A_289, %dma_start3A_290] : memref<2x128xi32, #tpu.memory_space<vmem>> -> memref<1x128xi32, #tpu.memory_space<vmem>>
        %dma_start3A_292 = tpu.memref_squeeze %dma_start3A_291 : memref<1x128xi32, #tpu.memory_space<vmem>> -> memref<128xi32, #tpu.memory_space<vmem>>
        %dma_start3A_293 = arith.constant 0 : i32
        %dma_start3A_294 = arith.constant 0 : i32
        %dma_start3A_295 = tpu.memref_slice %arg9[%dma_start3A_293, %dma_start3A_294] : memref<10000x128xf32, #tpu.memory_space<vmem_shared>> -> memref<10000x128xf32, #tpu.memory_space<vmem_shared>>
        tpu.enqueue_indirect_dma source(%arg16 : memref<128x128xf32, #tpu.memory_space<vmem>>) target(%dma_start3A_295 : memref<10000x128xf32, #tpu.memory_space<vmem_shared>>) offsets(%dma_start3A_292 : memref<128xi32, #tpu.memory_space<vmem>>) semaphore(%arg26 : memref<!tpu.dma_semaphore, #tpu.memory_space<semaphore_mem>>) {add = true}
        %mul3A_296 = arith.constant 12 : i32
        %mul3A_297 = arith.muli %scan3A_86, %mul3A_296 : i32
        %add3A_298 = arith.constant 6 : i32
        %add3A_299 = arith.addi %mul3A_297, %add3A_298 : i32
        %ge3A_300 = arith.constant 2 : i32
        %ge3A_301 = arith.cmpi sge, %add3A_299, %ge3A_300 : i32
        %convert_element_type3A_302 = arith.extui %ge3A_301 : i1 to i32
        %cond3A_303 = arith.constant 0 : i32
        %cond3A_304 = arith.cmpi ne, %convert_element_type3A_302, %cond3A_303 : i32
        scf.if %cond3A_304 {
          %dma_wait3A_506 = arith.constant 0 : i32
          %dma_wait3A_507 = arith.constant 0 : i32
          %dma_wait3A_508 = tpu.memref_slice %arg10[%dma_wait3A_506, %dma_wait3A_507] : memref<2x128xi32, #tpu.memory_space<vmem>> -> memref<1x128xi32, #tpu.memory_space<vmem>>
          %dma_wait3A_509 = tpu.memref_squeeze %dma_wait3A_508 : memref<1x128xi32, #tpu.memory_space<vmem>> -> memref<128xi32, #tpu.memory_space<vmem>>
          %dma_wait3A_510 = arith.constant 0 : i32
          %dma_wait3A_511 = arith.constant 0 : i32
          %dma_wait3A_512 = tpu.memref_slice %arg9[%dma_wait3A_510, %dma_wait3A_511] : memref<10000x128xf32, #tpu.memory_space<vmem_shared>> -> memref<10000x128xf32, #tpu.memory_space<vmem_shared>>
          tpu.wait_indirect_dma semaphore(%arg25 : memref<!tpu.dma_semaphore, #tpu.memory_space<semaphore_mem>>) src(%arg15 : memref<128x128xf32, #tpu.memory_space<vmem>>) dst(%dma_wait3A_512 : memref<10000x128xf32, #tpu.memory_space<vmem_shared>>)
        } else {
        }
        %add3A_305 = arith.constant 2 : i32
        %add3A_306 = arith.addi %add3A_299, %add3A_305 : i32
        %lt3A_307 = arith.cmpi slt, %add3A_306, %select_n3A : i32
        %convert_element_type3A_308 = arith.extui %lt3A_307 : i1 to i32
        %cond3A_309 = arith.constant 0 : i32
        %cond3A_310 = arith.cmpi ne, %convert_element_type3A_308, %cond3A_309 : i32
        scf.if %cond3A_310 {
          %add3A_506 = arith.constant 2 : i32
          %add3A_507 = arith.addi %add3A_299, %add3A_506 : i32
          %add3A_508 = arith.addi %add3A, %add3A_507 : i32
          %dma_start3A_509 = arith.constant 0 : i32
          %dma_start3A_510 = arith.constant 0 : i32
          %dma_start3A_511 = tpu.memref_slice %arg5[%add3A_508, %dma_start3A_509, %dma_start3A_510] : memref<2500x2x128xi32, #tpu.memory_space<hbm>> -> memref<1x2x128xi32, #tpu.memory_space<hbm>>
          %dma_start3A_512 = tpu.memref_squeeze %dma_start3A_511 : memref<1x2x128xi32, #tpu.memory_space<hbm>> -> memref<2x128xi32, #tpu.memory_space<hbm>>
          %dma_start3A_513 = arith.constant 0 : i32
          %dma_start3A_514 = arith.constant 0 : i32
          %dma_start3A_515 = tpu.memref_slice %arg5[%add3A_508, %dma_start3A_513, %dma_start3A_514] : memref<2500x2x128xi32, #tpu.memory_space<hbm>> -> memref<1x2x128xi32, #tpu.memory_space<hbm>>
          %dma_start3A_516 = tpu.memref_squeeze %dma_start3A_515 : memref<1x2x128xi32, #tpu.memory_space<hbm>> -> memref<2x128xi32, #tpu.memory_space<hbm>>
          tpu.enqueue_dma source(%dma_start3A_516 : memref<2x128xi32, #tpu.memory_space<hbm>>) target(%arg10 : memref<2x128xi32, #tpu.memory_space<vmem>>) target_semaphore(%arg17 : memref<!tpu.dma_semaphore, #tpu.memory_space<semaphore_mem>>)
        } else {
        }
        %add3A_311 = arith.constant 1 : i32
        %add3A_312 = arith.addi %add3A_299, %add3A_311 : i32
        %lt3A_313 = arith.cmpi slt, %add3A_312, %select_n3A : i32
        %convert_element_type3A_314 = arith.extui %lt3A_313 : i1 to i32
        %cond3A_315 = arith.constant 0 : i32
        %cond3A_316 = arith.cmpi ne, %convert_element_type3A_314, %cond3A_315 : i32
        scf.if %cond3A_316 {
          %dma_wait3A_506 = arith.constant 0 : i32
          %dma_wait3A_507 = arith.constant 0 : i32
          %dma_wait3A_508 = tpu.memref_slice %arg5[%add3A, %dma_wait3A_506, %dma_wait3A_507] : memref<2500x2x128xi32, #tpu.memory_space<hbm>> -> memref<1x2x128xi32, #tpu.memory_space<hbm>>
          %dma_wait3A_509 = tpu.memref_squeeze %dma_wait3A_508 : memref<1x2x128xi32, #tpu.memory_space<hbm>> -> memref<2x128xi32, #tpu.memory_space<hbm>>
          %dma_wait3A_510 = arith.constant 0 : i32
          %dma_wait3A_511 = arith.constant 0 : i32
          %dma_wait3A_512 = tpu.memref_slice %arg5[%add3A, %dma_wait3A_510, %dma_wait3A_511] : memref<2500x2x128xi32, #tpu.memory_space<hbm>> -> memref<1x2x128xi32, #tpu.memory_space<hbm>>
          %dma_wait3A_513 = tpu.memref_squeeze %dma_wait3A_512 : memref<1x2x128xi32, #tpu.memory_space<hbm>> -> memref<2x128xi32, #tpu.memory_space<hbm>>
          tpu.wait_dma2 semaphore(%arg20 : memref<!tpu.dma_semaphore, #tpu.memory_space<semaphore_mem>>) src(%dma_wait3A_513 : memref<2x128xi32, #tpu.memory_space<hbm>>) dst(%arg13 : memref<2x128xi32, #tpu.memory_space<vmem>>)
          %dma_start3A_514 = arith.constant 1 : i32
          %dma_start3A_515 = arith.constant 0 : i32
          %dma_start3A_516 = tpu.memref_slice %arg13[%dma_start3A_514, %dma_start3A_515] : memref<2x128xi32, #tpu.memory_space<vmem>> -> memref<1x128xi32, #tpu.memory_space<vmem>>
          %dma_start3A_517 = tpu.memref_squeeze %dma_start3A_516 : memref<1x128xi32, #tpu.memory_space<vmem>> -> memref<128xi32, #tpu.memory_space<vmem>>
          %dma_start3A_518 = arith.constant 0 : i32
          %dma_start3A_519 = arith.constant 0 : i32
          %dma_start3A_520 = tpu.memref_slice %arg3[%dma_start3A_518, %dma_start3A_519] : memref<10000x128xf32, #tpu.memory_space<hbm>> -> memref<10000x128xf32, #tpu.memory_space<hbm>>
          tpu.enqueue_indirect_dma source(%dma_start3A_520 : memref<10000x128xf32, #tpu.memory_space<hbm>>) target(%arg15 : memref<128x128xf32, #tpu.memory_space<vmem>>) offsets(%dma_start3A_517 : memref<128xi32, #tpu.memory_space<vmem>>) semaphore(%arg22 : memref<!tpu.dma_semaphore, #tpu.memory_space<semaphore_mem>>)
        } else {
        }
        %dma_wait3A_317 = arith.constant 1 : i32
        %dma_wait3A_318 = arith.constant 0 : i32
        %dma_wait3A_319 = tpu.memref_slice %arg12[%dma_wait3A_317, %dma_wait3A_318] : memref<2x128xi32, #tpu.memory_space<vmem>> -> memref<1x128xi32, #tpu.memory_space<vmem>>
        %dma_wait3A_320 = tpu.memref_squeeze %dma_wait3A_319 : memref<1x128xi32, #tpu.memory_space<vmem>> -> memref<128xi32, #tpu.memory_space<vmem>>
        %dma_wait3A_321 = arith.constant 0 : i32
        %dma_wait3A_322 = arith.constant 0 : i32
        %dma_wait3A_323 = tpu.memref_slice %arg3[%dma_wait3A_321, %dma_wait3A_322] : memref<10000x128xf32, #tpu.memory_space<hbm>> -> memref<10000x128xf32, #tpu.memory_space<hbm>>
        tpu.wait_indirect_dma semaphore(%arg21 : memref<!tpu.dma_semaphore, #tpu.memory_space<semaphore_mem>>) src(%dma_wait3A_323 : memref<10000x128xf32, #tpu.memory_space<hbm>>) dst(%arg14 : memref<128x128xf32, #tpu.memory_space<vmem>>)
        %dma_start3A_324 = arith.constant 0 : i32
        %dma_start3A_325 = arith.constant 0 : i32
        %dma_start3A_326 = tpu.memref_slice %arg12[%dma_start3A_324, %dma_start3A_325] : memref<2x128xi32, #tpu.memory_space<vmem>> -> memref<1x128xi32, #tpu.memory_space<vmem>>
        %dma_start3A_327 = tpu.memref_squeeze %dma_start3A_326 : memref<1x128xi32, #tpu.memory_space<vmem>> -> memref<128xi32, #tpu.memory_space<vmem>>
        %dma_start3A_328 = arith.constant 0 : i32
        %dma_start3A_329 = arith.constant 0 : i32
        %dma_start3A_330 = tpu.memref_slice %arg9[%dma_start3A_328, %dma_start3A_329] : memref<10000x128xf32, #tpu.memory_space<vmem_shared>> -> memref<10000x128xf32, #tpu.memory_space<vmem_shared>>
        tpu.enqueue_indirect_dma source(%arg14 : memref<128x128xf32, #tpu.memory_space<vmem>>) target(%dma_start3A_330 : memref<10000x128xf32, #tpu.memory_space<vmem_shared>>) offsets(%dma_start3A_327 : memref<128xi32, #tpu.memory_space<vmem>>) semaphore(%arg24 : memref<!tpu.dma_semaphore, #tpu.memory_space<semaphore_mem>>) {add = true}
        %mul3A_331 = arith.constant 12 : i32
        %mul3A_332 = arith.muli %scan3A_86, %mul3A_331 : i32
        %add3A_333 = arith.constant 7 : i32
        %add3A_334 = arith.addi %mul3A_332, %add3A_333 : i32
        %ge3A_335 = arith.constant 2 : i32
        %ge3A_336 = arith.cmpi sge, %add3A_334, %ge3A_335 : i32
        %convert_element_type3A_337 = arith.extui %ge3A_336 : i1 to i32
        %cond3A_338 = arith.constant 0 : i32
        %cond3A_339 = arith.cmpi ne, %convert_element_type3A_337, %cond3A_338 : i32
        scf.if %cond3A_339 {
          %dma_wait3A_506 = arith.constant 0 : i32
          %dma_wait3A_507 = arith.constant 0 : i32
          %dma_wait3A_508 = tpu.memref_slice %arg11[%dma_wait3A_506, %dma_wait3A_507] : memref<2x128xi32, #tpu.memory_space<vmem>> -> memref<1x128xi32, #tpu.memory_space<vmem>>
          %dma_wait3A_509 = tpu.memref_squeeze %dma_wait3A_508 : memref<1x128xi32, #tpu.memory_space<vmem>> -> memref<128xi32, #tpu.memory_space<vmem>>
          %dma_wait3A_510 = arith.constant 0 : i32
          %dma_wait3A_511 = arith.constant 0 : i32
          %dma_wait3A_512 = tpu.memref_slice %arg9[%dma_wait3A_510, %dma_wait3A_511] : memref<10000x128xf32, #tpu.memory_space<vmem_shared>> -> memref<10000x128xf32, #tpu.memory_space<vmem_shared>>
          tpu.wait_indirect_dma semaphore(%arg26 : memref<!tpu.dma_semaphore, #tpu.memory_space<semaphore_mem>>) src(%arg16 : memref<128x128xf32, #tpu.memory_space<vmem>>) dst(%dma_wait3A_512 : memref<10000x128xf32, #tpu.memory_space<vmem_shared>>)
        } else {
        }
        %add3A_340 = arith.constant 2 : i32
        %add3A_341 = arith.addi %add3A_334, %add3A_340 : i32
        %lt3A_342 = arith.cmpi slt, %add3A_341, %select_n3A : i32
        %convert_element_type3A_343 = arith.extui %lt3A_342 : i1 to i32
        %cond3A_344 = arith.constant 0 : i32
        %cond3A_345 = arith.cmpi ne, %convert_element_type3A_343, %cond3A_344 : i32
        scf.if %cond3A_345 {
          %add3A_506 = arith.constant 2 : i32
          %add3A_507 = arith.addi %add3A_334, %add3A_506 : i32
          %add3A_508 = arith.addi %add3A, %add3A_507 : i32
          %dma_start3A_509 = arith.constant 0 : i32
          %dma_start3A_510 = arith.constant 0 : i32
          %dma_start3A_511 = tpu.memref_slice %arg5[%add3A_508, %dma_start3A_509, %dma_start3A_510] : memref<2500x2x128xi32, #tpu.memory_space<hbm>> -> memref<1x2x128xi32, #tpu.memory_space<hbm>>
          %dma_start3A_512 = tpu.memref_squeeze %dma_start3A_511 : memref<1x2x128xi32, #tpu.memory_space<hbm>> -> memref<2x128xi32, #tpu.memory_space<hbm>>
          %dma_start3A_513 = arith.constant 0 : i32
          %dma_start3A_514 = arith.constant 0 : i32
          %dma_start3A_515 = tpu.memref_slice %arg5[%add3A_508, %dma_start3A_513, %dma_start3A_514] : memref<2500x2x128xi32, #tpu.memory_space<hbm>> -> memref<1x2x128xi32, #tpu.memory_space<hbm>>
          %dma_start3A_516 = tpu.memref_squeeze %dma_start3A_515 : memref<1x2x128xi32, #tpu.memory_space<hbm>> -> memref<2x128xi32, #tpu.memory_space<hbm>>
          tpu.enqueue_dma source(%dma_start3A_516 : memref<2x128xi32, #tpu.memory_space<hbm>>) target(%arg11 : memref<2x128xi32, #tpu.memory_space<vmem>>) target_semaphore(%arg18 : memref<!tpu.dma_semaphore, #tpu.memory_space<semaphore_mem>>)
        } else {
        }
        %add3A_346 = arith.constant 1 : i32
        %add3A_347 = arith.addi %add3A_334, %add3A_346 : i32
        %lt3A_348 = arith.cmpi slt, %add3A_347, %select_n3A : i32
        %convert_element_type3A_349 = arith.extui %lt3A_348 : i1 to i32
        %cond3A_350 = arith.constant 0 : i32
        %cond3A_351 = arith.cmpi ne, %convert_element_type3A_349, %cond3A_350 : i32
        scf.if %cond3A_351 {
          %dma_wait3A_506 = arith.constant 0 : i32
          %dma_wait3A_507 = arith.constant 0 : i32
          %dma_wait3A_508 = tpu.memref_slice %arg5[%add3A, %dma_wait3A_506, %dma_wait3A_507] : memref<2500x2x128xi32, #tpu.memory_space<hbm>> -> memref<1x2x128xi32, #tpu.memory_space<hbm>>
          %dma_wait3A_509 = tpu.memref_squeeze %dma_wait3A_508 : memref<1x2x128xi32, #tpu.memory_space<hbm>> -> memref<2x128xi32, #tpu.memory_space<hbm>>
          %dma_wait3A_510 = arith.constant 0 : i32
          %dma_wait3A_511 = arith.constant 0 : i32
          %dma_wait3A_512 = tpu.memref_slice %arg5[%add3A, %dma_wait3A_510, %dma_wait3A_511] : memref<2500x2x128xi32, #tpu.memory_space<hbm>> -> memref<1x2x128xi32, #tpu.memory_space<hbm>>
          %dma_wait3A_513 = tpu.memref_squeeze %dma_wait3A_512 : memref<1x2x128xi32, #tpu.memory_space<hbm>> -> memref<2x128xi32, #tpu.memory_space<hbm>>
          tpu.wait_dma2 semaphore(%arg17 : memref<!tpu.dma_semaphore, #tpu.memory_space<semaphore_mem>>) src(%dma_wait3A_513 : memref<2x128xi32, #tpu.memory_space<hbm>>) dst(%arg10 : memref<2x128xi32, #tpu.memory_space<vmem>>)
          %dma_start3A_514 = arith.constant 1 : i32
          %dma_start3A_515 = arith.constant 0 : i32
          %dma_start3A_516 = tpu.memref_slice %arg10[%dma_start3A_514, %dma_start3A_515] : memref<2x128xi32, #tpu.memory_space<vmem>> -> memref<1x128xi32, #tpu.memory_space<vmem>>
          %dma_start3A_517 = tpu.memref_squeeze %dma_start3A_516 : memref<1x128xi32, #tpu.memory_space<vmem>> -> memref<128xi32, #tpu.memory_space<vmem>>
          %dma_start3A_518 = arith.constant 0 : i32
          %dma_start3A_519 = arith.constant 0 : i32
          %dma_start3A_520 = tpu.memref_slice %arg3[%dma_start3A_518, %dma_start3A_519] : memref<10000x128xf32, #tpu.memory_space<hbm>> -> memref<10000x128xf32, #tpu.memory_space<hbm>>
          tpu.enqueue_indirect_dma source(%dma_start3A_520 : memref<10000x128xf32, #tpu.memory_space<hbm>>) target(%arg16 : memref<128x128xf32, #tpu.memory_space<vmem>>) offsets(%dma_start3A_517 : memref<128xi32, #tpu.memory_space<vmem>>) semaphore(%arg23 : memref<!tpu.dma_semaphore, #tpu.memory_space<semaphore_mem>>)
        } else {
        }
        %dma_wait3A_352 = arith.constant 1 : i32
        %dma_wait3A_353 = arith.constant 0 : i32
        %dma_wait3A_354 = tpu.memref_slice %arg13[%dma_wait3A_352, %dma_wait3A_353] : memref<2x128xi32, #tpu.memory_space<vmem>> -> memref<1x128xi32, #tpu.memory_space<vmem>>
        %dma_wait3A_355 = tpu.memref_squeeze %dma_wait3A_354 : memref<1x128xi32, #tpu.memory_space<vmem>> -> memref<128xi32, #tpu.memory_space<vmem>>
        %dma_wait3A_356 = arith.constant 0 : i32
        %dma_wait3A_357 = arith.constant 0 : i32
        %dma_wait3A_358 = tpu.memref_slice %arg3[%dma_wait3A_356, %dma_wait3A_357] : memref<10000x128xf32, #tpu.memory_space<hbm>> -> memref<10000x128xf32, #tpu.memory_space<hbm>>
        tpu.wait_indirect_dma semaphore(%arg22 : memref<!tpu.dma_semaphore, #tpu.memory_space<semaphore_mem>>) src(%dma_wait3A_358 : memref<10000x128xf32, #tpu.memory_space<hbm>>) dst(%arg15 : memref<128x128xf32, #tpu.memory_space<vmem>>)
        %dma_start3A_359 = arith.constant 0 : i32
        %dma_start3A_360 = arith.constant 0 : i32
        %dma_start3A_361 = tpu.memref_slice %arg13[%dma_start3A_359, %dma_start3A_360] : memref<2x128xi32, #tpu.memory_space<vmem>> -> memref<1x128xi32, #tpu.memory_space<vmem>>
        %dma_start3A_362 = tpu.memref_squeeze %dma_start3A_361 : memref<1x128xi32, #tpu.memory_space<vmem>> -> memref<128xi32, #tpu.memory_space<vmem>>
        %dma_start3A_363 = arith.constant 0 : i32
        %dma_start3A_364 = arith.constant 0 : i32
        %dma_start3A_365 = tpu.memref_slice %arg9[%dma_start3A_363, %dma_start3A_364] : memref<10000x128xf32, #tpu.memory_space<vmem_shared>> -> memref<10000x128xf32, #tpu.memory_space<vmem_shared>>
        tpu.enqueue_indirect_dma source(%arg15 : memref<128x128xf32, #tpu.memory_space<vmem>>) target(%dma_start3A_365 : memref<10000x128xf32, #tpu.memory_space<vmem_shared>>) offsets(%dma_start3A_362 : memref<128xi32, #tpu.memory_space<vmem>>) semaphore(%arg25 : memref<!tpu.dma_semaphore, #tpu.memory_space<semaphore_mem>>) {add = true}
        %mul3A_366 = arith.constant 12 : i32
        %mul3A_367 = arith.muli %scan3A_86, %mul3A_366 : i32
        %add3A_368 = arith.constant 8 : i32
        %add3A_369 = arith.addi %mul3A_367, %add3A_368 : i32
        %ge3A_370 = arith.constant 2 : i32
        %ge3A_371 = arith.cmpi sge, %add3A_369, %ge3A_370 : i32
        %convert_element_type3A_372 = arith.extui %ge3A_371 : i1 to i32
        %cond3A_373 = arith.constant 0 : i32
        %cond3A_374 = arith.cmpi ne, %convert_element_type3A_372, %cond3A_373 : i32
        scf.if %cond3A_374 {
          %dma_wait3A_506 = arith.constant 0 : i32
          %dma_wait3A_507 = arith.constant 0 : i32
          %dma_wait3A_508 = tpu.memref_slice %arg12[%dma_wait3A_506, %dma_wait3A_507] : memref<2x128xi32, #tpu.memory_space<vmem>> -> memref<1x128xi32, #tpu.memory_space<vmem>>
          %dma_wait3A_509 = tpu.memref_squeeze %dma_wait3A_508 : memref<1x128xi32, #tpu.memory_space<vmem>> -> memref<128xi32, #tpu.memory_space<vmem>>
          %dma_wait3A_510 = arith.constant 0 : i32
          %dma_wait3A_511 = arith.constant 0 : i32
          %dma_wait3A_512 = tpu.memref_slice %arg9[%dma_wait3A_510, %dma_wait3A_511] : memref<10000x128xf32, #tpu.memory_space<vmem_shared>> -> memref<10000x128xf32, #tpu.memory_space<vmem_shared>>
          tpu.wait_indirect_dma semaphore(%arg24 : memref<!tpu.dma_semaphore, #tpu.memory_space<semaphore_mem>>) src(%arg14 : memref<128x128xf32, #tpu.memory_space<vmem>>) dst(%dma_wait3A_512 : memref<10000x128xf32, #tpu.memory_space<vmem_shared>>)
        } else {
        }
        %add3A_375 = arith.constant 2 : i32
        %add3A_376 = arith.addi %add3A_369, %add3A_375 : i32
        %lt3A_377 = arith.cmpi slt, %add3A_376, %select_n3A : i32
        %convert_element_type3A_378 = arith.extui %lt3A_377 : i1 to i32
        %cond3A_379 = arith.constant 0 : i32
        %cond3A_380 = arith.cmpi ne, %convert_element_type3A_378, %cond3A_379 : i32
        scf.if %cond3A_380 {
          %add3A_506 = arith.constant 2 : i32
          %add3A_507 = arith.addi %add3A_369, %add3A_506 : i32
          %add3A_508 = arith.addi %add3A, %add3A_507 : i32
          %dma_start3A_509 = arith.constant 0 : i32
          %dma_start3A_510 = arith.constant 0 : i32
          %dma_start3A_511 = tpu.memref_slice %arg5[%add3A_508, %dma_start3A_509, %dma_start3A_510] : memref<2500x2x128xi32, #tpu.memory_space<hbm>> -> memref<1x2x128xi32, #tpu.memory_space<hbm>>
          %dma_start3A_512 = tpu.memref_squeeze %dma_start3A_511 : memref<1x2x128xi32, #tpu.memory_space<hbm>> -> memref<2x128xi32, #tpu.memory_space<hbm>>
          %dma_start3A_513 = arith.constant 0 : i32
          %dma_start3A_514 = arith.constant 0 : i32
          %dma_start3A_515 = tpu.memref_slice %arg5[%add3A_508, %dma_start3A_513, %dma_start3A_514] : memref<2500x2x128xi32, #tpu.memory_space<hbm>> -> memref<1x2x128xi32, #tpu.memory_space<hbm>>
          %dma_start3A_516 = tpu.memref_squeeze %dma_start3A_515 : memref<1x2x128xi32, #tpu.memory_space<hbm>> -> memref<2x128xi32, #tpu.memory_space<hbm>>
          tpu.enqueue_dma source(%dma_start3A_516 : memref<2x128xi32, #tpu.memory_space<hbm>>) target(%arg12 : memref<2x128xi32, #tpu.memory_space<vmem>>) target_semaphore(%arg19 : memref<!tpu.dma_semaphore, #tpu.memory_space<semaphore_mem>>)
        } else {
        }
        %add3A_381 = arith.constant 1 : i32
        %add3A_382 = arith.addi %add3A_369, %add3A_381 : i32
        %lt3A_383 = arith.cmpi slt, %add3A_382, %select_n3A : i32
        %convert_element_type3A_384 = arith.extui %lt3A_383 : i1 to i32
        %cond3A_385 = arith.constant 0 : i32
        %cond3A_386 = arith.cmpi ne, %convert_element_type3A_384, %cond3A_385 : i32
        scf.if %cond3A_386 {
          %dma_wait3A_506 = arith.constant 0 : i32
          %dma_wait3A_507 = arith.constant 0 : i32
          %dma_wait3A_508 = tpu.memref_slice %arg5[%add3A, %dma_wait3A_506, %dma_wait3A_507] : memref<2500x2x128xi32, #tpu.memory_space<hbm>> -> memref<1x2x128xi32, #tpu.memory_space<hbm>>
          %dma_wait3A_509 = tpu.memref_squeeze %dma_wait3A_508 : memref<1x2x128xi32, #tpu.memory_space<hbm>> -> memref<2x128xi32, #tpu.memory_space<hbm>>
          %dma_wait3A_510 = arith.constant 0 : i32
          %dma_wait3A_511 = arith.constant 0 : i32
          %dma_wait3A_512 = tpu.memref_slice %arg5[%add3A, %dma_wait3A_510, %dma_wait3A_511] : memref<2500x2x128xi32, #tpu.memory_space<hbm>> -> memref<1x2x128xi32, #tpu.memory_space<hbm>>
          %dma_wait3A_513 = tpu.memref_squeeze %dma_wait3A_512 : memref<1x2x128xi32, #tpu.memory_space<hbm>> -> memref<2x128xi32, #tpu.memory_space<hbm>>
          tpu.wait_dma2 semaphore(%arg18 : memref<!tpu.dma_semaphore, #tpu.memory_space<semaphore_mem>>) src(%dma_wait3A_513 : memref<2x128xi32, #tpu.memory_space<hbm>>) dst(%arg11 : memref<2x128xi32, #tpu.memory_space<vmem>>)
          %dma_start3A_514 = arith.constant 1 : i32
          %dma_start3A_515 = arith.constant 0 : i32
          %dma_start3A_516 = tpu.memref_slice %arg11[%dma_start3A_514, %dma_start3A_515] : memref<2x128xi32, #tpu.memory_space<vmem>> -> memref<1x128xi32, #tpu.memory_space<vmem>>
          %dma_start3A_517 = tpu.memref_squeeze %dma_start3A_516 : memref<1x128xi32, #tpu.memory_space<vmem>> -> memref<128xi32, #tpu.memory_space<vmem>>
          %dma_start3A_518 = arith.constant 0 : i32
          %dma_start3A_519 = arith.constant 0 : i32
          %dma_start3A_520 = tpu.memref_slice %arg3[%dma_start3A_518, %dma_start3A_519] : memref<10000x128xf32, #tpu.memory_space<hbm>> -> memref<10000x128xf32, #tpu.memory_space<hbm>>
          tpu.enqueue_indirect_dma source(%dma_start3A_520 : memref<10000x128xf32, #tpu.memory_space<hbm>>) target(%arg14 : memref<128x128xf32, #tpu.memory_space<vmem>>) offsets(%dma_start3A_517 : memref<128xi32, #tpu.memory_space<vmem>>) semaphore(%arg21 : memref<!tpu.dma_semaphore, #tpu.memory_space<semaphore_mem>>)
        } else {
        }
        %dma_wait3A_387 = arith.constant 1 : i32
        %dma_wait3A_388 = arith.constant 0 : i32
        %dma_wait3A_389 = tpu.memref_slice %arg10[%dma_wait3A_387, %dma_wait3A_388] : memref<2x128xi32, #tpu.memory_space<vmem>> -> memref<1x128xi32, #tpu.memory_space<vmem>>
        %dma_wait3A_390 = tpu.memref_squeeze %dma_wait3A_389 : memref<1x128xi32, #tpu.memory_space<vmem>> -> memref<128xi32, #tpu.memory_space<vmem>>
        %dma_wait3A_391 = arith.constant 0 : i32
        %dma_wait3A_392 = arith.constant 0 : i32
        %dma_wait3A_393 = tpu.memref_slice %arg3[%dma_wait3A_391, %dma_wait3A_392] : memref<10000x128xf32, #tpu.memory_space<hbm>> -> memref<10000x128xf32, #tpu.memory_space<hbm>>
        tpu.wait_indirect_dma semaphore(%arg23 : memref<!tpu.dma_semaphore, #tpu.memory_space<semaphore_mem>>) src(%dma_wait3A_393 : memref<10000x128xf32, #tpu.memory_space<hbm>>) dst(%arg16 : memref<128x128xf32, #tpu.memory_space<vmem>>)
        %dma_start3A_394 = arith.constant 0 : i32
        %dma_start3A_395 = arith.constant 0 : i32
        %dma_start3A_396 = tpu.memref_slice %arg10[%dma_start3A_394, %dma_start3A_395] : memref<2x128xi32, #tpu.memory_space<vmem>> -> memref<1x128xi32, #tpu.memory_space<vmem>>
        %dma_start3A_397 = tpu.memref_squeeze %dma_start3A_396 : memref<1x128xi32, #tpu.memory_space<vmem>> -> memref<128xi32, #tpu.memory_space<vmem>>
        %dma_start3A_398 = arith.constant 0 : i32
        %dma_start3A_399 = arith.constant 0 : i32
        %dma_start3A_400 = tpu.memref_slice %arg9[%dma_start3A_398, %dma_start3A_399] : memref<10000x128xf32, #tpu.memory_space<vmem_shared>> -> memref<10000x128xf32, #tpu.memory_space<vmem_shared>>
        tpu.enqueue_indirect_dma source(%arg16 : memref<128x128xf32, #tpu.memory_space<vmem>>) target(%dma_start3A_400 : memref<10000x128xf32, #tpu.memory_space<vmem_shared>>) offsets(%dma_start3A_397 : memref<128xi32, #tpu.memory_space<vmem>>) semaphore(%arg26 : memref<!tpu.dma_semaphore, #tpu.memory_space<semaphore_mem>>) {add = true}
        %mul3A_401 = arith.constant 12 : i32
        %mul3A_402 = arith.muli %scan3A_86, %mul3A_401 : i32
        %add3A_403 = arith.constant 9 : i32
        %add3A_404 = arith.addi %mul3A_402, %add3A_403 : i32
        %ge3A_405 = arith.constant 2 : i32
        %ge3A_406 = arith.cmpi sge, %add3A_404, %ge3A_405 : i32
        %convert_element_type3A_407 = arith.extui %ge3A_406 : i1 to i32
        %cond3A_408 = arith.constant 0 : i32
        %cond3A_409 = arith.cmpi ne, %convert_element_type3A_407, %cond3A_408 : i32
        scf.if %cond3A_409 {
          %dma_wait3A_506 = arith.constant 0 : i32
          %dma_wait3A_507 = arith.constant 0 : i32
          %dma_wait3A_508 = tpu.memref_slice %arg13[%dma_wait3A_506, %dma_wait3A_507] : memref<2x128xi32, #tpu.memory_space<vmem>> -> memref<1x128xi32, #tpu.memory_space<vmem>>
          %dma_wait3A_509 = tpu.memref_squeeze %dma_wait3A_508 : memref<1x128xi32, #tpu.memory_space<vmem>> -> memref<128xi32, #tpu.memory_space<vmem>>
          %dma_wait3A_510 = arith.constant 0 : i32
          %dma_wait3A_511 = arith.constant 0 : i32
          %dma_wait3A_512 = tpu.memref_slice %arg9[%dma_wait3A_510, %dma_wait3A_511] : memref<10000x128xf32, #tpu.memory_space<vmem_shared>> -> memref<10000x128xf32, #tpu.memory_space<vmem_shared>>
          tpu.wait_indirect_dma semaphore(%arg25 : memref<!tpu.dma_semaphore, #tpu.memory_space<semaphore_mem>>) src(%arg15 : memref<128x128xf32, #tpu.memory_space<vmem>>) dst(%dma_wait3A_512 : memref<10000x128xf32, #tpu.memory_space<vmem_shared>>)
        } else {
        }
        %add3A_410 = arith.constant 2 : i32
        %add3A_411 = arith.addi %add3A_404, %add3A_410 : i32
        %lt3A_412 = arith.cmpi slt, %add3A_411, %select_n3A : i32
        %convert_element_type3A_413 = arith.extui %lt3A_412 : i1 to i32
        %cond3A_414 = arith.constant 0 : i32
        %cond3A_415 = arith.cmpi ne, %convert_element_type3A_413, %cond3A_414 : i32
        scf.if %cond3A_415 {
          %add3A_506 = arith.constant 2 : i32
          %add3A_507 = arith.addi %add3A_404, %add3A_506 : i32
          %add3A_508 = arith.addi %add3A, %add3A_507 : i32
          %dma_start3A_509 = arith.constant 0 : i32
          %dma_start3A_510 = arith.constant 0 : i32
          %dma_start3A_511 = tpu.memref_slice %arg5[%add3A_508, %dma_start3A_509, %dma_start3A_510] : memref<2500x2x128xi32, #tpu.memory_space<hbm>> -> memref<1x2x128xi32, #tpu.memory_space<hbm>>
          %dma_start3A_512 = tpu.memref_squeeze %dma_start3A_511 : memref<1x2x128xi32, #tpu.memory_space<hbm>> -> memref<2x128xi32, #tpu.memory_space<hbm>>
          %dma_start3A_513 = arith.constant 0 : i32
          %dma_start3A_514 = arith.constant 0 : i32
          %dma_start3A_515 = tpu.memref_slice %arg5[%add3A_508, %dma_start3A_513, %dma_start3A_514] : memref<2500x2x128xi32, #tpu.memory_space<hbm>> -> memref<1x2x128xi32, #tpu.memory_space<hbm>>
          %dma_start3A_516 = tpu.memref_squeeze %dma_start3A_515 : memref<1x2x128xi32, #tpu.memory_space<hbm>> -> memref<2x128xi32, #tpu.memory_space<hbm>>
          tpu.enqueue_dma source(%dma_start3A_516 : memref<2x128xi32, #tpu.memory_space<hbm>>) target(%arg13 : memref<2x128xi32, #tpu.memory_space<vmem>>) target_semaphore(%arg20 : memref<!tpu.dma_semaphore, #tpu.memory_space<semaphore_mem>>)
        } else {
        }
        %add3A_416 = arith.constant 1 : i32
        %add3A_417 = arith.addi %add3A_404, %add3A_416 : i32
        %lt3A_418 = arith.cmpi slt, %add3A_417, %select_n3A : i32
        %convert_element_type3A_419 = arith.extui %lt3A_418 : i1 to i32
        %cond3A_420 = arith.constant 0 : i32
        %cond3A_421 = arith.cmpi ne, %convert_element_type3A_419, %cond3A_420 : i32
        scf.if %cond3A_421 {
          %dma_wait3A_506 = arith.constant 0 : i32
          %dma_wait3A_507 = arith.constant 0 : i32
          %dma_wait3A_508 = tpu.memref_slice %arg5[%add3A, %dma_wait3A_506, %dma_wait3A_507] : memref<2500x2x128xi32, #tpu.memory_space<hbm>> -> memref<1x2x128xi32, #tpu.memory_space<hbm>>
          %dma_wait3A_509 = tpu.memref_squeeze %dma_wait3A_508 : memref<1x2x128xi32, #tpu.memory_space<hbm>> -> memref<2x128xi32, #tpu.memory_space<hbm>>
          %dma_wait3A_510 = arith.constant 0 : i32
          %dma_wait3A_511 = arith.constant 0 : i32
          %dma_wait3A_512 = tpu.memref_slice %arg5[%add3A, %dma_wait3A_510, %dma_wait3A_511] : memref<2500x2x128xi32, #tpu.memory_space<hbm>> -> memref<1x2x128xi32, #tpu.memory_space<hbm>>
          %dma_wait3A_513 = tpu.memref_squeeze %dma_wait3A_512 : memref<1x2x128xi32, #tpu.memory_space<hbm>> -> memref<2x128xi32, #tpu.memory_space<hbm>>
          tpu.wait_dma2 semaphore(%arg19 : memref<!tpu.dma_semaphore, #tpu.memory_space<semaphore_mem>>) src(%dma_wait3A_513 : memref<2x128xi32, #tpu.memory_space<hbm>>) dst(%arg12 : memref<2x128xi32, #tpu.memory_space<vmem>>)
          %dma_start3A_514 = arith.constant 1 : i32
          %dma_start3A_515 = arith.constant 0 : i32
          %dma_start3A_516 = tpu.memref_slice %arg12[%dma_start3A_514, %dma_start3A_515] : memref<2x128xi32, #tpu.memory_space<vmem>> -> memref<1x128xi32, #tpu.memory_space<vmem>>
          %dma_start3A_517 = tpu.memref_squeeze %dma_start3A_516 : memref<1x128xi32, #tpu.memory_space<vmem>> -> memref<128xi32, #tpu.memory_space<vmem>>
          %dma_start3A_518 = arith.constant 0 : i32
          %dma_start3A_519 = arith.constant 0 : i32
          %dma_start3A_520 = tpu.memref_slice %arg3[%dma_start3A_518, %dma_start3A_519] : memref<10000x128xf32, #tpu.memory_space<hbm>> -> memref<10000x128xf32, #tpu.memory_space<hbm>>
          tpu.enqueue_indirect_dma source(%dma_start3A_520 : memref<10000x128xf32, #tpu.memory_space<hbm>>) target(%arg15 : memref<128x128xf32, #tpu.memory_space<vmem>>) offsets(%dma_start3A_517 : memref<128xi32, #tpu.memory_space<vmem>>) semaphore(%arg22 : memref<!tpu.dma_semaphore, #tpu.memory_space<semaphore_mem>>)
        } else {
        }
        %dma_wait3A_422 = arith.constant 1 : i32
        %dma_wait3A_423 = arith.constant 0 : i32
        %dma_wait3A_424 = tpu.memref_slice %arg11[%dma_wait3A_422, %dma_wait3A_423] : memref<2x128xi32, #tpu.memory_space<vmem>> -> memref<1x128xi32, #tpu.memory_space<vmem>>
        %dma_wait3A_425 = tpu.memref_squeeze %dma_wait3A_424 : memref<1x128xi32, #tpu.memory_space<vmem>> -> memref<128xi32, #tpu.memory_space<vmem>>
        %dma_wait3A_426 = arith.constant 0 : i32
        %dma_wait3A_427 = arith.constant 0 : i32
        %dma_wait3A_428 = tpu.memref_slice %arg3[%dma_wait3A_426, %dma_wait3A_427] : memref<10000x128xf32, #tpu.memory_space<hbm>> -> memref<10000x128xf32, #tpu.memory_space<hbm>>
        tpu.wait_indirect_dma semaphore(%arg21 : memref<!tpu.dma_semaphore, #tpu.memory_space<semaphore_mem>>) src(%dma_wait3A_428 : memref<10000x128xf32, #tpu.memory_space<hbm>>) dst(%arg14 : memref<128x128xf32, #tpu.memory_space<vmem>>)
        %dma_start3A_429 = arith.constant 0 : i32
        %dma_start3A_430 = arith.constant 0 : i32
        %dma_start3A_431 = tpu.memref_slice %arg11[%dma_start3A_429, %dma_start3A_430] : memref<2x128xi32, #tpu.memory_space<vmem>> -> memref<1x128xi32, #tpu.memory_space<vmem>>
        %dma_start3A_432 = tpu.memref_squeeze %dma_start3A_431 : memref<1x128xi32, #tpu.memory_space<vmem>> -> memref<128xi32, #tpu.memory_space<vmem>>
        %dma_start3A_433 = arith.constant 0 : i32
        %dma_start3A_434 = arith.constant 0 : i32
        %dma_start3A_435 = tpu.memref_slice %arg9[%dma_start3A_433, %dma_start3A_434] : memref<10000x128xf32, #tpu.memory_space<vmem_shared>> -> memref<10000x128xf32, #tpu.memory_space<vmem_shared>>
        tpu.enqueue_indirect_dma source(%arg14 : memref<128x128xf32, #tpu.memory_space<vmem>>) target(%dma_start3A_435 : memref<10000x128xf32, #tpu.memory_space<vmem_shared>>) offsets(%dma_start3A_432 : memref<128xi32, #tpu.memory_space<vmem>>) semaphore(%arg24 : memref<!tpu.dma_semaphore, #tpu.memory_space<semaphore_mem>>) {add = true}
        %mul3A_436 = arith.constant 12 : i32
        %mul3A_437 = arith.muli %scan3A_86, %mul3A_436 : i32
        %add3A_438 = arith.constant 10 : i32
        %add3A_439 = arith.addi %mul3A_437, %add3A_438 : i32
        %ge3A_440 = arith.constant 2 : i32
        %ge3A_441 = arith.cmpi sge, %add3A_439, %ge3A_440 : i32
        %convert_element_type3A_442 = arith.extui %ge3A_441 : i1 to i32
        %cond3A_443 = arith.constant 0 : i32
        %cond3A_444 = arith.cmpi ne, %convert_element_type3A_442, %cond3A_443 : i32
        scf.if %cond3A_444 {
          %dma_wait3A_506 = arith.constant 0 : i32
          %dma_wait3A_507 = arith.constant 0 : i32
          %dma_wait3A_508 = tpu.memref_slice %arg10[%dma_wait3A_506, %dma_wait3A_507] : memref<2x128xi32, #tpu.memory_space<vmem>> -> memref<1x128xi32, #tpu.memory_space<vmem>>
          %dma_wait3A_509 = tpu.memref_squeeze %dma_wait3A_508 : memref<1x128xi32, #tpu.memory_space<vmem>> -> memref<128xi32, #tpu.memory_space<vmem>>
          %dma_wait3A_510 = arith.constant 0 : i32
          %dma_wait3A_511 = arith.constant 0 : i32
          %dma_wait3A_512 = tpu.memref_slice %arg9[%dma_wait3A_510, %dma_wait3A_511] : memref<10000x128xf32, #tpu.memory_space<vmem_shared>> -> memref<10000x128xf32, #tpu.memory_space<vmem_shared>>
          tpu.wait_indirect_dma semaphore(%arg26 : memref<!tpu.dma_semaphore, #tpu.memory_space<semaphore_mem>>) src(%arg16 : memref<128x128xf32, #tpu.memory_space<vmem>>) dst(%dma_wait3A_512 : memref<10000x128xf32, #tpu.memory_space<vmem_shared>>)
        } else {
        }
        %add3A_445 = arith.constant 2 : i32
        %add3A_446 = arith.addi %add3A_439, %add3A_445 : i32
        %lt3A_447 = arith.cmpi slt, %add3A_446, %select_n3A : i32
        %convert_element_type3A_448 = arith.extui %lt3A_447 : i1 to i32
        %cond3A_449 = arith.constant 0 : i32
        %cond3A_450 = arith.cmpi ne, %convert_element_type3A_448, %cond3A_449 : i32
        scf.if %cond3A_450 {
          %add3A_506 = arith.constant 2 : i32
          %add3A_507 = arith.addi %add3A_439, %add3A_506 : i32
          %add3A_508 = arith.addi %add3A, %add3A_507 : i32
          %dma_start3A_509 = arith.constant 0 : i32
          %dma_start3A_510 = arith.constant 0 : i32
          %dma_start3A_511 = tpu.memref_slice %arg5[%add3A_508, %dma_start3A_509, %dma_start3A_510] : memref<2500x2x128xi32, #tpu.memory_space<hbm>> -> memref<1x2x128xi32, #tpu.memory_space<hbm>>
          %dma_start3A_512 = tpu.memref_squeeze %dma_start3A_511 : memref<1x2x128xi32, #tpu.memory_space<hbm>> -> memref<2x128xi32, #tpu.memory_space<hbm>>
          %dma_start3A_513 = arith.constant 0 : i32
          %dma_start3A_514 = arith.constant 0 : i32
          %dma_start3A_515 = tpu.memref_slice %arg5[%add3A_508, %dma_start3A_513, %dma_start3A_514] : memref<2500x2x128xi32, #tpu.memory_space<hbm>> -> memref<1x2x128xi32, #tpu.memory_space<hbm>>
          %dma_start3A_516 = tpu.memref_squeeze %dma_start3A_515 : memref<1x2x128xi32, #tpu.memory_space<hbm>> -> memref<2x128xi32, #tpu.memory_space<hbm>>
          tpu.enqueue_dma source(%dma_start3A_516 : memref<2x128xi32, #tpu.memory_space<hbm>>) target(%arg10 : memref<2x128xi32, #tpu.memory_space<vmem>>) target_semaphore(%arg17 : memref<!tpu.dma_semaphore, #tpu.memory_space<semaphore_mem>>)
        } else {
        }
        %add3A_451 = arith.constant 1 : i32
        %add3A_452 = arith.addi %add3A_439, %add3A_451 : i32
        %lt3A_453 = arith.cmpi slt, %add3A_452, %select_n3A : i32
        %convert_element_type3A_454 = arith.extui %lt3A_453 : i1 to i32
        %cond3A_455 = arith.constant 0 : i32
        %cond3A_456 = arith.cmpi ne, %convert_element_type3A_454, %cond3A_455 : i32
        scf.if %cond3A_456 {
          %dma_wait3A_506 = arith.constant 0 : i32
          %dma_wait3A_507 = arith.constant 0 : i32
          %dma_wait3A_508 = tpu.memref_slice %arg5[%add3A, %dma_wait3A_506, %dma_wait3A_507] : memref<2500x2x128xi32, #tpu.memory_space<hbm>> -> memref<1x2x128xi32, #tpu.memory_space<hbm>>
          %dma_wait3A_509 = tpu.memref_squeeze %dma_wait3A_508 : memref<1x2x128xi32, #tpu.memory_space<hbm>> -> memref<2x128xi32, #tpu.memory_space<hbm>>
          %dma_wait3A_510 = arith.constant 0 : i32
          %dma_wait3A_511 = arith.constant 0 : i32
          %dma_wait3A_512 = tpu.memref_slice %arg5[%add3A, %dma_wait3A_510, %dma_wait3A_511] : memref<2500x2x128xi32, #tpu.memory_space<hbm>> -> memref<1x2x128xi32, #tpu.memory_space<hbm>>
          %dma_wait3A_513 = tpu.memref_squeeze %dma_wait3A_512 : memref<1x2x128xi32, #tpu.memory_space<hbm>> -> memref<2x128xi32, #tpu.memory_space<hbm>>
          tpu.wait_dma2 semaphore(%arg20 : memref<!tpu.dma_semaphore, #tpu.memory_space<semaphore_mem>>) src(%dma_wait3A_513 : memref<2x128xi32, #tpu.memory_space<hbm>>) dst(%arg13 : memref<2x128xi32, #tpu.memory_space<vmem>>)
          %dma_start3A_514 = arith.constant 1 : i32
          %dma_start3A_515 = arith.constant 0 : i32
          %dma_start3A_516 = tpu.memref_slice %arg13[%dma_start3A_514, %dma_start3A_515] : memref<2x128xi32, #tpu.memory_space<vmem>> -> memref<1x128xi32, #tpu.memory_space<vmem>>
          %dma_start3A_517 = tpu.memref_squeeze %dma_start3A_516 : memref<1x128xi32, #tpu.memory_space<vmem>> -> memref<128xi32, #tpu.memory_space<vmem>>
          %dma_start3A_518 = arith.constant 0 : i32
          %dma_start3A_519 = arith.constant 0 : i32
          %dma_start3A_520 = tpu.memref_slice %arg3[%dma_start3A_518, %dma_start3A_519] : memref<10000x128xf32, #tpu.memory_space<hbm>> -> memref<10000x128xf32, #tpu.memory_space<hbm>>
          tpu.enqueue_indirect_dma source(%dma_start3A_520 : memref<10000x128xf32, #tpu.memory_space<hbm>>) target(%arg16 : memref<128x128xf32, #tpu.memory_space<vmem>>) offsets(%dma_start3A_517 : memref<128xi32, #tpu.memory_space<vmem>>) semaphore(%arg23 : memref<!tpu.dma_semaphore, #tpu.memory_space<semaphore_mem>>)
        } else {
        }
        %dma_wait3A_457 = arith.constant 1 : i32
        %dma_wait3A_458 = arith.constant 0 : i32
        %dma_wait3A_459 = tpu.memref_slice %arg12[%dma_wait3A_457, %dma_wait3A_458] : memref<2x128xi32, #tpu.memory_space<vmem>> -> memref<1x128xi32, #tpu.memory_space<vmem>>
        %dma_wait3A_460 = tpu.memref_squeeze %dma_wait3A_459 : memref<1x128xi32, #tpu.memory_space<vmem>> -> memref<128xi32, #tpu.memory_space<vmem>>
        %dma_wait3A_461 = arith.constant 0 : i32
        %dma_wait3A_462 = arith.constant 0 : i32
        %dma_wait3A_463 = tpu.memref_slice %arg3[%dma_wait3A_461, %dma_wait3A_462] : memref<10000x128xf32, #tpu.memory_space<hbm>> -> memref<10000x128xf32, #tpu.memory_space<hbm>>
        tpu.wait_indirect_dma semaphore(%arg22 : memref<!tpu.dma_semaphore, #tpu.memory_space<semaphore_mem>>) src(%dma_wait3A_463 : memref<10000x128xf32, #tpu.memory_space<hbm>>) dst(%arg15 : memref<128x128xf32, #tpu.memory_space<vmem>>)
        %dma_start3A_464 = arith.constant 0 : i32
        %dma_start3A_465 = arith.constant 0 : i32
        %dma_start3A_466 = tpu.memref_slice %arg12[%dma_start3A_464, %dma_start3A_465] : memref<2x128xi32, #tpu.memory_space<vmem>> -> memref<1x128xi32, #tpu.memory_space<vmem>>
        %dma_start3A_467 = tpu.memref_squeeze %dma_start3A_466 : memref<1x128xi32, #tpu.memory_space<vmem>> -> memref<128xi32, #tpu.memory_space<vmem>>
        %dma_start3A_468 = arith.constant 0 : i32
        %dma_start3A_469 = arith.constant 0 : i32
        %dma_start3A_470 = tpu.memref_slice %arg9[%dma_start3A_468, %dma_start3A_469] : memref<10000x128xf32, #tpu.memory_space<vmem_shared>> -> memref<10000x128xf32, #tpu.memory_space<vmem_shared>>
        tpu.enqueue_indirect_dma source(%arg15 : memref<128x128xf32, #tpu.memory_space<vmem>>) target(%dma_start3A_470 : memref<10000x128xf32, #tpu.memory_space<vmem_shared>>) offsets(%dma_start3A_467 : memref<128xi32, #tpu.memory_space<vmem>>) semaphore(%arg25 : memref<!tpu.dma_semaphore, #tpu.memory_space<semaphore_mem>>) {add = true}
        %mul3A_471 = arith.constant 12 : i32
        %mul3A_472 = arith.muli %scan3A_86, %mul3A_471 : i32
        %add3A_473 = arith.constant 11 : i32
        %add3A_474 = arith.addi %mul3A_472, %add3A_473 : i32
        %ge3A_475 = arith.constant 2 : i32
        %ge3A_476 = arith.cmpi sge, %add3A_474, %ge3A_475 : i32
        %convert_element_type3A_477 = arith.extui %ge3A_476 : i1 to i32
        %cond3A_478 = arith.constant 0 : i32
        %cond3A_479 = arith.cmpi ne, %convert_element_type3A_477, %cond3A_478 : i32
        scf.if %cond3A_479 {
          %dma_wait3A_506 = arith.constant 0 : i32
          %dma_wait3A_507 = arith.constant 0 : i32
          %dma_wait3A_508 = tpu.memref_slice %arg11[%dma_wait3A_506, %dma_wait3A_507] : memref<2x128xi32, #tpu.memory_space<vmem>> -> memref<1x128xi32, #tpu.memory_space<vmem>>
          %dma_wait3A_509 = tpu.memref_squeeze %dma_wait3A_508 : memref<1x128xi32, #tpu.memory_space<vmem>> -> memref<128xi32, #tpu.memory_space<vmem>>
          %dma_wait3A_510 = arith.constant 0 : i32
          %dma_wait3A_511 = arith.constant 0 : i32
          %dma_wait3A_512 = tpu.memref_slice %arg9[%dma_wait3A_510, %dma_wait3A_511] : memref<10000x128xf32, #tpu.memory_space<vmem_shared>> -> memref<10000x128xf32, #tpu.memory_space<vmem_shared>>
          tpu.wait_indirect_dma semaphore(%arg24 : memref<!tpu.dma_semaphore, #tpu.memory_space<semaphore_mem>>) src(%arg14 : memref<128x128xf32, #tpu.memory_space<vmem>>) dst(%dma_wait3A_512 : memref<10000x128xf32, #tpu.memory_space<vmem_shared>>)
        } else {
        }
        %add3A_480 = arith.constant 2 : i32
        %add3A_481 = arith.addi %add3A_474, %add3A_480 : i32
        %lt3A_482 = arith.cmpi slt, %add3A_481, %select_n3A : i32
        %convert_element_type3A_483 = arith.extui %lt3A_482 : i1 to i32
        %cond3A_484 = arith.constant 0 : i32
        %cond3A_485 = arith.cmpi ne, %convert_element_type3A_483, %cond3A_484 : i32
        scf.if %cond3A_485 {
          %add3A_506 = arith.constant 2 : i32
          %add3A_507 = arith.addi %add3A_474, %add3A_506 : i32
          %add3A_508 = arith.addi %add3A, %add3A_507 : i32
          %dma_start3A_509 = arith.constant 0 : i32
          %dma_start3A_510 = arith.constant 0 : i32
          %dma_start3A_511 = tpu.memref_slice %arg5[%add3A_508, %dma_start3A_509, %dma_start3A_510] : memref<2500x2x128xi32, #tpu.memory_space<hbm>> -> memref<1x2x128xi32, #tpu.memory_space<hbm>>
          %dma_start3A_512 = tpu.memref_squeeze %dma_start3A_511 : memref<1x2x128xi32, #tpu.memory_space<hbm>> -> memref<2x128xi32, #tpu.memory_space<hbm>>
          %dma_start3A_513 = arith.constant 0 : i32
          %dma_start3A_514 = arith.constant 0 : i32
          %dma_start3A_515 = tpu.memref_slice %arg5[%add3A_508, %dma_start3A_513, %dma_start3A_514] : memref<2500x2x128xi32, #tpu.memory_space<hbm>> -> memref<1x2x128xi32, #tpu.memory_space<hbm>>
          %dma_start3A_516 = tpu.memref_squeeze %dma_start3A_515 : memref<1x2x128xi32, #tpu.memory_space<hbm>> -> memref<2x128xi32, #tpu.memory_space<hbm>>
          tpu.enqueue_dma source(%dma_start3A_516 : memref<2x128xi32, #tpu.memory_space<hbm>>) target(%arg11 : memref<2x128xi32, #tpu.memory_space<vmem>>) target_semaphore(%arg18 : memref<!tpu.dma_semaphore, #tpu.memory_space<semaphore_mem>>)
        } else {
        }
        %add3A_486 = arith.constant 1 : i32
        %add3A_487 = arith.addi %add3A_474, %add3A_486 : i32
        %lt3A_488 = arith.cmpi slt, %add3A_487, %select_n3A : i32
        %convert_element_type3A_489 = arith.extui %lt3A_488 : i1 to i32
        %cond3A_490 = arith.constant 0 : i32
        %cond3A_491 = arith.cmpi ne, %convert_element_type3A_489, %cond3A_490 : i32
        scf.if %cond3A_491 {
          %dma_wait3A_506 = arith.constant 0 : i32
          %dma_wait3A_507 = arith.constant 0 : i32
          %dma_wait3A_508 = tpu.memref_slice %arg5[%add3A, %dma_wait3A_506, %dma_wait3A_507] : memref<2500x2x128xi32, #tpu.memory_space<hbm>> -> memref<1x2x128xi32, #tpu.memory_space<hbm>>
          %dma_wait3A_509 = tpu.memref_squeeze %dma_wait3A_508 : memref<1x2x128xi32, #tpu.memory_space<hbm>> -> memref<2x128xi32, #tpu.memory_space<hbm>>
          %dma_wait3A_510 = arith.constant 0 : i32
          %dma_wait3A_511 = arith.constant 0 : i32
          %dma_wait3A_512 = tpu.memref_slice %arg5[%add3A, %dma_wait3A_510, %dma_wait3A_511] : memref<2500x2x128xi32, #tpu.memory_space<hbm>> -> memref<1x2x128xi32, #tpu.memory_space<hbm>>
          %dma_wait3A_513 = tpu.memref_squeeze %dma_wait3A_512 : memref<1x2x128xi32, #tpu.memory_space<hbm>> -> memref<2x128xi32, #tpu.memory_space<hbm>>
          tpu.wait_dma2 semaphore(%arg17 : memref<!tpu.dma_semaphore, #tpu.memory_space<semaphore_mem>>) src(%dma_wait3A_513 : memref<2x128xi32, #tpu.memory_space<hbm>>) dst(%arg10 : memref<2x128xi32, #tpu.memory_space<vmem>>)
          %dma_start3A_514 = arith.constant 1 : i32
          %dma_start3A_515 = arith.constant 0 : i32
          %dma_start3A_516 = tpu.memref_slice %arg10[%dma_start3A_514, %dma_start3A_515] : memref<2x128xi32, #tpu.memory_space<vmem>> -> memref<1x128xi32, #tpu.memory_space<vmem>>
          %dma_start3A_517 = tpu.memref_squeeze %dma_start3A_516 : memref<1x128xi32, #tpu.memory_space<vmem>> -> memref<128xi32, #tpu.memory_space<vmem>>
          %dma_start3A_518 = arith.constant 0 : i32
          %dma_start3A_519 = arith.constant 0 : i32
          %dma_start3A_520 = tpu.memref_slice %arg3[%dma_start3A_518, %dma_start3A_519] : memref<10000x128xf32, #tpu.memory_space<hbm>> -> memref<10000x128xf32, #tpu.memory_space<hbm>>
          tpu.enqueue_indirect_dma source(%dma_start3A_520 : memref<10000x128xf32, #tpu.memory_space<hbm>>) target(%arg14 : memref<128x128xf32, #tpu.memory_space<vmem>>) offsets(%dma_start3A_517 : memref<128xi32, #tpu.memory_space<vmem>>) semaphore(%arg21 : memref<!tpu.dma_semaphore, #tpu.memory_space<semaphore_mem>>)
        } else {
        }
        %dma_wait3A_492 = arith.constant 1 : i32
        %dma_wait3A_493 = arith.constant 0 : i32
        %dma_wait3A_494 = tpu.memref_slice %arg13[%dma_wait3A_492, %dma_wait3A_493] : memref<2x128xi32, #tpu.memory_space<vmem>> -> memref<1x128xi32, #tpu.memory_space<vmem>>
        %dma_wait3A_495 = tpu.memref_squeeze %dma_wait3A_494 : memref<1x128xi32, #tpu.memory_space<vmem>> -> memref<128xi32, #tpu.memory_space<vmem>>
        %dma_wait3A_496 = arith.constant 0 : i32
        %dma_wait3A_497 = arith.constant 0 : i32
        %dma_wait3A_498 = tpu.memref_slice %arg3[%dma_wait3A_496, %dma_wait3A_497] : memref<10000x128xf32, #tpu.memory_space<hbm>> -> memref<10000x128xf32, #tpu.memory_space<hbm>>
        tpu.wait_indirect_dma semaphore(%arg23 : memref<!tpu.dma_semaphore, #tpu.memory_space<semaphore_mem>>) src(%dma_wait3A_498 : memref<10000x128xf32, #tpu.memory_space<hbm>>) dst(%arg16 : memref<128x128xf32, #tpu.memory_space<vmem>>)
        %dma_start3A_499 = arith.constant 0 : i32
        %dma_start3A_500 = arith.constant 0 : i32
        %dma_start3A_501 = tpu.memref_slice %arg13[%dma_start3A_499, %dma_start3A_500] : memref<2x128xi32, #tpu.memory_space<vmem>> -> memref<1x128xi32, #tpu.memory_space<vmem>>
        %dma_start3A_502 = tpu.memref_squeeze %dma_start3A_501 : memref<1x128xi32, #tpu.memory_space<vmem>> -> memref<128xi32, #tpu.memory_space<vmem>>
        %dma_start3A_503 = arith.constant 0 : i32
        %dma_start3A_504 = arith.constant 0 : i32
        %dma_start3A_505 = tpu.memref_slice %arg9[%dma_start3A_503, %dma_start3A_504] : memref<10000x128xf32, #tpu.memory_space<vmem_shared>> -> memref<10000x128xf32, #tpu.memory_space<vmem_shared>>
        tpu.enqueue_indirect_dma source(%arg16 : memref<128x128xf32, #tpu.memory_space<vmem>>) target(%dma_start3A_505 : memref<10000x128xf32, #tpu.memory_space<vmem_shared>>) offsets(%dma_start3A_502 : memref<128xi32, #tpu.memory_space<vmem>>) semaphore(%arg26 : memref<!tpu.dma_semaphore, #tpu.memory_space<semaphore_mem>>) {add = true}
      }
      %scan3A_55 = arith.constant 13 : i32
      %lt3A_56 = arith.constant 4 : i32
      %lt3A_57 = arith.cmpi slt, %arg1, %lt3A_56 : i32
      %convert_element_type3A_58 = arith.extui %lt3A_57 : i1 to i32
      %cond3A_59 = arith.constant 0 : i32
      %cond3A_60 = arith.cmpi ne, %convert_element_type3A_58, %cond3A_59 : i32
      scf.if %cond3A_60 {
        %dma_wait3A_86 = arith.constant 1 : i32
        %dma_wait3A_87 = arith.constant 0 : i32
        %dma_wait3A_88 = tpu.memref_slice %arg10[%dma_wait3A_86, %dma_wait3A_87] : memref<2x128xi32, #tpu.memory_space<vmem>> -> memref<1x128xi32, #tpu.memory_space<vmem>>
        %dma_wait3A_89 = tpu.memref_squeeze %dma_wait3A_88 : memref<1x128xi32, #tpu.memory_space<vmem>> -> memref<128xi32, #tpu.memory_space<vmem>>
        %dma_wait3A_90 = arith.constant 0 : i32
        %dma_wait3A_91 = arith.constant 0 : i32
        %dma_wait3A_92 = tpu.memref_slice %arg3[%dma_wait3A_90, %dma_wait3A_91] : memref<10000x128xf32, #tpu.memory_space<hbm>> -> memref<10000x128xf32, #tpu.memory_space<hbm>>
        tpu.wait_indirect_dma semaphore(%arg21 : memref<!tpu.dma_semaphore, #tpu.memory_space<semaphore_mem>>) src(%dma_wait3A_92 : memref<10000x128xf32, #tpu.memory_space<hbm>>) dst(%arg14 : memref<128x128xf32, #tpu.memory_space<vmem>>)
        %dma_start3A_93 = arith.constant 0 : i32
        %dma_start3A_94 = arith.constant 0 : i32
        %dma_start3A_95 = tpu.memref_slice %arg10[%dma_start3A_93, %dma_start3A_94] : memref<2x128xi32, #tpu.memory_space<vmem>> -> memref<1x128xi32, #tpu.memory_space<vmem>>
        %dma_start3A_96 = tpu.memref_squeeze %dma_start3A_95 : memref<1x128xi32, #tpu.memory_space<vmem>> -> memref<128xi32, #tpu.memory_space<vmem>>
        %dma_start3A_97 = arith.constant 0 : i32
        %dma_start3A_98 = arith.constant 0 : i32
        %dma_start3A_99 = tpu.memref_slice %arg9[%dma_start3A_97, %dma_start3A_98] : memref<10000x128xf32, #tpu.memory_space<vmem_shared>> -> memref<10000x128xf32, #tpu.memory_space<vmem_shared>>
        tpu.enqueue_indirect_dma source(%arg14 : memref<128x128xf32, #tpu.memory_space<vmem>>) target(%dma_start3A_99 : memref<10000x128xf32, #tpu.memory_space<vmem_shared>>) offsets(%dma_start3A_96 : memref<128xi32, #tpu.memory_space<vmem>>) semaphore(%arg24 : memref<!tpu.dma_semaphore, #tpu.memory_space<semaphore_mem>>) {add = true}
      } else {
      }
      %dma_wait3A_61 = arith.constant 0 : i32
      %dma_wait3A_62 = arith.constant 0 : i32
      %dma_wait3A_63 = tpu.memref_slice %arg12[%dma_wait3A_61, %dma_wait3A_62] : memref<2x128xi32, #tpu.memory_space<vmem>> -> memref<1x128xi32, #tpu.memory_space<vmem>>
      %dma_wait3A_64 = tpu.memref_squeeze %dma_wait3A_63 : memref<1x128xi32, #tpu.memory_space<vmem>> -> memref<128xi32, #tpu.memory_space<vmem>>
      %dma_wait3A_65 = arith.constant 0 : i32
      %dma_wait3A_66 = arith.constant 0 : i32
      %dma_wait3A_67 = tpu.memref_slice %arg9[%dma_wait3A_65, %dma_wait3A_66] : memref<10000x128xf32, #tpu.memory_space<vmem_shared>> -> memref<10000x128xf32, #tpu.memory_space<vmem_shared>>
      tpu.wait_indirect_dma semaphore(%arg25 : memref<!tpu.dma_semaphore, #tpu.memory_space<semaphore_mem>>) src(%arg15 : memref<128x128xf32, #tpu.memory_space<vmem>>) dst(%dma_wait3A_67 : memref<10000x128xf32, #tpu.memory_space<vmem_shared>>)
      %dma_wait3A_68 = arith.constant 0 : i32
      %dma_wait3A_69 = arith.constant 0 : i32
      %dma_wait3A_70 = tpu.memref_slice %arg13[%dma_wait3A_68, %dma_wait3A_69] : memref<2x128xi32, #tpu.memory_space<vmem>> -> memref<1x128xi32, #tpu.memory_space<vmem>>
      %dma_wait3A_71 = tpu.memref_squeeze %dma_wait3A_70 : memref<1x128xi32, #tpu.memory_space<vmem>> -> memref<128xi32, #tpu.memory_space<vmem>>
      %dma_wait3A_72 = arith.constant 0 : i32
      %dma_wait3A_73 = arith.constant 0 : i32
      %dma_wait3A_74 = tpu.memref_slice %arg9[%dma_wait3A_72, %dma_wait3A_73] : memref<10000x128xf32, #tpu.memory_space<vmem_shared>> -> memref<10000x128xf32, #tpu.memory_space<vmem_shared>>
      tpu.wait_indirect_dma semaphore(%arg26 : memref<!tpu.dma_semaphore, #tpu.memory_space<semaphore_mem>>) src(%arg16 : memref<128x128xf32, #tpu.memory_space<vmem>>) dst(%dma_wait3A_74 : memref<10000x128xf32, #tpu.memory_space<vmem_shared>>)
      %lt3A_75 = arith.constant 4 : i32
      %lt3A_76 = arith.cmpi slt, %arg1, %lt3A_75 : i32
      %convert_element_type3A_77 = arith.extui %lt3A_76 : i1 to i32
      %cond3A_78 = arith.constant 0 : i32
      %cond3A_79 = arith.cmpi ne, %convert_element_type3A_77, %cond3A_78 : i32
      scf.if %cond3A_79 {
        %dma_wait3A_86 = arith.constant 0 : i32
        %dma_wait3A_87 = arith.constant 0 : i32
        %dma_wait3A_88 = tpu.memref_slice %arg10[%dma_wait3A_86, %dma_wait3A_87] : memref<2x128xi32, #tpu.memory_space<vmem>> -> memref<1x128xi32, #tpu.memory_space<vmem>>
        %dma_wait3A_89 = tpu.memref_squeeze %dma_wait3A_88 : memref<1x128xi32, #tpu.memory_space<vmem>> -> memref<128xi32, #tpu.memory_space<vmem>>
        %dma_wait3A_90 = arith.constant 0 : i32
        %dma_wait3A_91 = arith.constant 0 : i32
        %dma_wait3A_92 = tpu.memref_slice %arg9[%dma_wait3A_90, %dma_wait3A_91] : memref<10000x128xf32, #tpu.memory_space<vmem_shared>> -> memref<10000x128xf32, #tpu.memory_space<vmem_shared>>
        tpu.wait_indirect_dma semaphore(%arg24 : memref<!tpu.dma_semaphore, #tpu.memory_space<semaphore_mem>>) src(%arg14 : memref<128x128xf32, #tpu.memory_space<vmem>>) dst(%dma_wait3A_92 : memref<10000x128xf32, #tpu.memory_space<vmem_shared>>)
      } else {
      }
      %barrier3A_80 = arith.constant 0 : index
      tpu.barrier barrier_id(%barrier3A_80)
      "tpu.region"() ({
        %run_scoped3A = tpu.sem_alloc : memref<!tpu.dma_semaphore, #tpu.memory_space<semaphore_mem>>
        %dma_start3A_86 = arith.constant 0 : i32
        %dma_start3A_87 = tpu.memref_slice %arg8[%mul3A_7, %dma_start3A_86] : memref<10000x128xf32, #tpu.memory_space<hbm>> -> memref<624x128xf32, #tpu.memory_space<hbm>>
        %dma_start3A_88 = arith.constant 0 : i32
        %dma_start3A_89 = tpu.memref_slice %arg9[%mul3A_7, %dma_start3A_88] : memref<10000x128xf32, #tpu.memory_space<vmem_shared>> -> memref<624x128xf32, #tpu.memory_space<vmem_shared>>
        tpu.enqueue_dma source(%dma_start3A_89 : memref<624x128xf32, #tpu.memory_space<vmem_shared>>) target(%dma_start3A_87 : memref<624x128xf32, #tpu.memory_space<hbm>>) target_semaphore(%run_scoped3A : memref<!tpu.dma_semaphore, #tpu.memory_space<semaphore_mem>>)
        %dma_wait3A_90 = arith.constant 0 : i32
        %dma_wait3A_91 = tpu.memref_slice %arg8[%mul3A_7, %dma_wait3A_90] : memref<10000x128xf32, #tpu.memory_space<hbm>> -> memref<624x128xf32, #tpu.memory_space<hbm>>
        %dma_wait3A_92 = arith.constant 0 : i32
        %dma_wait3A_93 = tpu.memref_slice %arg9[%mul3A_7, %dma_wait3A_92] : memref<10000x128xf32, #tpu.memory_space<vmem_shared>> -> memref<624x128xf32, #tpu.memory_space<vmem_shared>>
        tpu.wait_dma2 semaphore(%run_scoped3A : memref<!tpu.dma_semaphore, #tpu.memory_space<semaphore_mem>>) src(%dma_wait3A_93 : memref<624x128xf32, #tpu.memory_space<vmem_shared>>) dst(%dma_wait3A_91 : memref<624x128xf32, #tpu.memory_space<hbm>>)
        tpu.yield
      }) : () -> ()
      %eq3A_81 = arith.constant 15 : i32
      %eq3A_82 = arith.cmpi eq, %arg1, %eq3A_81 : i32
      %convert_element_type3A_83 = arith.extui %eq3A_82 : i1 to i32
      %cond3A_84 = arith.constant 0 : i32
      %cond3A_85 = arith.cmpi ne, %convert_element_type3A_83, %cond3A_84 : i32
      scf.if %cond3A_85 {
        "tpu.region"() ({
          %run_scoped3A = tpu.sem_alloc : memref<!tpu.dma_semaphore, #tpu.memory_space<semaphore_mem>>
          %dma_start3A_86 = arith.constant 9984 : i32
          %dma_start3A_87 = arith.constant 0 : i32
          %dma_start3A_88 = tpu.memref_slice %arg8[%dma_start3A_86, %dma_start3A_87] : memref<10000x128xf32, #tpu.memory_space<hbm>> -> memref<16x128xf32, #tpu.memory_space<hbm>>
          %dma_start3A_89 = arith.constant 9984 : i32
          %dma_start3A_90 = arith.constant 0 : i32
          %dma_start3A_91 = tpu.memref_slice %arg9[%dma_start3A_89, %dma_start3A_90] : memref<10000x128xf32, #tpu.memory_space<vmem_shared>> -> memref<16x128xf32, #tpu.memory_space<vmem_shared>>
          tpu.enqueue_dma source(%dma_start3A_91 : memref<16x128xf32, #tpu.memory_space<vmem_shared>>) target(%dma_start3A_88 : memref<16x128xf32, #tpu.memory_space<hbm>>) target_semaphore(%run_scoped3A : memref<!tpu.dma_semaphore, #tpu.memory_space<semaphore_mem>>)
          %dma_wait3A_92 = arith.constant 9984 : i32
          %dma_wait3A_93 = arith.constant 0 : i32
          %dma_wait3A_94 = tpu.memref_slice %arg8[%dma_wait3A_92, %dma_wait3A_93] : memref<10000x128xf32, #tpu.memory_space<hbm>> -> memref<16x128xf32, #tpu.memory_space<hbm>>
          %dma_wait3A_95 = arith.constant 9984 : i32
          %dma_wait3A_96 = arith.constant 0 : i32
          %dma_wait3A_97 = tpu.memref_slice %arg9[%dma_wait3A_95, %dma_wait3A_96] : memref<10000x128xf32, #tpu.memory_space<vmem_shared>> -> memref<16x128xf32, #tpu.memory_space<vmem_shared>>
          tpu.wait_dma2 semaphore(%run_scoped3A : memref<!tpu.dma_semaphore, #tpu.memory_space<semaphore_mem>>) src(%dma_wait3A_97 : memref<16x128xf32, #tpu.memory_space<vmem_shared>>) dst(%dma_wait3A_94 : memref<16x128xf32, #tpu.memory_space<hbm>>)
          tpu.yield
        }) : () -> ()
      } else {
      }
    } else {
    }
    return
  }
}

module attributes {stable_mosaic.version = 14 : i64} {
  func.func @_proj_body(%arg0: i32, %arg1: memref<4x2000x128xf32, #tpu.memory_space<vmem>>, %arg2: memref<128x64xf32, #tpu.memory_space<vmem>>, %arg3: memref<1x64xf32, #tpu.memory_space<vmem>>, %arg4: memref<2000x128xf32, #tpu.memory_space<vmem>>, %arg5: memref<2000x128xf32, #tpu.memory_space<vmem>>) attributes {dimension_semantics = [#tpu.dimension_semantics<arbitrary>], iteration_bounds = array<i64: 5>, scalar_prefetch = 0 : i64, scratch_operands = 0 : i64, tpu.core_type = #tpu.core_type<tc>, window_params = [{transform_indices = @transform_0, window_bounds = array<i64: 4, 2000, 128>}, {pipeline_mode = #tpu.pipeline_mode<synchronous>, transform_indices = @transform_1, window_bounds = array<i64: 128, 64>}, {pipeline_mode = #tpu.pipeline_mode<synchronous>, transform_indices = @transform_2, window_bounds = array<i64: 1, 64>}, {transform_indices = @transform_3, window_bounds = array<i64: 2000, 128>}, {transform_indices = @transform_4, window_bounds = array<i64: 2000, 128>}]} {
    %get3A = arith.constant 0 : index
    %get3A_0 = arith.constant 0 : index
    %get3A_1 = vector.load %arg2[%get3A, %get3A_0] : memref<128x64xf32, #tpu.memory_space<vmem>>, vector<128x64xf32>
    %get3A_2 = arith.constant 0 : index
    %get3A_3 = arith.constant 0 : index
    %get3A_4 = vector.load %arg3[%get3A_2, %get3A_3] : memref<1x64xf32, #tpu.memory_space<vmem>>, vector<1x64xf32>
    %get3A_5 = arith.constant 0 : index
    %get3A_6 = arith.constant 0 : index
    %get3A_7 = arith.constant 0 : index
    %get3A_8 = vector.load %arg1[%get3A_5, %get3A_6, %get3A_7] : memref<4x2000x128xf32, #tpu.memory_space<vmem>>, vector<1x2000x128xf32>
    %get3A_9 = vector.shape_cast %get3A_8 : vector<1x2000x128xf32> to vector<2000x128xf32>
    %dot_general3A = arith.constant dense<0.000000e+00> : vector<2000x64xf32>
    %dot_general3A_10 = tpu.matmul %get3A_9, %get3A_1, %dot_general3A {dimension_numbers = #tpu.dot_dimension_numbers<[1], [0], [0], [1], [0, 0, 1, 1], [], []>, transpose_lhs_hint = false} : vector<2000x128xf32>, vector<128x64xf32>, vector<2000x64xf32> -> vector<2000x64xf32>
    %add3A = vector.broadcast %get3A_4 : vector<1x64xf32> to vector<2000x64xf32>
    %add3A_11 = arith.addf %dot_general3A_10, %add3A : vector<2000x64xf32>
    %slice3A = vector.extract_strided_slice %add3A_11 {offsets = [0, 0], sizes = [2000, 32], strides = [1, 1]} : vector<2000x64xf32> to vector<2000x32xf32>
    %slice3A_12 = vector.extract_strided_slice %add3A_11 {offsets = [0, 32], sizes = [2000, 32], strides = [1, 1]} : vector<2000x64xf32> to vector<2000x32xf32>
    %get3A_13 = arith.constant 1 : index
    %get3A_14 = arith.constant 0 : index
    %get3A_15 = arith.constant 0 : index
    %get3A_16 = vector.load %arg1[%get3A_13, %get3A_14, %get3A_15] : memref<4x2000x128xf32, #tpu.memory_space<vmem>>, vector<1x2000x128xf32>
    %get3A_17 = vector.shape_cast %get3A_16 : vector<1x2000x128xf32> to vector<2000x128xf32>
    %dot_general3A_18 = arith.constant dense<0.000000e+00> : vector<2000x64xf32>
    %dot_general3A_19 = tpu.matmul %get3A_17, %get3A_1, %dot_general3A_18 {dimension_numbers = #tpu.dot_dimension_numbers<[1], [0], [0], [1], [0, 0, 1, 1], [], []>, transpose_lhs_hint = false} : vector<2000x128xf32>, vector<128x64xf32>, vector<2000x64xf32> -> vector<2000x64xf32>
    %add3A_20 = vector.broadcast %get3A_4 : vector<1x64xf32> to vector<2000x64xf32>
    %add3A_21 = arith.addf %dot_general3A_19, %add3A_20 : vector<2000x64xf32>
    %slice3A_22 = vector.extract_strided_slice %add3A_21 {offsets = [0, 0], sizes = [2000, 32], strides = [1, 1]} : vector<2000x64xf32> to vector<2000x32xf32>
    %slice3A_23 = vector.extract_strided_slice %add3A_21 {offsets = [0, 32], sizes = [2000, 32], strides = [1, 1]} : vector<2000x64xf32> to vector<2000x32xf32>
    %get3A_24 = arith.constant 2 : index
    %get3A_25 = arith.constant 0 : index
    %get3A_26 = arith.constant 0 : index
    %get3A_27 = vector.load %arg1[%get3A_24, %get3A_25, %get3A_26] : memref<4x2000x128xf32, #tpu.memory_space<vmem>>, vector<1x2000x128xf32>
    %get3A_28 = vector.shape_cast %get3A_27 : vector<1x2000x128xf32> to vector<2000x128xf32>
    %dot_general3A_29 = arith.constant dense<0.000000e+00> : vector<2000x64xf32>
    %dot_general3A_30 = tpu.matmul %get3A_28, %get3A_1, %dot_general3A_29 {dimension_numbers = #tpu.dot_dimension_numbers<[1], [0], [0], [1], [0, 0, 1, 1], [], []>, transpose_lhs_hint = false} : vector<2000x128xf32>, vector<128x64xf32>, vector<2000x64xf32> -> vector<2000x64xf32>
    %add3A_31 = vector.broadcast %get3A_4 : vector<1x64xf32> to vector<2000x64xf32>
    %add3A_32 = arith.addf %dot_general3A_30, %add3A_31 : vector<2000x64xf32>
    %slice3A_33 = vector.extract_strided_slice %add3A_32 {offsets = [0, 0], sizes = [2000, 32], strides = [1, 1]} : vector<2000x64xf32> to vector<2000x32xf32>
    %slice3A_34 = vector.extract_strided_slice %add3A_32 {offsets = [0, 32], sizes = [2000, 32], strides = [1, 1]} : vector<2000x64xf32> to vector<2000x32xf32>
    %get3A_35 = arith.constant 3 : index
    %get3A_36 = arith.constant 0 : index
    %get3A_37 = arith.constant 0 : index
    %get3A_38 = vector.load %arg1[%get3A_35, %get3A_36, %get3A_37] : memref<4x2000x128xf32, #tpu.memory_space<vmem>>, vector<1x2000x128xf32>
    %get3A_39 = vector.shape_cast %get3A_38 : vector<1x2000x128xf32> to vector<2000x128xf32>
    %dot_general3A_40 = arith.constant dense<0.000000e+00> : vector<2000x64xf32>
    %dot_general3A_41 = tpu.matmul %get3A_39, %get3A_1, %dot_general3A_40 {dimension_numbers = #tpu.dot_dimension_numbers<[1], [0], [0], [1], [0, 0, 1, 1], [], []>, transpose_lhs_hint = false} : vector<2000x128xf32>, vector<128x64xf32>, vector<2000x64xf32> -> vector<2000x64xf32>
    %add3A_42 = vector.broadcast %get3A_4 : vector<1x64xf32> to vector<2000x64xf32>
    %add3A_43 = arith.addf %dot_general3A_41, %add3A_42 : vector<2000x64xf32>
    %slice3A_44 = vector.extract_strided_slice %add3A_43 {offsets = [0, 0], sizes = [2000, 32], strides = [1, 1]} : vector<2000x64xf32> to vector<2000x32xf32>
    %slice3A_45 = vector.extract_strided_slice %add3A_43 {offsets = [0, 32], sizes = [2000, 32], strides = [1, 1]} : vector<2000x64xf32> to vector<2000x32xf32>
    %concatenate3A = tpu.concatenate %slice3A, %slice3A_22, %slice3A_33, %slice3A_44 in 1 : vector<2000x32xf32>, vector<2000x32xf32>, vector<2000x32xf32>, vector<2000x32xf32> -> vector<2000x128xf32>
    %swap3A = arith.constant 0 : index
    %swap3A_46 = arith.constant 0 : index
    %swap3A_47 = vector.load %arg4[%swap3A, %swap3A_46] : memref<2000x128xf32, #tpu.memory_space<vmem>>, vector<2000x128xf32>
    tpu.vector_store %arg4[%swap3A, %swap3A_46], %concatenate3A {strides = array<i32>} : memref<2000x128xf32, #tpu.memory_space<vmem>>, vector<2000x128xf32>,
    %concatenate3A_48 = tpu.concatenate %slice3A_12, %slice3A_23, %slice3A_34, %slice3A_45 in 1 : vector<2000x32xf32>, vector<2000x32xf32>, vector<2000x32xf32>, vector<2000x32xf32> -> vector<2000x128xf32>
    %swap3A_49 = arith.constant 0 : index
    %swap3A_50 = arith.constant 0 : index
    %swap3A_51 = vector.load %arg5[%swap3A_49, %swap3A_50] : memref<2000x128xf32, #tpu.memory_space<vmem>>, vector<2000x128xf32>
    tpu.vector_store %arg5[%swap3A_49, %swap3A_50], %concatenate3A_48 {strides = array<i32>} : memref<2000x128xf32, #tpu.memory_space<vmem>>, vector<2000x128xf32>,
    return
  }
  func.func @transform_0(%arg0: i32) -> (i32, i32, i32) {
    %c0_i32 = arith.constant 0 : i32
    %c0_i32_0 = arith.constant 0 : i32
    %c0_i32_1 = arith.constant 0 : i32
    return %c0_i32, %arg0, %c0_i32_0 : i32, i32, i32
  }
  func.func @transform_1(%arg0: i32) -> (i32, i32) {
    %c0_i32 = arith.constant 0 : i32
    %c0_i32_0 = arith.constant 0 : i32
    %c0_i32_1 = arith.constant 0 : i32
    return %c0_i32, %c0_i32_0 : i32, i32
  }
  func.func @transform_2(%arg0: i32) -> (i32, i32) {
    %c0_i32 = arith.constant 0 : i32
    %c0_i32_0 = arith.constant 0 : i32
    %c0_i32_1 = arith.constant 0 : i32
    return %c0_i32, %c0_i32_0 : i32, i32
  }
  func.func @transform_3(%arg0: i32) -> (i32, i32) {
    %c0_i32 = arith.constant 0 : i32
    %c0_i32_0 = arith.constant 0 : i32
    return %arg0, %c0_i32 : i32, i32
  }
  func.func @transform_4(%arg0: i32) -> (i32, i32) {
    %c0_i32 = arith.constant 0 : i32
    %c0_i32_0 = arith.constant 0 : i32
    return %arg0, %c0_i32 : i32, i32
  }
}

module attributes {stable_mosaic.version = 14 : i64} {
  func.func @_mlp_body(%arg0: i32, %arg1: memref<4x2000x128xf32, #tpu.memory_space<vmem>>, %arg2: memref<128x128xf32, #tpu.memory_space<vmem>>, %arg3: memref<1x128xf32, #tpu.memory_space<vmem>>, %arg4: memref<2000x128xf32, #tpu.memory_space<vmem>>, %arg5: memref<2000x128xf32, #tpu.memory_space<vmem>>, %arg6: memref<192x128xf32, #tpu.memory_space<vmem>>, %arg7: memref<1x128xf32, #tpu.memory_space<vmem>>, %arg8: memref<1x128xf32, #tpu.memory_space<vmem>>, %arg9: memref<1x128xf32, #tpu.memory_space<vmem>>, %arg10: memref<4x2000x128xf32, #tpu.memory_space<vmem>>) attributes {dimension_semantics = [#tpu.dimension_semantics<arbitrary>], iteration_bounds = array<i64: 5>, scalar_prefetch = 0 : i64, scratch_operands = 0 : i64, tpu.core_type = #tpu.core_type<tc>, window_params = [{transform_indices = @transform_0, window_bounds = array<i64: 4, 2000, 128>}, {pipeline_mode = #tpu.pipeline_mode<synchronous>, transform_indices = @transform_1, window_bounds = array<i64: 128, 128>}, {pipeline_mode = #tpu.pipeline_mode<synchronous>, transform_indices = @transform_2, window_bounds = array<i64: 1, 128>}, {transform_indices = @transform_3, window_bounds = array<i64: 2000, 128>}, {transform_indices = @transform_4, window_bounds = array<i64: 2000, 128>}, {pipeline_mode = #tpu.pipeline_mode<synchronous>, transform_indices = @transform_5, window_bounds = array<i64: 192, 128>}, {pipeline_mode = #tpu.pipeline_mode<synchronous>, transform_indices = @transform_6, window_bounds = array<i64: 1, 128>}, {pipeline_mode = #tpu.pipeline_mode<synchronous>, transform_indices = @transform_7, window_bounds = array<i64: 1, 128>}, {pipeline_mode = #tpu.pipeline_mode<synchronous>, transform_indices = @transform_8, window_bounds = array<i64: 1, 128>}, {transform_indices = @transform_9, window_bounds = array<i64: 4, 2000, 128>}]} {
    %get3A = arith.constant 0 : index
    %get3A_0 = arith.constant 0 : index
    %get3A_1 = vector.load %arg2[%get3A, %get3A_0] : memref<128x128xf32, #tpu.memory_space<vmem>>, vector<128x128xf32>
    %get3A_2 = arith.constant 0 : index
    %get3A_3 = arith.constant 0 : index
    %get3A_4 = vector.load %arg3[%get3A_2, %get3A_3] : memref<1x128xf32, #tpu.memory_space<vmem>>, vector<1x128xf32>
    %get3A_5 = arith.constant 0 : index
    %get3A_6 = arith.constant 0 : index
    %get3A_7 = vector.load %arg8[%get3A_5, %get3A_6] : memref<1x128xf32, #tpu.memory_space<vmem>>, vector<1x128xf32>
    %get3A_8 = arith.constant 0 : index
    %get3A_9 = arith.constant 0 : index
    %get3A_10 = vector.load %arg9[%get3A_8, %get3A_9] : memref<1x128xf32, #tpu.memory_space<vmem>>, vector<1x128xf32>
    %get3A_11 = arith.constant 0 : index
    %get3A_12 = arith.constant 0 : index
    %get3A_13 = vector.load %arg6[%get3A_11, %get3A_12] : memref<192x128xf32, #tpu.memory_space<vmem>>, vector<192x128xf32>
    %get3A_14 = arith.constant 0 : index
    %get3A_15 = arith.constant 0 : index
    %get3A_16 = vector.load %arg7[%get3A_14, %get3A_15] : memref<1x128xf32, #tpu.memory_space<vmem>>, vector<1x128xf32>
    %get3A_17 = arith.constant 0 : index
    %get3A_18 = arith.constant 0 : index
    %get3A_19 = vector.load %arg4[%get3A_17, %get3A_18] : memref<2000x128xf32, #tpu.memory_space<vmem>>, vector<2000x128xf32>
    %get3A_20 = arith.constant 0 : index
    %get3A_21 = arith.constant 0 : index
    %get3A_22 = vector.load %arg5[%get3A_20, %get3A_21] : memref<2000x128xf32, #tpu.memory_space<vmem>>, vector<2000x128xf32>
    %get3A_23 = arith.constant 0 : index
    %get3A_24 = arith.constant 0 : index
    %get3A_25 = arith.constant 0 : index
    %get3A_26 = vector.load %arg1[%get3A_23, %get3A_24, %get3A_25] : memref<4x2000x128xf32, #tpu.memory_space<vmem>>, vector<1x2000x128xf32>
    %get3A_27 = vector.shape_cast %get3A_26 : vector<1x2000x128xf32> to vector<2000x128xf32>
    %dot_general3A = arith.constant dense<0.000000e+00> : vector<2000x128xf32>
    %dot_general3A_28 = tpu.matmul %get3A_27, %get3A_1, %dot_general3A {dimension_numbers = #tpu.dot_dimension_numbers<[1], [0], [0], [1], [0, 0, 1, 1], [], []>, transpose_lhs_hint = false} : vector<2000x128xf32>, vector<128x128xf32>, vector<2000x128xf32> -> vector<2000x128xf32>
    %add3A = vector.broadcast %get3A_4 : vector<1x128xf32> to vector<2000x128xf32>
    %add3A_29 = arith.addf %dot_general3A_28, %add3A : vector<2000x128xf32>
    %slice3A = vector.extract_strided_slice %get3A_19 {offsets = [0, 0], sizes = [2000, 32], strides = [1, 1]} : vector<2000x128xf32> to vector<2000x32xf32>
    %slice3A_30 = vector.extract_strided_slice %get3A_22 {offsets = [0, 0], sizes = [2000, 32], strides = [1, 1]} : vector<2000x128xf32> to vector<2000x32xf32>
    %concatenate3A = tpu.concatenate %add3A_29, %slice3A, %slice3A_30 in 1 : vector<2000x128xf32>, vector<2000x32xf32>, vector<2000x32xf32> -> vector<2000x192xf32>
    %logistic3A = arith.negf %concatenate3A : vector<2000x192xf32>
    %logistic3A_31 = math.exp %logistic3A : vector<2000x192xf32>
    %logistic3A_32 = arith.constant 1.000000e+00 : f32
    %logistic3A_33 = vector.broadcast %logistic3A_32 : f32 to vector<2000x192xf32>
    %logistic3A_34 = arith.addf %logistic3A_33, %logistic3A_31 : vector<2000x192xf32>
    %logistic3A_35 = arith.divf %logistic3A_33, %logistic3A_34 : vector<2000x192xf32>
    %mul3A = arith.mulf %concatenate3A, %logistic3A_35 : vector<2000x192xf32>
    %reduce_sum3A = arith.constant dense<0.000000e+00> : vector<2000xf32>
    %reduce_sum3A_36 = vector.multi_reduction <add>, %mul3A, %reduce_sum3A [1] : vector<2000x192xf32> to vector<2000xf32>
    %broadcast_in_dim3A = vector.shape_cast %reduce_sum3A_36 : vector<2000xf32> to vector<2000x1xf32>
    %div3A = arith.constant 1.920000e+02 : f32
    %div3A_37 = vector.broadcast %div3A : f32 to vector<2000x1xf32>
    %div3A_38 = arith.divf %broadcast_in_dim3A, %div3A_37 : vector<2000x1xf32>
    %mul3A_39 = arith.mulf %mul3A, %mul3A : vector<2000x192xf32>
    %reduce_sum3A_40 = arith.constant dense<0.000000e+00> : vector<2000xf32>
    %reduce_sum3A_41 = vector.multi_reduction <add>, %mul3A_39, %reduce_sum3A_40 [1] : vector<2000x192xf32> to vector<2000xf32>
    %broadcast_in_dim3A_42 = vector.shape_cast %reduce_sum3A_41 : vector<2000xf32> to vector<2000x1xf32>
    %div3A_43 = arith.constant 1.920000e+02 : f32
    %div3A_44 = vector.broadcast %div3A_43 : f32 to vector<2000x1xf32>
    %div3A_45 = arith.divf %broadcast_in_dim3A_42, %div3A_44 : vector<2000x1xf32>
    %sub3A = vector.broadcast %div3A_38 : vector<2000x1xf32> to vector<2000x192xf32>
    %sub3A_46 = arith.subf %mul3A, %sub3A : vector<2000x192xf32>
    %mul3A_47 = arith.mulf %div3A_38, %div3A_38 : vector<2000x1xf32>
    %sub3A_48 = arith.subf %div3A_45, %mul3A_47 : vector<2000x1xf32>
    %add3A_49 = arith.constant 9.99999974E-6 : f32
    %add3A_50 = vector.broadcast %add3A_49 : f32 to vector<2000x1xf32>
    %add3A_51 = arith.addf %sub3A_48, %add3A_50 : vector<2000x1xf32>
    %rsqrt3A = math.rsqrt %add3A_51 : vector<2000x1xf32>
    %mul3A_52 = vector.broadcast %rsqrt3A : vector<2000x1xf32> to vector<2000x192xf32>
    %mul3A_53 = arith.mulf %sub3A_46, %mul3A_52 : vector<2000x192xf32>
    %dot_general3A_54 = arith.constant dense<0.000000e+00> : vector<2000x128xf32>
    %dot_general3A_55 = tpu.matmul %mul3A_53, %get3A_13, %dot_general3A_54 {dimension_numbers = #tpu.dot_dimension_numbers<[1], [0], [0], [1], [0, 0, 1, 1], [], []>, transpose_lhs_hint = false} : vector<2000x192xf32>, vector<192x128xf32>, vector<2000x128xf32> -> vector<2000x128xf32>
    %add3A_56 = vector.broadcast %get3A_16 : vector<1x128xf32> to vector<2000x128xf32>
    %add3A_57 = arith.addf %dot_general3A_55, %add3A_56 : vector<2000x128xf32>
    %logistic3A_58 = arith.negf %add3A_57 : vector<2000x128xf32>
    %logistic3A_59 = math.exp %logistic3A_58 : vector<2000x128xf32>
    %logistic3A_60 = arith.constant 1.000000e+00 : f32
    %logistic3A_61 = vector.broadcast %logistic3A_60 : f32 to vector<2000x128xf32>
    %logistic3A_62 = arith.addf %logistic3A_61, %logistic3A_59 : vector<2000x128xf32>
    %logistic3A_63 = arith.divf %logistic3A_61, %logistic3A_62 : vector<2000x128xf32>
    %mul3A_64 = arith.mulf %add3A_57, %logistic3A_63 : vector<2000x128xf32>
    %reduce_sum3A_65 = arith.constant dense<0.000000e+00> : vector<2000xf32>
    %reduce_sum3A_66 = vector.multi_reduction <add>, %mul3A_64, %reduce_sum3A_65 [1] : vector<2000x128xf32> to vector<2000xf32>
    %broadcast_in_dim3A_67 = vector.shape_cast %reduce_sum3A_66 : vector<2000xf32> to vector<2000x1xf32>
    %div3A_68 = arith.constant 1.280000e+02 : f32
    %div3A_69 = vector.broadcast %div3A_68 : f32 to vector<2000x1xf32>
    %div3A_70 = arith.divf %broadcast_in_dim3A_67, %div3A_69 : vector<2000x1xf32>
    %mul3A_71 = arith.mulf %mul3A_64, %mul3A_64 : vector<2000x128xf32>
    %reduce_sum3A_72 = arith.constant dense<0.000000e+00> : vector<2000xf32>
    %reduce_sum3A_73 = vector.multi_reduction <add>, %mul3A_71, %reduce_sum3A_72 [1] : vector<2000x128xf32> to vector<2000xf32>
    %broadcast_in_dim3A_74 = vector.shape_cast %reduce_sum3A_73 : vector<2000xf32> to vector<2000x1xf32>
    %div3A_75 = arith.constant 1.280000e+02 : f32
    %div3A_76 = vector.broadcast %div3A_75 : f32 to vector<2000x1xf32>
    %div3A_77 = arith.divf %broadcast_in_dim3A_74, %div3A_76 : vector<2000x1xf32>
    %sub3A_78 = vector.broadcast %div3A_70 : vector<2000x1xf32> to vector<2000x128xf32>
    %sub3A_79 = arith.subf %mul3A_64, %sub3A_78 : vector<2000x128xf32>
    %mul3A_80 = arith.mulf %div3A_70, %div3A_70 : vector<2000x1xf32>
    %sub3A_81 = arith.subf %div3A_77, %mul3A_80 : vector<2000x1xf32>
    %add3A_82 = arith.constant 9.99999974E-6 : f32
    %add3A_83 = vector.broadcast %add3A_82 : f32 to vector<2000x1xf32>
    %add3A_84 = arith.addf %sub3A_81, %add3A_83 : vector<2000x1xf32>
    %rsqrt3A_85 = math.rsqrt %add3A_84 : vector<2000x1xf32>
    %mul3A_86 = vector.broadcast %rsqrt3A_85 : vector<2000x1xf32> to vector<2000x128xf32>
    %mul3A_87 = arith.mulf %sub3A_79, %mul3A_86 : vector<2000x128xf32>
    %mul3A_88 = vector.broadcast %get3A_7 : vector<1x128xf32> to vector<2000x128xf32>
    %mul3A_89 = arith.mulf %mul3A_87, %mul3A_88 : vector<2000x128xf32>
    %add3A_90 = vector.broadcast %get3A_10 : vector<1x128xf32> to vector<2000x128xf32>
    %add3A_91 = arith.addf %mul3A_89, %add3A_90 : vector<2000x128xf32>
    %swap3A = arith.constant 0 : index
    %swap3A_92 = arith.constant 0 : index
    %swap3A_93 = arith.constant 0 : index
    %swap3A_94 = vector.load %arg10[%swap3A, %swap3A_92, %swap3A_93] : memref<4x2000x128xf32, #tpu.memory_space<vmem>>, vector<1x2000x128xf32>
    %swap3A_95 = vector.shape_cast %swap3A_94 : vector<1x2000x128xf32> to vector<2000x128xf32>
    %swap3A_96 = vector.shape_cast %add3A_91 : vector<2000x128xf32> to vector<1x2000x128xf32>
    tpu.vector_store %arg10[%swap3A, %swap3A_92, %swap3A_93], %swap3A_96 {strides = array<i32>} : memref<4x2000x128xf32, #tpu.memory_space<vmem>>, vector<1x2000x128xf32>,
    %get3A_97 = arith.constant 1 : index
    %get3A_98 = arith.constant 0 : index
    %get3A_99 = arith.constant 0 : index
    %get3A_100 = vector.load %arg1[%get3A_97, %get3A_98, %get3A_99] : memref<4x2000x128xf32, #tpu.memory_space<vmem>>, vector<1x2000x128xf32>
    %get3A_101 = vector.shape_cast %get3A_100 : vector<1x2000x128xf32> to vector<2000x128xf32>
    %dot_general3A_102 = arith.constant dense<0.000000e+00> : vector<2000x128xf32>
    %dot_general3A_103 = tpu.matmul %get3A_101, %get3A_1, %dot_general3A_102 {dimension_numbers = #tpu.dot_dimension_numbers<[1], [0], [0], [1], [0, 0, 1, 1], [], []>, transpose_lhs_hint = false} : vector<2000x128xf32>, vector<128x128xf32>, vector<2000x128xf32> -> vector<2000x128xf32>
    %add3A_104 = vector.broadcast %get3A_4 : vector<1x128xf32> to vector<2000x128xf32>
    %add3A_105 = arith.addf %dot_general3A_103, %add3A_104 : vector<2000x128xf32>
    %slice3A_106 = vector.extract_strided_slice %get3A_19 {offsets = [0, 32], sizes = [2000, 32], strides = [1, 1]} : vector<2000x128xf32> to vector<2000x32xf32>
    %slice3A_107 = vector.extract_strided_slice %get3A_22 {offsets = [0, 32], sizes = [2000, 32], strides = [1, 1]} : vector<2000x128xf32> to vector<2000x32xf32>
    %concatenate3A_108 = tpu.concatenate %add3A_105, %slice3A_106, %slice3A_107 in 1 : vector<2000x128xf32>, vector<2000x32xf32>, vector<2000x32xf32> -> vector<2000x192xf32>
    %logistic3A_109 = arith.negf %concatenate3A_108 : vector<2000x192xf32>
    %logistic3A_110 = math.exp %logistic3A_109 : vector<2000x192xf32>
    %logistic3A_111 = arith.constant 1.000000e+00 : f32
    %logistic3A_112 = vector.broadcast %logistic3A_111 : f32 to vector<2000x192xf32>
    %logistic3A_113 = arith.addf %logistic3A_112, %logistic3A_110 : vector<2000x192xf32>
    %logistic3A_114 = arith.divf %logistic3A_112, %logistic3A_113 : vector<2000x192xf32>
    %mul3A_115 = arith.mulf %concatenate3A_108, %logistic3A_114 : vector<2000x192xf32>
    %reduce_sum3A_116 = arith.constant dense<0.000000e+00> : vector<2000xf32>
    %reduce_sum3A_117 = vector.multi_reduction <add>, %mul3A_115, %reduce_sum3A_116 [1] : vector<2000x192xf32> to vector<2000xf32>
    %broadcast_in_dim3A_118 = vector.shape_cast %reduce_sum3A_117 : vector<2000xf32> to vector<2000x1xf32>
    %div3A_119 = arith.constant 1.920000e+02 : f32
    %div3A_120 = vector.broadcast %div3A_119 : f32 to vector<2000x1xf32>
    %div3A_121 = arith.divf %broadcast_in_dim3A_118, %div3A_120 : vector<2000x1xf32>
    %mul3A_122 = arith.mulf %mul3A_115, %mul3A_115 : vector<2000x192xf32>
    %reduce_sum3A_123 = arith.constant dense<0.000000e+00> : vector<2000xf32>
    %reduce_sum3A_124 = vector.multi_reduction <add>, %mul3A_122, %reduce_sum3A_123 [1] : vector<2000x192xf32> to vector<2000xf32>
    %broadcast_in_dim3A_125 = vector.shape_cast %reduce_sum3A_124 : vector<2000xf32> to vector<2000x1xf32>
    %div3A_126 = arith.constant 1.920000e+02 : f32
    %div3A_127 = vector.broadcast %div3A_126 : f32 to vector<2000x1xf32>
    %div3A_128 = arith.divf %broadcast_in_dim3A_125, %div3A_127 : vector<2000x1xf32>
    %sub3A_129 = vector.broadcast %div3A_121 : vector<2000x1xf32> to vector<2000x192xf32>
    %sub3A_130 = arith.subf %mul3A_115, %sub3A_129 : vector<2000x192xf32>
    %mul3A_131 = arith.mulf %div3A_121, %div3A_121 : vector<2000x1xf32>
    %sub3A_132 = arith.subf %div3A_128, %mul3A_131 : vector<2000x1xf32>
    %add3A_133 = arith.constant 9.99999974E-6 : f32
    %add3A_134 = vector.broadcast %add3A_133 : f32 to vector<2000x1xf32>
    %add3A_135 = arith.addf %sub3A_132, %add3A_134 : vector<2000x1xf32>
    %rsqrt3A_136 = math.rsqrt %add3A_135 : vector<2000x1xf32>
    %mul3A_137 = vector.broadcast %rsqrt3A_136 : vector<2000x1xf32> to vector<2000x192xf32>
    %mul3A_138 = arith.mulf %sub3A_130, %mul3A_137 : vector<2000x192xf32>
    %dot_general3A_139 = arith.constant dense<0.000000e+00> : vector<2000x128xf32>
    %dot_general3A_140 = tpu.matmul %mul3A_138, %get3A_13, %dot_general3A_139 {dimension_numbers = #tpu.dot_dimension_numbers<[1], [0], [0], [1], [0, 0, 1, 1], [], []>, transpose_lhs_hint = false} : vector<2000x192xf32>, vector<192x128xf32>, vector<2000x128xf32> -> vector<2000x128xf32>
    %add3A_141 = vector.broadcast %get3A_16 : vector<1x128xf32> to vector<2000x128xf32>
    %add3A_142 = arith.addf %dot_general3A_140, %add3A_141 : vector<2000x128xf32>
    %logistic3A_143 = arith.negf %add3A_142 : vector<2000x128xf32>
    %logistic3A_144 = math.exp %logistic3A_143 : vector<2000x128xf32>
    %logistic3A_145 = arith.constant 1.000000e+00 : f32
    %logistic3A_146 = vector.broadcast %logistic3A_145 : f32 to vector<2000x128xf32>
    %logistic3A_147 = arith.addf %logistic3A_146, %logistic3A_144 : vector<2000x128xf32>
    %logistic3A_148 = arith.divf %logistic3A_146, %logistic3A_147 : vector<2000x128xf32>
    %mul3A_149 = arith.mulf %add3A_142, %logistic3A_148 : vector<2000x128xf32>
    %reduce_sum3A_150 = arith.constant dense<0.000000e+00> : vector<2000xf32>
    %reduce_sum3A_151 = vector.multi_reduction <add>, %mul3A_149, %reduce_sum3A_150 [1] : vector<2000x128xf32> to vector<2000xf32>
    %broadcast_in_dim3A_152 = vector.shape_cast %reduce_sum3A_151 : vector<2000xf32> to vector<2000x1xf32>
    %div3A_153 = arith.constant 1.280000e+02 : f32
    %div3A_154 = vector.broadcast %div3A_153 : f32 to vector<2000x1xf32>
    %div3A_155 = arith.divf %broadcast_in_dim3A_152, %div3A_154 : vector<2000x1xf32>
    %mul3A_156 = arith.mulf %mul3A_149, %mul3A_149 : vector<2000x128xf32>
    %reduce_sum3A_157 = arith.constant dense<0.000000e+00> : vector<2000xf32>
    %reduce_sum3A_158 = vector.multi_reduction <add>, %mul3A_156, %reduce_sum3A_157 [1] : vector<2000x128xf32> to vector<2000xf32>
    %broadcast_in_dim3A_159 = vector.shape_cast %reduce_sum3A_158 : vector<2000xf32> to vector<2000x1xf32>
    %div3A_160 = arith.constant 1.280000e+02 : f32
    %div3A_161 = vector.broadcast %div3A_160 : f32 to vector<2000x1xf32>
    %div3A_162 = arith.divf %broadcast_in_dim3A_159, %div3A_161 : vector<2000x1xf32>
    %sub3A_163 = vector.broadcast %div3A_155 : vector<2000x1xf32> to vector<2000x128xf32>
    %sub3A_164 = arith.subf %mul3A_149, %sub3A_163 : vector<2000x128xf32>
    %mul3A_165 = arith.mulf %div3A_155, %div3A_155 : vector<2000x1xf32>
    %sub3A_166 = arith.subf %div3A_162, %mul3A_165 : vector<2000x1xf32>
    %add3A_167 = arith.constant 9.99999974E-6 : f32
    %add3A_168 = vector.broadcast %add3A_167 : f32 to vector<2000x1xf32>
    %add3A_169 = arith.addf %sub3A_166, %add3A_168 : vector<2000x1xf32>
    %rsqrt3A_170 = math.rsqrt %add3A_169 : vector<2000x1xf32>
    %mul3A_171 = vector.broadcast %rsqrt3A_170 : vector<2000x1xf32> to vector<2000x128xf32>
    %mul3A_172 = arith.mulf %sub3A_164, %mul3A_171 : vector<2000x128xf32>
    %mul3A_173 = vector.broadcast %get3A_7 : vector<1x128xf32> to vector<2000x128xf32>
    %mul3A_174 = arith.mulf %mul3A_172, %mul3A_173 : vector<2000x128xf32>
    %add3A_175 = vector.broadcast %get3A_10 : vector<1x128xf32> to vector<2000x128xf32>
    %add3A_176 = arith.addf %mul3A_174, %add3A_175 : vector<2000x128xf32>
    %swap3A_177 = arith.constant 1 : index
    %swap3A_178 = arith.constant 0 : index
    %swap3A_179 = arith.constant 0 : index
    %swap3A_180 = vector.load %arg10[%swap3A_177, %swap3A_178, %swap3A_179] : memref<4x2000x128xf32, #tpu.memory_space<vmem>>, vector<1x2000x128xf32>
    %swap3A_181 = vector.shape_cast %swap3A_180 : vector<1x2000x128xf32> to vector<2000x128xf32>
    %swap3A_182 = vector.shape_cast %add3A_176 : vector<2000x128xf32> to vector<1x2000x128xf32>
    tpu.vector_store %arg10[%swap3A_177, %swap3A_178, %swap3A_179], %swap3A_182 {strides = array<i32>} : memref<4x2000x128xf32, #tpu.memory_space<vmem>>, vector<1x2000x128xf32>,
    %get3A_183 = arith.constant 2 : index
    %get3A_184 = arith.constant 0 : index
    %get3A_185 = arith.constant 0 : index
    %get3A_186 = vector.load %arg1[%get3A_183, %get3A_184, %get3A_185] : memref<4x2000x128xf32, #tpu.memory_space<vmem>>, vector<1x2000x128xf32>
    %get3A_187 = vector.shape_cast %get3A_186 : vector<1x2000x128xf32> to vector<2000x128xf32>
    %dot_general3A_188 = arith.constant dense<0.000000e+00> : vector<2000x128xf32>
    %dot_general3A_189 = tpu.matmul %get3A_187, %get3A_1, %dot_general3A_188 {dimension_numbers = #tpu.dot_dimension_numbers<[1], [0], [0], [1], [0, 0, 1, 1], [], []>, transpose_lhs_hint = false} : vector<2000x128xf32>, vector<128x128xf32>, vector<2000x128xf32> -> vector<2000x128xf32>
    %add3A_190 = vector.broadcast %get3A_4 : vector<1x128xf32> to vector<2000x128xf32>
    %add3A_191 = arith.addf %dot_general3A_189, %add3A_190 : vector<2000x128xf32>
    %slice3A_192 = vector.extract_strided_slice %get3A_19 {offsets = [0, 64], sizes = [2000, 32], strides = [1, 1]} : vector<2000x128xf32> to vector<2000x32xf32>
    %slice3A_193 = vector.extract_strided_slice %get3A_22 {offsets = [0, 64], sizes = [2000, 32], strides = [1, 1]} : vector<2000x128xf32> to vector<2000x32xf32>
    %concatenate3A_194 = tpu.concatenate %add3A_191, %slice3A_192, %slice3A_193 in 1 : vector<2000x128xf32>, vector<2000x32xf32>, vector<2000x32xf32> -> vector<2000x192xf32>
    %logistic3A_195 = arith.negf %concatenate3A_194 : vector<2000x192xf32>
    %logistic3A_196 = math.exp %logistic3A_195 : vector<2000x192xf32>
    %logistic3A_197 = arith.constant 1.000000e+00 : f32
    %logistic3A_198 = vector.broadcast %logistic3A_197 : f32 to vector<2000x192xf32>
    %logistic3A_199 = arith.addf %logistic3A_198, %logistic3A_196 : vector<2000x192xf32>
    %logistic3A_200 = arith.divf %logistic3A_198, %logistic3A_199 : vector<2000x192xf32>
    %mul3A_201 = arith.mulf %concatenate3A_194, %logistic3A_200 : vector<2000x192xf32>
    %reduce_sum3A_202 = arith.constant dense<0.000000e+00> : vector<2000xf32>
    %reduce_sum3A_203 = vector.multi_reduction <add>, %mul3A_201, %reduce_sum3A_202 [1] : vector<2000x192xf32> to vector<2000xf32>
    %broadcast_in_dim3A_204 = vector.shape_cast %reduce_sum3A_203 : vector<2000xf32> to vector<2000x1xf32>
    %div3A_205 = arith.constant 1.920000e+02 : f32
    %div3A_206 = vector.broadcast %div3A_205 : f32 to vector<2000x1xf32>
    %div3A_207 = arith.divf %broadcast_in_dim3A_204, %div3A_206 : vector<2000x1xf32>
    %mul3A_208 = arith.mulf %mul3A_201, %mul3A_201 : vector<2000x192xf32>
    %reduce_sum3A_209 = arith.constant dense<0.000000e+00> : vector<2000xf32>
    %reduce_sum3A_210 = vector.multi_reduction <add>, %mul3A_208, %reduce_sum3A_209 [1] : vector<2000x192xf32> to vector<2000xf32>
    %broadcast_in_dim3A_211 = vector.shape_cast %reduce_sum3A_210 : vector<2000xf32> to vector<2000x1xf32>
    %div3A_212 = arith.constant 1.920000e+02 : f32
    %div3A_213 = vector.broadcast %div3A_212 : f32 to vector<2000x1xf32>
    %div3A_214 = arith.divf %broadcast_in_dim3A_211, %div3A_213 : vector<2000x1xf32>
    %sub3A_215 = vector.broadcast %div3A_207 : vector<2000x1xf32> to vector<2000x192xf32>
    %sub3A_216 = arith.subf %mul3A_201, %sub3A_215 : vector<2000x192xf32>
    %mul3A_217 = arith.mulf %div3A_207, %div3A_207 : vector<2000x1xf32>
    %sub3A_218 = arith.subf %div3A_214, %mul3A_217 : vector<2000x1xf32>
    %add3A_219 = arith.constant 9.99999974E-6 : f32
    %add3A_220 = vector.broadcast %add3A_219 : f32 to vector<2000x1xf32>
    %add3A_221 = arith.addf %sub3A_218, %add3A_220 : vector<2000x1xf32>
    %rsqrt3A_222 = math.rsqrt %add3A_221 : vector<2000x1xf32>
    %mul3A_223 = vector.broadcast %rsqrt3A_222 : vector<2000x1xf32> to vector<2000x192xf32>
    %mul3A_224 = arith.mulf %sub3A_216, %mul3A_223 : vector<2000x192xf32>
    %dot_general3A_225 = arith.constant dense<0.000000e+00> : vector<2000x128xf32>
    %dot_general3A_226 = tpu.matmul %mul3A_224, %get3A_13, %dot_general3A_225 {dimension_numbers = #tpu.dot_dimension_numbers<[1], [0], [0], [1], [0, 0, 1, 1], [], []>, transpose_lhs_hint = false} : vector<2000x192xf32>, vector<192x128xf32>, vector<2000x128xf32> -> vector<2000x128xf32>
    %add3A_227 = vector.broadcast %get3A_16 : vector<1x128xf32> to vector<2000x128xf32>
    %add3A_228 = arith.addf %dot_general3A_226, %add3A_227 : vector<2000x128xf32>
    %logistic3A_229 = arith.negf %add3A_228 : vector<2000x128xf32>
    %logistic3A_230 = math.exp %logistic3A_229 : vector<2000x128xf32>
    %logistic3A_231 = arith.constant 1.000000e+00 : f32
    %logistic3A_232 = vector.broadcast %logistic3A_231 : f32 to vector<2000x128xf32>
    %logistic3A_233 = arith.addf %logistic3A_232, %logistic3A_230 : vector<2000x128xf32>
    %logistic3A_234 = arith.divf %logistic3A_232, %logistic3A_233 : vector<2000x128xf32>
    %mul3A_235 = arith.mulf %add3A_228, %logistic3A_234 : vector<2000x128xf32>
    %reduce_sum3A_236 = arith.constant dense<0.000000e+00> : vector<2000xf32>
    %reduce_sum3A_237 = vector.multi_reduction <add>, %mul3A_235, %reduce_sum3A_236 [1] : vector<2000x128xf32> to vector<2000xf32>
    %broadcast_in_dim3A_238 = vector.shape_cast %reduce_sum3A_237 : vector<2000xf32> to vector<2000x1xf32>
    %div3A_239 = arith.constant 1.280000e+02 : f32
    %div3A_240 = vector.broadcast %div3A_239 : f32 to vector<2000x1xf32>
    %div3A_241 = arith.divf %broadcast_in_dim3A_238, %div3A_240 : vector<2000x1xf32>
    %mul3A_242 = arith.mulf %mul3A_235, %mul3A_235 : vector<2000x128xf32>
    %reduce_sum3A_243 = arith.constant dense<0.000000e+00> : vector<2000xf32>
    %reduce_sum3A_244 = vector.multi_reduction <add>, %mul3A_242, %reduce_sum3A_243 [1] : vector<2000x128xf32> to vector<2000xf32>
    %broadcast_in_dim3A_245 = vector.shape_cast %reduce_sum3A_244 : vector<2000xf32> to vector<2000x1xf32>
    %div3A_246 = arith.constant 1.280000e+02 : f32
    %div3A_247 = vector.broadcast %div3A_246 : f32 to vector<2000x1xf32>
    %div3A_248 = arith.divf %broadcast_in_dim3A_245, %div3A_247 : vector<2000x1xf32>
    %sub3A_249 = vector.broadcast %div3A_241 : vector<2000x1xf32> to vector<2000x128xf32>
    %sub3A_250 = arith.subf %mul3A_235, %sub3A_249 : vector<2000x128xf32>
    %mul3A_251 = arith.mulf %div3A_241, %div3A_241 : vector<2000x1xf32>
    %sub3A_252 = arith.subf %div3A_248, %mul3A_251 : vector<2000x1xf32>
    %add3A_253 = arith.constant 9.99999974E-6 : f32
    %add3A_254 = vector.broadcast %add3A_253 : f32 to vector<2000x1xf32>
    %add3A_255 = arith.addf %sub3A_252, %add3A_254 : vector<2000x1xf32>
    %rsqrt3A_256 = math.rsqrt %add3A_255 : vector<2000x1xf32>
    %mul3A_257 = vector.broadcast %rsqrt3A_256 : vector<2000x1xf32> to vector<2000x128xf32>
    %mul3A_258 = arith.mulf %sub3A_250, %mul3A_257 : vector<2000x128xf32>
    %mul3A_259 = vector.broadcast %get3A_7 : vector<1x128xf32> to vector<2000x128xf32>
    %mul3A_260 = arith.mulf %mul3A_258, %mul3A_259 : vector<2000x128xf32>
    %add3A_261 = vector.broadcast %get3A_10 : vector<1x128xf32> to vector<2000x128xf32>
    %add3A_262 = arith.addf %mul3A_260, %add3A_261 : vector<2000x128xf32>
    %swap3A_263 = arith.constant 2 : index
    %swap3A_264 = arith.constant 0 : index
    %swap3A_265 = arith.constant 0 : index
    %swap3A_266 = vector.load %arg10[%swap3A_263, %swap3A_264, %swap3A_265] : memref<4x2000x128xf32, #tpu.memory_space<vmem>>, vector<1x2000x128xf32>
    %swap3A_267 = vector.shape_cast %swap3A_266 : vector<1x2000x128xf32> to vector<2000x128xf32>
    %swap3A_268 = vector.shape_cast %add3A_262 : vector<2000x128xf32> to vector<1x2000x128xf32>
    tpu.vector_store %arg10[%swap3A_263, %swap3A_264, %swap3A_265], %swap3A_268 {strides = array<i32>} : memref<4x2000x128xf32, #tpu.memory_space<vmem>>, vector<1x2000x128xf32>,
    %get3A_269 = arith.constant 3 : index
    %get3A_270 = arith.constant 0 : index
    %get3A_271 = arith.constant 0 : index
    %get3A_272 = vector.load %arg1[%get3A_269, %get3A_270, %get3A_271] : memref<4x2000x128xf32, #tpu.memory_space<vmem>>, vector<1x2000x128xf32>
    %get3A_273 = vector.shape_cast %get3A_272 : vector<1x2000x128xf32> to vector<2000x128xf32>
    %dot_general3A_274 = arith.constant dense<0.000000e+00> : vector<2000x128xf32>
    %dot_general3A_275 = tpu.matmul %get3A_273, %get3A_1, %dot_general3A_274 {dimension_numbers = #tpu.dot_dimension_numbers<[1], [0], [0], [1], [0, 0, 1, 1], [], []>, transpose_lhs_hint = false} : vector<2000x128xf32>, vector<128x128xf32>, vector<2000x128xf32> -> vector<2000x128xf32>
    %add3A_276 = vector.broadcast %get3A_4 : vector<1x128xf32> to vector<2000x128xf32>
    %add3A_277 = arith.addf %dot_general3A_275, %add3A_276 : vector<2000x128xf32>
    %slice3A_278 = vector.extract_strided_slice %get3A_19 {offsets = [0, 96], sizes = [2000, 32], strides = [1, 1]} : vector<2000x128xf32> to vector<2000x32xf32>
    %slice3A_279 = vector.extract_strided_slice %get3A_22 {offsets = [0, 96], sizes = [2000, 32], strides = [1, 1]} : vector<2000x128xf32> to vector<2000x32xf32>
    %concatenate3A_280 = tpu.concatenate %add3A_277, %slice3A_278, %slice3A_279 in 1 : vector<2000x128xf32>, vector<2000x32xf32>, vector<2000x32xf32> -> vector<2000x192xf32>
    %logistic3A_281 = arith.negf %concatenate3A_280 : vector<2000x192xf32>
    %logistic3A_282 = math.exp %logistic3A_281 : vector<2000x192xf32>
    %logistic3A_283 = arith.constant 1.000000e+00 : f32
    %logistic3A_284 = vector.broadcast %logistic3A_283 : f32 to vector<2000x192xf32>
    %logistic3A_285 = arith.addf %logistic3A_284, %logistic3A_282 : vector<2000x192xf32>
    %logistic3A_286 = arith.divf %logistic3A_284, %logistic3A_285 : vector<2000x192xf32>
    %mul3A_287 = arith.mulf %concatenate3A_280, %logistic3A_286 : vector<2000x192xf32>
    %reduce_sum3A_288 = arith.constant dense<0.000000e+00> : vector<2000xf32>
    %reduce_sum3A_289 = vector.multi_reduction <add>, %mul3A_287, %reduce_sum3A_288 [1] : vector<2000x192xf32> to vector<2000xf32>
    %broadcast_in_dim3A_290 = vector.shape_cast %reduce_sum3A_289 : vector<2000xf32> to vector<2000x1xf32>
    %div3A_291 = arith.constant 1.920000e+02 : f32
    %div3A_292 = vector.broadcast %div3A_291 : f32 to vector<2000x1xf32>
    %div3A_293 = arith.divf %broadcast_in_dim3A_290, %div3A_292 : vector<2000x1xf32>
    %mul3A_294 = arith.mulf %mul3A_287, %mul3A_287 : vector<2000x192xf32>
    %reduce_sum3A_295 = arith.constant dense<0.000000e+00> : vector<2000xf32>
    %reduce_sum3A_296 = vector.multi_reduction <add>, %mul3A_294, %reduce_sum3A_295 [1] : vector<2000x192xf32> to vector<2000xf32>
    %broadcast_in_dim3A_297 = vector.shape_cast %reduce_sum3A_296 : vector<2000xf32> to vector<2000x1xf32>
    %div3A_298 = arith.constant 1.920000e+02 : f32
    %div3A_299 = vector.broadcast %div3A_298 : f32 to vector<2000x1xf32>
    %div3A_300 = arith.divf %broadcast_in_dim3A_297, %div3A_299 : vector<2000x1xf32>
    %sub3A_301 = vector.broadcast %div3A_293 : vector<2000x1xf32> to vector<2000x192xf32>
    %sub3A_302 = arith.subf %mul3A_287, %sub3A_301 : vector<2000x192xf32>
    %mul3A_303 = arith.mulf %div3A_293, %div3A_293 : vector<2000x1xf32>
    %sub3A_304 = arith.subf %div3A_300, %mul3A_303 : vector<2000x1xf32>
    %add3A_305 = arith.constant 9.99999974E-6 : f32
    %add3A_306 = vector.broadcast %add3A_305 : f32 to vector<2000x1xf32>
    %add3A_307 = arith.addf %sub3A_304, %add3A_306 : vector<2000x1xf32>
    %rsqrt3A_308 = math.rsqrt %add3A_307 : vector<2000x1xf32>
    %mul3A_309 = vector.broadcast %rsqrt3A_308 : vector<2000x1xf32> to vector<2000x192xf32>
    %mul3A_310 = arith.mulf %sub3A_302, %mul3A_309 : vector<2000x192xf32>
    %dot_general3A_311 = arith.constant dense<0.000000e+00> : vector<2000x128xf32>
    %dot_general3A_312 = tpu.matmul %mul3A_310, %get3A_13, %dot_general3A_311 {dimension_numbers = #tpu.dot_dimension_numbers<[1], [0], [0], [1], [0, 0, 1, 1], [], []>, transpose_lhs_hint = false} : vector<2000x192xf32>, vector<192x128xf32>, vector<2000x128xf32> -> vector<2000x128xf32>
    %add3A_313 = vector.broadcast %get3A_16 : vector<1x128xf32> to vector<2000x128xf32>
    %add3A_314 = arith.addf %dot_general3A_312, %add3A_313 : vector<2000x128xf32>
    %logistic3A_315 = arith.negf %add3A_314 : vector<2000x128xf32>
    %logistic3A_316 = math.exp %logistic3A_315 : vector<2000x128xf32>
    %logistic3A_317 = arith.constant 1.000000e+00 : f32
    %logistic3A_318 = vector.broadcast %logistic3A_317 : f32 to vector<2000x128xf32>
    %logistic3A_319 = arith.addf %logistic3A_318, %logistic3A_316 : vector<2000x128xf32>
    %logistic3A_320 = arith.divf %logistic3A_318, %logistic3A_319 : vector<2000x128xf32>
    %mul3A_321 = arith.mulf %add3A_314, %logistic3A_320 : vector<2000x128xf32>
    %reduce_sum3A_322 = arith.constant dense<0.000000e+00> : vector<2000xf32>
    %reduce_sum3A_323 = vector.multi_reduction <add>, %mul3A_321, %reduce_sum3A_322 [1] : vector<2000x128xf32> to vector<2000xf32>
    %broadcast_in_dim3A_324 = vector.shape_cast %reduce_sum3A_323 : vector<2000xf32> to vector<2000x1xf32>
    %div3A_325 = arith.constant 1.280000e+02 : f32
    %div3A_326 = vector.broadcast %div3A_325 : f32 to vector<2000x1xf32>
    %div3A_327 = arith.divf %broadcast_in_dim3A_324, %div3A_326 : vector<2000x1xf32>
    %mul3A_328 = arith.mulf %mul3A_321, %mul3A_321 : vector<2000x128xf32>
    %reduce_sum3A_329 = arith.constant dense<0.000000e+00> : vector<2000xf32>
    %reduce_sum3A_330 = vector.multi_reduction <add>, %mul3A_328, %reduce_sum3A_329 [1] : vector<2000x128xf32> to vector<2000xf32>
    %broadcast_in_dim3A_331 = vector.shape_cast %reduce_sum3A_330 : vector<2000xf32> to vector<2000x1xf32>
    %div3A_332 = arith.constant 1.280000e+02 : f32
    %div3A_333 = vector.broadcast %div3A_332 : f32 to vector<2000x1xf32>
    %div3A_334 = arith.divf %broadcast_in_dim3A_331, %div3A_333 : vector<2000x1xf32>
    %sub3A_335 = vector.broadcast %div3A_327 : vector<2000x1xf32> to vector<2000x128xf32>
    %sub3A_336 = arith.subf %mul3A_321, %sub3A_335 : vector<2000x128xf32>
    %mul3A_337 = arith.mulf %div3A_327, %div3A_327 : vector<2000x1xf32>
    %sub3A_338 = arith.subf %div3A_334, %mul3A_337 : vector<2000x1xf32>
    %add3A_339 = arith.constant 9.99999974E-6 : f32
    %add3A_340 = vector.broadcast %add3A_339 : f32 to vector<2000x1xf32>
    %add3A_341 = arith.addf %sub3A_338, %add3A_340 : vector<2000x1xf32>
    %rsqrt3A_342 = math.rsqrt %add3A_341 : vector<2000x1xf32>
    %mul3A_343 = vector.broadcast %rsqrt3A_342 : vector<2000x1xf32> to vector<2000x128xf32>
    %mul3A_344 = arith.mulf %sub3A_336, %mul3A_343 : vector<2000x128xf32>
    %mul3A_345 = vector.broadcast %get3A_7 : vector<1x128xf32> to vector<2000x128xf32>
    %mul3A_346 = arith.mulf %mul3A_344, %mul3A_345 : vector<2000x128xf32>
    %add3A_347 = vector.broadcast %get3A_10 : vector<1x128xf32> to vector<2000x128xf32>
    %add3A_348 = arith.addf %mul3A_346, %add3A_347 : vector<2000x128xf32>
    %swap3A_349 = arith.constant 3 : index
    %swap3A_350 = arith.constant 0 : index
    %swap3A_351 = arith.constant 0 : index
    %swap3A_352 = vector.load %arg10[%swap3A_349, %swap3A_350, %swap3A_351] : memref<4x2000x128xf32, #tpu.memory_space<vmem>>, vector<1x2000x128xf32>
    %swap3A_353 = vector.shape_cast %swap3A_352 : vector<1x2000x128xf32> to vector<2000x128xf32>
    %swap3A_354 = vector.shape_cast %add3A_348 : vector<2000x128xf32> to vector<1x2000x128xf32>
    tpu.vector_store %arg10[%swap3A_349, %swap3A_350, %swap3A_351], %swap3A_354 {strides = array<i32>} : memref<4x2000x128xf32, #tpu.memory_space<vmem>>, vector<1x2000x128xf32>,
    return
  }
  func.func @transform_0(%arg0: i32) -> (i32, i32, i32) {
    %c0_i32 = arith.constant 0 : i32
    %c0_i32_0 = arith.constant 0 : i32
    %c0_i32_1 = arith.constant 0 : i32
    return %c0_i32, %arg0, %c0_i32_0 : i32, i32, i32
  }
  func.func @transform_1(%arg0: i32) -> (i32, i32) {
    %c0_i32 = arith.constant 0 : i32
    %c0_i32_0 = arith.constant 0 : i32
    %c0_i32_1 = arith.constant 0 : i32
    return %c0_i32, %c0_i32_0 : i32, i32
  }
  func.func @transform_2(%arg0: i32) -> (i32, i32) {
    %c0_i32 = arith.constant 0 : i32
    %c0_i32_0 = arith.constant 0 : i32
    %c0_i32_1 = arith.constant 0 : i32
    return %c0_i32, %c0_i32_0 : i32, i32
  }
  func.func @transform_3(%arg0: i32) -> (i32, i32) {
    %c0_i32 = arith.constant 0 : i32
    %c0_i32_0 = arith.constant 0 : i32
    return %arg0, %c0_i32 : i32, i32
  }
  func.func @transform_4(%arg0: i32) -> (i32, i32) {
    %c0_i32 = arith.constant 0 : i32
    %c0_i32_0 = arith.constant 0 : i32
    return %arg0, %c0_i32 : i32, i32
  }
  func.func @transform_5(%arg0: i32) -> (i32, i32) {
    %c0_i32 = arith.constant 0 : i32
    %c0_i32_0 = arith.constant 0 : i32
    %c0_i32_1 = arith.constant 0 : i32
    return %c0_i32, %c0_i32_0 : i32, i32
  }
  func.func @transform_6(%arg0: i32) -> (i32, i32) {
    %c0_i32 = arith.constant 0 : i32
    %c0_i32_0 = arith.constant 0 : i32
    %c0_i32_1 = arith.constant 0 : i32
    return %c0_i32, %c0_i32_0 : i32, i32
  }
  func.func @transform_7(%arg0: i32) -> (i32, i32) {
    %c0_i32 = arith.constant 0 : i32
    %c0_i32_0 = arith.constant 0 : i32
    %c0_i32_1 = arith.constant 0 : i32
    return %c0_i32, %c0_i32_0 : i32, i32
  }
  func.func @transform_8(%arg0: i32) -> (i32, i32) {
    %c0_i32 = arith.constant 0 : i32
    %c0_i32_0 = arith.constant 0 : i32
    %c0_i32_1 = arith.constant 0 : i32
    return %c0_i32, %c0_i32_0 : i32, i32
  }
  func.func @transform_9(%arg0: i32) -> (i32, i32, i32) {
    %c0_i32 = arith.constant 0 : i32
    %c0_i32_0 = arith.constant 0 : i32
    %c0_i32_1 = arith.constant 0 : i32
    return %c0_i32, %arg0, %c0_i32_0 : i32, i32, i32
  }
}

</mosaic_0001>

<sc_bundles>
// kernel: kernel.5.cloned.1.call-start
scs
__scs_entry_jumppad:
0x0: {  	(pc) =	sbr.rel $0x88, $3  }
0x1: {  	(tag) =	ssettag $0x0;
	lr =	simm.s32 $0x1  }
0x2: {  	[smem:$0x3F92] =	sst lr;
	_ =	strace $0xD0000000  }
0x3: {  	_ = 	snop  }
0x4: {  	_ = 	snop  }
0x5: {  	_ = 	snop  }
0x6: {  	_ = 	snop  }
0x7: {  	_ = 	snop  }
__scs_overlays_trampoline_lowered:
0x8: {  	[smem:$0x3FA1] =	sst s0  }
0x9: {  	[smem:$0x3FA2] =	sst s1  }
0xa: {  	[smem:$0x3FA3] =	sst s2  }
0xb: {  	[smem:$0x3FA4] =	sst s3  }
0xc: {  	[smem:$0x3FA5] =	sst s4  }
0xd: {  	[smem:$0x3FA6] =	sst s5  }
0xe: {  	[smem:$0x3FA7] =	sst s6  }
0xf: {  	[smem:$0x3FA8] =	sst s7  }
0x10: {  	[smem:$0x3FA9] =	sst s8  }
0x11: {  	[smem:$0x3FAA] =	sst s9;
	s0 =	simm.s32 @!p0 $0x0  }
0x12: {  	s1 =	sld [smem:$0x3F90];
	s0 =	simm.s32 @p0 $0x1  }
0x13: {  	[smem:$0x3FAB] =	sst s0;
	s0 =	simm.s32 @!p1 $0x0  }
0x14: {  	s2 =	sld [smem:$0x3F8F];
	s0 =	simm.s32 @p1 $0x1  }
0x15: {  	[smem:$0x3FAC] =	sst s0;
	s0 =	simm.s32 @!p2 $0x0  }
0x16: {  	s3 =	sld [smem:$0x3FDB];
	s0 =	simm.s32 @p2 $0x1  }
0x17: {  	s4 =	simm.s32 $0x1BF5;
	[smem:$0x3FAE] =	sst s0  }
0x18: {  	s0 =	sld [smem:$0x3F91];
	_ =	swait.ge [sflag:s4], $0x0  }
0x19: {  	s7 =	sld [smem:$0x3F92]  }
0x1a: {  	s8 =	sadd.s32 $0xFFFFE003, lr  }
0x1b: {  	s9 =	sadd.s32 $0xFFFFFEF7, lr;
	s5 =	simm.s32 $0xFFFFFFFF;
	p2 =	slt.u32 s8, $0xFFFFF086  }
0x1c: {  	p1 =	slt.u32 s9, $0xF7A;
	s5 =	simm.s32 @!p2 $0x0  }
0x1d: {  	s5 =	simm.s32 @p1 $0x1;
	p0 =	seq.s32 s7, s2  }
0x1e: {  	s7 =	smul.u32 @!p0 $0xF7A, s2;
	p2 =	seq.s32 @!p0 s5, $0x0  }
0x1f: {  	s9 =	smul.u32 $0xF7A, s1;
	s8 =	simm.s32 @!p0 $0x1BF5;
	p2 =	por !p2, p0  }
0x20: {  	[sflag:s8] =	ssyncset.s32 @!p0 $0xFFFFF086;
	s6 =	sadd.s32 @!p0 s3, s7;
	s7 =	simm.s32 @!p0 $0x108  }
0x21: {  	s3 =	sadd.s32 s3, s9;
	s6 =	sadd.s32 @!p0 $0x88, s6;
	s7 =	simm.s32 @p2 $0x1082  }
0x22: {  	[simem:s7], [sflag:s8] =	dma.local @!p0 [hbm:s6], $0xF7A  }
0x23: {  	s9 =	sor.u32 $0xD0000000, s2;
	s6 =	simm.s32 $0x108;
	_ =	swait.ge @!p0 [sflag:s8], $0x0  }
0x24: {  	s3 =	sadd.s32 $0x88, s3;
	s6 =	simm.s32 @!p1 $0x1082;
	[sflag:s4] =	ssyncset.s32 $0xFFFFF086  }
0x25: {  	[simem:s6], [sflag:s4] =	dma.local [hbm:s3], $0xF7A  }
0x26: {  	[smem:$0x3F92] =	sst s1;
	(tag) =	ssettag s2;
	_ =	strace s9  }
0x27: {  	s1 =	sld [smem:$0x3FA2]  }
0x28: {  	s2 =	sld [smem:$0x3FA3]  }
0x29: {  	s4 =	sld [smem:$0x3FA5]  }
0x2a: {  	p0 =	seq.s32 s5, $0x0;
	s5 =	sld [smem:$0x3FA6]  }
0x2b: {  	s6 =	sld [smem:$0x3FA7]  }
0x2c: {  	s7 =	sld [smem:$0x3FA8]  }
0x2d: {  	s3 =	simm.s32 $0x108;
	s8 =	sld [smem:$0x3FA9]  }
0x2e: {  	s3 =	simm.s32 @!p0 $0x1082;
	s9 =	sld [smem:$0x3FAA]  }
0x2f: {  	lr =	sadd.s32 s0, s3;
	s0 =	sld [smem:$0x3FA1]  }
0x30: {  	s3 =	sld [smem:$0x3FA4]  }
0x31: {  	[smem:$0x3FAD] =	sst s10  }
0x32: {  	s10 =	sld [smem:$0x3FAB];
	_ =	sdelay $0x3  }
0x33: {  	p0 =	seq.s32 s10, $0x1;
	s10 =	sld [smem:$0x3FAD];
	_ =	sdelay $0x3  }
0x34: {  	[smem:$0x3FAD] =	sst s10  }
0x35: {  	s10 =	sld [smem:$0x3FAC];
	_ =	sdelay $0x3  }
0x36: {  	p1 =	seq.s32 s10, $0x1;
	s10 =	sld [smem:$0x3FAD];
	_ =	sdelay $0x3  }
0x37: {  	[smem:$0x3FAD] =	sst s10  }
0x38: {  	s10 =	sld [smem:$0x3FAE]  }
0x39: {  	_ = 	snop;
	(pc) =	sbr.ind lr, $3  }
0x3a: {  	_ = 	snop  }
0x3b: {  	_ = 	snop  }
0x3c: {  	p2 =	seq.s32 s10, $0x1;
	s10 =	sld [smem:$0x3FAD]  }
0x3d: {  	_ =	shalt  }
0x3e: {  	_ =	shalt  }
0x3f: {  	_ =	shalt  }
0x40: {  	_ =	shalt  }
0x41: {  	_ =	shalt  }
0x42: {  	_ =	shalt  }
0x43: {  	_ =	shalt  }
0x44: {  	_ =	shalt  }
0x45: {  	_ =	shalt  }
0x46: {  	_ =	shalt  }
0x47: {  	_ =	shalt  }
0x48: {  	_ =	shalt  }
0x49: {  	_ =	shalt  }
0x4a: {  	_ =	shalt  }
0x4b: {  	_ =	shalt  }
0x4c: {  	_ =	shalt  }
0x4d: {  	_ =	shalt  }
0x4e: {  	_ =	shalt  }
0x4f: {  	_ =	shalt  }
0x50: {  	_ =	shalt  }
0x51: {  	_ =	shalt  }
0x52: {  	_ =	shalt  }
0x53: {  	_ =	shalt  }
0x54: {  	_ =	shalt  }
0x55: {  	_ =	shalt  }
0x56: {  	_ =	shalt  }
0x57: {  	_ =	shalt  }
0x58: {  	_ =	shalt  }
0x59: {  	_ =	shalt  }
0x5a: {  	_ =	shalt  }
0x5b: {  	_ =	shalt  }
0x5c: {  	_ =	shalt  }
0x5d: {  	_ =	shalt  }
0x5e: {  	_ =	shalt  }
0x5f: {  	_ =	shalt  }
0x60: {  	_ =	shalt  }
0x61: {  	_ =	shalt  }
0x62: {  	_ =	shalt  }
0x63: {  	_ =	shalt  }
0x64: {  	_ =	shalt  }
0x65: {  	_ =	shalt  }
0x66: {  	_ =	shalt  }
0x67: {  	_ =	shalt  }
0x68: {  	_ =	shalt  }
0x69: {  	_ =	shalt  }
0x6a: {  	_ =	shalt  }
0x6b: {  	_ =	shalt  }
0x6c: {  	_ =	shalt  }
0x6d: {  	_ =	shalt  }
0x6e: {  	_ =	shalt  }
0x6f: {  	_ =	shalt  }
0x70: {  	_ =	shalt  }
0x71: {  	_ =	shalt  }
0x72: {  	_ =	shalt  }
0x73: {  	_ =	shalt  }
0x74: {  	_ =	shalt  }
0x75: {  	_ =	shalt  }
0x76: {  	_ =	shalt  }
0x77: {  	_ =	shalt  }
0x78: {  	_ =	shalt  }
0x79: {  	_ =	shalt  }
0x7a: {  	_ =	shalt  }
0x7b: {  	_ =	shalt  }
0x7c: {  	_ =	shalt  }
0x7d: {  	_ =	shalt  }
0x7e: {  	_ =	shalt  }
0x7f: {  	_ =	shalt  }
0x80: {  	_ =	shalt  }
0x81: {  	_ =	shalt  }
0x82: {  	_ =	shalt  }
0x83: {  	_ =	shalt  }
0x84: {  	_ =	shalt  }
0x85: {  	_ =	shalt  }
0x86: {  	_ =	shalt  }
0x87: {  	_ =	shalt  }
.Lfunc_end0:
.L_simem_size_0:
called_computation_lowered:
.L_overlay_start_0:
0x88: {  	s2 =	sld [smem:$0x3FD9]  }
0x89: {  	s3 =	sld [smem:$0x3FFE];
	_ =	sdelay $0x1  }
0x8a: {  	s1 =	srdreg.scid  }
0x8b: {  	s0 =	sand.u32 $0x1, s1  }
0x8c: {  	s17 =	sshll.u32 s0, $0xA;
	s2 =	sadd.s32 s3, s2  }
0x8d: {  	s2 =	sadd.s32 s2, s17  }
0x8e: {  	[smem:$0x3FB9] =	sst s2  }
0x8f: {  	_ = 	snop  }
0x90: {  	s2 =	sld [smem:$0x3FC8]  }
0x91: {  	s18 =	sld [smem:$0x3FC7]  }
0x92: {  	s4 =	sld [smem:$0x3FD0];
	(tm) =	ssettm $0x1  }
0x93: {  	s5 =	sld [smem:$0x3FFB];
	_ =	sdelay $0x3  }
0x94: {  	_ =	strace s5  }
0x95: {  	s5 =	sld [smem:$0x3FFC];
	_ =	sdelay $0x3  }
0x96: {  	_ =	strace s5  }
0x97: {  	s5 =	sld [smem:$0x3FFD];
	_ =	sdelay $0x3  }
0x98: {  	_ =	strace s5  }
0x99: {  	_ =	strace $0x8FFFFFFF  }
0x9a: {  	s19 =	sld [smem:$0x3FDB];
	_ =	sdelay $0x1  }
0x9b: {  	s6 =	simm.s32 $_scs_section_size  }
0x9c: {  	s7 =	simm.s32 $_size__tile_overlayer_lowered;
	s8 =	simm.s32 $_tile_overlayer_lowered  }
0x9d: {  	s22 =	simm.s32 $0x1BFF;
	s21 =	sshll.u32 s8, $0x1;
	s5 =	sadd.s32 s6, s19  }
0x9e: {  	s9 =	simm.s32 $0x0;
	s20 =	sshll.u32 s7, $0x1;
	s7 =	sadd.s32 s21, s5  }
0x9f: {  	[timem:s9], [sflag:s22] =	dma.local [hbm:s7], s20  }
0xa0: {  	_ =	swait.ge [sflag:s22], s20  }
0xa1: {  	s6 =	ssub.s32 $0x0, s20;
	[sflag:s22] =	ssyncset.done $0x0  }
0xa2: {  	[sflag:s22] =	ssyncadd.s32 s6;
	_ =	sdelay $0x1  }
0xa3: {  	s23 =	simm.s32 $0x1B8B  }
0xa4: {  	_ =	swait.ge [sflag:s23], $0x1  }
0xa5: {  	[sflag:s23] =	ssyncset.done $0x0  }
0xa6: {  	s25 =	simm.s32 $0x1B8E;
	s24 =	sld [smem:$0x3FFE];
	[sflag:s23] =	ssyncadd.s32 $0xFFFFFFFF  }
0xa7: {  	s26 =	simm.s32 $execute0_lowered;
	[smem:$0x3FD2] =	sst s25  }
0xa8: {  	s7 =	sshll.u32 s26, $0x1;
	_ =	strace $0x80000046;
	[dreg:$0x1] =	wrdreg $0xFFFFFFFF  }
0xa9: {  	s28 =	simm.s32 $_size_execute0_lowered;
	s5 =	sadd.s32 s5, s7;
	[dreg:$0x0] =	wrdreg $0x0  }
0xaa: {  	s7 =	sshll.u32 s28, $0x1;
	[dreg:$0x2] =	wrdreg s5  }
0xab: {  	[dreg:$0x3] =	wrdreg s7  }
0xac: {  	[dreg:$0x4] =	wrdreg $0xC0  }
0xad: {  	_ =	task [dreg:s9], $0x5FFFF  }
0xae: {  	[dreg:$0x1] =	wrdreg $0xFFFFFFFF  }
0xaf: {  	[dreg:$0x0] =	wrdreg $0x60  }
0xb0: {  	[dreg:$0x2] =	wrdreg s4  }
0xb1: {  	[dreg:$0x3] =	wrdreg s24  }
0xb2: {  	[dreg:$0x4] =	wrdreg s2  }
0xb3: {  	[dreg:$0x5] =	wrdreg s18  }
0xb4: {  	[dreg:$0x6] =	wrdreg $0x0  }
0xb5: {  	[dreg:$0x7] =	wrdreg $0x9  }
0xb6: {  	_ =	task.clear_ibuf [dreg:s9], $0x8FFFF;
	_ =	strace $0x90000046  }
0xb7: {  	s29 =	simm.s32 $0x9;
	_ =	strace $0x80000048  }
0xb8: {  	_ =	swait.ge [sflag:s29], $0x1  }
0xb9: {  	[sflag:s29] =	ssyncadd.s32 $0xFFFFFFFF  }
0xba: {  	_ =	strace $0x90000048  }
0xbb: {  	_ =	sfence  }
0xbc: {  	s30 =	sld [smem:$0x0];
	_ =	sdelay $0x2  }
0xbd: {  	s31 =	sshll.u32 s1, $0xD;
	s1 =	sshrl.u32 s1, $0x2  }
0xbe: {  	s3 =	sand.u32 $0x4000, s31;
	s1 =	sadd.s32 s1, s30  }
0xbf: {  	s0 =	sor.u32 s3, s0;
	s1 =	sshll.u32 s1, $0x11  }
0xc0: {  	s0 =	sor.u32 s1, s0  }
0xc1: {  	s0 =	sadd.s32 $0x8F2B, s0  }
0xc2: {  	[sflag:s0] =	ssyncadd.remote.s32 $0x1  }
0xc3: {  	_ =	sfence.sel $0xFFFF  }
0xc4: {  	[dreg:$0x0] =	wrdreg $0xFFFFFFFF;
	(pc) =	sbr.abs _section_cstart, $3  }
0xc5: {  	[dreg:$0x1] =	wrdreg $0xFFFFFFFF  }
0xc6: {  	_ =	task.clear_ibuf [dreg:s9], $0x2FFFF;
	_ =	strace $0x9FFFFFFF  }
0xc7: {  	(tm) =	ssettm $0x7FFFFFFF  }
tec
execute0_lowered:
.L_overlay_start_1:
0x0: {  	(tag) =	ssettag $0x1  }
0x1: {  	s1 =	rddreg [dreg:$0x0]  }
0x2: {  	s0 =	rddreg [dreg:$0x1]  }
0x3: {  	s2 =	rddreg [dreg:$0x2]  }
0x4: {  	s6 =	rddreg [dreg:$0x3]  }
0x5: {  	s30 =	rddreg [dreg:$0x4];
	s4 =	simm.s32 $0x0  }
0x6: {  	s14 =	stileid.u32;
	s5 =	srdreg.scid;
	s28 =	simm.s32 $0x80  }
0x7: {  	s31 =	simm.s32 $0x13A80;
	s29 =	simm.s32 $0x13A00;
	[smem:$0x7FF] =	sst s4  }
0x8: {  	s7 =	smul.u32 $0x2700, s14;
	s8 =	sand.u32 $0x1, s5;
	s5 =	sadd.s32 $0x2200, s0  }
0x9: {  	s15 =	sadd.s32 $0x50600, s0;
	s12 =	smul.u32 $0x4E000, s14;
	s16 =	sadd.s32 $0x77800, s0  }
0xa: {  	s3 =	smul.u32 $0x9C, s14;
	s13 =	smin.u32 s14, $0x4;
	s20 =	sadd.s32 $0x138000, s30  }
0xb: {  	p1 =	slt.u32 s14, $0x4;
	s23 =	smul.u32 $0x1380, s14;
	s25 =	sshll.u32 s14, $0x6  }
0xc: {  	p2 =	sgt.u32 s14, $0x3;
	_ =	strace $0x80000047;
	[dreg:$0xf] =	wrdreg s20  }
0xd: {  	p3 =	seq.s32 s14, $0xF;
	s10 =	ssub.s32 $0x2, s8;
	[dreg:$0xb] =	wrdreg s15  }
0xe: {  	p0 =	seq.s32 s8, $0x1;
	[dreg:$0xc] =	wrdreg s16;
	s26 =	sshll.u32 s13, $0x5  }
0xf: {  	[dreg:$0x1b] =	wrdreg s5;
	s9 =	sadd.s32 s7, s0;
	s11 =	sshrl.u32 s10, $0x1  }
0x10: {  	s17 =	sshrl.u32 s12, $0x2;
	s19 =	sadd.s32 s13, s3;
	s0 =	sadd.s32 $0x50400, s0  }
0x11: {  	s22 =	sadd.s32 s15, s7;
	s7 =	sadd.s32 s16, s7;
	s12 =	simm.s32 $0x1  }
0x12: {  	s3 =	simm.s32 $0x13C80;
	s16 =	simm.s32 $0x5;
	s13 =	simm.s32 $0x1BC80  }
0x13: {  	s15 =	simm.s32 $0x8;
	s10 =	ssub.s32 s10, s11;
	[dreg:$0x10] =	wrdreg s0  }
0x14: {  	s8 =	sadd.s32 s17, s30;
	s18 =	sadd.s32 $0x29400, s9;
	[dreg:$0x14] =	wrdreg s22  }
0x15: {  	s21 =	sshll.u32 s19, $0x5;
	s9 =	simm.s32 $0x9D;
	[dreg:$0x16] =	wrdreg s7  }
0x16: {  	s22 =	simm.s32 $0x13980;
	s17 =	simm.s32 $0x13B80;
	s7 =	simm.s32 $0x6  }
0x17: {  	s11 =	simm.s32 $0x7;
	s19 =	simm.s32 $0x9;
	[dreg:$0xd] =	wrdreg s8  }
0x18: {  	[dreg:$0xe] =	wrdreg s18;
	s8 =	sadd.s32 s2, s21;
	s9 =	simm.s32 @!p1 $0x9C  }
0x19: {  	s0 =	sadd.s32 s6, s21;
	s24 =	smax.u32 s10, $0x1;
	s2 =	sadd.s32 s23, s2  }
0x1a: {  	p1 =	sne.s32 s14, $0xF;
	s14 =	simm.s32 $0x17C80;
	[dreg:$0x8] =	wrdreg s9  }
0x1b: {  	s18 =	simm.s32 $0x3;
	s21 =	simm.s32 $0x13B00;
	[dreg:$0x11] =	wrdreg s8  }
0x1c: {  	s10 =	simm.s32 $0xA;
	s8 =	sadd.s32 $0x20, s8;
	[dreg:$0x13] =	wrdreg s0  }
0x1d: {  	s0 =	sadd.s32 $0x20, s0;
	[dreg:$0x17] =	wrdreg s24;
	s9 =	sor.u32 $0x1C0B, s25  }
.Ltmp0:
0x1e: {  	s2 =	sadd.s32 s26, s2;
	[dreg:$0x12] =	wrdreg s8;
	(pc) =	sbr.rel .LBB2_1-.Ltmp0, $4  }
0x1f: {  	s24 =	simm.s32 $0x13900;
	[dreg:$0x15] =	wrdreg s0;
	s0 =	sadd.s32 s23, s6  }
0x20: {  	[dreg:$0x6] =	wrdreg s2;
	s23 =	simm.s32 $0x13880;
	s8 =	simm.s32 $0x4  }
0x21: {  	s6 =	simm.s32 $0x0;
	[dreg:$0x18] =	wrdreg s9;
	s25 =	sadd.s32 s26, s0  }
0x22: {  	s0 =	simm.s32 $0x2;
	s26 =	simm.s32 $0x13C00;
	[dreg:$0x7] =	wrdreg s25  }
.LBB2_8:
0x23: {  	s6 =	rddreg [dreg:$0xf]  }
0x24: {  	s2 =	sadd.s32 $0x27000, s20;
	s20 =	simm.s32 $0xB;
	s6 =	sshrl.u32 s6, $0x3  }
0x25: {  	[hbm:s2], [sflag:s9] =	dma.local [spmem:s6], $0x100  }
0x26: {  	_ =	swait.ge [sflag:s20], $0x100  }
0x27: {  	[sflag:s20] =	ssyncset.done $0x0  }
0x28: {  	[sflag:s20] =	ssyncadd.s32 $0xFFFFFF00  }
.LBB2_9:
0x29: {  	s6 =	sadd.s32 $0x1, s22;
	s2 =	rddreg [dreg:$0x17]  }
0x2a: {  	p4 =	sne.s32 s6, s2  }
.Ltmp1:
0x2b: {  	_ = 	snop;
	(pc) =	sbr.rel @!p4 .LBB2_10-.Ltmp1, $2  }
0x2c: {  	_ =	sdelay $0x2  }
0x2d: {  	s22 =	simm.s32 $0x13980  }
.LBB2_1:
0x2e: {  	s2 =	rddreg [dreg:$0xd]  }
0x2f: {  	s20 =	sshrl.u32 s2, $0x3;
	s2 =	rddreg [dreg:$0xe]  }
0x30: {  	[dreg:$0x1a] =	wrdreg s20  }
0x31: {  	[spmem:s20], [sflag:s9] =	dma.local [hbm:s2], $0x2700  }
.Ltmp2:
0x32: {  	_ = 	snop;
	(pc) =	sbr.rel @!p0 .LBB2_2-.Ltmp2, $4  }
0x33: {  	s20 =	simm.s32 $0xB  }
0x34: {  	_ =	swait.ge [sflag:s20], $0x2700  }
0x35: {  	[sflag:s20] =	ssyncset.done $0x0;
	s2 =	rddreg [dreg:$0xf]  }
0x36: {  	[dreg:$0x19] =	wrdreg s6;
	[sflag:s20] =	ssyncadd.s32 $0xFFFFD900;
	s20 =	sshrl.u32 @!p1 s2, $0x3  }
0x37: {  	s2 =	rddreg [dreg:$0x10]  }
0x38: {  	[spmem:s20], [sflag:s9] =	dma.local @!p1 [hbm:s2], $0x100  }
0x39: {  	s2 =	simm.s32 @!p1 $0xB  }
0x3a: {  	_ =	swait.ge @!p1 [sflag:s2], $0x100  }
0x3b: {  	[sflag:s2] =	ssyncset.done @!p1 $0x0  }
0x3c: {  	[sflag:s2] =	ssyncadd.s32 @!p1 $0xFFFFFF00  }
0x3d: {  	[bflag:$0x0] =	sbarrier.arrive $0xFFFF  }
0x3e: {  	s9 =	simm.s32 $0x0;
	s6 =	rddreg [dreg:$0x13]  }
0x3f: {  	[tilespmem:s23], [sflag:$0x1] =	stream.linear.gather [hbm4b:s6+s9], $0x100, $0x38;
	[tilespmem:$0x1FC80] =	vst v63  }
0x40: {  	s20 =	rddreg [dreg:$0x15]  }
0x41: {  	[tilespmem:s22], [sflag:$0x2] =	stream.linear.gather [hbm4b:s20+s9], $0x100, $0x38;
	[tilespmem:$0x1FC80] =	vst v63  }
0x42: {  	_ =	swait.ge [sflag:s12], $0x100  }
0x43: {  	p4 =	por $0x1, $0x1;
	[sflag:s12] =	ssyncset.done $0x0  }
0x44: {  	s2 =	simm.s32 @!p4 $0x9;
	[sflag:s12] =	ssyncadd.s32 $0xFFFFFF00  }
0x45: {  	[tilespmem:s3], [sflag:$0x5] =	stream.indirect.gather [hbm4b:s5+s28], $0x80, s24, s28, $0xb8;
	[tilespmem:$0x1FC80] =	vst v63  }
0x46: {  	_ =	swait.ge @!p4 [sflag:s2], $0x4000  }
0x47: {  	s20 =	sadd.s32 $0x0, s25;
	[sflag:s2] =	ssyncset.done @!p4 $0x0  }
0x48: {  	s9 =	sadd.s32 $0x40, s20;
	[sflag:s2] =	ssyncadd.s32 @!p4 $0xFFFFC000  }
0x49: {  	[tilespmem:s31], [sflag:$0x3] =	stream.linear.gather [hbm4b:s9+s4], $0x100, $0x38;
	[tilespmem:$0x1FC80] =	vst v63  }
0x4a: {  	_ =	swait.ge [sflag:s0], $0x100  }
0x4b: {  	[sflag:s0] =	ssyncset.done $0x0  }
0x4c: {  	[sflag:s0] =	ssyncadd.s32 $0xFFFFFF00  }
0x4d: {  	[tilespmem:s14], [sflag:$0x6] =	stream.indirect.gather [hbm4b:s5+s28], $0x80, s29, s28, $0xb8;
	[tilespmem:$0x1FC80] =	vst v63  }
0x4e: {  	_ =	swait.ge [sflag:s16], $0x4000  }
0x4f: {  	[sflag:s16] =	ssyncset.done $0x0  }
0x50: {  	s2 =	simm.s32 @!p4 $0xA;
	[sflag:s16] =	ssyncadd.s32 $0xFFFFC000  }
0x51: {  	[spmem:s30] =	stream.indirect.scatter.add.f32 [tilespmem:s3], [sflag:$0x8], $0x80, s23, s28, $0xb8;
	[tilespmem:$0x1FC80] =	vst v63  }
0x52: {  	_ =	swait.ge @!p4 [sflag:s2], $0x4000  }
0x53: {  	[sflag:s2] =	ssyncset.done @!p4 $0x0  }
0x54: {  	s9 =	sadd.s32 $0x60, s20;
	[sflag:s2] =	ssyncadd.s32 @!p4 $0xFFFFC000  }
0x55: {  	[tilespmem:s17], [sflag:$0x4] =	stream.linear.gather [hbm4b:s9+s4], $0x100, $0x38;
	[tilespmem:$0x1FC80] =	vst v63  }
0x56: {  	_ =	swait.ge [sflag:s18], $0x100  }
0x57: {  	[sflag:s18] =	ssyncset.done $0x0  }
0x58: {  	[sflag:s18] =	ssyncadd.s32 $0xFFFFFF00  }
0x59: {  	[tilespmem:s13], [sflag:$0x7] =	stream.indirect.gather [hbm4b:s5+s28], $0x80, s21, s28, $0xb8;
	[tilespmem:$0x1FC80] =	vst v63  }
0x5a: {  	_ =	swait.ge [sflag:s7], $0x4000  }
0x5b: {  	[sflag:s7] =	ssyncset.done $0x0  }
0x5c: {  	[sflag:s7] =	ssyncadd.s32 $0xFFFFC000  }
0x5d: {  	[spmem:s30] =	stream.indirect.scatter.add.f32 [tilespmem:s14], [sflag:$0x9], $0x80, s22, s28, $0xb8;
	[tilespmem:$0x1FC80] =	vst v63  }
0x5e: {  	_ =	swait.ge [sflag:s15], $0x4000  }
0x5f: {  	[sflag:s15] =	ssyncset.done $0x0  }
0x60: {  	s6 =	sadd.s32 $0x80, s20;
	[sflag:s15] =	ssyncadd.s32 $0xFFFFC000  }
0x61: {  	[tilespmem:s23], [sflag:$0x1] =	stream.linear.gather [hbm4b:s6+s4], $0x100, $0x38;
	[tilespmem:$0x1FC80] =	vst v63  }
0x62: {  	_ =	swait.ge [sflag:s8], $0x100  }
0x63: {  	[sflag:s8] =	ssyncset.done $0x0  }
0x64: {  	[sflag:s8] =	ssyncadd.s32 $0xFFFFFF00  }
0x65: {  	[tilespmem:s3], [sflag:$0x5] =	stream.indirect.gather [hbm4b:s5+s28], $0x80, s26, s28, $0xb8;
	[tilespmem:$0x1FC80] =	vst v63  }
0x66: {  	_ =	swait.ge [sflag:s11], $0x4000  }
0x67: {  	[sflag:s11] =	ssyncset.done $0x0  }
0x68: {  	[sflag:s11] =	ssyncadd.s32 $0xFFFFC000  }
0x69: {  	[spmem:s30] =	stream.indirect.scatter.add.f32 [tilespmem:s13], [sflag:$0xA], $0x80, s31, s28, $0xb8;
	[tilespmem:$0x1FC80] =	vst v63  }
0x6a: {  	_ =	swait.ge [sflag:s19], $0x4000  }
0x6b: {  	[sflag:s19] =	ssyncset.done $0x0  }
0x6c: {  	s9 =	sadd.s32 $0xA0, s20;
	[sflag:s19] =	ssyncadd.s32 $0xFFFFC000  }
0x6d: {  	[tilespmem:s22], [sflag:$0x2] =	stream.linear.gather [hbm4b:s9+s4], $0x100, $0x38;
	[tilespmem:$0x1FC80] =	vst v63  }
0x6e: {  	_ =	swait.ge [sflag:s12], $0x100  }
0x6f: {  	[sflag:s12] =	ssyncset.done $0x0  }
0x70: {  	[sflag:s12] =	ssyncadd.s32 $0xFFFFFF00  }
0x71: {  	[tilespmem:s14], [sflag:$0x6] =	stream.indirect.gather [hbm4b:s5+s28], $0x80, s24, s28, $0xb8;
	[tilespmem:$0x1FC80] =	vst v63  }
0x72: {  	_ =	swait.ge [sflag:s16], $0x4000  }
0x73: {  	[sflag:s16] =	ssyncset.done $0x0  }
0x74: {  	[sflag:s16] =	ssyncadd.s32 $0xFFFFC000  }
0x75: {  	[spmem:s30] =	stream.indirect.scatter.add.f32 [tilespmem:s3], [sflag:$0x8], $0x80, s17, s28, $0xb8;
	[tilespmem:$0x1FC80] =	vst v63  }
0x76: {  	_ =	swait.ge [sflag:s10], $0x4000  }
0x77: {  	[sflag:s10] =	ssyncset.done $0x0  }
0x78: {  	s6 =	sadd.s32 $0xC0, s20;
	[sflag:s10] =	ssyncadd.s32 $0xFFFFC000  }
0x79: {  	[tilespmem:s31], [sflag:$0x3] =	stream.linear.gather [hbm4b:s6+s4], $0x100, $0x38;
	[tilespmem:$0x1FC80] =	vst v63  }
0x7a: {  	_ =	swait.ge [sflag:s0], $0x100  }
0x7b: {  	[sflag:s0] =	ssyncset.done $0x0  }
0x7c: {  	[sflag:s0] =	ssyncadd.s32 $0xFFFFFF00  }
0x7d: {  	[tilespmem:s13], [sflag:$0x7] =	stream.indirect.gather [hbm4b:s5+s28], $0x80, s29, s28, $0xb8;
	[tilespmem:$0x1FC80] =	vst v63  }
0x7e: {  	_ =	swait.ge [sflag:s7], $0x4000  }
0x7f: {  	[sflag:s7] =	ssyncset.done $0x0  }
0x80: {  	[sflag:s7] =	ssyncadd.s32 $0xFFFFC000  }
0x81: {  	[spmem:s30] =	stream.indirect.scatter.add.f32 [tilespmem:s14], [sflag:$0x9], $0x80, s23, s28, $0xb8;
	[tilespmem:$0x1FC80] =	vst v63  }
0x82: {  	_ =	swait.ge [sflag:s15], $0x4000  }
0x83: {  	[sflag:s15] =	ssyncset.done $0x0  }
0x84: {  	s9 =	sadd.s32 $0xE0, s20;
	[sflag:s15] =	ssyncadd.s32 $0xFFFFC000  }
0x85: {  	[tilespmem:s17], [sflag:$0x4] =	stream.linear.gather [hbm4b:s9+s4], $0x100, $0x38;
	[tilespmem:$0x1FC80] =	vst v63  }
0x86: {  	_ =	swait.ge [sflag:s18], $0x100  }
0x87: {  	[sflag:s18] =	ssyncset.done $0x0  }
0x88: {  	[sflag:s18] =	ssyncadd.s32 $0xFFFFFF00  }
0x89: {  	[tilespmem:s3], [sflag:$0x5] =	stream.indirect.gather [hbm4b:s5+s28], $0x80, s21, s28, $0xb8;
	[tilespmem:$0x1FC80] =	vst v63  }
0x8a: {  	_ =	swait.ge [sflag:s11], $0x4000  }
0x8b: {  	[sflag:s11] =	ssyncset.done $0x0  }
0x8c: {  	[sflag:s11] =	ssyncadd.s32 $0xFFFFC000  }
0x8d: {  	[spmem:s30] =	stream.indirect.scatter.add.f32 [tilespmem:s13], [sflag:$0xA], $0x80, s22, s28, $0xb8;
	[tilespmem:$0x1FC80] =	vst v63  }
0x8e: {  	_ =	swait.ge [sflag:s19], $0x4000  }
0x8f: {  	[sflag:s19] =	ssyncset.done $0x0  }
0x90: {  	s6 =	sadd.s32 $0x100, s20;
	[sflag:s19] =	ssyncadd.s32 $0xFFFFC000  }
0x91: {  	[tilespmem:s23], [sflag:$0x1] =	stream.linear.gather [hbm4b:s6+s4], $0x100, $0x38;
	[tilespmem:$0x1FC80] =	vst v63  }
0x92: {  	_ =	swait.ge [sflag:s8], $0x100  }
0x93: {  	[sflag:s8] =	ssyncset.done $0x0  }
0x94: {  	[sflag:s8] =	ssyncadd.s32 $0xFFFFFF00  }
0x95: {  	[tilespmem:s14], [sflag:$0x6] =	stream.indirect.gather [hbm4b:s5+s28], $0x80, s26, s28, $0xb8;
	[tilespmem:$0x1FC80] =	vst v63  }
0x96: {  	_ =	swait.ge [sflag:s16], $0x4000  }
0x97: {  	[sflag:s16] =	ssyncset.done $0x0  }
0x98: {  	[sflag:s16] =	ssyncadd.s32 $0xFFFFC000  }
0x99: {  	[spmem:s30] =	stream.indirect.scatter.add.f32 [tilespmem:s3], [sflag:$0x8], $0x80, s31, s28, $0xb8;
	[tilespmem:$0x1FC80] =	vst v63  }
0x9a: {  	_ =	swait.ge [sflag:s10], $0x4000  }
0x9b: {  	[sflag:s10] =	ssyncset.done $0x0  }
0x9c: {  	s9 =	sadd.s32 $0x120, s20;
	[sflag:s10] =	ssyncadd.s32 $0xFFFFC000  }
0x9d: {  	[tilespmem:s22], [sflag:$0x2] =	stream.linear.gather [hbm4b:s9+s4], $0x100, $0x38;
	[tilespmem:$0x1FC80] =	vst v63  }
0x9e: {  	_ =	swait.ge [sflag:s12], $0x100  }
0x9f: {  	[sflag:s12] =	ssyncset.done $0x0  }
0xa0: {  	[sflag:s12] =	ssyncadd.s32 $0xFFFFFF00  }
0xa1: {  	[tilespmem:s13], [sflag:$0x7] =	stream.indirect.gather [hbm4b:s5+s28], $0x80, s24, s28, $0xb8;
	[tilespmem:$0x1FC80] =	vst v63  }
0xa2: {  	_ =	swait.ge [sflag:s7], $0x4000  }
0xa3: {  	[sflag:s7] =	ssyncset.done $0x0  }
0xa4: {  	[sflag:s7] =	ssyncadd.s32 $0xFFFFC000  }
0xa5: {  	[spmem:s30] =	stream.indirect.scatter.add.f32 [tilespmem:s14], [sflag:$0x9], $0x80, s17, s28, $0xb8;
	[tilespmem:$0x1FC80] =	vst v63  }
0xa6: {  	_ =	swait.ge [sflag:s15], $0x4000  }
0xa7: {  	[sflag:s15] =	ssyncset.done $0x0  }
0xa8: {  	s12 =	sadd.s32 $0x140, s20;
	[sflag:s15] =	ssyncadd.s32 $0xFFFFC000  }
0xa9: {  	[tilespmem:s31], [sflag:$0x3] =	stream.linear.gather [hbm4b:s12+s4], $0x100, $0x38;
	[tilespmem:$0x1FC80] =	vst v63  }
0xaa: {  	_ =	swait.ge [sflag:s0], $0x100  }
0xab: {  	[sflag:s0] =	ssyncset.done $0x0  }
0xac: {  	[sflag:s0] =	ssyncadd.s32 $0xFFFFFF00  }
0xad: {  	[tilespmem:s3], [sflag:$0x5] =	stream.indirect.gather [hbm4b:s5+s28], $0x80, s29, s28, $0xb8;
	[tilespmem:$0x1FC80] =	vst v63  }
0xae: {  	_ =	swait.ge [sflag:s11], $0x4000  }
0xaf: {  	[sflag:s11] =	ssyncset.done $0x0  }
0xb0: {  	[sflag:s11] =	ssyncadd.s32 $0xFFFFC000  }
0xb1: {  	[spmem:s30] =	stream.indirect.scatter.add.f32 [tilespmem:s13], [sflag:$0xA], $0x80, s23, s28, $0xb8;
	[tilespmem:$0x1FC80] =	vst v63  }
0xb2: {  	_ =	swait.ge [sflag:s19], $0x4000  }
0xb3: {  	[sflag:s19] =	ssyncset.done $0x0  }
0xb4: {  	s23 =	sadd.s32 $0x160, s20;
	[sflag:s19] =	ssyncadd.s32 $0xFFFFC000  }
0xb5: {  	[tilespmem:s17], [sflag:$0x4] =	stream.linear.gather [hbm4b:s23+s4], $0x100, $0x38;
	[tilespmem:$0x1FC80] =	vst v63  }
0xb6: {  	_ =	swait.ge [sflag:s18], $0x100  }
0xb7: {  	[sflag:s18] =	ssyncset.done $0x0  }
0xb8: {  	[sflag:s18] =	ssyncadd.s32 $0xFFFFFF00  }
0xb9: {  	[tilespmem:s14], [sflag:$0x6] =	stream.indirect.gather [hbm4b:s5+s28], $0x80, s21, s28, $0xb8;
	[tilespmem:$0x1FC80] =	vst v63  }
0xba: {  	_ =	swait.ge [sflag:s16], $0x4000  }
0xbb: {  	[sflag:s16] =	ssyncset.done $0x0  }
0xbc: {  	s24 =	rddreg [dreg:$0x8];
	[sflag:s16] =	ssyncadd.s32 $0xFFFFC000  }
0xbd: {  	[spmem:s30] =	stream.indirect.scatter.add.f32 [tilespmem:s3], [sflag:$0x8], $0x80, s22, s28, $0xb8;
	[tilespmem:$0x1FC80] =	vst v63  }
0xbe: {  	p4 =	sle.u32 s24, $0xC;
	_ =	swait.ge [sflag:s10], $0x4000  }
0xbf: {  	s2 =	sadd.s32 @!p4 $0x0, s25;
	s6 =	simm.s32 @!p4 $0x13880;
	[sflag:s10] =	ssyncset.done $0x0  }
0xc0: {  	s9 =	simm.s32 @!p4 $0x0;
	s2 =	sadd.s32 @!p4 $0x180, s2;
	[sflag:s10] =	ssyncadd.s32 $0xFFFFC000  }
0xc1: {  	[tilespmem:s6], [sflag:$0x1] =	stream.linear.gather @!p4 [hbm4b:s2+s9], $0x100, $0x38;
	[tilespmem:$0x1FC80] =	vst v63  }
0xc2: {  	_ =	swait.ge [sflag:s8], $0x100  }
0xc3: {  	[sflag:s8] =	ssyncset.done $0x0  }
0xc4: {  	[sflag:s8] =	ssyncadd.s32 $0xFFFFFF00  }
0xc5: {  	[tilespmem:s13], [sflag:$0x7] =	stream.indirect.gather [hbm4b:s5+s28], $0x80, s26, s28, $0xb8;
	[tilespmem:$0x1FC80] =	vst v63  }
0xc6: {  	_ =	swait.ge [sflag:s7], $0x4000  }
0xc7: {  	[sflag:s7] =	ssyncset.done $0x0  }
0xc8: {  	[sflag:s7] =	ssyncadd.s32 $0xFFFFC000  }
0xc9: {  	[spmem:s30] =	stream.indirect.scatter.add.f32 [tilespmem:s14], [sflag:$0x9], $0x80, s31, s28, $0xb8;
	[tilespmem:$0x1FC80] =	vst v63  }
0xca: {  	p5 =	sle.u32 s24, $0xD;
	_ =	swait.ge [sflag:s15], $0x4000  }
0xcb: {  	s2 =	sadd.s32 @!p5 $0x0, s25;
	s6 =	simm.s32 @!p5 $0x13980;
	[sflag:s15] =	ssyncset.done $0x0  }
0xcc: {  	s9 =	simm.s32 @!p5 $0x0;
	s2 =	sadd.s32 @!p5 $0x1A0, s2;
	[sflag:s15] =	ssyncadd.s32 $0xFFFFC000  }
0xcd: {  	[tilespmem:s6], [sflag:$0x2] =	stream.linear.gather @!p5 [hbm4b:s2+s9], $0x100, $0x38;
	[tilespmem:$0x1FC80] =	vst v63  }
0xce: {  	s2 =	simm.s32 @!p4 $0x1  }
0xcf: {  	s29 =	simm.s32 $0x300;
	_ =	swait.ge @!p4 [sflag:s2], $0x100  }
0xd0: {  	s20 =	simm.s32 $0x180;
	s6 =	simm.s32 @!p4 $0x80;
	[sflag:s2] =	ssyncset.done @!p4 $0x0  }
0xd1: {  	s9 =	simm.s32 @!p4 $0x13900;
	[sflag:s2] =	ssyncadd.s32 @!p4 $0xFFFFFF00;
	s2 =	simm.s32 @!p4 $0x13C80  }
0xd2: {  	[tilespmem:s2], [sflag:$0x5] =	stream.indirect.gather @!p4 [hbm4b:s5+s6], $0x80, s9, s6, $0xb8;
	[tilespmem:$0x1FC80] =	vst v63  }
0xd3: {  	s23 =	simm.s32 $0x19;
	p5 =	por $0x0, $0x0;
	_ =	swait.ge [sflag:s11], $0x4000  }
.LBB2_6:
0xd4: {  	[sflag:s11] =	ssyncset.done $0x0;
	s6 =	smov.u32 s29  }
0xd5: {  	s2 =	simm.s32 @!p5 $0x9;
	[dreg:$0x9] =	wrdreg s6;
	[sflag:s11] =	ssyncadd.s32 $0xFFFFC000  }
0xd6: {  	[spmem:s30] =	stream.indirect.scatter.add.f32 [tilespmem:s13], [sflag:$0xA], $0x80, s17, s28, $0xb8;
	[tilespmem:$0x1FC80] =	vst v63  }
0xd7: {  	_ =	swait.ge @!p5 [sflag:s2], $0x4000  }
0xd8: {  	s12 =	rddreg [dreg:$0x7]  }
0xd9: {  	[sflag:s2] =	ssyncset.done @!p5 $0x0;
	s22 =	sadd.s32 s20, s12  }
0xda: {  	[sflag:s2] =	ssyncadd.s32 @!p5 $0xFFFFC000;
	s26 =	sadd.s32 $0x40, s22  }
0xdb: {  	[tilespmem:s31], [sflag:$0x3] =	stream.linear.gather [hbm4b:s26+s4], $0x100, $0x38;
	[tilespmem:$0x1FC80] =	vst v63  }
0xdc: {  	_ =	swait.ge [sflag:s0], $0x100  }
0xdd: {  	[sflag:s0] =	ssyncset.done $0x0  }
0xde: {  	s25 =	simm.s32 $0x13A00;
	[sflag:s0] =	ssyncadd.s32 $0xFFFFFF00  }
0xdf: {  	[tilespmem:s14], [sflag:$0x6] =	stream.indirect.gather [hbm4b:s5+s28], $0x80, s25, s28, $0xb8;
	[tilespmem:$0x1FC80] =	vst v63  }
0xe0: {  	_ =	swait.ge [sflag:s16], $0x4000  }
0xe1: {  	[sflag:s16] =	ssyncset.done $0x0  }
0xe2: {  	s2 =	simm.s32 @!p5 $0xA;
	s31 =	simm.s32 $0x13880;
	[sflag:s16] =	ssyncadd.s32 $0xFFFFC000  }
0xe3: {  	[spmem:s30] =	stream.indirect.scatter.add.f32 [tilespmem:s3], [sflag:$0x8], $0x80, s31, s28, $0xb8;
	[tilespmem:$0x1FC80] =	vst v63  }
0xe4: {  	_ =	swait.ge @!p5 [sflag:s2], $0x4000  }
0xe5: {  	[sflag:s2] =	ssyncset.done @!p5 $0x0  }
0xe6: {  	s9 =	sadd.s32 $0x60, s22;
	s26 =	simm.s32 $0x13B80;
	[sflag:s2] =	ssyncadd.s32 @!p5 $0xFFFFC000  }
0xe7: {  	[tilespmem:s26], [sflag:$0x4] =	stream.linear.gather [hbm4b:s9+s4], $0x100, $0x38;
	[tilespmem:$0x1FC80] =	vst v63  }
0xe8: {  	_ =	swait.ge [sflag:s18], $0x100  }
0xe9: {  	[sflag:s18] =	ssyncset.done $0x0  }
0xea: {  	s9 =	simm.s32 $0x13B00;
	[sflag:s18] =	ssyncadd.s32 $0xFFFFFF00  }
0xeb: {  	[tilespmem:s13], [sflag:$0x7] =	stream.indirect.gather [hbm4b:s5+s28], $0x80, s9, s28, $0xb8;
	[tilespmem:$0x1FC80] =	vst v63  }
0xec: {  	_ =	swait.ge [sflag:s7], $0x4000  }
0xed: {  	[sflag:s7] =	ssyncset.done $0x0  }
0xee: {  	s6 =	simm.s32 $0x13980;
	[sflag:s7] =	ssyncadd.s32 $0xFFFFC000  }
0xef: {  	[spmem:s30] =	stream.indirect.scatter.add.f32 [tilespmem:s14], [sflag:$0x9], $0x80, s6, s28, $0xb8;
	[tilespmem:$0x1FC80] =	vst v63  }
0xf0: {  	_ =	swait.ge [sflag:s15], $0x4000  }
0xf1: {  	[sflag:s15] =	ssyncset.done $0x0  }
0xf2: {  	s16 =	sadd.s32 $0x80, s22;
	[sflag:s15] =	ssyncadd.s32 $0xFFFFC000  }
0xf3: {  	[tilespmem:s31], [sflag:$0x1] =	stream.linear.gather [hbm4b:s16+s4], $0x100, $0x38;
	[tilespmem:$0x1FC80] =	vst v63  }
0xf4: {  	_ =	swait.ge [sflag:s8], $0x100  }
0xf5: {  	[sflag:s8] =	ssyncset.done $0x0  }
0xf6: {  	s24 =	simm.s32 $0x13C00;
	[sflag:s8] =	ssyncadd.s32 $0xFFFFFF00  }
0xf7: {  	[tilespmem:s3], [sflag:$0x5] =	stream.indirect.gather [hbm4b:s5+s28], $0x80, s24, s28, $0xb8;
	[tilespmem:$0x1FC80] =	vst v63  }
0xf8: {  	_ =	swait.ge [sflag:s11], $0x4000  }
0xf9: {  	[sflag:s11] =	ssyncset.done $0x0  }
0xfa: {  	s17 =	simm.s32 $0x13A80;
	[sflag:s11] =	ssyncadd.s32 $0xFFFFC000  }
0xfb: {  	[spmem:s30] =	stream.indirect.scatter.add.f32 [tilespmem:s13], [sflag:$0xA], $0x80, s17, s28, $0xb8;
	[tilespmem:$0x1FC80] =	vst v63  }
0xfc: {  	_ =	swait.ge [sflag:s19], $0x4000  }
0xfd: {  	[sflag:s19] =	ssyncset.done $0x0  }
0xfe: {  	s21 =	sadd.s32 $0xA0, s22;
	s3 =	simm.s32 $0x1;
	[sflag:s19] =	ssyncadd.s32 $0xFFFFC000  }
0xff: {  	[tilespmem:s6], [sflag:$0x2] =	stream.linear.gather [hbm4b:s21+s4], $0x100, $0x38;
	[tilespmem:$0x1FC80] =	vst v63  }
0x100: {  	_ =	swait.ge [sflag:s3], $0x100  }
0x101: {  	[sflag:s3] =	ssyncset.done $0x0  }
0x102: {  	s7 =	simm.s32 $0x5;
	s21 =	simm.s32 $0x13900;
	[sflag:s3] =	ssyncadd.s32 $0xFFFFFF00  }
0x103: {  	[tilespmem:s14], [sflag:$0x6] =	stream.indirect.gather [hbm4b:s5+s28], $0x80, s21, s28, $0xb8;
	[tilespmem:$0x1FC80] =	vst v63  }
0x104: {  	_ =	swait.ge [sflag:s7], $0x4000  }
0x105: {  	[sflag:s7] =	ssyncset.done $0x0  }
0x106: {  	s16 =	simm.s32 $0x13C80;
	[sflag:s7] =	ssyncadd.s32 $0xFFFFC000  }
0x107: {  	[spmem:s30] =	stream.indirect.scatter.add.f32 [tilespmem:s16], [sflag:$0x8], $0x80, s26, s28, $0xb8;
	[tilespmem:$0x1FC80] =	vst v63  }
0x108: {  	_ =	swait.ge [sflag:s10], $0x4000  }
0x109: {  	[sflag:s10] =	ssyncset.done $0x0  }
0x10a: {  	s2 =	sadd.s32 $0xC0, s22;
	[sflag:s10] =	ssyncadd.s32 $0xFFFFC000  }
0x10b: {  	[tilespmem:s17], [sflag:$0x3] =	stream.linear.gather [hbm4b:s2+s4], $0x100, $0x38;
	[tilespmem:$0x1FC80] =	vst v63  }
0x10c: {  	_ =	swait.ge [sflag:s0], $0x100  }
0x10d: {  	[sflag:s0] =	ssyncset.done $0x0  }
0x10e: {  	s15 =	simm.s32 $0x6;
	[sflag:s0] =	ssyncadd.s32 $0xFFFFFF00  }
0x10f: {  	[tilespmem:s13], [sflag:$0x7] =	stream.indirect.gather [hbm4b:s5+s28], $0x80, s25, s28, $0xb8;
	[tilespmem:$0x1FC80] =	vst v63  }
0x110: {  	_ =	swait.ge [sflag:s15], $0x4000  }
0x111: {  	[sflag:s15] =	ssyncset.done $0x0  }
0x112: {  	[sflag:s15] =	ssyncadd.s32 $0xFFFFC000;
	s15 =	simm.s32 $0x8  }
0x113: {  	[spmem:s30] =	stream.indirect.scatter.add.f32 [tilespmem:s14], [sflag:$0x9], $0x80, s31, s28, $0xb8;
	[tilespmem:$0x1FC80] =	vst v63  }
0x114: {  	_ =	swait.ge [sflag:s15], $0x4000  }
0x115: {  	[sflag:s15] =	ssyncset.done $0x0  }
0x116: {  	s2 =	sadd.s32 $0xE0, s22;
	[sflag:s15] =	ssyncadd.s32 $0xFFFFC000  }
0x117: {  	[tilespmem:s26], [sflag:$0x4] =	stream.linear.gather [hbm4b:s2+s4], $0x100, $0x38;
	[tilespmem:$0x1FC80] =	vst v63  }
0x118: {  	_ =	swait.ge [sflag:s18], $0x100  }
0x119: {  	[sflag:s18] =	ssyncset.done $0x0  }
0x11a: {  	[sflag:s18] =	ssyncadd.s32 $0xFFFFFF00  }
0x11b: {  	[tilespmem:s16], [sflag:$0x5] =	stream.indirect.gather [hbm4b:s5+s28], $0x80, s9, s28, $0xb8;
	[tilespmem:$0x1FC80] =	vst v63  }
0x11c: {  	_ =	swait.ge [sflag:s11], $0x4000  }
0x11d: {  	[sflag:s11] =	ssyncset.done $0x0  }
0x11e: {  	[sflag:s11] =	ssyncadd.s32 $0xFFFFC000  }
0x11f: {  	[spmem:s30] =	stream.indirect.scatter.add.f32 [tilespmem:s13], [sflag:$0xA], $0x80, s6, s28, $0xb8;
	[tilespmem:$0x1FC80] =	vst v63  }
0x120: {  	_ =	swait.ge [sflag:s19], $0x4000  }
0x121: {  	[sflag:s19] =	ssyncset.done $0x0  }
0x122: {  	s2 =	sadd.s32 $0x100, s22;
	[sflag:s19] =	ssyncadd.s32 $0xFFFFC000  }
0x123: {  	[tilespmem:s31], [sflag:$0x1] =	stream.linear.gather [hbm4b:s2+s4], $0x100, $0x38;
	[tilespmem:$0x1FC80] =	vst v63  }
0x124: {  	_ =	swait.ge [sflag:s8], $0x100  }
0x125: {  	[sflag:s8] =	ssyncset.done $0x0  }
0x126: {  	[sflag:s8] =	ssyncadd.s32 $0xFFFFFF00  }
0x127: {  	[tilespmem:s14], [sflag:$0x6] =	stream.indirect.gather [hbm4b:s5+s28], $0x80, s24, s28, $0xb8;
	[tilespmem:$0x1FC80] =	vst v63  }
0x128: {  	_ =	swait.ge [sflag:s7], $0x4000  }
0x129: {  	[sflag:s7] =	ssyncset.done $0x0  }
0x12a: {  	[sflag:s7] =	ssyncadd.s32 $0xFFFFC000  }
0x12b: {  	[spmem:s30] =	stream.indirect.scatter.add.f32 [tilespmem:s16], [sflag:$0x8], $0x80, s17, s28, $0xb8;
	[tilespmem:$0x1FC80] =	vst v63  }
0x12c: {  	_ =	swait.ge [sflag:s10], $0x4000  }
0x12d: {  	[sflag:s10] =	ssyncset.done $0x0  }
0x12e: {  	s2 =	sadd.s32 $0x120, s22;
	[sflag:s10] =	ssyncadd.s32 $0xFFFFC000  }
0x12f: {  	[tilespmem:s6], [sflag:$0x2] =	stream.linear.gather [hbm4b:s2+s4], $0x100, $0x38;
	[tilespmem:$0x1FC80] =	vst v63  }
0x130: {  	_ =	swait.ge [sflag:s3], $0x100  }
0x131: {  	[sflag:s3] =	ssyncset.done $0x0  }
0x132: {  	s7 =	simm.s32 $0x6;
	[sflag:s3] =	ssyncadd.s32 $0xFFFFFF00  }
0x133: {  	[tilespmem:s13], [sflag:$0x7] =	stream.indirect.gather [hbm4b:s5+s28], $0x80, s21, s28, $0xb8;
	[tilespmem:$0x1FC80] =	vst v63  }
0x134: {  	_ =	swait.ge [sflag:s7], $0x4000  }
0x135: {  	[sflag:s7] =	ssyncset.done $0x0  }
0x136: {  	[sflag:s7] =	ssyncadd.s32 $0xFFFFC000  }
0x137: {  	[spmem:s30] =	stream.indirect.scatter.add.f32 [tilespmem:s14], [sflag:$0x9], $0x80, s26, s28, $0xb8;
	[tilespmem:$0x1FC80] =	vst v63  }
0x138: {  	_ =	swait.ge [sflag:s15], $0x4000  }
0x139: {  	[sflag:s15] =	ssyncset.done $0x0  }
0x13a: {  	s26 =	sadd.s32 $0x140, s22;
	[sflag:s15] =	ssyncadd.s32 $0xFFFFC000  }
0x13b: {  	[tilespmem:s17], [sflag:$0x3] =	stream.linear.gather [hbm4b:s26+s4], $0x100, $0x38;
	[tilespmem:$0x1FC80] =	vst v63  }
0x13c: {  	_ =	swait.ge [sflag:s0], $0x100  }
0x13d: {  	[sflag:s0] =	ssyncset.done $0x0  }
0x13e: {  	s3 =	simm.s32 $0x13C80;
	[sflag:s0] =	ssyncadd.s32 $0xFFFFFF00  }
0x13f: {  	[tilespmem:s3], [sflag:$0x5] =	stream.indirect.gather [hbm4b:s5+s28], $0x80, s25, s28, $0xb8;
	[tilespmem:$0x1FC80] =	vst v63  }
0x140: {  	_ =	swait.ge [sflag:s11], $0x4000  }
0x141: {  	[sflag:s11] =	ssyncset.done $0x0  }
0x142: {  	[sflag:s11] =	ssyncadd.s32 $0xFFFFC000  }
0x143: {  	[spmem:s30] =	stream.indirect.scatter.add.f32 [tilespmem:s13], [sflag:$0xA], $0x80, s31, s28, $0xb8;
	[tilespmem:$0x1FC80] =	vst v63  }
0x144: {  	_ =	swait.ge [sflag:s19], $0x4000  }
0x145: {  	[sflag:s19] =	ssyncset.done $0x0  }
0x146: {  	s21 =	sadd.s32 $0x160, s22;
	s17 =	simm.s32 $0x13B80;
	[sflag:s19] =	ssyncadd.s32 $0xFFFFC000  }
0x147: {  	[tilespmem:s17], [sflag:$0x4] =	stream.linear.gather [hbm4b:s21+s4], $0x100, $0x38;
	[tilespmem:$0x1FC80] =	vst v63  }
0x148: {  	_ =	swait.ge [sflag:s18], $0x100  }
0x149: {  	[sflag:s18] =	ssyncset.done $0x0  }
0x14a: {  	s16 =	simm.s32 $0x5;
	[sflag:s18] =	ssyncadd.s32 $0xFFFFFF00  }
0x14b: {  	[tilespmem:s14], [sflag:$0x6] =	stream.indirect.gather [hbm4b:s5+s28], $0x80, s9, s28, $0xb8;
	[tilespmem:$0x1FC80] =	vst v63  }
0x14c: {  	_ =	swait.ge [sflag:s16], $0x4000  }
0x14d: {  	[sflag:s16] =	ssyncset.done $0x0  }
0x14e: {  	s22 =	sadd.s32 $0xFFFFFFFF, s23;
	s25 =	rddreg [dreg:$0x8];
	[sflag:s16] =	ssyncadd.s32 $0xFFFFC000  }
0x14f: {  	[spmem:s30] =	stream.indirect.scatter.add.f32 [tilespmem:s3], [sflag:$0x8], $0x80, s6, s28, $0xb8;
	[tilespmem:$0x1FC80] =	vst v63  }
0x150: {  	p5 =	sge.u32 s22, s25;
	_ =	swait.ge [sflag:s10], $0x4000  }
0x151: {  	s2 =	sadd.s32 @!p5 s20, s12;
	s6 =	simm.s32 @!p5 $0x13880;
	[sflag:s10] =	ssyncset.done $0x0  }
0x152: {  	s9 =	simm.s32 @!p5 $0x0;
	s2 =	sadd.s32 @!p5 $0x180, s2;
	[sflag:s10] =	ssyncadd.s32 $0xFFFFC000  }
0x153: {  	[tilespmem:s6], [sflag:$0x1] =	stream.linear.gather @!p5 [hbm4b:s2+s9], $0x100, $0x38;
	[tilespmem:$0x1FC80] =	vst v63  }
0x154: {  	_ =	swait.ge [sflag:s8], $0x100  }
0x155: {  	[sflag:s8] =	ssyncset.done $0x0  }
0x156: {  	[sflag:s8] =	ssyncadd.s32 $0xFFFFFF00  }
0x157: {  	[tilespmem:s13], [sflag:$0x7] =	stream.indirect.gather [hbm4b:s5+s28], $0x80, s24, s28, $0xb8;
	[tilespmem:$0x1FC80] =	vst v63  }
0x158: {  	_ =	swait.ge [sflag:s7], $0x4000  }
0x159: {  	s29 =	sadd.s32 $0x180, s29;
	[sflag:s7] =	ssyncset.done $0x0  }
0x15a: {  	p4 =	sne.s32 s29, $0x1380;
	s31 =	simm.s32 $0x13A80;
	[sflag:s7] =	ssyncadd.s32 $0xFFFFC000  }
0x15b: {  	[spmem:s30] =	stream.indirect.scatter.add.f32 [tilespmem:s14], [sflag:$0x9], $0x80, s31, s28, $0xb8;
	[tilespmem:$0x1FC80] =	vst v63  }
0x15c: {  	p6 =	sge.u32 s23, s25;
	s22 =	simm.s32 @!p5 $0x1;
	_ =	swait.ge [sflag:s15], $0x4000  }
0x15d: {  	s2 =	sadd.s32 @!p6 s20, s12;
	s6 =	simm.s32 @!p6 $0x13980;
	[sflag:s15] =	ssyncset.done $0x0  }
0x15e: {  	s9 =	simm.s32 @!p6 $0x0;
	s2 =	sadd.s32 @!p6 $0x1A0, s2;
	[sflag:s15] =	ssyncadd.s32 $0xFFFFC000  }
0x15f: {  	[tilespmem:s6], [sflag:$0x2] =	stream.linear.gather @!p6 [hbm4b:s2+s9], $0x100, $0x38;
	[tilespmem:$0x1FC80] =	vst v63  }
.Ltmp3:
0x160: {  	s26 =	rddreg [dreg:$0x9];
	_ =	swait.ge @!p5 [sflag:s22], $0x100;
	(pc) =	sbr.rel @p4 .LBB2_6-.Ltmp3, $4  }
0x161: {  	s20 =	smov.u32 s26;
	s2 =	simm.s32 @!p5 $0x80;
	[sflag:s22] =	ssyncset.done @!p5 $0x0  }
0x162: {  	s6 =	simm.s32 @!p5 $0x13900;
	s9 =	simm.s32 @!p5 $0x13C80;
	[sflag:s22] =	ssyncadd.s32 @!p5 $0xFFFFFF00  }
0x163: {  	[tilespmem:s9], [sflag:$0x5] =	stream.indirect.gather @!p5 [hbm4b:s5+s2], $0x80, s6, s2, $0xb8;
	[tilespmem:$0x1FC80] =	vst v63  }
0x164: {  	s23 =	sadd.s32 $0xC, s23;
	p5 =	seq.s32 s20, $0x0;
	_ =	swait.ge [sflag:s11], $0x4000  }
0x165: {  	[sflag:s11] =	ssyncset.done $0x0  }
0x166: {  	s2 =	simm.s32 @!p5 $0x9;
	[sflag:s11] =	ssyncadd.s32 $0xFFFFC000  }
0x167: {  	[spmem:s30] =	stream.indirect.scatter.add.f32 [tilespmem:s13], [sflag:$0xA], $0x80, s17, s28, $0xb8;
	[tilespmem:$0x1FC80] =	vst v63  }
0x168: {  	_ =	swait.ge @!p5 [sflag:s2], $0x4000  }
0x169: {  	s29 =	rddreg [dreg:$0x7]  }
0x16a: {  	[sflag:s2] =	ssyncset.done @!p5 $0x0;
	s12 =	sadd.s32 s20, s29  }
0x16b: {  	[sflag:s2] =	ssyncadd.s32 @!p5 $0xFFFFC000;
	s6 =	sadd.s32 $0x40, s12  }
0x16c: {  	[tilespmem:s31], [sflag:$0x3] =	stream.linear.gather [hbm4b:s6+s4], $0x100, $0x38;
	[tilespmem:$0x1FC80] =	vst v63  }
0x16d: {  	_ =	swait.ge [sflag:s0], $0x100  }
0x16e: {  	[sflag:s0] =	ssyncset.done $0x0  }
0x16f: {  	s24 =	simm.s32 $0x13A00;
	[sflag:s0] =	ssyncadd.s32 $0xFFFFFF00  }
0x170: {  	[tilespmem:s14], [sflag:$0x6] =	stream.indirect.gather [hbm4b:s5+s28], $0x80, s24, s28, $0xb8;
	[tilespmem:$0x1FC80] =	vst v63  }
0x171: {  	_ =	swait.ge [sflag:s16], $0x4000  }
0x172: {  	[sflag:s16] =	ssyncset.done $0x0  }
0x173: {  	s25 =	simm.s32 $0x13880;
	s2 =	simm.s32 @!p5 $0xA;
	[sflag:s16] =	ssyncadd.s32 $0xFFFFC000  }
0x174: {  	[spmem:s30] =	stream.indirect.scatter.add.f32 [tilespmem:s3], [sflag:$0x8], $0x80, s25, s28, $0xb8;
	[tilespmem:$0x1FC80] =	vst v63  }
0x175: {  	_ =	swait.ge @!p5 [sflag:s2], $0x4000  }
0x176: {  	[sflag:s2] =	ssyncset.done @!p5 $0x0  }
0x177: {  	s9 =	sadd.s32 $0x60, s12;
	[sflag:s2] =	ssyncadd.s32 @!p5 $0xFFFFC000  }
0x178: {  	[tilespmem:s17], [sflag:$0x4] =	stream.linear.gather [hbm4b:s9+s4], $0x100, $0x38;
	[tilespmem:$0x1FC80] =	vst v63  }
0x179: {  	_ =	swait.ge [sflag:s18], $0x100  }
0x17a: {  	[sflag:s18] =	ssyncset.done $0x0  }
0x17b: {  	s9 =	simm.s32 $0x13B00;
	[sflag:s18] =	ssyncadd.s32 $0xFFFFFF00  }
0x17c: {  	[tilespmem:s13], [sflag:$0x7] =	stream.indirect.gather [hbm4b:s5+s28], $0x80, s9, s28, $0xb8;
	[tilespmem:$0x1FC80] =	vst v63  }
0x17d: {  	_ =	swait.ge [sflag:s7], $0x4000  }
0x17e: {  	[sflag:s7] =	ssyncset.done $0x0  }
0x17f: {  	s6 =	simm.s32 $0x13980;
	[sflag:s7] =	ssyncadd.s32 $0xFFFFC000  }
0x180: {  	[spmem:s30] =	stream.indirect.scatter.add.f32 [tilespmem:s14], [sflag:$0x9], $0x80, s6, s28, $0xb8;
	[tilespmem:$0x1FC80] =	vst v63  }
0x181: {  	_ =	swait.ge [sflag:s15], $0x4000  }
0x182: {  	[sflag:s15] =	ssyncset.done $0x0  }
0x183: {  	s16 =	sadd.s32 $0x80, s12;
	[sflag:s15] =	ssyncadd.s32 $0xFFFFC000  }
0x184: {  	[tilespmem:s25], [sflag:$0x1] =	stream.linear.gather [hbm4b:s16+s4], $0x100, $0x38;
	[tilespmem:$0x1FC80] =	vst v63  }
0x185: {  	_ =	swait.ge [sflag:s8], $0x100  }
0x186: {  	[sflag:s8] =	ssyncset.done $0x0  }
0x187: {  	s22 =	simm.s32 $0x13C00;
	[sflag:s8] =	ssyncadd.s32 $0xFFFFFF00  }
0x188: {  	[tilespmem:s3], [sflag:$0x5] =	stream.indirect.gather [hbm4b:s5+s28], $0x80, s22, s28, $0xb8;
	[tilespmem:$0x1FC80] =	vst v63  }
0x189: {  	_ =	swait.ge [sflag:s11], $0x4000  }
0x18a: {  	[sflag:s11] =	ssyncset.done $0x0  }
0x18b: {  	[sflag:s11] =	ssyncadd.s32 $0xFFFFC000  }
0x18c: {  	[spmem:s30] =	stream.indirect.scatter.add.f32 [tilespmem:s13], [sflag:$0xA], $0x80, s31, s28, $0xb8;
	[tilespmem:$0x1FC80] =	vst v63  }
0x18d: {  	_ =	swait.ge [sflag:s19], $0x4000  }
0x18e: {  	[sflag:s19] =	ssyncset.done $0x0  }
0x18f: {  	s21 =	sadd.s32 $0xA0, s12;
	s3 =	simm.s32 $0x1;
	[sflag:s19] =	ssyncadd.s32 $0xFFFFC000  }
0x190: {  	[tilespmem:s6], [sflag:$0x2] =	stream.linear.gather [hbm4b:s21+s4], $0x100, $0x38;
	[tilespmem:$0x1FC80] =	vst v63  }
0x191: {  	_ =	swait.ge [sflag:s3], $0x100  }
0x192: {  	[sflag:s3] =	ssyncset.done $0x0  }
0x193: {  	s7 =	simm.s32 $0x5;
	s21 =	simm.s32 $0x13900;
	[sflag:s3] =	ssyncadd.s32 $0xFFFFFF00  }
0x194: {  	[tilespmem:s14], [sflag:$0x6] =	stream.indirect.gather [hbm4b:s5+s28], $0x80, s21, s28, $0xb8;
	[tilespmem:$0x1FC80] =	vst v63  }
0x195: {  	_ =	swait.ge [sflag:s7], $0x4000  }
0x196: {  	[sflag:s7] =	ssyncset.done $0x0  }
0x197: {  	s16 =	simm.s32 $0x13C80;
	[sflag:s7] =	ssyncadd.s32 $0xFFFFC000  }
0x198: {  	[spmem:s30] =	stream.indirect.scatter.add.f32 [tilespmem:s16], [sflag:$0x8], $0x80, s17, s28, $0xb8;
	[tilespmem:$0x1FC80] =	vst v63  }
0x199: {  	_ =	swait.ge [sflag:s10], $0x4000  }
0x19a: {  	[sflag:s10] =	ssyncset.done $0x0  }
0x19b: {  	s26 =	sadd.s32 $0xC0, s12;
	[sflag:s10] =	ssyncadd.s32 $0xFFFFC000  }
0x19c: {  	[tilespmem:s31], [sflag:$0x3] =	stream.linear.gather [hbm4b:s26+s4], $0x100, $0x38;
	[tilespmem:$0x1FC80] =	vst v63  }
0x19d: {  	_ =	swait.ge [sflag:s0], $0x100  }
0x19e: {  	[sflag:s0] =	ssyncset.done $0x0  }
0x19f: {  	s15 =	simm.s32 $0x6;
	[sflag:s0] =	ssyncadd.s32 $0xFFFFFF00  }
0x1a0: {  	[tilespmem:s13], [sflag:$0x7] =	stream.indirect.gather [hbm4b:s5+s28], $0x80, s24, s28, $0xb8;
	[tilespmem:$0x1FC80] =	vst v63  }
0x1a1: {  	_ =	swait.ge [sflag:s15], $0x4000  }
0x1a2: {  	[sflag:s15] =	ssyncset.done $0x0  }
0x1a3: {  	[sflag:s15] =	ssyncadd.s32 $0xFFFFC000;
	s15 =	simm.s32 $0x8  }
0x1a4: {  	[spmem:s30] =	stream.indirect.scatter.add.f32 [tilespmem:s14], [sflag:$0x9], $0x80, s25, s28, $0xb8;
	[tilespmem:$0x1FC80] =	vst v63  }
0x1a5: {  	_ =	swait.ge [sflag:s15], $0x4000  }
0x1a6: {  	[sflag:s15] =	ssyncset.done $0x0  }
0x1a7: {  	s26 =	sadd.s32 $0xE0, s12;
	[sflag:s15] =	ssyncadd.s32 $0xFFFFC000  }
0x1a8: {  	[tilespmem:s17], [sflag:$0x4] =	stream.linear.gather [hbm4b:s26+s4], $0x100, $0x38;
	[tilespmem:$0x1FC80] =	vst v63  }
0x1a9: {  	_ =	swait.ge [sflag:s18], $0x100  }
0x1aa: {  	[sflag:s18] =	ssyncset.done $0x0  }
0x1ab: {  	[sflag:s18] =	ssyncadd.s32 $0xFFFFFF00  }
0x1ac: {  	[tilespmem:s16], [sflag:$0x5] =	stream.indirect.gather [hbm4b:s5+s28], $0x80, s9, s28, $0xb8;
	[tilespmem:$0x1FC80] =	vst v63  }
0x1ad: {  	_ =	swait.ge [sflag:s11], $0x4000  }
0x1ae: {  	[sflag:s11] =	ssyncset.done $0x0  }
0x1af: {  	[sflag:s11] =	ssyncadd.s32 $0xFFFFC000  }
0x1b0: {  	[spmem:s30] =	stream.indirect.scatter.add.f32 [tilespmem:s13], [sflag:$0xA], $0x80, s6, s28, $0xb8;
	[tilespmem:$0x1FC80] =	vst v63  }
0x1b1: {  	_ =	swait.ge [sflag:s19], $0x4000  }
0x1b2: {  	[sflag:s19] =	ssyncset.done $0x0  }
0x1b3: {  	s26 =	sadd.s32 $0x100, s12;
	[sflag:s19] =	ssyncadd.s32 $0xFFFFC000  }
0x1b4: {  	[tilespmem:s25], [sflag:$0x1] =	stream.linear.gather [hbm4b:s26+s4], $0x100, $0x38;
	[tilespmem:$0x1FC80] =	vst v63  }
0x1b5: {  	_ =	swait.ge [sflag:s8], $0x100  }
0x1b6: {  	[sflag:s8] =	ssyncset.done $0x0  }
0x1b7: {  	[sflag:s8] =	ssyncadd.s32 $0xFFFFFF00  }
0x1b8: {  	[tilespmem:s14], [sflag:$0x6] =	stream.indirect.gather [hbm4b:s5+s28], $0x80, s22, s28, $0xb8;
	[tilespmem:$0x1FC80] =	vst v63  }
0x1b9: {  	_ =	swait.ge [sflag:s7], $0x4000  }
0x1ba: {  	[sflag:s7] =	ssyncset.done $0x0  }
0x1bb: {  	[sflag:s7] =	ssyncadd.s32 $0xFFFFC000  }
0x1bc: {  	[spmem:s30] =	stream.indirect.scatter.add.f32 [tilespmem:s16], [sflag:$0x8], $0x80, s31, s28, $0xb8;
	[tilespmem:$0x1FC80] =	vst v63  }
0x1bd: {  	_ =	swait.ge [sflag:s10], $0x4000  }
0x1be: {  	[sflag:s10] =	ssyncset.done $0x0  }
0x1bf: {  	s26 =	sadd.s32 $0x120, s12;
	[sflag:s10] =	ssyncadd.s32 $0xFFFFC000  }
0x1c0: {  	[tilespmem:s6], [sflag:$0x2] =	stream.linear.gather [hbm4b:s26+s4], $0x100, $0x38;
	[tilespmem:$0x1FC80] =	vst v63  }
0x1c1: {  	_ =	swait.ge [sflag:s3], $0x100  }
0x1c2: {  	[sflag:s3] =	ssyncset.done $0x0  }
0x1c3: {  	s7 =	simm.s32 $0x6;
	[sflag:s3] =	ssyncadd.s32 $0xFFFFFF00  }
0x1c4: {  	[tilespmem:s13], [sflag:$0x7] =	stream.indirect.gather [hbm4b:s5+s28], $0x80, s21, s28, $0xb8;
	[tilespmem:$0x1FC80] =	vst v63  }
0x1c5: {  	_ =	swait.ge [sflag:s7], $0x4000  }
0x1c6: {  	[sflag:s7] =	ssyncset.done $0x0  }
0x1c7: {  	[sflag:s7] =	ssyncadd.s32 $0xFFFFC000  }
0x1c8: {  	[spmem:s30] =	stream.indirect.scatter.add.f32 [tilespmem:s14], [sflag:$0x9], $0x80, s17, s28, $0xb8;
	[tilespmem:$0x1FC80] =	vst v63  }
0x1c9: {  	_ =	swait.ge [sflag:s15], $0x4000  }
0x1ca: {  	[sflag:s15] =	ssyncset.done $0x0  }
0x1cb: {  	s21 =	sadd.s32 $0x140, s12;
	[sflag:s15] =	ssyncadd.s32 $0xFFFFC000  }
0x1cc: {  	[tilespmem:s31], [sflag:$0x3] =	stream.linear.gather [hbm4b:s21+s4], $0x100, $0x38;
	[tilespmem:$0x1FC80] =	vst v63  }
0x1cd: {  	_ =	swait.ge [sflag:s0], $0x100  }
0x1ce: {  	[sflag:s0] =	ssyncset.done $0x0  }
0x1cf: {  	s3 =	simm.s32 $0x13C80;
	[sflag:s0] =	ssyncadd.s32 $0xFFFFFF00  }
0x1d0: {  	[tilespmem:s3], [sflag:$0x5] =	stream.indirect.gather [hbm4b:s5+s28], $0x80, s24, s28, $0xb8;
	[tilespmem:$0x1FC80] =	vst v63  }
0x1d1: {  	_ =	swait.ge [sflag:s11], $0x4000  }
0x1d2: {  	[sflag:s11] =	ssyncset.done $0x0  }
0x1d3: {  	[sflag:s11] =	ssyncadd.s32 $0xFFFFC000  }
0x1d4: {  	[spmem:s30] =	stream.indirect.scatter.add.f32 [tilespmem:s13], [sflag:$0xA], $0x80, s25, s28, $0xb8;
	[tilespmem:$0x1FC80] =	vst v63  }
0x1d5: {  	_ =	swait.ge [sflag:s19], $0x4000  }
0x1d6: {  	[sflag:s19] =	ssyncset.done $0x0  }
0x1d7: {  	s26 =	sadd.s32 $0x160, s12;
	[sflag:s19] =	ssyncadd.s32 $0xFFFFC000  }
0x1d8: {  	[tilespmem:s17], [sflag:$0x4] =	stream.linear.gather [hbm4b:s26+s4], $0x100, $0x38;
	[tilespmem:$0x1FC80] =	vst v63  }
0x1d9: {  	_ =	swait.ge [sflag:s18], $0x100  }
0x1da: {  	[sflag:s18] =	ssyncset.done $0x0  }
0x1db: {  	s16 =	simm.s32 $0x5;
	[sflag:s18] =	ssyncadd.s32 $0xFFFFFF00  }
0x1dc: {  	[tilespmem:s14], [sflag:$0x6] =	stream.indirect.gather [hbm4b:s5+s28], $0x80, s9, s28, $0xb8;
	[tilespmem:$0x1FC80] =	vst v63  }
0x1dd: {  	_ =	swait.ge [sflag:s16], $0x4000  }
0x1de: {  	[sflag:s16] =	ssyncset.done $0x0  }
0x1df: {  	s9 =	sadd.s32 $0xFFFFFFFF, s23;
	s12 =	rddreg [dreg:$0x8];
	[sflag:s16] =	ssyncadd.s32 $0xFFFFC000  }
0x1e0: {  	[spmem:s30] =	stream.indirect.scatter.add.f32 [tilespmem:s3], [sflag:$0x8], $0x80, s6, s28, $0xb8;
	[tilespmem:$0x1FC80] =	vst v63  }
0x1e1: {  	p4 =	sge.u32 s9, s12;
	_ =	swait.ge [sflag:s10], $0x4000  }
0x1e2: {  	s2 =	sadd.s32 @!p4 s20, s29;
	s6 =	simm.s32 @!p4 $0x13880;
	[sflag:s10] =	ssyncset.done $0x0  }
0x1e3: {  	s9 =	simm.s32 @!p4 $0x0;
	s2 =	sadd.s32 @!p4 $0x180, s2;
	[sflag:s10] =	ssyncadd.s32 $0xFFFFC000  }
0x1e4: {  	[tilespmem:s6], [sflag:$0x1] =	stream.linear.gather @!p4 [hbm4b:s2+s9], $0x100, $0x38;
	[tilespmem:$0x1FC80] =	vst v63  }
0x1e5: {  	_ =	swait.ge [sflag:s8], $0x100  }
0x1e6: {  	[sflag:s8] =	ssyncset.done $0x0  }
0x1e7: {  	[sflag:s8] =	ssyncadd.s32 $0xFFFFFF00  }
0x1e8: {  	[tilespmem:s13], [sflag:$0x7] =	stream.indirect.gather [hbm4b:s5+s28], $0x80, s22, s28, $0xb8;
	[tilespmem:$0x1FC80] =	vst v63  }
0x1e9: {  	_ =	swait.ge [sflag:s7], $0x4000  }
0x1ea: {  	[sflag:s7] =	ssyncset.done $0x0  }
0x1eb: {  	[sflag:s7] =	ssyncadd.s32 $0xFFFFC000  }
0x1ec: {  	[spmem:s30] =	stream.indirect.scatter.add.f32 [tilespmem:s14], [sflag:$0x9], $0x80, s31, s28, $0xb8;
	[tilespmem:$0x1FC80] =	vst v63  }
0x1ed: {  	p5 =	sge.u32 s23, s12;
	_ =	swait.ge [sflag:s15], $0x4000  }
0x1ee: {  	s2 =	sadd.s32 @!p5 s20, s29;
	s6 =	simm.s32 @!p5 $0x13980;
	[sflag:s15] =	ssyncset.done $0x0  }
0x1ef: {  	s9 =	simm.s32 @!p5 $0x0;
	s2 =	sadd.s32 @!p5 $0x1A0, s2;
	[sflag:s15] =	ssyncadd.s32 $0xFFFFC000  }
0x1f0: {  	[tilespmem:s6], [sflag:$0x2] =	stream.linear.gather @!p5 [hbm4b:s2+s9], $0x100, $0x38;
	[tilespmem:$0x1FC80] =	vst v63  }
0x1f1: {  	s2 =	simm.s32 @!p4 $0x1  }
0x1f2: {  	_ =	swait.ge @!p4 [sflag:s2], $0x100  }
0x1f3: {  	s6 =	simm.s32 @!p4 $0x80;
	[sflag:s2] =	ssyncset.done @!p4 $0x0  }
0x1f4: {  	s9 =	simm.s32 @!p4 $0x13900;
	[sflag:s2] =	ssyncadd.s32 @!p4 $0xFFFFFF00;
	s2 =	simm.s32 @!p4 $0x13C80  }
0x1f5: {  	[tilespmem:s2], [sflag:$0x5] =	stream.indirect.gather @!p4 [hbm4b:s5+s6], $0x80, s9, s6, $0xb8;
	[tilespmem:$0x1FC80] =	vst v63  }
0x1f6: {  	_ =	swait.ge [sflag:s11], $0x4000  }
0x1f7: {  	[sflag:s11] =	ssyncset.done $0x0  }
0x1f8: {  	s2 =	simm.s32 @!p2 $0x5;
	[sflag:s11] =	ssyncadd.s32 $0xFFFFC000  }
0x1f9: {  	[spmem:s30] =	stream.indirect.scatter.add.f32 [tilespmem:s13], [sflag:$0xA], $0x80, s17, s28, $0xb8;
	[tilespmem:$0x1FC80] =	vst v63  }
0x1fa: {  	_ =	swait.ge @!p2 [sflag:s2], $0x4000  }
0x1fb: {  	s6 =	simm.s32 @!p2 $0x13880;
	[sflag:s2] =	ssyncset.done @!p2 $0x0  }
0x1fc: {  	s9 =	simm.s32 @!p2 $0x13C80;
	[sflag:s2] =	ssyncadd.s32 @!p2 $0xFFFFC000;
	s2 =	simm.s32 @!p2 $0x80  }
0x1fd: {  	[spmem:s30] =	stream.indirect.scatter.add.f32 @!p2 [tilespmem:s9], [sflag:$0x8], $0x80, s6, s2, $0xb8;
	[tilespmem:$0x1FC80] =	vst v63  }
0x1fe: {  	s2 =	simm.s32 @!p2 $0x9  }
0x1ff: {  	_ =	swait.ge @!p2 [sflag:s2], $0x4000  }
0x200: {  	s6 =	simm.s32 @!p2 $0xA;
	[sflag:s2] =	ssyncset.done @!p2 $0x0  }
0x201: {  	s6 =	simm.s32 @p2 $0x9;
	[sflag:s2] =	ssyncadd.s32 @!p2 $0xFFFFC000  }
0x202: {  	_ =	swait.ge [sflag:s6], $0x4000  }
0x203: {  	s2 =	simm.s32 @!p2 $0x8;
	[sflag:s6] =	ssyncset.done $0x0  }
0x204: {  	s2 =	simm.s32 @p2 $0xA;
	[sflag:s6] =	ssyncadd.s32 $0xFFFFC000  }
0x205: {  	_ =	swait.ge [sflag:s2], $0x4000  }
0x206: {  	[sflag:s2] =	ssyncset.done $0x0  }
0x207: {  	[sflag:s2] =	ssyncadd.s32 $0xFFFFC000  }
0x208: {  	[bflag:$0x0] =	sbarrier.arrive $0xFFFF  }
0x209: {  	s24 =	rddreg [dreg:$0x16]  }
0x20a: {  	s9 =	rddreg [dreg:$0x18]  }
0x20b: {  	s25 =	rddreg [dreg:$0x1a]  }
0x20c: {  	[hbm:s24], [sflag:s9] =	dma.local [spmem:s25], $0x2700  }
.Ltmp4:
0x20d: {  	s21 =	simm.s32 $0x13B00;
	s26 =	simm.s32 $0xB;
	(pc) =	sbr.rel @p1 .LBB2_9-.Ltmp4, $4  }
.Ltmp5:
0x20e: {  	s23 =	simm.s32 $0x13880;
	s12 =	simm.s32 $0x1;
	(pc) =	sbr.rel @!p1 .LBB2_8-.Ltmp5, $4  }
0x20f: {  	s25 =	smov.u32 s29;
	s24 =	simm.s32 $0x13900;
	_ =	swait.ge [sflag:s26], $0x2700  }
0x210: {  	s29 =	simm.s32 $0x13A00;
	[sflag:s26] =	ssyncset.done $0x0;
	s20 =	rddreg [dreg:$0xc]  }
0x211: {  	s22 =	rddreg [dreg:$0x19];
	[sflag:s26] =	ssyncadd.s32 $0xFFFFD900;
	s26 =	simm.s32 $0x13C00  }
0x212: {  	_ = 	snop  }
.LBB2_2:
0x213: {  	s2 =	rddreg [dreg:$0x10]  }
0x214: {  	[spmem:s20], [sflag:s9] =	dma.local @!p1 [hbm:s2], $0x100  }
0x215: {  	s20 =	simm.s32 @!p1 $0xB  }
0x216: {  	_ =	swait.ge @!p1 [sflag:s20], $0x100  }
0x217: {  	[sflag:s20] =	ssyncset.done @!p1 $0x0  }
0x218: {  	[sflag:s20] =	ssyncadd.s32 @!p1 $0xFFFFFF00  }
0x219: {  	[bflag:$0x0] =	sbarrier.arrive $0xFFFF  }
0x21a: {  	s9 =	simm.s32 $0x0;
	s21 =	rddreg [dreg:$0x11]  }
0x21b: {  	[tilespmem:s23], [sflag:$0x1] =	stream.linear.gather [hbm4b:s21+s9], $0x100, $0x38;
	[tilespmem:$0x1FC80] =	vst v63  }
0x21c: {  	s25 =	rddreg [dreg:$0x12]  }
0x21d: {  	[tilespmem:s22], [sflag:$0x2] =	stream.linear.gather [hbm4b:s25+s9], $0x100, $0x38;
	[tilespmem:$0x1FC80] =	vst v63  }
0x21e: {  	_ =	swait.ge [sflag:s12], $0x100  }
0x21f: {  	p4 =	por $0x1, $0x1;
	[sflag:s12] =	ssyncset.done $0x0  }
0x220: {  	s21 =	simm.s32 @!p4 $0x9;
	[sflag:s12] =	ssyncadd.s32 $0xFFFFFF00  }
0x221: {  	[tilespmem:s3], [sflag:$0x5] =	stream.indirect.gather [hbm4b:s1+s28], $0x80, s24, s28, $0xb8;
	[tilespmem:$0x1FC80] =	vst v63  }
0x222: {  	_ =	swait.ge @!p4 [sflag:s21], $0x4000  }
0x223: {  	s9 =	rddreg [dreg:$0x6]  }
0x224: {  	[sflag:s21] =	ssyncset.done @!p4 $0x0;
	s20 =	sadd.s32 $0x0, s9  }
0x225: {  	[sflag:s21] =	ssyncadd.s32 @!p4 $0xFFFFC000;
	s26 =	sadd.s32 $0x40, s20  }
0x226: {  	[tilespmem:s31], [sflag:$0x3] =	stream.linear.gather [hbm4b:s26+s4], $0x100, $0x38;
	[tilespmem:$0x1FC80] =	vst v63  }
0x227: {  	_ =	swait.ge [sflag:s0], $0x100  }
0x228: {  	[sflag:s0] =	ssyncset.done $0x0  }
0x229: {  	[sflag:s0] =	ssyncadd.s32 $0xFFFFFF00  }
0x22a: {  	[tilespmem:s14], [sflag:$0x6] =	stream.indirect.gather [hbm4b:s1+s28], $0x80, s29, s28, $0xb8;
	[tilespmem:$0x1FC80] =	vst v63  }
0x22b: {  	_ =	swait.ge [sflag:s16], $0x4000  }
0x22c: {  	[sflag:s16] =	ssyncset.done $0x0  }
0x22d: {  	s21 =	simm.s32 @!p4 $0xA;
	[sflag:s16] =	ssyncadd.s32 $0xFFFFC000  }
0x22e: {  	[spmem:s30] =	stream.indirect.scatter.add.f32 [tilespmem:s3], [sflag:$0x8], $0x80, s23, s28, $0xb8;
	[tilespmem:$0x1FC80] =	vst v63  }
0x22f: {  	_ =	swait.ge @!p4 [sflag:s21], $0x4000  }
0x230: {  	[sflag:s21] =	ssyncset.done @!p4 $0x0  }
0x231: {  	s5 =	sadd.s32 $0x60, s20;
	[sflag:s21] =	ssyncadd.s32 @!p4 $0xFFFFC000  }
0x232: {  	[tilespmem:s17], [sflag:$0x4] =	stream.linear.gather [hbm4b:s5+s4], $0x100, $0x38;
	[tilespmem:$0x1FC80] =	vst v63  }
0x233: {  	_ =	swait.ge [sflag:s18], $0x100  }
0x234: {  	[sflag:s18] =	ssyncset.done $0x0  }
0x235: {  	s6 =	simm.s32 $0x13B00;
	[sflag:s18] =	ssyncadd.s32 $0xFFFFFF00  }
0x236: {  	[tilespmem:s13], [sflag:$0x7] =	stream.indirect.gather [hbm4b:s1+s28], $0x80, s6, s28, $0xb8;
	[tilespmem:$0x1FC80] =	vst v63  }
0x237: {  	_ =	swait.ge [sflag:s7], $0x4000  }
0x238: {  	[sflag:s7] =	ssyncset.done $0x0  }
0x239: {  	s25 =	simm.s32 $0x13980;
	[sflag:s7] =	ssyncadd.s32 $0xFFFFC000  }
0x23a: {  	[spmem:s30] =	stream.indirect.scatter.add.f32 [tilespmem:s14], [sflag:$0x9], $0x80, s25, s28, $0xb8;
	[tilespmem:$0x1FC80] =	vst v63  }
0x23b: {  	_ =	swait.ge [sflag:s15], $0x4000  }
0x23c: {  	[sflag:s15] =	ssyncset.done $0x0  }
0x23d: {  	s26 =	sadd.s32 $0x80, s20;
	[sflag:s15] =	ssyncadd.s32 $0xFFFFC000  }
0x23e: {  	[tilespmem:s23], [sflag:$0x1] =	stream.linear.gather [hbm4b:s26+s4], $0x100, $0x38;
	[tilespmem:$0x1FC80] =	vst v63  }
0x23f: {  	_ =	swait.ge [sflag:s8], $0x100  }
0x240: {  	[sflag:s8] =	ssyncset.done $0x0  }
0x241: {  	s2 =	simm.s32 $0x13C00;
	[sflag:s8] =	ssyncadd.s32 $0xFFFFFF00  }
0x242: {  	[tilespmem:s3], [sflag:$0x5] =	stream.indirect.gather [hbm4b:s1+s28], $0x80, s2, s28, $0xb8;
	[tilespmem:$0x1FC80] =	vst v63  }
0x243: {  	_ =	swait.ge [sflag:s11], $0x4000  }
0x244: {  	[sflag:s11] =	ssyncset.done $0x0  }
0x245: {  	[sflag:s11] =	ssyncadd.s32 $0xFFFFC000  }
0x246: {  	[spmem:s30] =	stream.indirect.scatter.add.f32 [tilespmem:s13], [sflag:$0xA], $0x80, s31, s28, $0xb8;
	[tilespmem:$0x1FC80] =	vst v63  }
0x247: {  	_ =	swait.ge [sflag:s19], $0x4000  }
0x248: {  	[sflag:s19] =	ssyncset.done $0x0  }
0x249: {  	s5 =	sadd.s32 $0xA0, s20;
	[sflag:s19] =	ssyncadd.s32 $0xFFFFC000  }
0x24a: {  	[tilespmem:s25], [sflag:$0x2] =	stream.linear.gather [hbm4b:s5+s4], $0x100, $0x38;
	[tilespmem:$0x1FC80] =	vst v63  }
0x24b: {  	_ =	swait.ge [sflag:s12], $0x100  }
0x24c: {  	[sflag:s12] =	ssyncset.done $0x0  }
0x24d: {  	[sflag:s12] =	ssyncadd.s32 $0xFFFFFF00  }
0x24e: {  	[tilespmem:s14], [sflag:$0x6] =	stream.indirect.gather [hbm4b:s1+s28], $0x80, s24, s28, $0xb8;
	[tilespmem:$0x1FC80] =	vst v63  }
0x24f: {  	_ =	swait.ge [sflag:s16], $0x4000  }
0x250: {  	[sflag:s16] =	ssyncset.done $0x0  }
0x251: {  	[sflag:s16] =	ssyncadd.s32 $0xFFFFC000  }
0x252: {  	[spmem:s30] =	stream.indirect.scatter.add.f32 [tilespmem:s3], [sflag:$0x8], $0x80, s17, s28, $0xb8;
	[tilespmem:$0x1FC80] =	vst v63  }
0x253: {  	_ =	swait.ge [sflag:s10], $0x4000  }
0x254: {  	[sflag:s10] =	ssyncset.done $0x0  }
0x255: {  	s22 =	sadd.s32 $0xC0, s20;
	[sflag:s10] =	ssyncadd.s32 $0xFFFFC000  }
0x256: {  	[tilespmem:s31], [sflag:$0x3] =	stream.linear.gather [hbm4b:s22+s4], $0x100, $0x38;
	[tilespmem:$0x1FC80] =	vst v63  }
0x257: {  	_ =	swait.ge [sflag:s0], $0x100  }
0x258: {  	[sflag:s0] =	ssyncset.done $0x0  }
0x259: {  	[sflag:s0] =	ssyncadd.s32 $0xFFFFFF00  }
0x25a: {  	[tilespmem:s13], [sflag:$0x7] =	stream.indirect.gather [hbm4b:s1+s28], $0x80, s29, s28, $0xb8;
	[tilespmem:$0x1FC80] =	vst v63  }
0x25b: {  	_ =	swait.ge [sflag:s7], $0x4000  }
0x25c: {  	[sflag:s7] =	ssyncset.done $0x0  }
0x25d: {  	[sflag:s7] =	ssyncadd.s32 $0xFFFFC000  }
0x25e: {  	[spmem:s30] =	stream.indirect.scatter.add.f32 [tilespmem:s14], [sflag:$0x9], $0x80, s23, s28, $0xb8;
	[tilespmem:$0x1FC80] =	vst v63  }
0x25f: {  	_ =	swait.ge [sflag:s15], $0x4000  }
0x260: {  	[sflag:s15] =	ssyncset.done $0x0  }
0x261: {  	s26 =	sadd.s32 $0xE0, s20;
	[sflag:s15] =	ssyncadd.s32 $0xFFFFC000  }
0x262: {  	[tilespmem:s17], [sflag:$0x4] =	stream.linear.gather [hbm4b:s26+s4], $0x100, $0x38;
	[tilespmem:$0x1FC80] =	vst v63  }
0x263: {  	_ =	swait.ge [sflag:s18], $0x100  }
0x264: {  	[sflag:s18] =	ssyncset.done $0x0  }
0x265: {  	[sflag:s18] =	ssyncadd.s32 $0xFFFFFF00  }
0x266: {  	[tilespmem:s3], [sflag:$0x5] =	stream.indirect.gather [hbm4b:s1+s28], $0x80, s6, s28, $0xb8;
	[tilespmem:$0x1FC80] =	vst v63  }
0x267: {  	_ =	swait.ge [sflag:s11], $0x4000  }
0x268: {  	[sflag:s11] =	ssyncset.done $0x0  }
0x269: {  	[sflag:s11] =	ssyncadd.s32 $0xFFFFC000  }
0x26a: {  	[spmem:s30] =	stream.indirect.scatter.add.f32 [tilespmem:s13], [sflag:$0xA], $0x80, s25, s28, $0xb8;
	[tilespmem:$0x1FC80] =	vst v63  }
0x26b: {  	_ =	swait.ge [sflag:s19], $0x4000  }
0x26c: {  	[sflag:s19] =	ssyncset.done $0x0  }
0x26d: {  	s5 =	sadd.s32 $0x100, s20;
	[sflag:s19] =	ssyncadd.s32 $0xFFFFC000  }
0x26e: {  	[tilespmem:s23], [sflag:$0x1] =	stream.linear.gather [hbm4b:s5+s4], $0x100, $0x38;
	[tilespmem:$0x1FC80] =	vst v63  }
0x26f: {  	_ =	swait.ge [sflag:s8], $0x100  }
0x270: {  	[sflag:s8] =	ssyncset.done $0x0  }
0x271: {  	[sflag:s8] =	ssyncadd.s32 $0xFFFFFF00  }
0x272: {  	[tilespmem:s14], [sflag:$0x6] =	stream.indirect.gather [hbm4b:s1+s28], $0x80, s2, s28, $0xb8;
	[tilespmem:$0x1FC80] =	vst v63  }
0x273: {  	_ =	swait.ge [sflag:s16], $0x4000  }
0x274: {  	[sflag:s16] =	ssyncset.done $0x0  }
0x275: {  	[sflag:s16] =	ssyncadd.s32 $0xFFFFC000  }
0x276: {  	[spmem:s30] =	stream.indirect.scatter.add.f32 [tilespmem:s3], [sflag:$0x8], $0x80, s31, s28, $0xb8;
	[tilespmem:$0x1FC80] =	vst v63  }
0x277: {  	_ =	swait.ge [sflag:s10], $0x4000  }
0x278: {  	[sflag:s10] =	ssyncset.done $0x0  }
0x279: {  	s22 =	sadd.s32 $0x120, s20;
	[sflag:s10] =	ssyncadd.s32 $0xFFFFC000  }
0x27a: {  	[tilespmem:s25], [sflag:$0x2] =	stream.linear.gather [hbm4b:s22+s4], $0x100, $0x38;
	[tilespmem:$0x1FC80] =	vst v63  }
0x27b: {  	_ =	swait.ge [sflag:s12], $0x100  }
0x27c: {  	[sflag:s12] =	ssyncset.done $0x0  }
0x27d: {  	[sflag:s12] =	ssyncadd.s32 $0xFFFFFF00  }
0x27e: {  	[tilespmem:s13], [sflag:$0x7] =	stream.indirect.gather [hbm4b:s1+s28], $0x80, s24, s28, $0xb8;
	[tilespmem:$0x1FC80] =	vst v63  }
0x27f: {  	_ =	swait.ge [sflag:s7], $0x4000  }
0x280: {  	[sflag:s7] =	ssyncset.done $0x0  }
0x281: {  	[sflag:s7] =	ssyncadd.s32 $0xFFFFC000  }
0x282: {  	[spmem:s30] =	stream.indirect.scatter.add.f32 [tilespmem:s14], [sflag:$0x9], $0x80, s17, s28, $0xb8;
	[tilespmem:$0x1FC80] =	vst v63  }
0x283: {  	_ =	swait.ge [sflag:s15], $0x4000  }
0x284: {  	[sflag:s15] =	ssyncset.done $0x0  }
0x285: {  	s24 =	sadd.s32 $0x140, s20;
	[sflag:s15] =	ssyncadd.s32 $0xFFFFC000  }
0x286: {  	[tilespmem:s31], [sflag:$0x3] =	stream.linear.gather [hbm4b:s24+s4], $0x100, $0x38;
	[tilespmem:$0x1FC80] =	vst v63  }
0x287: {  	_ =	swait.ge [sflag:s0], $0x100  }
0x288: {  	[sflag:s0] =	ssyncset.done $0x0  }
0x289: {  	[sflag:s0] =	ssyncadd.s32 $0xFFFFFF00  }
0x28a: {  	[tilespmem:s3], [sflag:$0x5] =	stream.indirect.gather [hbm4b:s1+s28], $0x80, s29, s28, $0xb8;
	[tilespmem:$0x1FC80] =	vst v63  }
0x28b: {  	_ =	swait.ge [sflag:s11], $0x4000  }
0x28c: {  	[sflag:s11] =	ssyncset.done $0x0  }
0x28d: {  	[sflag:s11] =	ssyncadd.s32 $0xFFFFC000  }
0x28e: {  	[spmem:s30] =	stream.indirect.scatter.add.f32 [tilespmem:s13], [sflag:$0xA], $0x80, s23, s28, $0xb8;
	[tilespmem:$0x1FC80] =	vst v63  }
0x28f: {  	_ =	swait.ge [sflag:s19], $0x4000  }
0x290: {  	[sflag:s19] =	ssyncset.done $0x0  }
0x291: {  	s20 =	sadd.s32 $0x160, s20;
	[sflag:s19] =	ssyncadd.s32 $0xFFFFC000  }
0x292: {  	[tilespmem:s17], [sflag:$0x4] =	stream.linear.gather [hbm4b:s20+s4], $0x100, $0x38;
	[tilespmem:$0x1FC80] =	vst v63  }
0x293: {  	_ =	swait.ge [sflag:s18], $0x100  }
0x294: {  	[sflag:s18] =	ssyncset.done $0x0  }
0x295: {  	[sflag:s18] =	ssyncadd.s32 $0xFFFFFF00  }
0x296: {  	[tilespmem:s14], [sflag:$0x6] =	stream.indirect.gather [hbm4b:s1+s28], $0x80, s6, s28, $0xb8;
	[tilespmem:$0x1FC80] =	vst v63  }
0x297: {  	_ =	swait.ge [sflag:s16], $0x4000  }
0x298: {  	[sflag:s16] =	ssyncset.done $0x0  }
0x299: {  	s26 =	rddreg [dreg:$0x8];
	[sflag:s16] =	ssyncadd.s32 $0xFFFFC000  }
0x29a: {  	[spmem:s30] =	stream.indirect.scatter.add.f32 [tilespmem:s3], [sflag:$0x8], $0x80, s25, s28, $0xb8;
	[tilespmem:$0x1FC80] =	vst v63  }
0x29b: {  	p4 =	sle.u32 s26, $0xC;
	_ =	swait.ge [sflag:s10], $0x4000  }
0x29c: {  	s20 =	sadd.s32 @!p4 $0x0, s9;
	s21 =	simm.s32 @!p4 $0x13880;
	[sflag:s10] =	ssyncset.done $0x0  }
0x29d: {  	s22 =	simm.s32 @!p4 $0x0;
	s20 =	sadd.s32 @!p4 $0x180, s20;
	[sflag:s10] =	ssyncadd.s32 $0xFFFFC000  }
0x29e: {  	[tilespmem:s21], [sflag:$0x1] =	stream.linear.gather @!p4 [hbm4b:s20+s22], $0x100, $0x38;
	[tilespmem:$0x1FC80] =	vst v63  }
0x29f: {  	_ =	swait.ge [sflag:s8], $0x100  }
0x2a0: {  	[sflag:s8] =	ssyncset.done $0x0  }
0x2a1: {  	[sflag:s8] =	ssyncadd.s32 $0xFFFFFF00  }
0x2a2: {  	[tilespmem:s13], [sflag:$0x7] =	stream.indirect.gather [hbm4b:s1+s28], $0x80, s2, s28, $0xb8;
	[tilespmem:$0x1FC80] =	vst v63  }
0x2a3: {  	_ =	swait.ge [sflag:s7], $0x4000  }
0x2a4: {  	[sflag:s7] =	ssyncset.done $0x0  }
0x2a5: {  	s12 =	simm.s32 $0x4;
	s29 =	simm.s32 $0x300;
	[sflag:s7] =	ssyncadd.s32 $0xFFFFC000  }
0x2a6: {  	[spmem:s30] =	stream.indirect.scatter.add.f32 [tilespmem:s14], [sflag:$0x9], $0x80, s31, s28, $0xb8;
	[tilespmem:$0x1FC80] =	vst v63  }
0x2a7: {  	s23 =	simm.s32 $0x19;
	p5 =	sle.u32 s26, $0xD;
	_ =	swait.ge [sflag:s15], $0x4000  }
0x2a8: {  	s20 =	sadd.s32 @!p5 $0x0, s9;
	s21 =	simm.s32 @!p5 $0x13980;
	[sflag:s15] =	ssyncset.done $0x0  }
0x2a9: {  	s22 =	simm.s32 @!p5 $0x0;
	s20 =	sadd.s32 @!p5 $0x1A0, s20;
	[sflag:s15] =	ssyncadd.s32 $0xFFFFC000  }
0x2aa: {  	[tilespmem:s21], [sflag:$0x2] =	stream.linear.gather @!p5 [hbm4b:s20+s22], $0x100, $0x38;
	[tilespmem:$0x1FC80] =	vst v63  }
0x2ab: {  	s4 =	simm.s32 $0xA;
	s18 =	simm.s32 $0x2;
	s20 =	simm.s32 @!p4 $0x1  }
0x2ac: {  	s10 =	simm.s32 $0x9;
	s8 =	simm.s32 $0x3;
	_ =	swait.ge @!p4 [sflag:s20], $0x100  }
0x2ad: {  	s31 =	simm.s32 $0x0;
	s21 =	simm.s32 @!p4 $0x80;
	[sflag:s20] =	ssyncset.done @!p4 $0x0  }
0x2ae: {  	s22 =	simm.s32 @!p4 $0x13900;
	[sflag:s20] =	ssyncadd.s32 @!p4 $0xFFFFFF00;
	s20 =	simm.s32 @!p4 $0x13C80  }
0x2af: {  	[tilespmem:s20], [sflag:$0x5] =	stream.indirect.gather @!p4 [hbm4b:s1+s21], $0x80, s22, s21, $0xb8;
	[tilespmem:$0x1FC80] =	vst v63  }
0x2b0: {  	p5 =	por $0x0, $0x0;
	s20 =	simm.s32 $0x180;
	_ =	swait.ge [sflag:s11], $0x4000  }
.LBB2_3:
0x2b1: {  	s2 =	simm.s32 @!p5 $0x9;
	[sflag:s11] =	ssyncset.done $0x0;
	s0 =	smov.u32 s29  }
0x2b2: {  	s17 =	simm.s32 $0x13B80;
	[dreg:$0xa] =	wrdreg s0;
	[sflag:s11] =	ssyncadd.s32 $0xFFFFC000  }
0x2b3: {  	[spmem:s30] =	stream.indirect.scatter.add.f32 [tilespmem:s13], [sflag:$0xA], $0x80, s17, s28, $0xb8;
	[tilespmem:$0x1FC80] =	vst v63  }
0x2b4: {  	_ =	swait.ge @!p5 [sflag:s2], $0x4000  }
0x2b5: {  	s22 =	sadd.s32 s20, s9;
	[sflag:s2] =	ssyncset.done @!p5 $0x0  }
0x2b6: {  	s6 =	sadd.s32 $0x40, s22;
	s0 =	simm.s32 $0x13A80;
	[sflag:s2] =	ssyncadd.s32 @!p5 $0xFFFFC000  }
0x2b7: {  	[tilespmem:s0], [sflag:$0x3] =	stream.linear.gather [hbm4b:s6+s31], $0x100, $0x38;
	[tilespmem:$0x1FC80] =	vst v63  }
0x2b8: {  	_ =	swait.ge [sflag:s18], $0x100  }
0x2b9: {  	[sflag:s18] =	ssyncset.done $0x0  }
0x2ba: {  	s25 =	simm.s32 $0x13A00;
	[sflag:s18] =	ssyncadd.s32 $0xFFFFFF00  }
0x2bb: {  	[tilespmem:s14], [sflag:$0x6] =	stream.indirect.gather [hbm4b:s1+s28], $0x80, s25, s28, $0xb8;
	[tilespmem:$0x1FC80] =	vst v63  }
0x2bc: {  	_ =	swait.ge [sflag:s16], $0x4000  }
0x2bd: {  	s26 =	simm.s32 $0x13880;
	[sflag:s16] =	ssyncset.done $0x0  }
0x2be: {  	s5 =	simm.s32 $0x13C80;
	s2 =	simm.s32 @!p5 $0xA;
	[sflag:s16] =	ssyncadd.s32 $0xFFFFC000  }
0x2bf: {  	[spmem:s30] =	stream.indirect.scatter.add.f32 [tilespmem:s5], [sflag:$0x8], $0x80, s26, s28, $0xb8;
	[tilespmem:$0x1FC80] =	vst v63  }
0x2c0: {  	_ =	swait.ge @!p5 [sflag:s2], $0x4000  }
0x2c1: {  	[sflag:s2] =	ssyncset.done @!p5 $0x0  }
0x2c2: {  	s21 =	sadd.s32 $0x60, s22;
	[sflag:s2] =	ssyncadd.s32 @!p5 $0xFFFFC000  }
0x2c3: {  	[tilespmem:s17], [sflag:$0x4] =	stream.linear.gather [hbm4b:s21+s31], $0x100, $0x38;
	[tilespmem:$0x1FC80] =	vst v63  }
0x2c4: {  	_ =	swait.ge [sflag:s8], $0x100  }
0x2c5: {  	[sflag:s8] =	ssyncset.done $0x0  }
0x2c6: {  	s6 =	simm.s32 $0x13B00;
	[sflag:s8] =	ssyncadd.s32 $0xFFFFFF00  }
0x2c7: {  	[tilespmem:s13], [sflag:$0x7] =	stream.indirect.gather [hbm4b:s1+s28], $0x80, s6, s28, $0xb8;
	[tilespmem:$0x1FC80] =	vst v63  }
0x2c8: {  	_ =	swait.ge [sflag:s7], $0x4000  }
0x2c9: {  	s3 =	smov.u32 s30;
	[sflag:s7] =	ssyncset.done $0x0  }
0x2ca: {  	s14 =	simm.s32 $0x13980;
	s13 =	simm.s32 $0x17C80;
	[sflag:s7] =	ssyncadd.s32 $0xFFFFC000  }
0x2cb: {  	[spmem:s3] =	stream.indirect.scatter.add.f32 [tilespmem:s13], [sflag:$0x9], $0x80, s14, s28, $0xb8;
	[tilespmem:$0x1FC80] =	vst v63  }
0x2cc: {  	_ =	swait.ge [sflag:s15], $0x4000  }
0x2cd: {  	[sflag:s15] =	ssyncset.done $0x0  }
0x2ce: {  	s24 =	sadd.s32 $0x80, s22;
	[sflag:s15] =	ssyncadd.s32 $0xFFFFC000  }
0x2cf: {  	[tilespmem:s26], [sflag:$0x1] =	stream.linear.gather [hbm4b:s24+s31], $0x100, $0x38;
	[tilespmem:$0x1FC80] =	vst v63  }
0x2d0: {  	_ =	swait.ge [sflag:s12], $0x100  }
0x2d1: {  	[sflag:s12] =	ssyncset.done $0x0  }
0x2d2: {  	s21 =	simm.s32 $0x13C00;
	[sflag:s12] =	ssyncadd.s32 $0xFFFFFF00  }
0x2d3: {  	[tilespmem:s5], [sflag:$0x5] =	stream.indirect.gather [hbm4b:s1+s28], $0x80, s21, s28, $0xb8;
	[tilespmem:$0x1FC80] =	vst v63  }
0x2d4: {  	_ =	swait.ge [sflag:s11], $0x4000  }
0x2d5: {  	[sflag:s11] =	ssyncset.done $0x0  }
0x2d6: {  	s30 =	simm.s32 $0x1BC80;
	[sflag:s11] =	ssyncadd.s32 $0xFFFFC000  }
0x2d7: {  	[spmem:s3] =	stream.indirect.scatter.add.f32 [tilespmem:s30], [sflag:$0xA], $0x80, s0, s28, $0xb8;
	[tilespmem:$0x1FC80] =	vst v63  }
0x2d8: {  	_ =	swait.ge [sflag:s10], $0x4000  }
0x2d9: {  	[sflag:s10] =	ssyncset.done $0x0  }
0x2da: {  	s11 =	sadd.s32 $0xA0, s22;
	[sflag:s10] =	ssyncadd.s32 $0xFFFFC000  }
0x2db: {  	[tilespmem:s14], [sflag:$0x2] =	stream.linear.gather [hbm4b:s11+s31], $0x100, $0x38;
	[tilespmem:$0x1FC80] =	vst v63  }
0x2dc: {  	s11 =	simm.s32 $0x1  }
0x2dd: {  	_ =	swait.ge [sflag:s11], $0x100  }
0x2de: {  	[sflag:s11] =	ssyncset.done $0x0  }
0x2df: {  	s24 =	simm.s32 $0x13900;
	[sflag:s11] =	ssyncadd.s32 $0xFFFFFF00  }
0x2e0: {  	[tilespmem:s13], [sflag:$0x6] =	stream.indirect.gather [hbm4b:s1+s28], $0x80, s24, s28, $0xb8;
	[tilespmem:$0x1FC80] =	vst v63  }
0x2e1: {  	_ =	swait.ge [sflag:s16], $0x4000  }
0x2e2: {  	[sflag:s16] =	ssyncset.done $0x0  }
0x2e3: {  	[sflag:s16] =	ssyncadd.s32 $0xFFFFC000  }
0x2e4: {  	[spmem:s3] =	stream.indirect.scatter.add.f32 [tilespmem:s5], [sflag:$0x8], $0x80, s17, s28, $0xb8;
	[tilespmem:$0x1FC80] =	vst v63  }
0x2e5: {  	_ =	swait.ge [sflag:s4], $0x4000  }
0x2e6: {  	[sflag:s4] =	ssyncset.done $0x0  }
0x2e7: {  	s2 =	sadd.s32 $0xC0, s22;
	[sflag:s4] =	ssyncadd.s32 $0xFFFFC000  }
0x2e8: {  	[tilespmem:s0], [sflag:$0x3] =	stream.linear.gather [hbm4b:s2+s31], $0x100, $0x38;
	[tilespmem:$0x1FC80] =	vst v63  }
0x2e9: {  	_ =	swait.ge [sflag:s18], $0x100  }
0x2ea: {  	[sflag:s18] =	ssyncset.done $0x0  }
0x2eb: {  	[sflag:s18] =	ssyncadd.s32 $0xFFFFFF00  }
0x2ec: {  	[tilespmem:s30], [sflag:$0x7] =	stream.indirect.gather [hbm4b:s1+s28], $0x80, s25, s28, $0xb8;
	[tilespmem:$0x1FC80] =	vst v63  }
0x2ed: {  	_ =	swait.ge [sflag:s7], $0x4000  }
0x2ee: {  	[sflag:s7] =	ssyncset.done $0x0  }
0x2ef: {  	[sflag:s7] =	ssyncadd.s32 $0xFFFFC000  }
0x2f0: {  	[spmem:s3] =	stream.indirect.scatter.add.f32 [tilespmem:s13], [sflag:$0x9], $0x80, s26, s28, $0xb8;
	[tilespmem:$0x1FC80] =	vst v63  }
0x2f1: {  	_ =	swait.ge [sflag:s15], $0x4000  }
0x2f2: {  	[sflag:s15] =	ssyncset.done $0x0  }
0x2f3: {  	s2 =	sadd.s32 $0xE0, s22;
	[sflag:s15] =	ssyncadd.s32 $0xFFFFC000  }
0x2f4: {  	[tilespmem:s17], [sflag:$0x4] =	stream.linear.gather [hbm4b:s2+s31], $0x100, $0x38;
	[tilespmem:$0x1FC80] =	vst v63  }
0x2f5: {  	_ =	swait.ge [sflag:s8], $0x100  }
0x2f6: {  	[sflag:s8] =	ssyncset.done $0x0  }
0x2f7: {  	s19 =	simm.s32 $0x7;
	[sflag:s8] =	ssyncadd.s32 $0xFFFFFF00  }
0x2f8: {  	[tilespmem:s5], [sflag:$0x5] =	stream.indirect.gather [hbm4b:s1+s28], $0x80, s6, s28, $0xb8;
	[tilespmem:$0x1FC80] =	vst v63  }
0x2f9: {  	_ =	swait.ge [sflag:s19], $0x4000  }
0x2fa: {  	[sflag:s19] =	ssyncset.done $0x0  }
0x2fb: {  	[sflag:s19] =	ssyncadd.s32 $0xFFFFC000  }
0x2fc: {  	[spmem:s3] =	stream.indirect.scatter.add.f32 [tilespmem:s30], [sflag:$0xA], $0x80, s14, s28, $0xb8;
	[tilespmem:$0x1FC80] =	vst v63  }
0x2fd: {  	_ =	swait.ge [sflag:s10], $0x4000  }
0x2fe: {  	[sflag:s10] =	ssyncset.done $0x0  }
0x2ff: {  	s19 =	sadd.s32 $0x100, s22;
	[sflag:s10] =	ssyncadd.s32 $0xFFFFC000  }
0x300: {  	[tilespmem:s26], [sflag:$0x1] =	stream.linear.gather [hbm4b:s19+s31], $0x100, $0x38;
	[tilespmem:$0x1FC80] =	vst v63  }
0x301: {  	_ =	swait.ge [sflag:s12], $0x100  }
0x302: {  	[sflag:s12] =	ssyncset.done $0x0  }
0x303: {  	[sflag:s12] =	ssyncadd.s32 $0xFFFFFF00  }
0x304: {  	[tilespmem:s13], [sflag:$0x6] =	stream.indirect.gather [hbm4b:s1+s28], $0x80, s21, s28, $0xb8;
	[tilespmem:$0x1FC80] =	vst v63  }
0x305: {  	_ =	swait.ge [sflag:s16], $0x4000  }
0x306: {  	[sflag:s16] =	ssyncset.done $0x0  }
0x307: {  	[sflag:s16] =	ssyncadd.s32 $0xFFFFC000  }
0x308: {  	[spmem:s3] =	stream.indirect.scatter.add.f32 [tilespmem:s5], [sflag:$0x8], $0x80, s0, s28, $0xb8;
	[tilespmem:$0x1FC80] =	vst v63  }
0x309: {  	_ =	swait.ge [sflag:s4], $0x4000  }
0x30a: {  	[sflag:s4] =	ssyncset.done $0x0  }
0x30b: {  	s19 =	sadd.s32 $0x120, s22;
	[sflag:s4] =	ssyncadd.s32 $0xFFFFC000  }
0x30c: {  	[tilespmem:s14], [sflag:$0x2] =	stream.linear.gather [hbm4b:s19+s31], $0x100, $0x38;
	[tilespmem:$0x1FC80] =	vst v63  }
0x30d: {  	_ =	swait.ge [sflag:s11], $0x100  }
0x30e: {  	[sflag:s11] =	ssyncset.done $0x0  }
0x30f: {  	[sflag:s11] =	ssyncadd.s32 $0xFFFFFF00  }
0x310: {  	[tilespmem:s30], [sflag:$0x7] =	stream.indirect.gather [hbm4b:s1+s28], $0x80, s24, s28, $0xb8;
	[tilespmem:$0x1FC80] =	vst v63  }
0x311: {  	_ =	swait.ge [sflag:s7], $0x4000  }
0x312: {  	[sflag:s7] =	ssyncset.done $0x0  }
0x313: {  	[sflag:s7] =	ssyncadd.s32 $0xFFFFC000  }
0x314: {  	[spmem:s3] =	stream.indirect.scatter.add.f32 [tilespmem:s13], [sflag:$0x9], $0x80, s17, s28, $0xb8;
	[tilespmem:$0x1FC80] =	vst v63  }
0x315: {  	_ =	swait.ge [sflag:s15], $0x4000  }
0x316: {  	[sflag:s15] =	ssyncset.done $0x0  }
0x317: {  	s24 =	sadd.s32 $0x140, s22;
	[sflag:s15] =	ssyncadd.s32 $0xFFFFC000  }
0x318: {  	[tilespmem:s0], [sflag:$0x3] =	stream.linear.gather [hbm4b:s24+s31], $0x100, $0x38;
	[tilespmem:$0x1FC80] =	vst v63  }
0x319: {  	_ =	swait.ge [sflag:s18], $0x100  }
0x31a: {  	[sflag:s18] =	ssyncset.done $0x0  }
0x31b: {  	s11 =	simm.s32 $0x7;
	[sflag:s18] =	ssyncadd.s32 $0xFFFFFF00  }
0x31c: {  	[tilespmem:s5], [sflag:$0x5] =	stream.indirect.gather [hbm4b:s1+s28], $0x80, s25, s28, $0xb8;
	[tilespmem:$0x1FC80] =	vst v63  }
0x31d: {  	_ =	swait.ge [sflag:s11], $0x4000  }
0x31e: {  	[sflag:s11] =	ssyncset.done $0x0  }
0x31f: {  	[sflag:s11] =	ssyncadd.s32 $0xFFFFC000  }
0x320: {  	[spmem:s3] =	stream.indirect.scatter.add.f32 [tilespmem:s30], [sflag:$0xA], $0x80, s26, s28, $0xb8;
	[tilespmem:$0x1FC80] =	vst v63  }
0x321: {  	_ =	swait.ge [sflag:s10], $0x4000  }
0x322: {  	[sflag:s10] =	ssyncset.done $0x0  }
0x323: {  	s19 =	sadd.s32 $0x160, s22;
	[sflag:s10] =	ssyncadd.s32 $0xFFFFC000  }
0x324: {  	[tilespmem:s17], [sflag:$0x4] =	stream.linear.gather [hbm4b:s19+s31], $0x100, $0x38;
	[tilespmem:$0x1FC80] =	vst v63  }
0x325: {  	_ =	swait.ge [sflag:s8], $0x100  }
0x326: {  	[sflag:s8] =	ssyncset.done $0x0  }
0x327: {  	[sflag:s8] =	ssyncadd.s32 $0xFFFFFF00  }
0x328: {  	[tilespmem:s13], [sflag:$0x6] =	stream.indirect.gather [hbm4b:s1+s28], $0x80, s6, s28, $0xb8;
	[tilespmem:$0x1FC80] =	vst v63  }
0x329: {  	_ =	swait.ge [sflag:s16], $0x4000  }
0x32a: {  	[sflag:s16] =	ssyncset.done $0x0  }
0x32b: {  	s22 =	sadd.s32 $0xFFFFFFFF, s23;
	s24 =	rddreg [dreg:$0x8];
	[sflag:s16] =	ssyncadd.s32 $0xFFFFC000  }
0x32c: {  	[spmem:s3] =	stream.indirect.scatter.add.f32 [tilespmem:s5], [sflag:$0x8], $0x80, s14, s28, $0xb8;
	[tilespmem:$0x1FC80] =	vst v63  }
0x32d: {  	p5 =	sge.u32 s22, s24;
	_ =	swait.ge [sflag:s4], $0x4000  }
0x32e: {  	s2 =	sadd.s32 @!p5 s20, s9;
	s6 =	simm.s32 @!p5 $0x13880;
	[sflag:s4] =	ssyncset.done $0x0  }
0x32f: {  	s22 =	simm.s32 @!p5 $0x0;
	s2 =	sadd.s32 @!p5 $0x180, s2;
	[sflag:s4] =	ssyncadd.s32 $0xFFFFC000  }
0x330: {  	[tilespmem:s6], [sflag:$0x1] =	stream.linear.gather @!p5 [hbm4b:s2+s22], $0x100, $0x38;
	[tilespmem:$0x1FC80] =	vst v63  }
0x331: {  	_ =	swait.ge [sflag:s12], $0x100  }
0x332: {  	s29 =	sadd.s32 $0x180, s29;
	[sflag:s12] =	ssyncset.done $0x0  }
0x333: {  	s26 =	smov.u32 s1;
	s13 =	simm.s32 $0x1BC80;
	[sflag:s12] =	ssyncadd.s32 $0xFFFFFF00  }
0x334: {  	[tilespmem:s13], [sflag:$0x7] =	stream.indirect.gather [hbm4b:s26+s28], $0x80, s21, s28, $0xb8;
	[tilespmem:$0x1FC80] =	vst v63  }
0x335: {  	p4 =	sne.s32 s29, $0x1380;
	_ =	swait.ge [sflag:s7], $0x4000  }
0x336: {  	s30 =	smov.u32 s3;
	s1 =	smov.u32 s26;
	[sflag:s7] =	ssyncset.done $0x0  }
0x337: {  	p6 =	sge.u32 s23, s24;
	s14 =	simm.s32 $0x17C80;
	[sflag:s7] =	ssyncadd.s32 $0xFFFFC000  }
0x338: {  	[spmem:s3] =	stream.indirect.scatter.add.f32 [tilespmem:s14], [sflag:$0x9], $0x80, s0, s28, $0xb8;
	[tilespmem:$0x1FC80] =	vst v63  }
0x339: {  	s23 =	sadd.s32 $0xC, s23;
	s2 =	sadd.s32 @!p6 s20, s9;
	_ =	swait.ge [sflag:s15], $0x4000  }
0x33a: {  	s6 =	simm.s32 @!p6 $0x13980;
	s22 =	simm.s32 @!p6 $0x0;
	[sflag:s15] =	ssyncset.done $0x0  }
0x33b: {  	s9 =	simm.s32 @!p5 $0x1;
	s2 =	sadd.s32 @!p6 $0x1A0, s2;
	[sflag:s15] =	ssyncadd.s32 $0xFFFFC000  }
0x33c: {  	[tilespmem:s6], [sflag:$0x2] =	stream.linear.gather @!p6 [hbm4b:s2+s22], $0x100, $0x38;
	[tilespmem:$0x1FC80] =	vst v63  }
.Ltmp6:
0x33d: {  	s25 =	rddreg [dreg:$0xa];
	_ =	swait.ge @!p5 [sflag:s9], $0x100;
	(pc) =	sbr.rel @p4 .LBB2_3-.Ltmp6, $4  }
0x33e: {  	s21 =	simm.s32 @!p5 $0x13C80;
	s20 =	smov.u32 s25;
	[sflag:s9] =	ssyncset.done @!p5 $0x0  }
0x33f: {  	s2 =	simm.s32 @!p5 $0x80;
	s6 =	simm.s32 @!p5 $0x13900;
	[sflag:s9] =	ssyncadd.s32 @!p5 $0xFFFFFF00  }
0x340: {  	[tilespmem:s21], [sflag:$0x5] =	stream.indirect.gather @!p5 [hbm4b:s26+s2], $0x80, s6, s2, $0xb8;
	[tilespmem:$0x1FC80] =	vst v63  }
0x341: {  	s9 =	rddreg [dreg:$0x6];
	p5 =	seq.s32 s20, $0x0;
	_ =	swait.ge [sflag:s11], $0x4000  }
0x342: {  	[sflag:s11] =	ssyncset.done $0x0  }
0x343: {  	s2 =	simm.s32 @!p5 $0x9;
	s17 =	simm.s32 $0x13B80;
	[sflag:s11] =	ssyncadd.s32 $0xFFFFC000  }
0x344: {  	[spmem:s30] =	stream.indirect.scatter.add.f32 [tilespmem:s13], [sflag:$0xA], $0x80, s17, s28, $0xb8;
	[tilespmem:$0x1FC80] =	vst v63  }
0x345: {  	_ =	swait.ge @!p5 [sflag:s2], $0x4000  }
0x346: {  	s21 =	sadd.s32 s20, s9;
	[sflag:s2] =	ssyncset.done @!p5 $0x0  }
0x347: {  	s0 =	simm.s32 $0x13A80;
	s6 =	sadd.s32 $0x40, s21;
	[sflag:s2] =	ssyncadd.s32 @!p5 $0xFFFFC000  }
0x348: {  	[tilespmem:s0], [sflag:$0x3] =	stream.linear.gather [hbm4b:s6+s31], $0x100, $0x38;
	[tilespmem:$0x1FC80] =	vst v63  }
0x349: {  	_ =	swait.ge [sflag:s18], $0x100  }
0x34a: {  	[sflag:s18] =	ssyncset.done $0x0  }
0x34b: {  	s25 =	simm.s32 $0x13A00;
	[sflag:s18] =	ssyncadd.s32 $0xFFFFFF00  }
0x34c: {  	[tilespmem:s14], [sflag:$0x6] =	stream.indirect.gather [hbm4b:s1+s28], $0x80, s25, s28, $0xb8;
	[tilespmem:$0x1FC80] =	vst v63  }
0x34d: {  	_ =	swait.ge [sflag:s16], $0x4000  }
0x34e: {  	s22 =	simm.s32 $0x13880;
	[sflag:s16] =	ssyncset.done $0x0  }
0x34f: {  	s5 =	simm.s32 $0x13C80;
	s2 =	simm.s32 @!p5 $0xA;
	[sflag:s16] =	ssyncadd.s32 $0xFFFFC000  }
0x350: {  	[spmem:s3] =	stream.indirect.scatter.add.f32 [tilespmem:s5], [sflag:$0x8], $0x80, s22, s28, $0xb8;
	[tilespmem:$0x1FC80] =	vst v63  }
0x351: {  	_ =	swait.ge @!p5 [sflag:s2], $0x4000  }
0x352: {  	[sflag:s2] =	ssyncset.done @!p5 $0x0  }
0x353: {  	s19 =	sadd.s32 $0x60, s21;
	[sflag:s2] =	ssyncadd.s32 @!p5 $0xFFFFC000  }
0x354: {  	[tilespmem:s17], [sflag:$0x4] =	stream.linear.gather [hbm4b:s19+s31], $0x100, $0x38;
	[tilespmem:$0x1FC80] =	vst v63  }
0x355: {  	_ =	swait.ge [sflag:s8], $0x100  }
0x356: {  	[sflag:s8] =	ssyncset.done $0x0  }
0x357: {  	s6 =	simm.s32 $0x13B00;
	[sflag:s8] =	ssyncadd.s32 $0xFFFFFF00  }
0x358: {  	[tilespmem:s13], [sflag:$0x7] =	stream.indirect.gather [hbm4b:s1+s28], $0x80, s6, s28, $0xb8;
	[tilespmem:$0x1FC80] =	vst v63  }
0x359: {  	_ =	swait.ge [sflag:s7], $0x4000  }
0x35a: {  	[sflag:s7] =	ssyncset.done $0x0  }
0x35b: {  	s14 =	simm.s32 $0x13980;
	s13 =	simm.s32 $0x17C80;
	[sflag:s7] =	ssyncadd.s32 $0xFFFFC000  }
0x35c: {  	[spmem:s3] =	stream.indirect.scatter.add.f32 [tilespmem:s13], [sflag:$0x9], $0x80, s14, s28, $0xb8;
	[tilespmem:$0x1FC80] =	vst v63  }
0x35d: {  	_ =	swait.ge [sflag:s15], $0x4000  }
0x35e: {  	[sflag:s15] =	ssyncset.done $0x0  }
0x35f: {  	s24 =	sadd.s32 $0x80, s21;
	[sflag:s15] =	ssyncadd.s32 $0xFFFFC000  }
0x360: {  	[tilespmem:s22], [sflag:$0x1] =	stream.linear.gather [hbm4b:s24+s31], $0x100, $0x38;
	[tilespmem:$0x1FC80] =	vst v63  }
0x361: {  	_ =	swait.ge [sflag:s12], $0x100  }
0x362: {  	[sflag:s12] =	ssyncset.done $0x0  }
0x363: {  	s19 =	simm.s32 $0x13C00;
	[sflag:s12] =	ssyncadd.s32 $0xFFFFFF00  }
0x364: {  	[tilespmem:s5], [sflag:$0x5] =	stream.indirect.gather [hbm4b:s1+s28], $0x80, s19, s28, $0xb8;
	[tilespmem:$0x1FC80] =	vst v63  }
0x365: {  	_ =	swait.ge [sflag:s11], $0x4000  }
0x366: {  	[sflag:s11] =	ssyncset.done $0x0  }
0x367: {  	s29 =	simm.s32 $0x1BC80;
	[sflag:s11] =	ssyncadd.s32 $0xFFFFC000  }
0x368: {  	[spmem:s3] =	stream.indirect.scatter.add.f32 [tilespmem:s29], [sflag:$0xA], $0x80, s0, s28, $0xb8;
	[tilespmem:$0x1FC80] =	vst v63  }
0x369: {  	_ =	swait.ge [sflag:s10], $0x4000  }
0x36a: {  	[sflag:s10] =	ssyncset.done $0x0  }
0x36b: {  	s11 =	sadd.s32 $0xA0, s21;
	[sflag:s10] =	ssyncadd.s32 $0xFFFFC000  }
0x36c: {  	[tilespmem:s14], [sflag:$0x2] =	stream.linear.gather [hbm4b:s11+s31], $0x100, $0x38;
	[tilespmem:$0x1FC80] =	vst v63  }
0x36d: {  	s11 =	simm.s32 $0x1  }
0x36e: {  	_ =	swait.ge [sflag:s11], $0x100  }
0x36f: {  	[sflag:s11] =	ssyncset.done $0x0  }
0x370: {  	s24 =	simm.s32 $0x13900;
	[sflag:s11] =	ssyncadd.s32 $0xFFFFFF00  }
0x371: {  	[tilespmem:s13], [sflag:$0x6] =	stream.indirect.gather [hbm4b:s1+s28], $0x80, s24, s28, $0xb8;
	[tilespmem:$0x1FC80] =	vst v63  }
0x372: {  	_ =	swait.ge [sflag:s16], $0x4000  }
0x373: {  	[sflag:s16] =	ssyncset.done $0x0  }
0x374: {  	[sflag:s16] =	ssyncadd.s32 $0xFFFFC000  }
0x375: {  	[spmem:s3] =	stream.indirect.scatter.add.f32 [tilespmem:s5], [sflag:$0x8], $0x80, s17, s28, $0xb8;
	[tilespmem:$0x1FC80] =	vst v63  }
0x376: {  	_ =	swait.ge [sflag:s4], $0x4000  }
0x377: {  	[sflag:s4] =	ssyncset.done $0x0  }
0x378: {  	s2 =	sadd.s32 $0xC0, s21;
	[sflag:s4] =	ssyncadd.s32 $0xFFFFC000  }
0x379: {  	[tilespmem:s0], [sflag:$0x3] =	stream.linear.gather [hbm4b:s2+s31], $0x100, $0x38;
	[tilespmem:$0x1FC80] =	vst v63  }
0x37a: {  	_ =	swait.ge [sflag:s18], $0x100  }
0x37b: {  	[sflag:s18] =	ssyncset.done $0x0  }
0x37c: {  	[sflag:s18] =	ssyncadd.s32 $0xFFFFFF00  }
0x37d: {  	[tilespmem:s29], [sflag:$0x7] =	stream.indirect.gather [hbm4b:s1+s28], $0x80, s25, s28, $0xb8;
	[tilespmem:$0x1FC80] =	vst v63  }
0x37e: {  	_ =	swait.ge [sflag:s7], $0x4000  }
0x37f: {  	[sflag:s7] =	ssyncset.done $0x0  }
0x380: {  	[sflag:s7] =	ssyncadd.s32 $0xFFFFC000  }
0x381: {  	[spmem:s3] =	stream.indirect.scatter.add.f32 [tilespmem:s13], [sflag:$0x9], $0x80, s22, s28, $0xb8;
	[tilespmem:$0x1FC80] =	vst v63  }
0x382: {  	_ =	swait.ge [sflag:s15], $0x4000  }
0x383: {  	[sflag:s15] =	ssyncset.done $0x0  }
0x384: {  	s2 =	sadd.s32 $0xE0, s21;
	[sflag:s15] =	ssyncadd.s32 $0xFFFFC000  }
0x385: {  	[tilespmem:s17], [sflag:$0x4] =	stream.linear.gather [hbm4b:s2+s31], $0x100, $0x38;
	[tilespmem:$0x1FC80] =	vst v63  }
0x386: {  	_ =	swait.ge [sflag:s8], $0x100  }
0x387: {  	[sflag:s8] =	ssyncset.done $0x0  }
0x388: {  	s30 =	simm.s32 $0x7;
	[sflag:s8] =	ssyncadd.s32 $0xFFFFFF00  }
0x389: {  	[tilespmem:s5], [sflag:$0x5] =	stream.indirect.gather [hbm4b:s1+s28], $0x80, s6, s28, $0xb8;
	[tilespmem:$0x1FC80] =	vst v63  }
0x38a: {  	_ =	swait.ge [sflag:s30], $0x4000  }
0x38b: {  	[sflag:s30] =	ssyncset.done $0x0  }
0x38c: {  	[sflag:s30] =	ssyncadd.s32 $0xFFFFC000  }
0x38d: {  	[spmem:s3] =	stream.indirect.scatter.add.f32 [tilespmem:s29], [sflag:$0xA], $0x80, s14, s28, $0xb8;
	[tilespmem:$0x1FC80] =	vst v63  }
0x38e: {  	_ =	swait.ge [sflag:s10], $0x4000  }
0x38f: {  	[sflag:s10] =	ssyncset.done $0x0  }
0x390: {  	s2 =	sadd.s32 $0x100, s21;
	[sflag:s10] =	ssyncadd.s32 $0xFFFFC000  }
0x391: {  	[tilespmem:s22], [sflag:$0x1] =	stream.linear.gather [hbm4b:s2+s31], $0x100, $0x38;
	[tilespmem:$0x1FC80] =	vst v63  }
0x392: {  	_ =	swait.ge [sflag:s12], $0x100  }
0x393: {  	[sflag:s12] =	ssyncset.done $0x0  }
0x394: {  	[sflag:s12] =	ssyncadd.s32 $0xFFFFFF00  }
0x395: {  	[tilespmem:s13], [sflag:$0x6] =	stream.indirect.gather [hbm4b:s1+s28], $0x80, s19, s28, $0xb8;
	[tilespmem:$0x1FC80] =	vst v63  }
0x396: {  	_ =	swait.ge [sflag:s16], $0x4000  }
0x397: {  	[sflag:s16] =	ssyncset.done $0x0  }
0x398: {  	[sflag:s16] =	ssyncadd.s32 $0xFFFFC000  }
0x399: {  	[spmem:s3] =	stream.indirect.scatter.add.f32 [tilespmem:s5], [sflag:$0x8], $0x80, s0, s28, $0xb8;
	[tilespmem:$0x1FC80] =	vst v63  }
0x39a: {  	_ =	swait.ge [sflag:s4], $0x4000  }
0x39b: {  	[sflag:s4] =	ssyncset.done $0x0  }
0x39c: {  	s2 =	sadd.s32 $0x120, s21;
	[sflag:s4] =	ssyncadd.s32 $0xFFFFC000  }
0x39d: {  	[tilespmem:s14], [sflag:$0x2] =	stream.linear.gather [hbm4b:s2+s31], $0x100, $0x38;
	[tilespmem:$0x1FC80] =	vst v63  }
0x39e: {  	_ =	swait.ge [sflag:s11], $0x100  }
0x39f: {  	[sflag:s11] =	ssyncset.done $0x0  }
0x3a0: {  	[sflag:s11] =	ssyncadd.s32 $0xFFFFFF00  }
0x3a1: {  	[tilespmem:s29], [sflag:$0x7] =	stream.indirect.gather [hbm4b:s1+s28], $0x80, s24, s28, $0xb8;
	[tilespmem:$0x1FC80] =	vst v63  }
0x3a2: {  	_ =	swait.ge [sflag:s7], $0x4000  }
0x3a3: {  	[sflag:s7] =	ssyncset.done $0x0  }
0x3a4: {  	[sflag:s7] =	ssyncadd.s32 $0xFFFFC000  }
0x3a5: {  	[spmem:s3] =	stream.indirect.scatter.add.f32 [tilespmem:s13], [sflag:$0x9], $0x80, s17, s28, $0xb8;
	[tilespmem:$0x1FC80] =	vst v63  }
0x3a6: {  	_ =	swait.ge [sflag:s15], $0x4000  }
0x3a7: {  	[sflag:s15] =	ssyncset.done $0x0  }
0x3a8: {  	s24 =	sadd.s32 $0x140, s21;
	[sflag:s15] =	ssyncadd.s32 $0xFFFFC000  }
0x3a9: {  	[tilespmem:s0], [sflag:$0x3] =	stream.linear.gather [hbm4b:s24+s31], $0x100, $0x38;
	[tilespmem:$0x1FC80] =	vst v63  }
0x3aa: {  	_ =	swait.ge [sflag:s18], $0x100  }
0x3ab: {  	[sflag:s18] =	ssyncset.done $0x0  }
0x3ac: {  	s11 =	simm.s32 $0x7;
	[sflag:s18] =	ssyncadd.s32 $0xFFFFFF00  }
0x3ad: {  	[tilespmem:s5], [sflag:$0x5] =	stream.indirect.gather [hbm4b:s1+s28], $0x80, s25, s28, $0xb8;
	[tilespmem:$0x1FC80] =	vst v63  }
0x3ae: {  	_ =	swait.ge [sflag:s11], $0x4000  }
0x3af: {  	[sflag:s11] =	ssyncset.done $0x0  }
0x3b0: {  	[sflag:s11] =	ssyncadd.s32 $0xFFFFC000  }
0x3b1: {  	[spmem:s3] =	stream.indirect.scatter.add.f32 [tilespmem:s29], [sflag:$0xA], $0x80, s22, s28, $0xb8;
	[tilespmem:$0x1FC80] =	vst v63  }
0x3b2: {  	_ =	swait.ge [sflag:s10], $0x4000  }
0x3b3: {  	[sflag:s10] =	ssyncset.done $0x0  }
0x3b4: {  	s18 =	sadd.s32 $0x160, s21;
	[sflag:s10] =	ssyncadd.s32 $0xFFFFC000  }
0x3b5: {  	[tilespmem:s17], [sflag:$0x4] =	stream.linear.gather [hbm4b:s18+s31], $0x100, $0x38;
	[tilespmem:$0x1FC80] =	vst v63  }
0x3b6: {  	_ =	swait.ge [sflag:s8], $0x100  }
0x3b7: {  	[sflag:s8] =	ssyncset.done $0x0  }
0x3b8: {  	[sflag:s8] =	ssyncadd.s32 $0xFFFFFF00  }
0x3b9: {  	[tilespmem:s13], [sflag:$0x6] =	stream.indirect.gather [hbm4b:s1+s28], $0x80, s6, s28, $0xb8;
	[tilespmem:$0x1FC80] =	vst v63  }
0x3ba: {  	_ =	swait.ge [sflag:s16], $0x4000  }
0x3bb: {  	[sflag:s16] =	ssyncset.done $0x0  }
0x3bc: {  	s21 =	sadd.s32 $0xFFFFFFFF, s23;
	s22 =	rddreg [dreg:$0x8];
	[sflag:s16] =	ssyncadd.s32 $0xFFFFC000  }
0x3bd: {  	[spmem:s3] =	stream.indirect.scatter.add.f32 [tilespmem:s5], [sflag:$0x8], $0x80, s14, s28, $0xb8;
	[tilespmem:$0x1FC80] =	vst v63  }
0x3be: {  	p4 =	sge.u32 s21, s22;
	s21 =	smov.u32 s9;
	_ =	swait.ge [sflag:s4], $0x4000  }
0x3bf: {  	s2 =	sadd.s32 @!p4 s20, s9;
	s6 =	simm.s32 @!p4 $0x13880;
	[sflag:s4] =	ssyncset.done $0x0  }
0x3c0: {  	s9 =	simm.s32 @!p4 $0x0;
	s2 =	sadd.s32 @!p4 $0x180, s2;
	[sflag:s4] =	ssyncadd.s32 $0xFFFFC000  }
0x3c1: {  	[tilespmem:s6], [sflag:$0x1] =	stream.linear.gather @!p4 [hbm4b:s2+s9], $0x100, $0x38;
	[tilespmem:$0x1FC80] =	vst v63  }
0x3c2: {  	_ =	swait.ge [sflag:s12], $0x100  }
0x3c3: {  	[sflag:s12] =	ssyncset.done $0x0  }
0x3c4: {  	s13 =	simm.s32 $0x1BC80;
	[sflag:s12] =	ssyncadd.s32 $0xFFFFFF00  }
0x3c5: {  	[tilespmem:s13], [sflag:$0x7] =	stream.indirect.gather [hbm4b:s26+s28], $0x80, s19, s28, $0xb8;
	[tilespmem:$0x1FC80] =	vst v63  }
0x3c6: {  	_ =	swait.ge [sflag:s7], $0x4000  }
0x3c7: {  	[sflag:s7] =	ssyncset.done $0x0  }
0x3c8: {  	s14 =	simm.s32 $0x17C80;
	[sflag:s7] =	ssyncadd.s32 $0xFFFFC000  }
0x3c9: {  	[spmem:s3] =	stream.indirect.scatter.add.f32 [tilespmem:s14], [sflag:$0x9], $0x80, s0, s28, $0xb8;
	[tilespmem:$0x1FC80] =	vst v63  }
0x3ca: {  	p5 =	sge.u32 s23, s22;
	_ =	swait.ge [sflag:s15], $0x4000  }
0x3cb: {  	s2 =	sadd.s32 @!p5 s20, s21;
	s6 =	simm.s32 @!p5 $0x13980;
	[sflag:s15] =	ssyncset.done $0x0  }
0x3cc: {  	s9 =	simm.s32 @!p5 $0x0;
	s2 =	sadd.s32 @!p5 $0x1A0, s2;
	[sflag:s15] =	ssyncadd.s32 $0xFFFFC000  }
0x3cd: {  	[tilespmem:s6], [sflag:$0x2] =	stream.linear.gather @!p5 [hbm4b:s2+s9], $0x100, $0x38;
	[tilespmem:$0x1FC80] =	vst v63  }
0x3ce: {  	s2 =	simm.s32 @!p4 $0x1  }
0x3cf: {  	_ =	swait.ge @!p4 [sflag:s2], $0x100  }
0x3d0: {  	s6 =	simm.s32 @!p4 $0x80;
	[sflag:s2] =	ssyncset.done @!p4 $0x0  }
0x3d1: {  	s9 =	simm.s32 @!p4 $0x13900;
	[sflag:s2] =	ssyncadd.s32 @!p4 $0xFFFFFF00;
	s2 =	simm.s32 @!p4 $0x13C80  }
0x3d2: {  	[tilespmem:s2], [sflag:$0x5] =	stream.indirect.gather @!p4 [hbm4b:s26+s6], $0x80, s9, s6, $0xb8;
	[tilespmem:$0x1FC80] =	vst v63  }
0x3d3: {  	_ =	swait.ge [sflag:s11], $0x4000  }
0x3d4: {  	[sflag:s11] =	ssyncset.done $0x0  }
0x3d5: {  	s2 =	simm.s32 @!p2 $0x5;
	[sflag:s11] =	ssyncadd.s32 $0xFFFFC000  }
0x3d6: {  	[spmem:s3] =	stream.indirect.scatter.add.f32 [tilespmem:s13], [sflag:$0xA], $0x80, s17, s28, $0xb8;
	[tilespmem:$0x1FC80] =	vst v63  }
0x3d7: {  	_ =	swait.ge @!p2 [sflag:s2], $0x4000  }
0x3d8: {  	s6 =	simm.s32 @!p2 $0x13880;
	[sflag:s2] =	ssyncset.done @!p2 $0x0  }
0x3d9: {  	s9 =	simm.s32 @!p2 $0x13C80;
	[sflag:s2] =	ssyncadd.s32 @!p2 $0xFFFFC000;
	s2 =	simm.s32 @!p2 $0x80  }
0x3da: {  	[spmem:s3] =	stream.indirect.scatter.add.f32 @!p2 [tilespmem:s9], [sflag:$0x8], $0x80, s6, s2, $0xb8;
	[tilespmem:$0x1FC80] =	vst v63  }
0x3db: {  	s2 =	simm.s32 @!p2 $0x9  }
0x3dc: {  	_ =	swait.ge @!p2 [sflag:s2], $0x4000  }
0x3dd: {  	s6 =	simm.s32 @!p2 $0xA;
	[sflag:s2] =	ssyncset.done @!p2 $0x0  }
0x3de: {  	s6 =	simm.s32 @p2 $0x9;
	[sflag:s2] =	ssyncadd.s32 @!p2 $0xFFFFC000  }
0x3df: {  	_ =	swait.ge [sflag:s6], $0x4000  }
0x3e0: {  	s2 =	simm.s32 @!p2 $0x8;
	[sflag:s6] =	ssyncset.done $0x0  }
0x3e1: {  	s2 =	simm.s32 @p2 $0xA;
	[sflag:s6] =	ssyncadd.s32 $0xFFFFC000  }
0x3e2: {  	_ =	swait.ge [sflag:s2], $0x4000  }
0x3e3: {  	s30 =	smov.u32 s3;
	s29 =	simm.s32 $0x13A00;
	[sflag:s2] =	ssyncset.done $0x0  }
0x3e4: {  	s10 =	simm.s32 $0xA;
	s31 =	simm.s32 $0x13A80;
	[sflag:s2] =	ssyncadd.s32 $0xFFFFC000  }
0x3e5: {  	s18 =	simm.s32 $0x3;
	s8 =	simm.s32 $0x4;
	[bflag:$0x0] =	sbarrier.arrive $0xFFFF  }
0x3e6: {  	s1 =	smov.u32 s26;
	s23 =	simm.s32 $0x13880;
	s24 =	rddreg [dreg:$0x14]  }
0x3e7: {  	s4 =	simm.s32 $0x0;
	s21 =	simm.s32 $0x13B00;
	s9 =	rddreg [dreg:$0x18]  }
0x3e8: {  	s12 =	simm.s32 $0x1;
	s26 =	simm.s32 $0xB;
	s25 =	rddreg [dreg:$0x1a]  }
0x3e9: {  	[hbm:s24], [sflag:s9] =	dma.local [spmem:s25], $0x2700  }
.Ltmp7:
0x3ea: {  	s19 =	simm.s32 $0x9;
	_ =	swait.ge [sflag:s26], $0x2700;
	(pc) =	sbr.rel @p3 .LBB2_8-.Ltmp7, $4  }
.Ltmp8:
0x3eb: {  	s0 =	simm.s32 $0x2;
	s20 =	rddreg [dreg:$0xb];
	(pc) =	sbr.rel @!p3 .LBB2_9-.Ltmp8, $4  }
0x3ec: {  	s17 =	simm.s32 $0x13B80;
	s3 =	simm.s32 $0x13C80;
	s25 =	rddreg [dreg:$0x7]  }
0x3ed: {  	s24 =	simm.s32 $0x13900;
	[sflag:s26] =	ssyncset.done $0x0;
	s22 =	rddreg [dreg:$0x19]  }
0x3ee: {  	s5 =	rddreg [dreg:$0x1b];
	[sflag:s26] =	ssyncadd.s32 $0xFFFFD900;
	s26 =	simm.s32 $0x13C00  }
0x3ef: {  	_ = 	snop  }
.LBB2_10:
0x3f0: {  	_ =	sfence.sel $0x180000  }
0x3f1: {  	[bflag:$0x0] =	sbarrier.arrive $0xFFFF  }
0x3f2: {  	_ =	strace $0x90000047  }
0x3f3: {  	s0 =	stileid.u32;
	[bflag:$0x2] =	sbarrier.arrive $0xFFFF  }
0x3f4: {  	p0 =	sne.s32 s0, $0x0;
	s0 =	rddreg [dreg:$0x5]  }
0x3f5: {  	s0 =	sadd.s32 @!p0 $0x100000, s0  }
0x3f6: {  	[sflag:s0] =	ssyncadd.tile.s32 @!p0 $0x1;
	_ =	shalt  }
.Lfunc_end2:
_tile_overlayer_lowered:
.L_overlay_start_2:
0x3f7: {  	(tag) =	ssettag $0x2  }
0x3f8: {  	s0 =	rddreg [dreg:$0x0];
	s2 =	stileid.u32  }
0x3f9: {  	s1 =	rddreg [dreg:$0x1];
	p0 =	sne.s32 s2, $0x0  }
0x3fa: {  	s3 =	rddreg [dreg:$0x2];
	[bflag:$0x3] =	sbarrier.arrive $0xFFFF;
	s2 =	simm.s32 @!p0 $0x1C0B  }
0x3fb: {  	[timem:s3], [sflag:s2] =	dma.local @!p0 [hbm:s0], s1  }
0x3fc: {  	s0 =	simm.s32 @!p0 $0xB  }
0x3fd: {  	_ =	swait.ge @!p0 [sflag:s0], s1  }
0x3fe: {  	s1 =	ssub.s32 @!p0 $0x0, s1;
	[sflag:s0] =	ssyncset.done @!p0 $0x0  }
0x3ff: {  	[sflag:s0] =	ssyncadd.s32 @!p0 s1  }
0x400: {  	[bflag:$0x3] =	sbarrier.arrive $0xFFFF  }
0x401: {  	_ =	shalt  }

</sc_bundles>
